<compile_context>
chip_gen: v7x
topology: tpu7x:2x2x1
jax: 0.10.2.dev20260603
libtpu: 0.0.44.dev20260713+nightly
codegen_flags: <defaults>
</compile_context>

<pallas_src>
import functools

import jax
import jax.numpy as jnp
from jax import lax
from jax.experimental import pallas as pl
from jax.experimental.pallas import tpu as pltpu
from jax.experimental.pallas import tpu_sc as plsc

_WH, _WW = 24, 24
_N = _WH * _WW
_HEADS = 32
_ROWS = (2 * _WH - 1) * (2 * _WW - 1)
_SW = 47 * _WW
_SWP = 1152
_STG = 1136
_HHALF = 16

_NC, _NS, _L = 2, 16, 16
_HPB = 4


def _make_strip_body(head_base):
    def _strip_body(table_hbm, s_hbm, colrev_v, dv_v, s_v, sem):
        wid = lax.axis_index("s") * _NC + lax.axis_index("c")
        h = head_base + wid // 2
        p = wid % 2
        r0 = (1 - p) * 1073
        x0 = p * 1073
        hvec = h + jnp.zeros((_L,), jnp.int32)

        def _stage(table_v):
            pltpu.sync_copy(table_hbm.at[pl.ds(r0, _STG), :], table_v)

            @plsc.parallel_loop(0, _STG, step=_L, unroll=2)
            def _extract(i):
                u = i + jnp.arange(_L, dtype=jnp.int32)
                colrev_v[pl.ds(i, _L)] = plsc.load_gather(
                    table_v, [_STG - 1 - u, hvec])

        pl.run_scoped(_stage, pltpu.VMEM((_STG, _HEADS), jnp.float32))

        @plsc.parallel_loop(0, _SWP, step=_L, unroll=2)
        def _dvec(i):
            c = jnp.minimum(i + jnp.arange(_L, dtype=jnp.int32), _SW - 1)
            dv_v[pl.ds(i, _L)] = c + 23 * (c // _WW) + 23

        @plsc.parallel_loop(0, _N, step=_L, unroll=2)
        def _build(i):
            dv = dv_v[pl.ds(p * _N + i, _L)] - x0
            for r in range(_WH):
                s_v[r, pl.ds(i, _L)] = plsc.load_gather(colrev_v, [dv - r])

        pltpu.async_copy(
            s_v, s_hbm.at[h - head_base, :, pl.ds(p * _N, _N)], sem).wait()

    return _strip_body


def _expand_a_body(s_ref, o_ref):
    for hh in range(_HPB):
        for ih in range(_WH):
            o_ref[hh, ih * _WH:(ih + 1) * _WH, :] = (
                s_ref[hh, :, (23 - ih) * _WW:(23 - ih) * _WW + _N])


def _expand_b_body(s_ref, prev_ref, o_ref):
    del prev_ref
    _expand_a_body(s_ref, o_ref)


def _strip_call(head_base):
    mesh = plsc.VectorSubcoreMesh(core_axis_name="c", subcore_axis_name="s")
    return pl.kernel(
        _make_strip_body(head_base),
        out_type=jax.ShapeDtypeStruct((_HHALF, _WH, _SWP), jnp.float32),
        mesh=mesh,
        compiler_params=pltpu.CompilerParams(
            needs_layout_passes=False, use_tc_tiling_on_sc=False),
        scratch_types=[
            pltpu.VMEM((_STG,), jnp.float32),
            pltpu.VMEM((_SWP,), jnp.int32),
            pltpu.VMEM((_WH, _N), jnp.float32),
            pltpu.SemaphoreType.DMA,
        ],
    )


@jax.jit
def _bias(table):
    strips_a = _strip_call(0)(table)
    strips_b = _strip_call(_HHALF)(table)
    out_a = pl.pallas_call(
        _expand_a_body,
        grid=(_HHALF // _HPB,),
        in_specs=[pl.BlockSpec((_HPB, _WH, _SWP), lambda h: (h, 0, 0))],
        out_specs=pl.BlockSpec((_HPB, _N, _N), lambda h: (h, 0, 0)),
        out_shape=jax.ShapeDtypeStruct((_HEADS, _N, _N), jnp.float32),
    )(strips_a)
    return pl.pallas_call(
        _expand_b_body,
        grid=(_HHALF // _HPB,),
        in_specs=[
            pl.BlockSpec((_HPB, _WH, _SWP), lambda h: (h, 0, 0)),
            pl.BlockSpec(memory_space=pl.ANY),
        ],
        out_specs=pl.BlockSpec(
            (_HPB, _N, _N), lambda h: (h + _HHALF // _HPB, 0, 0)),
        out_shape=jax.ShapeDtypeStruct((_HEADS, _N, _N), jnp.float32),
        input_output_aliases={1: 0},
    )(strips_b, out_a)


def kernel(relative_position_bias_table, relative_position_index):
    del relative_position_index
    return _bias(relative_position_bias_table)

# --- scband reference (transcript-rebuilt; emitter-appended) ---
"""Pipeline reference for scband-relative-position-bias-for-swin-88545045774543 (READ-ONLY COPY).

The authoritative reference and input builder live on the scoring server;
editing this copy changes nothing except your own understanding.
"""

import jax, jax.numpy as jnp
import numpy as np

WH, WW = 24, 24
NUM_HEADS = 32


def _rel_pos_index(wh, ww):
    coords_h = np.arange(wh)
    coords_w = np.arange(ww)
    coords = np.stack(np.meshgrid(coords_h, coords_w, indexing='ij'))  # [2, wh, ww]
    coords_flatten = coords.reshape(2, -1)  # [2, wh*ww]
    relative_coords = coords_flatten[:, :, None] - coords_flatten[:, None, :]  # [2, N, N]
    relative_coords = relative_coords.transpose(1, 2, 0).copy()  # [N, N, 2]
    relative_coords[:, :, 0] += wh - 1
    relative_coords[:, :, 1] += ww - 1
    relative_coords[:, :, 0] *= 2 * ww - 1
    return relative_coords.sum(-1)  # [N, N]


def setup_inputs(seed: int = 0) -> dict:
    key = jax.random.key(seed)
    num_relative_distance = (2 * WH - 1) * (2 * WW - 1)
    relative_position_bias_table = jax.random.normal(
        key, (num_relative_distance, NUM_HEADS), dtype=jnp.float32) * 0.02
    relative_position_index = jnp.asarray(_rel_pos_index(WH, WW), dtype=jnp.int32)
    return {
        "relative_position_bias_table": relative_position_bias_table,
        "relative_position_index": relative_position_index,
    }


def reference(relative_position_bias_table, relative_position_index):
    n = WH * WW
    flat_idx = relative_position_index.reshape(-1)
    relative_position_bias = jnp.take(relative_position_bias_table, flat_idx, axis=0)
    relative_position_bias = relative_position_bias.reshape(n, n, -1)
    relative_position_bias = jnp.transpose(relative_position_bias, (2, 0, 1))
    return relative_position_bias

if __name__ == "__main__":
    import jax
    _d = setup_inputs()
    print(jax.jit(kernel)(*tuple(_d.values())))

</pallas_src>

<mosaic_0001>
#map = affine_map<(d0, d1) -> (0, 0)>
#map1 = affine_map<(d0, d1) -> (0, 0, 0)>
module attributes {stable_mosaic.version = 14 : i64} {
  func.func @_strip_body(%arg0: i32, %arg1: i32, %arg2: memref<2209x32xf32, #tpu.memory_space<hbm>>, %arg3: memref<16x24x1152xf32, #tpu.memory_space<hbm>>, %arg4: memref<1136xf32, #tpu.memory_space<vmem>>, %arg5: memref<1152xi32, #tpu.memory_space<vmem>>, %arg6: memref<24x576xf32, #tpu.memory_space<vmem>>, %arg7: memref<!tpu.dma_semaphore, #tpu.memory_space<semaphore_mem>>) attributes {dimension_semantics = [#tpu.dimension_semantics<core_parallel>, #tpu.dimension_semantics<subcore_parallel>], iteration_bounds = array<i64: 2, 16>, scalar_prefetch = 0 : i64, scratch_operands = 4 : i64, tpu.core_type = #tpu.core_type<sc_vector_subcore>, window_params = [{transform_indices = #map}, {transform_indices = #map1}]} {
    %mul3A = arith.constant 2 : i32
    %mul3A_0 = arith.muli %arg1, %mul3A : i32
    %add3A = arith.addi %mul3A_0, %arg0 : i32
    %jit3A = arith.constant 2 : i32
    %div3A = arith.divsi %add3A, %jit3A : i32
    %sign3A = arith.constant 0 : i32
    %sign3A_1 = arith.cmpi sgt, %add3A, %sign3A : i32
    %sign3A_2 = arith.extui %sign3A_1 : i1 to i32
    %sign3A_3 = arith.constant 0 : i32
    %sign3A_4 = arith.cmpi slt, %add3A, %sign3A_3 : i32
    %sign3A_5 = arith.extui %sign3A_4 : i1 to i32
    %sign3A_6 = arith.subi %sign3A_2, %sign3A_5 : i32
    %sign3A_7 = arith.constant 0 : i32
    %sign3A_8 = arith.cmpi sgt, %jit3A, %sign3A_7 : i32
    %sign3A_9 = arith.extui %sign3A_8 : i1 to i32
    %sign3A_10 = arith.constant 0 : i32
    %sign3A_11 = arith.cmpi slt, %jit3A, %sign3A_10 : i32
    %sign3A_12 = arith.extui %sign3A_11 : i1 to i32
    %sign3A_13 = arith.subi %sign3A_9, %sign3A_12 : i32
    %ne3A = arith.cmpi ne, %sign3A_6, %sign3A_13 : i32
    %rem3A = arith.remsi %add3A, %jit3A : i32
    %ne3A_14 = arith.constant 0 : i32
    %ne3A_15 = arith.cmpi ne, %rem3A, %ne3A_14 : i32
    %and3A = arith.andi %ne3A, %ne3A_15 : i1
    %sub3A = arith.constant 1 : i32
    %sub3A_16 = arith.subi %div3A, %sub3A : i32
    %select_n3A = arith.select %and3A, %sub3A_16, %div3A : i32
    %add3A_17 = arith.constant 16 : i32
    %add3A_18 = arith.addi %add3A_17, %select_n3A : i32
    %jit3A_19 = arith.constant 2 : i32
    %eq3A = arith.constant 0 : i32
    %eq3A_20 = arith.cmpi eq, %jit3A_19, %eq3A : i32
    %jit3A_21 = arith.constant 1 : i32
    %select_n3A_22 = arith.select %eq3A_20, %jit3A_21, %jit3A_19 : i32
    %rem3A_23 = arith.remsi %add3A, %select_n3A_22 : i32
    %ne3A_24 = arith.constant 0 : i32
    %ne3A_25 = arith.cmpi ne, %rem3A_23, %ne3A_24 : i32
    %lt3A = arith.constant 0 : i32
    %lt3A_26 = arith.cmpi slt, %rem3A_23, %lt3A : i32
    %lt3A_27 = arith.constant 0 : i32
    %lt3A_28 = arith.cmpi slt, %select_n3A_22, %lt3A_27 : i32
    %ne3A_29 = arith.xori %lt3A_26, %lt3A_28 : i1
    %and3A_30 = arith.andi %ne3A_29, %ne3A_25 : i1
    %add3A_31 = arith.addi %rem3A_23, %select_n3A_22 : i32
    %select_n3A_32 = arith.select %and3A_30, %add3A_31, %rem3A_23 : i32
    %sub3A_33 = arith.constant 1 : i32
    %sub3A_34 = arith.subi %sub3A_33, %select_n3A_32 : i32
    %mul3A_35 = arith.constant 1073 : i32
    %mul3A_36 = arith.muli %sub3A_34, %mul3A_35 : i32
    %mul3A_37 = arith.constant 1073 : i32
    %mul3A_38 = arith.muli %select_n3A_32, %mul3A_37 : i32
    %broadcast_in_dim3A = arith.constant 0 : i32
    %broadcast_in_dim3A_39 = vector.broadcast %broadcast_in_dim3A : i32 to vector<16xi32>
    %add3A_40 = vector.broadcast %add3A_18 : i32 to vector<16xi32>
    %add3A_41 = arith.addi %add3A_40, %broadcast_in_dim3A_39 : vector<16xi32>
    "tpu.region"() ({
      %run_scoped3A = memref.alloca() : memref<1136x32xf32, #tpu.memory_space<vmem>>
      "tpu.region"() ({
        %run_scoped3A_64 = tpu.sem_alloc : memref<!tpu.dma_semaphore, #tpu.memory_space<semaphore_mem>>
        %dma_start3A_65 = arith.constant 0 : i32
        %dma_start3A_66 = tpu.memref_slice %arg2[%mul3A_36, %dma_start3A_65] : memref<2209x32xf32, #tpu.memory_space<hbm>> -> memref<1136x32xf32, #tpu.memory_space<hbm>>
        %dma_start3A_67 = arith.constant 0 : i32
        %dma_start3A_68 = tpu.memref_slice %arg2[%mul3A_36, %dma_start3A_67] : memref<2209x32xf32, #tpu.memory_space<hbm>> -> memref<1136x32xf32, #tpu.memory_space<hbm>>
        tpu.enqueue_dma source(%dma_start3A_68 : memref<1136x32xf32, #tpu.memory_space<hbm>>) target(%run_scoped3A : memref<1136x32xf32, #tpu.memory_space<vmem>>) target_semaphore(%run_scoped3A_64 : memref<!tpu.dma_semaphore, #tpu.memory_space<semaphore_mem>>)
        %dma_wait3A_69 = arith.constant 0 : i32
        %dma_wait3A_70 = tpu.memref_slice %arg2[%mul3A_36, %dma_wait3A_69] : memref<2209x32xf32, #tpu.memory_space<hbm>> -> memref<1136x32xf32, #tpu.memory_space<hbm>>
        %dma_wait3A_71 = arith.constant 0 : i32
        %dma_wait3A_72 = tpu.memref_slice %arg2[%mul3A_36, %dma_wait3A_71] : memref<2209x32xf32, #tpu.memory_space<hbm>> -> memref<1136x32xf32, #tpu.memory_space<hbm>>
        tpu.wait_dma2 semaphore(%run_scoped3A_64 : memref<!tpu.dma_semaphore, #tpu.memory_space<semaphore_mem>>) src(%dma_wait3A_72 : memref<1136x32xf32, #tpu.memory_space<hbm>>) dst(%run_scoped3A : memref<1136x32xf32, #tpu.memory_space<vmem>>)
        tpu.yield
      }) : () -> ()
      %parallel_loop3A_61 = arith.constant 0 : i32
      %parallel_loop3A_62 = arith.constant 1136 : i32
      %parallel_loop3A_63 = arith.constant 16 : i32
      scf.for %parallel_loop3A_64 = %parallel_loop3A_61 to %parallel_loop3A_62 step %parallel_loop3A_63  : i32 {
        %parallel_loop3A_65 = tpu.iota {dimensions = array<i32: 0>} : vector<16xi32>
        %parallel_loop3A_66 = vector.broadcast %parallel_loop3A_64 : i32 to vector<16xi32>
        %parallel_loop3A_67 = arith.addi %parallel_loop3A_66, %parallel_loop3A_65 : vector<16xi32>
        %parallel_loop3A_68 = arith.constant 1135 : i32
        %parallel_loop3A_69 = vector.broadcast %parallel_loop3A_68 : i32 to vector<16xi32>
        %parallel_loop3A_70 = arith.subi %parallel_loop3A_69, %parallel_loop3A_67 : vector<16xi32>
        %parallel_loop3A_71 = tpu.vector_load_idx %run_scoped3A[%parallel_loop3A_70, %add3A_41] : memref<1136x32xf32, #tpu.memory_space<vmem>>[vector<16xi32>, vector<16xi32>], vector<16xf32>,
        %parallel_loop3A_72 = arith.index_cast %parallel_loop3A_64 : i32 to index
        %parallel_loop3A_73 = tpu.vector_load %arg4[%parallel_loop3A_72] {strides = array<i32>} : memref<1136xf32, #tpu.memory_space<vmem>>, vector<16xf32>,
        tpu.vector_store %arg4[%parallel_loop3A_72], %parallel_loop3A_71 {strides = array<i32>} : memref<1136xf32, #tpu.memory_space<vmem>>, vector<16xf32>,
      } {sc.loop_unroll_factor = 2 : i64, sc.parallel_access}
      tpu.yield
    }) : () -> ()
    %parallel_loop3A = arith.constant 0 : i32
    %parallel_loop3A_42 = arith.constant 1152 : i32
    %parallel_loop3A_43 = arith.constant 16 : i32
    scf.for %parallel_loop3A_61 = %parallel_loop3A to %parallel_loop3A_42 step %parallel_loop3A_43  : i32 {
      %parallel_loop3A_62 = tpu.iota {dimensions = array<i32: 0>} : vector<16xi32>
      %parallel_loop3A_63 = vector.broadcast %parallel_loop3A_61 : i32 to vector<16xi32>
      %parallel_loop3A_64 = arith.addi %parallel_loop3A_63, %parallel_loop3A_62 : vector<16xi32>
      %parallel_loop3A_65 = arith.constant 1127 : i32
      %parallel_loop3A_66 = vector.broadcast %parallel_loop3A_65 : i32 to vector<16xi32>
      %parallel_loop3A_67 = arith.minsi %parallel_loop3A_64, %parallel_loop3A_66 : vector<16xi32>
      %parallel_loop3A_68 = arith.constant 24 : i32
      %parallel_loop3A_69 = vector.broadcast %parallel_loop3A_68 : i32 to vector<16xi32>
      %parallel_loop3A_70 = arith.divsi %parallel_loop3A_67, %parallel_loop3A_69 : vector<16xi32>
      %parallel_loop3A_71 = arith.constant 0 : i32
      %parallel_loop3A_72 = vector.broadcast %parallel_loop3A_71 : i32 to vector<16xi32>
      %parallel_loop3A_73 = arith.cmpi sgt, %parallel_loop3A_67, %parallel_loop3A_72 : vector<16xi32>
      %parallel_loop3A_74 = arith.extui %parallel_loop3A_73 : vector<16xi1> to vector<16xi32>
      %parallel_loop3A_75 = arith.constant 0 : i32
      %parallel_loop3A_76 = vector.broadcast %parallel_loop3A_75 : i32 to vector<16xi32>
      %parallel_loop3A_77 = arith.cmpi slt, %parallel_loop3A_67, %parallel_loop3A_76 : vector<16xi32>
      %parallel_loop3A_78 = arith.extui %parallel_loop3A_77 : vector<16xi1> to vector<16xi32>
      %parallel_loop3A_79 = arith.subi %parallel_loop3A_74, %parallel_loop3A_78 : vector<16xi32>
      %parallel_loop3A_80 = arith.constant 0 : i32
      %parallel_loop3A_81 = arith.cmpi sgt, %parallel_loop3A_68, %parallel_loop3A_80 : i32
      %parallel_loop3A_82 = arith.extui %parallel_loop3A_81 : i1 to i32
      %parallel_loop3A_83 = arith.constant 0 : i32
      %parallel_loop3A_84 = arith.cmpi slt, %parallel_loop3A_68, %parallel_loop3A_83 : i32
      %parallel_loop3A_85 = arith.extui %parallel_loop3A_84 : i1 to i32
      %parallel_loop3A_86 = arith.subi %parallel_loop3A_82, %parallel_loop3A_85 : i32
      %parallel_loop3A_87 = vector.broadcast %parallel_loop3A_86 : i32 to vector<16xi32>
      %parallel_loop3A_88 = arith.cmpi ne, %parallel_loop3A_79, %parallel_loop3A_87 : vector<16xi32>
      %parallel_loop3A_89 = vector.broadcast %parallel_loop3A_68 : i32 to vector<16xi32>
      %parallel_loop3A_90 = arith.remsi %parallel_loop3A_67, %parallel_loop3A_89 : vector<16xi32>
      %parallel_loop3A_91 = arith.constant 0 : i32
      %parallel_loop3A_92 = vector.broadcast %parallel_loop3A_91 : i32 to vector<16xi32>
      %parallel_loop3A_93 = arith.cmpi ne, %parallel_loop3A_90, %parallel_loop3A_92 : vector<16xi32>
      %parallel_loop3A_94 = arith.andi %parallel_loop3A_88, %parallel_loop3A_93 : vector<16xi1>
      %parallel_loop3A_95 = arith.constant 1 : i32
      %parallel_loop3A_96 = vector.broadcast %parallel_loop3A_95 : i32 to vector<16xi32>
      %parallel_loop3A_97 = arith.subi %parallel_loop3A_70, %parallel_loop3A_96 : vector<16xi32>
      %parallel_loop3A_98 = arith.select %parallel_loop3A_94, %parallel_loop3A_97, %parallel_loop3A_70 : vector<16xi1>, vector<16xi32>
      %parallel_loop3A_99 = arith.constant 23 : i32
      %parallel_loop3A_100 = vector.broadcast %parallel_loop3A_99 : i32 to vector<16xi32>
      %parallel_loop3A_101 = arith.muli %parallel_loop3A_100, %parallel_loop3A_98 : vector<16xi32>
      %parallel_loop3A_102 = arith.addi %parallel_loop3A_67, %parallel_loop3A_101 : vector<16xi32>
      %parallel_loop3A_103 = arith.constant 23 : i32
      %parallel_loop3A_104 = vector.broadcast %parallel_loop3A_103 : i32 to vector<16xi32>
      %parallel_loop3A_105 = arith.addi %parallel_loop3A_102, %parallel_loop3A_104 : vector<16xi32>
      %parallel_loop3A_106 = arith.index_cast %parallel_loop3A_61 : i32 to index
      %parallel_loop3A_107 = tpu.vector_load %arg5[%parallel_loop3A_106] {strides = array<i32>} : memref<1152xi32, #tpu.memory_space<vmem>>, vector<16xi32>,
      tpu.vector_store %arg5[%parallel_loop3A_106], %parallel_loop3A_105 {strides = array<i32>} : memref<1152xi32, #tpu.memory_space<vmem>>, vector<16xi32>,
    } {sc.loop_unroll_factor = 2 : i64, sc.parallel_access}
    %parallel_loop3A_44 = arith.constant 0 : i32
    %parallel_loop3A_45 = arith.constant 576 : i32
    %parallel_loop3A_46 = arith.constant 16 : i32
    scf.for %parallel_loop3A_61 = %parallel_loop3A_44 to %parallel_loop3A_45 step %parallel_loop3A_46  : i32 {
      %parallel_loop3A_62 = arith.constant 576 : i32
      %parallel_loop3A_63 = arith.muli %select_n3A_32, %parallel_loop3A_62 : i32
      %parallel_loop3A_64 = arith.addi %parallel_loop3A_63, %parallel_loop3A_61 : i32
      %parallel_loop3A_65 = arith.index_cast %parallel_loop3A_64 : i32 to index
      %parallel_loop3A_66 = tpu.vector_load %arg5[%parallel_loop3A_65] {strides = array<i32>} : memref<1152xi32, #tpu.memory_space<vmem>>, vector<16xi32>,
      %parallel_loop3A_67 = vector.broadcast %mul3A_38 : i32 to vector<16xi32>
      %parallel_loop3A_68 = arith.subi %parallel_loop3A_66, %parallel_loop3A_67 : vector<16xi32>
      %parallel_loop3A_69 = arith.constant 0 : i32
      %parallel_loop3A_70 = vector.broadcast %parallel_loop3A_69 : i32 to vector<16xi32>
      %parallel_loop3A_71 = arith.subi %parallel_loop3A_68, %parallel_loop3A_70 : vector<16xi32>
      %parallel_loop3A_72 = tpu.vector_load_idx %arg4[%parallel_loop3A_71] : memref<1136xf32, #tpu.memory_space<vmem>>[vector<16xi32>], vector<16xf32>,
      %parallel_loop3A_73 = arith.constant 0 : i32
      %parallel_loop3A_74 = arith.index_cast %parallel_loop3A_73 : i32 to index
      %parallel_loop3A_75 = arith.index_cast %parallel_loop3A_61 : i32 to index
      %parallel_loop3A_76 = tpu.vector_load %arg6[%parallel_loop3A_74, %parallel_loop3A_75] {strides = array<i32>} : memref<24x576xf32, #tpu.memory_space<vmem>>, vector<16xf32>,
      tpu.vector_store %arg6[%parallel_loop3A_74, %parallel_loop3A_75], %parallel_loop3A_72 {strides = array<i32>} : memref<24x576xf32, #tpu.memory_space<vmem>>, vector<16xf32>,
      %parallel_loop3A_77 = arith.constant 1 : i32
      %parallel_loop3A_78 = vector.broadcast %parallel_loop3A_77 : i32 to vector<16xi32>
      %parallel_loop3A_79 = arith.subi %parallel_loop3A_68, %parallel_loop3A_78 : vector<16xi32>
      %parallel_loop3A_80 = tpu.vector_load_idx %arg4[%parallel_loop3A_79] : memref<1136xf32, #tpu.memory_space<vmem>>[vector<16xi32>], vector<16xf32>,
      %parallel_loop3A_81 = arith.constant 1 : i32
      %parallel_loop3A_82 = arith.index_cast %parallel_loop3A_81 : i32 to index
      %parallel_loop3A_83 = arith.index_cast %parallel_loop3A_61 : i32 to index
      %parallel_loop3A_84 = tpu.vector_load %arg6[%parallel_loop3A_82, %parallel_loop3A_83] {strides = array<i32>} : memref<24x576xf32, #tpu.memory_space<vmem>>, vector<16xf32>,
      tpu.vector_store %arg6[%parallel_loop3A_82, %parallel_loop3A_83], %parallel_loop3A_80 {strides = array<i32>} : memref<24x576xf32, #tpu.memory_space<vmem>>, vector<16xf32>,
      %parallel_loop3A_85 = arith.constant 2 : i32
      %parallel_loop3A_86 = vector.broadcast %parallel_loop3A_85 : i32 to vector<16xi32>
      %parallel_loop3A_87 = arith.subi %parallel_loop3A_68, %parallel_loop3A_86 : vector<16xi32>
      %parallel_loop3A_88 = tpu.vector_load_idx %arg4[%parallel_loop3A_87] : memref<1136xf32, #tpu.memory_space<vmem>>[vector<16xi32>], vector<16xf32>,
      %parallel_loop3A_89 = arith.constant 2 : i32
      %parallel_loop3A_90 = arith.index_cast %parallel_loop3A_89 : i32 to index
      %parallel_loop3A_91 = arith.index_cast %parallel_loop3A_61 : i32 to index
      %parallel_loop3A_92 = tpu.vector_load %arg6[%parallel_loop3A_90, %parallel_loop3A_91] {strides = array<i32>} : memref<24x576xf32, #tpu.memory_space<vmem>>, vector<16xf32>,
      tpu.vector_store %arg6[%parallel_loop3A_90, %parallel_loop3A_91], %parallel_loop3A_88 {strides = array<i32>} : memref<24x576xf32, #tpu.memory_space<vmem>>, vector<16xf32>,
      %parallel_loop3A_93 = arith.constant 3 : i32
      %parallel_loop3A_94 = vector.broadcast %parallel_loop3A_93 : i32 to vector<16xi32>
      %parallel_loop3A_95 = arith.subi %parallel_loop3A_68, %parallel_loop3A_94 : vector<16xi32>
      %parallel_loop3A_96 = tpu.vector_load_idx %arg4[%parallel_loop3A_95] : memref<1136xf32, #tpu.memory_space<vmem>>[vector<16xi32>], vector<16xf32>,
      %parallel_loop3A_97 = arith.constant 3 : i32
      %parallel_loop3A_98 = arith.index_cast %parallel_loop3A_97 : i32 to index
      %parallel_loop3A_99 = arith.index_cast %parallel_loop3A_61 : i32 to index
      %parallel_loop3A_100 = tpu.vector_load %arg6[%parallel_loop3A_98, %parallel_loop3A_99] {strides = array<i32>} : memref<24x576xf32, #tpu.memory_space<vmem>>, vector<16xf32>,
      tpu.vector_store %arg6[%parallel_loop3A_98, %parallel_loop3A_99], %parallel_loop3A_96 {strides = array<i32>} : memref<24x576xf32, #tpu.memory_space<vmem>>, vector<16xf32>,
      %parallel_loop3A_101 = arith.constant 4 : i32
      %parallel_loop3A_102 = vector.broadcast %parallel_loop3A_101 : i32 to vector<16xi32>
      %parallel_loop3A_103 = arith.subi %parallel_loop3A_68, %parallel_loop3A_102 : vector<16xi32>
      %parallel_loop3A_104 = tpu.vector_load_idx %arg4[%parallel_loop3A_103] : memref<1136xf32, #tpu.memory_space<vmem>>[vector<16xi32>], vector<16xf32>,
      %parallel_loop3A_105 = arith.constant 4 : i32
      %parallel_loop3A_106 = arith.index_cast %parallel_loop3A_105 : i32 to index
      %parallel_loop3A_107 = arith.index_cast %parallel_loop3A_61 : i32 to index
      %parallel_loop3A_108 = tpu.vector_load %arg6[%parallel_loop3A_106, %parallel_loop3A_107] {strides = array<i32>} : memref<24x576xf32, #tpu.memory_space<vmem>>, vector<16xf32>,
      tpu.vector_store %arg6[%parallel_loop3A_106, %parallel_loop3A_107], %parallel_loop3A_104 {strides = array<i32>} : memref<24x576xf32, #tpu.memory_space<vmem>>, vector<16xf32>,
      %parallel_loop3A_109 = arith.constant 5 : i32
      %parallel_loop3A_110 = vector.broadcast %parallel_loop3A_109 : i32 to vector<16xi32>
      %parallel_loop3A_111 = arith.subi %parallel_loop3A_68, %parallel_loop3A_110 : vector<16xi32>
      %parallel_loop3A_112 = tpu.vector_load_idx %arg4[%parallel_loop3A_111] : memref<1136xf32, #tpu.memory_space<vmem>>[vector<16xi32>], vector<16xf32>,
      %parallel_loop3A_113 = arith.constant 5 : i32
      %parallel_loop3A_114 = arith.index_cast %parallel_loop3A_113 : i32 to index
      %parallel_loop3A_115 = arith.index_cast %parallel_loop3A_61 : i32 to index
      %parallel_loop3A_116 = tpu.vector_load %arg6[%parallel_loop3A_114, %parallel_loop3A_115] {strides = array<i32>} : memref<24x576xf32, #tpu.memory_space<vmem>>, vector<16xf32>,
      tpu.vector_store %arg6[%parallel_loop3A_114, %parallel_loop3A_115], %parallel_loop3A_112 {strides = array<i32>} : memref<24x576xf32, #tpu.memory_space<vmem>>, vector<16xf32>,
      %parallel_loop3A_117 = arith.constant 6 : i32
      %parallel_loop3A_118 = vector.broadcast %parallel_loop3A_117 : i32 to vector<16xi32>
      %parallel_loop3A_119 = arith.subi %parallel_loop3A_68, %parallel_loop3A_118 : vector<16xi32>
      %parallel_loop3A_120 = tpu.vector_load_idx %arg4[%parallel_loop3A_119] : memref<1136xf32, #tpu.memory_space<vmem>>[vector<16xi32>], vector<16xf32>,
      %parallel_loop3A_121 = arith.constant 6 : i32
      %parallel_loop3A_122 = arith.index_cast %parallel_loop3A_121 : i32 to index
      %parallel_loop3A_123 = arith.index_cast %parallel_loop3A_61 : i32 to index
      %parallel_loop3A_124 = tpu.vector_load %arg6[%parallel_loop3A_122, %parallel_loop3A_123] {strides = array<i32>} : memref<24x576xf32, #tpu.memory_space<vmem>>, vector<16xf32>,
      tpu.vector_store %arg6[%parallel_loop3A_122, %parallel_loop3A_123], %parallel_loop3A_120 {strides = array<i32>} : memref<24x576xf32, #tpu.memory_space<vmem>>, vector<16xf32>,
      %parallel_loop3A_125 = arith.constant 7 : i32
      %parallel_loop3A_126 = vector.broadcast %parallel_loop3A_125 : i32 to vector<16xi32>
      %parallel_loop3A_127 = arith.subi %parallel_loop3A_68, %parallel_loop3A_126 : vector<16xi32>
      %parallel_loop3A_128 = tpu.vector_load_idx %arg4[%parallel_loop3A_127] : memref<1136xf32, #tpu.memory_space<vmem>>[vector<16xi32>], vector<16xf32>,
      %parallel_loop3A_129 = arith.constant 7 : i32
      %parallel_loop3A_130 = arith.index_cast %parallel_loop3A_129 : i32 to index
      %parallel_loop3A_131 = arith.index_cast %parallel_loop3A_61 : i32 to index
      %parallel_loop3A_132 = tpu.vector_load %arg6[%parallel_loop3A_130, %parallel_loop3A_131] {strides = array<i32>} : memref<24x576xf32, #tpu.memory_space<vmem>>, vector<16xf32>,
      tpu.vector_store %arg6[%parallel_loop3A_130, %parallel_loop3A_131], %parallel_loop3A_128 {strides = array<i32>} : memref<24x576xf32, #tpu.memory_space<vmem>>, vector<16xf32>,
      %parallel_loop3A_133 = arith.constant 8 : i32
      %parallel_loop3A_134 = vector.broadcast %parallel_loop3A_133 : i32 to vector<16xi32>
      %parallel_loop3A_135 = arith.subi %parallel_loop3A_68, %parallel_loop3A_134 : vector<16xi32>
      %parallel_loop3A_136 = tpu.vector_load_idx %arg4[%parallel_loop3A_135] : memref<1136xf32, #tpu.memory_space<vmem>>[vector<16xi32>], vector<16xf32>,
      %parallel_loop3A_137 = arith.constant 8 : i32
      %parallel_loop3A_138 = arith.index_cast %parallel_loop3A_137 : i32 to index
      %parallel_loop3A_139 = arith.index_cast %parallel_loop3A_61 : i32 to index
      %parallel_loop3A_140 = tpu.vector_load %arg6[%parallel_loop3A_138, %parallel_loop3A_139] {strides = array<i32>} : memref<24x576xf32, #tpu.memory_space<vmem>>, vector<16xf32>,
      tpu.vector_store %arg6[%parallel_loop3A_138, %parallel_loop3A_139], %parallel_loop3A_136 {strides = array<i32>} : memref<24x576xf32, #tpu.memory_space<vmem>>, vector<16xf32>,
      %parallel_loop3A_141 = arith.constant 9 : i32
      %parallel_loop3A_142 = vector.broadcast %parallel_loop3A_141 : i32 to vector<16xi32>
      %parallel_loop3A_143 = arith.subi %parallel_loop3A_68, %parallel_loop3A_142 : vector<16xi32>
      %parallel_loop3A_144 = tpu.vector_load_idx %arg4[%parallel_loop3A_143] : memref<1136xf32, #tpu.memory_space<vmem>>[vector<16xi32>], vector<16xf32>,
      %parallel_loop3A_145 = arith.constant 9 : i32
      %parallel_loop3A_146 = arith.index_cast %parallel_loop3A_145 : i32 to index
      %parallel_loop3A_147 = arith.index_cast %parallel_loop3A_61 : i32 to index
      %parallel_loop3A_148 = tpu.vector_load %arg6[%parallel_loop3A_146, %parallel_loop3A_147] {strides = array<i32>} : memref<24x576xf32, #tpu.memory_space<vmem>>, vector<16xf32>,
      tpu.vector_store %arg6[%parallel_loop3A_146, %parallel_loop3A_147], %parallel_loop3A_144 {strides = array<i32>} : memref<24x576xf32, #tpu.memory_space<vmem>>, vector<16xf32>,
      %parallel_loop3A_149 = arith.constant 10 : i32
      %parallel_loop3A_150 = vector.broadcast %parallel_loop3A_149 : i32 to vector<16xi32>
      %parallel_loop3A_151 = arith.subi %parallel_loop3A_68, %parallel_loop3A_150 : vector<16xi32>
      %parallel_loop3A_152 = tpu.vector_load_idx %arg4[%parallel_loop3A_151] : memref<1136xf32, #tpu.memory_space<vmem>>[vector<16xi32>], vector<16xf32>,
      %parallel_loop3A_153 = arith.constant 10 : i32
      %parallel_loop3A_154 = arith.index_cast %parallel_loop3A_153 : i32 to index
      %parallel_loop3A_155 = arith.index_cast %parallel_loop3A_61 : i32 to index
      %parallel_loop3A_156 = tpu.vector_load %arg6[%parallel_loop3A_154, %parallel_loop3A_155] {strides = array<i32>} : memref<24x576xf32, #tpu.memory_space<vmem>>, vector<16xf32>,
      tpu.vector_store %arg6[%parallel_loop3A_154, %parallel_loop3A_155], %parallel_loop3A_152 {strides = array<i32>} : memref<24x576xf32, #tpu.memory_space<vmem>>, vector<16xf32>,
      %parallel_loop3A_157 = arith.constant 11 : i32
      %parallel_loop3A_158 = vector.broadcast %parallel_loop3A_157 : i32 to vector<16xi32>
      %parallel_loop3A_159 = arith.subi %parallel_loop3A_68, %parallel_loop3A_158 : vector<16xi32>
      %parallel_loop3A_160 = tpu.vector_load_idx %arg4[%parallel_loop3A_159] : memref<1136xf32, #tpu.memory_space<vmem>>[vector<16xi32>], vector<16xf32>,
      %parallel_loop3A_161 = arith.constant 11 : i32
      %parallel_loop3A_162 = arith.index_cast %parallel_loop3A_161 : i32 to index
      %parallel_loop3A_163 = arith.index_cast %parallel_loop3A_61 : i32 to index
      %parallel_loop3A_164 = tpu.vector_load %arg6[%parallel_loop3A_162, %parallel_loop3A_163] {strides = array<i32>} : memref<24x576xf32, #tpu.memory_space<vmem>>, vector<16xf32>,
      tpu.vector_store %arg6[%parallel_loop3A_162, %parallel_loop3A_163], %parallel_loop3A_160 {strides = array<i32>} : memref<24x576xf32, #tpu.memory_space<vmem>>, vector<16xf32>,
      %parallel_loop3A_165 = arith.constant 12 : i32
      %parallel_loop3A_166 = vector.broadcast %parallel_loop3A_165 : i32 to vector<16xi32>
      %parallel_loop3A_167 = arith.subi %parallel_loop3A_68, %parallel_loop3A_166 : vector<16xi32>
      %parallel_loop3A_168 = tpu.vector_load_idx %arg4[%parallel_loop3A_167] : memref<1136xf32, #tpu.memory_space<vmem>>[vector<16xi32>], vector<16xf32>,
      %parallel_loop3A_169 = arith.constant 12 : i32
      %parallel_loop3A_170 = arith.index_cast %parallel_loop3A_169 : i32 to index
      %parallel_loop3A_171 = arith.index_cast %parallel_loop3A_61 : i32 to index
      %parallel_loop3A_172 = tpu.vector_load %arg6[%parallel_loop3A_170, %parallel_loop3A_171] {strides = array<i32>} : memref<24x576xf32, #tpu.memory_space<vmem>>, vector<16xf32>,
      tpu.vector_store %arg6[%parallel_loop3A_170, %parallel_loop3A_171], %parallel_loop3A_168 {strides = array<i32>} : memref<24x576xf32, #tpu.memory_space<vmem>>, vector<16xf32>,
      %parallel_loop3A_173 = arith.constant 13 : i32
      %parallel_loop3A_174 = vector.broadcast %parallel_loop3A_173 : i32 to vector<16xi32>
      %parallel_loop3A_175 = arith.subi %parallel_loop3A_68, %parallel_loop3A_174 : vector<16xi32>
      %parallel_loop3A_176 = tpu.vector_load_idx %arg4[%parallel_loop3A_175] : memref<1136xf32, #tpu.memory_space<vmem>>[vector<16xi32>], vector<16xf32>,
      %parallel_loop3A_177 = arith.constant 13 : i32
      %parallel_loop3A_178 = arith.index_cast %parallel_loop3A_177 : i32 to index
      %parallel_loop3A_179 = arith.index_cast %parallel_loop3A_61 : i32 to index
      %parallel_loop3A_180 = tpu.vector_load %arg6[%parallel_loop3A_178, %parallel_loop3A_179] {strides = array<i32>} : memref<24x576xf32, #tpu.memory_space<vmem>>, vector<16xf32>,
      tpu.vector_store %arg6[%parallel_loop3A_178, %parallel_loop3A_179], %parallel_loop3A_176 {strides = array<i32>} : memref<24x576xf32, #tpu.memory_space<vmem>>, vector<16xf32>,
      %parallel_loop3A_181 = arith.constant 14 : i32
      %parallel_loop3A_182 = vector.broadcast %parallel_loop3A_181 : i32 to vector<16xi32>
      %parallel_loop3A_183 = arith.subi %parallel_loop3A_68, %parallel_loop3A_182 : vector<16xi32>
      %parallel_loop3A_184 = tpu.vector_load_idx %arg4[%parallel_loop3A_183] : memref<1136xf32, #tpu.memory_space<vmem>>[vector<16xi32>], vector<16xf32>,
      %parallel_loop3A_185 = arith.constant 14 : i32
      %parallel_loop3A_186 = arith.index_cast %parallel_loop3A_185 : i32 to index
      %parallel_loop3A_187 = arith.index_cast %parallel_loop3A_61 : i32 to index
      %parallel_loop3A_188 = tpu.vector_load %arg6[%parallel_loop3A_186, %parallel_loop3A_187] {strides = array<i32>} : memref<24x576xf32, #tpu.memory_space<vmem>>, vector<16xf32>,
      tpu.vector_store %arg6[%parallel_loop3A_186, %parallel_loop3A_187], %parallel_loop3A_184 {strides = array<i32>} : memref<24x576xf32, #tpu.memory_space<vmem>>, vector<16xf32>,
      %parallel_loop3A_189 = arith.constant 15 : i32
      %parallel_loop3A_190 = vector.broadcast %parallel_loop3A_189 : i32 to vector<16xi32>
      %parallel_loop3A_191 = arith.subi %parallel_loop3A_68, %parallel_loop3A_190 : vector<16xi32>
      %parallel_loop3A_192 = tpu.vector_load_idx %arg4[%parallel_loop3A_191] : memref<1136xf32, #tpu.memory_space<vmem>>[vector<16xi32>], vector<16xf32>,
      %parallel_loop3A_193 = arith.constant 15 : i32
      %parallel_loop3A_194 = arith.index_cast %parallel_loop3A_193 : i32 to index
      %parallel_loop3A_195 = arith.index_cast %parallel_loop3A_61 : i32 to index
      %parallel_loop3A_196 = tpu.vector_load %arg6[%parallel_loop3A_194, %parallel_loop3A_195] {strides = array<i32>} : memref<24x576xf32, #tpu.memory_space<vmem>>, vector<16xf32>,
      tpu.vector_store %arg6[%parallel_loop3A_194, %parallel_loop3A_195], %parallel_loop3A_192 {strides = array<i32>} : memref<24x576xf32, #tpu.memory_space<vmem>>, vector<16xf32>,
      %parallel_loop3A_197 = arith.constant 16 : i32
      %parallel_loop3A_198 = vector.broadcast %parallel_loop3A_197 : i32 to vector<16xi32>
      %parallel_loop3A_199 = arith.subi %parallel_loop3A_68, %parallel_loop3A_198 : vector<16xi32>
      %parallel_loop3A_200 = tpu.vector_load_idx %arg4[%parallel_loop3A_199] : memref<1136xf32, #tpu.memory_space<vmem>>[vector<16xi32>], vector<16xf32>,
      %parallel_loop3A_201 = arith.constant 16 : i32
      %parallel_loop3A_202 = arith.index_cast %parallel_loop3A_201 : i32 to index
      %parallel_loop3A_203 = arith.index_cast %parallel_loop3A_61 : i32 to index
      %parallel_loop3A_204 = tpu.vector_load %arg6[%parallel_loop3A_202, %parallel_loop3A_203] {strides = array<i32>} : memref<24x576xf32, #tpu.memory_space<vmem>>, vector<16xf32>,
      tpu.vector_store %arg6[%parallel_loop3A_202, %parallel_loop3A_203], %parallel_loop3A_200 {strides = array<i32>} : memref<24x576xf32, #tpu.memory_space<vmem>>, vector<16xf32>,
      %parallel_loop3A_205 = arith.constant 17 : i32
      %parallel_loop3A_206 = vector.broadcast %parallel_loop3A_205 : i32 to vector<16xi32>
      %parallel_loop3A_207 = arith.subi %parallel_loop3A_68, %parallel_loop3A_206 : vector<16xi32>
      %parallel_loop3A_208 = tpu.vector_load_idx %arg4[%parallel_loop3A_207] : memref<1136xf32, #tpu.memory_space<vmem>>[vector<16xi32>], vector<16xf32>,
      %parallel_loop3A_209 = arith.constant 17 : i32
      %parallel_loop3A_210 = arith.index_cast %parallel_loop3A_209 : i32 to index
      %parallel_loop3A_211 = arith.index_cast %parallel_loop3A_61 : i32 to index
      %parallel_loop3A_212 = tpu.vector_load %arg6[%parallel_loop3A_210, %parallel_loop3A_211] {strides = array<i32>} : memref<24x576xf32, #tpu.memory_space<vmem>>, vector<16xf32>,
      tpu.vector_store %arg6[%parallel_loop3A_210, %parallel_loop3A_211], %parallel_loop3A_208 {strides = array<i32>} : memref<24x576xf32, #tpu.memory_space<vmem>>, vector<16xf32>,
      %parallel_loop3A_213 = arith.constant 18 : i32
      %parallel_loop3A_214 = vector.broadcast %parallel_loop3A_213 : i32 to vector<16xi32>
      %parallel_loop3A_215 = arith.subi %parallel_loop3A_68, %parallel_loop3A_214 : vector<16xi32>
      %parallel_loop3A_216 = tpu.vector_load_idx %arg4[%parallel_loop3A_215] : memref<1136xf32, #tpu.memory_space<vmem>>[vector<16xi32>], vector<16xf32>,
      %parallel_loop3A_217 = arith.constant 18 : i32
      %parallel_loop3A_218 = arith.index_cast %parallel_loop3A_217 : i32 to index
      %parallel_loop3A_219 = arith.index_cast %parallel_loop3A_61 : i32 to index
      %parallel_loop3A_220 = tpu.vector_load %arg6[%parallel_loop3A_218, %parallel_loop3A_219] {strides = array<i32>} : memref<24x576xf32, #tpu.memory_space<vmem>>, vector<16xf32>,
      tpu.vector_store %arg6[%parallel_loop3A_218, %parallel_loop3A_219], %parallel_loop3A_216 {strides = array<i32>} : memref<24x576xf32, #tpu.memory_space<vmem>>, vector<16xf32>,
      %parallel_loop3A_221 = arith.constant 19 : i32
      %parallel_loop3A_222 = vector.broadcast %parallel_loop3A_221 : i32 to vector<16xi32>
      %parallel_loop3A_223 = arith.subi %parallel_loop3A_68, %parallel_loop3A_222 : vector<16xi32>
      %parallel_loop3A_224 = tpu.vector_load_idx %arg4[%parallel_loop3A_223] : memref<1136xf32, #tpu.memory_space<vmem>>[vector<16xi32>], vector<16xf32>,
      %parallel_loop3A_225 = arith.constant 19 : i32
      %parallel_loop3A_226 = arith.index_cast %parallel_loop3A_225 : i32 to index
      %parallel_loop3A_227 = arith.index_cast %parallel_loop3A_61 : i32 to index
      %parallel_loop3A_228 = tpu.vector_load %arg6[%parallel_loop3A_226, %parallel_loop3A_227] {strides = array<i32>} : memref<24x576xf32, #tpu.memory_space<vmem>>, vector<16xf32>,
      tpu.vector_store %arg6[%parallel_loop3A_226, %parallel_loop3A_227], %parallel_loop3A_224 {strides = array<i32>} : memref<24x576xf32, #tpu.memory_space<vmem>>, vector<16xf32>,
      %parallel_loop3A_229 = arith.constant 20 : i32
      %parallel_loop3A_230 = vector.broadcast %parallel_loop3A_229 : i32 to vector<16xi32>
      %parallel_loop3A_231 = arith.subi %parallel_loop3A_68, %parallel_loop3A_230 : vector<16xi32>
      %parallel_loop3A_232 = tpu.vector_load_idx %arg4[%parallel_loop3A_231] : memref<1136xf32, #tpu.memory_space<vmem>>[vector<16xi32>], vector<16xf32>,
      %parallel_loop3A_233 = arith.constant 20 : i32
      %parallel_loop3A_234 = arith.index_cast %parallel_loop3A_233 : i32 to index
      %parallel_loop3A_235 = arith.index_cast %parallel_loop3A_61 : i32 to index
      %parallel_loop3A_236 = tpu.vector_load %arg6[%parallel_loop3A_234, %parallel_loop3A_235] {strides = array<i32>} : memref<24x576xf32, #tpu.memory_space<vmem>>, vector<16xf32>,
      tpu.vector_store %arg6[%parallel_loop3A_234, %parallel_loop3A_235], %parallel_loop3A_232 {strides = array<i32>} : memref<24x576xf32, #tpu.memory_space<vmem>>, vector<16xf32>,
      %parallel_loop3A_237 = arith.constant 21 : i32
      %parallel_loop3A_238 = vector.broadcast %parallel_loop3A_237 : i32 to vector<16xi32>
      %parallel_loop3A_239 = arith.subi %parallel_loop3A_68, %parallel_loop3A_238 : vector<16xi32>
      %parallel_loop3A_240 = tpu.vector_load_idx %arg4[%parallel_loop3A_239] : memref<1136xf32, #tpu.memory_space<vmem>>[vector<16xi32>], vector<16xf32>,
      %parallel_loop3A_241 = arith.constant 21 : i32
      %parallel_loop3A_242 = arith.index_cast %parallel_loop3A_241 : i32 to index
      %parallel_loop3A_243 = arith.index_cast %parallel_loop3A_61 : i32 to index
      %parallel_loop3A_244 = tpu.vector_load %arg6[%parallel_loop3A_242, %parallel_loop3A_243] {strides = array<i32>} : memref<24x576xf32, #tpu.memory_space<vmem>>, vector<16xf32>,
      tpu.vector_store %arg6[%parallel_loop3A_242, %parallel_loop3A_243], %parallel_loop3A_240 {strides = array<i32>} : memref<24x576xf32, #tpu.memory_space<vmem>>, vector<16xf32>,
      %parallel_loop3A_245 = arith.constant 22 : i32
      %parallel_loop3A_246 = vector.broadcast %parallel_loop3A_245 : i32 to vector<16xi32>
      %parallel_loop3A_247 = arith.subi %parallel_loop3A_68, %parallel_loop3A_246 : vector<16xi32>
      %parallel_loop3A_248 = tpu.vector_load_idx %arg4[%parallel_loop3A_247] : memref<1136xf32, #tpu.memory_space<vmem>>[vector<16xi32>], vector<16xf32>,
      %parallel_loop3A_249 = arith.constant 22 : i32
      %parallel_loop3A_250 = arith.index_cast %parallel_loop3A_249 : i32 to index
      %parallel_loop3A_251 = arith.index_cast %parallel_loop3A_61 : i32 to index
      %parallel_loop3A_252 = tpu.vector_load %arg6[%parallel_loop3A_250, %parallel_loop3A_251] {strides = array<i32>} : memref<24x576xf32, #tpu.memory_space<vmem>>, vector<16xf32>,
      tpu.vector_store %arg6[%parallel_loop3A_250, %parallel_loop3A_251], %parallel_loop3A_248 {strides = array<i32>} : memref<24x576xf32, #tpu.memory_space<vmem>>, vector<16xf32>,
      %parallel_loop3A_253 = arith.constant 23 : i32
      %parallel_loop3A_254 = vector.broadcast %parallel_loop3A_253 : i32 to vector<16xi32>
      %parallel_loop3A_255 = arith.subi %parallel_loop3A_68, %parallel_loop3A_254 : vector<16xi32>
      %parallel_loop3A_256 = tpu.vector_load_idx %arg4[%parallel_loop3A_255] : memref<1136xf32, #tpu.memory_space<vmem>>[vector<16xi32>], vector<16xf32>,
      %parallel_loop3A_257 = arith.constant 23 : i32
      %parallel_loop3A_258 = arith.index_cast %parallel_loop3A_257 : i32 to index
      %parallel_loop3A_259 = arith.index_cast %parallel_loop3A_61 : i32 to index
      %parallel_loop3A_260 = tpu.vector_load %arg6[%parallel_loop3A_258, %parallel_loop3A_259] {strides = array<i32>} : memref<24x576xf32, #tpu.memory_space<vmem>>, vector<16xf32>,
      tpu.vector_store %arg6[%parallel_loop3A_258, %parallel_loop3A_259], %parallel_loop3A_256 {strides = array<i32>} : memref<24x576xf32, #tpu.memory_space<vmem>>, vector<16xf32>,
    } {sc.loop_unroll_factor = 2 : i64, sc.parallel_access}
    %sub3A_47 = arith.constant 16 : i32
    %sub3A_48 = arith.subi %add3A_18, %sub3A_47 : i32
    %mul3A_49 = arith.constant 576 : i32
    %mul3A_50 = arith.muli %select_n3A_32, %mul3A_49 : i32
    %dma_start3A = arith.constant 0 : i32
    %dma_start3A_51 = tpu.memref_slice %arg3[%sub3A_48, %dma_start3A, %mul3A_50] : memref<16x24x1152xf32, #tpu.memory_space<hbm>> -> memref<1x24x576xf32, #tpu.memory_space<hbm>>
    %dma_start3A_52 = tpu.memref_squeeze %dma_start3A_51 : memref<1x24x576xf32, #tpu.memory_space<hbm>> -> memref<24x576xf32, #tpu.memory_space<hbm>>
    %dma_start3A_53 = arith.constant 0 : i32
    %dma_start3A_54 = tpu.memref_slice %arg3[%sub3A_48, %dma_start3A_53, %mul3A_50] : memref<16x24x1152xf32, #tpu.memory_space<hbm>> -> memref<1x24x576xf32, #tpu.memory_space<hbm>>
    %dma_start3A_55 = tpu.memref_squeeze %dma_start3A_54 : memref<1x24x576xf32, #tpu.memory_space<hbm>> -> memref<24x576xf32, #tpu.memory_space<hbm>>
    tpu.enqueue_dma source(%arg6 : memref<24x576xf32, #tpu.memory_space<vmem>>) target(%dma_start3A_55 : memref<24x576xf32, #tpu.memory_space<hbm>>) target_semaphore(%arg7 : memref<!tpu.dma_semaphore, #tpu.memory_space<semaphore_mem>>)
    %dma_wait3A = arith.constant 0 : i32
    %dma_wait3A_56 = tpu.memref_slice %arg3[%sub3A_48, %dma_wait3A, %mul3A_50] : memref<16x24x1152xf32, #tpu.memory_space<hbm>> -> memref<1x24x576xf32, #tpu.memory_space<hbm>>
    %dma_wait3A_57 = tpu.memref_squeeze %dma_wait3A_56 : memref<1x24x576xf32, #tpu.memory_space<hbm>> -> memref<24x576xf32, #tpu.memory_space<hbm>>
    %dma_wait3A_58 = arith.constant 0 : i32
    %dma_wait3A_59 = tpu.memref_slice %arg3[%sub3A_48, %dma_wait3A_58, %mul3A_50] : memref<16x24x1152xf32, #tpu.memory_space<hbm>> -> memref<1x24x576xf32, #tpu.memory_space<hbm>>
    %dma_wait3A_60 = tpu.memref_squeeze %dma_wait3A_59 : memref<1x24x576xf32, #tpu.memory_space<hbm>> -> memref<24x576xf32, #tpu.memory_space<hbm>>
    tpu.wait_dma2 semaphore(%arg7 : memref<!tpu.dma_semaphore, #tpu.memory_space<semaphore_mem>>) src(%arg6 : memref<24x576xf32, #tpu.memory_space<vmem>>) dst(%dma_wait3A_60 : memref<24x576xf32, #tpu.memory_space<hbm>>)
    return
  }
}

#map = affine_map<(d0, d1) -> (0, 0)>
#map1 = affine_map<(d0, d1) -> (0, 0, 0)>
module attributes {stable_mosaic.version = 14 : i64} {
  func.func @_strip_body(%arg0: i32, %arg1: i32, %arg2: memref<2209x32xf32, #tpu.memory_space<hbm>>, %arg3: memref<16x24x1152xf32, #tpu.memory_space<hbm>>, %arg4: memref<1136xf32, #tpu.memory_space<vmem>>, %arg5: memref<1152xi32, #tpu.memory_space<vmem>>, %arg6: memref<24x576xf32, #tpu.memory_space<vmem>>, %arg7: memref<!tpu.dma_semaphore, #tpu.memory_space<semaphore_mem>>) attributes {dimension_semantics = [#tpu.dimension_semantics<core_parallel>, #tpu.dimension_semantics<subcore_parallel>], iteration_bounds = array<i64: 2, 16>, scalar_prefetch = 0 : i64, scratch_operands = 4 : i64, tpu.core_type = #tpu.core_type<sc_vector_subcore>, window_params = [{transform_indices = #map}, {transform_indices = #map1}]} {
    %mul3A = arith.constant 2 : i32
    %mul3A_0 = arith.muli %arg1, %mul3A : i32
    %add3A = arith.addi %mul3A_0, %arg0 : i32
    %jit3A = arith.constant 2 : i32
    %div3A = arith.divsi %add3A, %jit3A : i32
    %sign3A = arith.constant 0 : i32
    %sign3A_1 = arith.cmpi sgt, %add3A, %sign3A : i32
    %sign3A_2 = arith.extui %sign3A_1 : i1 to i32
    %sign3A_3 = arith.constant 0 : i32
    %sign3A_4 = arith.cmpi slt, %add3A, %sign3A_3 : i32
    %sign3A_5 = arith.extui %sign3A_4 : i1 to i32
    %sign3A_6 = arith.subi %sign3A_2, %sign3A_5 : i32
    %sign3A_7 = arith.constant 0 : i32
    %sign3A_8 = arith.cmpi sgt, %jit3A, %sign3A_7 : i32
    %sign3A_9 = arith.extui %sign3A_8 : i1 to i32
    %sign3A_10 = arith.constant 0 : i32
    %sign3A_11 = arith.cmpi slt, %jit3A, %sign3A_10 : i32
    %sign3A_12 = arith.extui %sign3A_11 : i1 to i32
    %sign3A_13 = arith.subi %sign3A_9, %sign3A_12 : i32
    %ne3A = arith.cmpi ne, %sign3A_6, %sign3A_13 : i32
    %rem3A = arith.remsi %add3A, %jit3A : i32
    %ne3A_14 = arith.constant 0 : i32
    %ne3A_15 = arith.cmpi ne, %rem3A, %ne3A_14 : i32
    %and3A = arith.andi %ne3A, %ne3A_15 : i1
    %sub3A = arith.constant 1 : i32
    %sub3A_16 = arith.subi %div3A, %sub3A : i32
    %select_n3A = arith.select %and3A, %sub3A_16, %div3A : i32
    %add3A_17 = arith.constant 0 : i32
    %add3A_18 = arith.addi %add3A_17, %select_n3A : i32
    %jit3A_19 = arith.constant 2 : i32
    %eq3A = arith.constant 0 : i32
    %eq3A_20 = arith.cmpi eq, %jit3A_19, %eq3A : i32
    %jit3A_21 = arith.constant 1 : i32
    %select_n3A_22 = arith.select %eq3A_20, %jit3A_21, %jit3A_19 : i32
    %rem3A_23 = arith.remsi %add3A, %select_n3A_22 : i32
    %ne3A_24 = arith.constant 0 : i32
    %ne3A_25 = arith.cmpi ne, %rem3A_23, %ne3A_24 : i32
    %lt3A = arith.constant 0 : i32
    %lt3A_26 = arith.cmpi slt, %rem3A_23, %lt3A : i32
    %lt3A_27 = arith.constant 0 : i32
    %lt3A_28 = arith.cmpi slt, %select_n3A_22, %lt3A_27 : i32
    %ne3A_29 = arith.xori %lt3A_26, %lt3A_28 : i1
    %and3A_30 = arith.andi %ne3A_29, %ne3A_25 : i1
    %add3A_31 = arith.addi %rem3A_23, %select_n3A_22 : i32
    %select_n3A_32 = arith.select %and3A_30, %add3A_31, %rem3A_23 : i32
    %sub3A_33 = arith.constant 1 : i32
    %sub3A_34 = arith.subi %sub3A_33, %select_n3A_32 : i32
    %mul3A_35 = arith.constant 1073 : i32
    %mul3A_36 = arith.muli %sub3A_34, %mul3A_35 : i32
    %mul3A_37 = arith.constant 1073 : i32
    %mul3A_38 = arith.muli %select_n3A_32, %mul3A_37 : i32
    %broadcast_in_dim3A = arith.constant 0 : i32
    %broadcast_in_dim3A_39 = vector.broadcast %broadcast_in_dim3A : i32 to vector<16xi32>
    %add3A_40 = vector.broadcast %add3A_18 : i32 to vector<16xi32>
    %add3A_41 = arith.addi %add3A_40, %broadcast_in_dim3A_39 : vector<16xi32>
    "tpu.region"() ({
      %run_scoped3A = memref.alloca() : memref<1136x32xf32, #tpu.memory_space<vmem>>
      "tpu.region"() ({
        %run_scoped3A_64 = tpu.sem_alloc : memref<!tpu.dma_semaphore, #tpu.memory_space<semaphore_mem>>
        %dma_start3A_65 = arith.constant 0 : i32
        %dma_start3A_66 = tpu.memref_slice %arg2[%mul3A_36, %dma_start3A_65] : memref<2209x32xf32, #tpu.memory_space<hbm>> -> memref<1136x32xf32, #tpu.memory_space<hbm>>
        %dma_start3A_67 = arith.constant 0 : i32
        %dma_start3A_68 = tpu.memref_slice %arg2[%mul3A_36, %dma_start3A_67] : memref<2209x32xf32, #tpu.memory_space<hbm>> -> memref<1136x32xf32, #tpu.memory_space<hbm>>
        tpu.enqueue_dma source(%dma_start3A_68 : memref<1136x32xf32, #tpu.memory_space<hbm>>) target(%run_scoped3A : memref<1136x32xf32, #tpu.memory_space<vmem>>) target_semaphore(%run_scoped3A_64 : memref<!tpu.dma_semaphore, #tpu.memory_space<semaphore_mem>>)
        %dma_wait3A_69 = arith.constant 0 : i32
        %dma_wait3A_70 = tpu.memref_slice %arg2[%mul3A_36, %dma_wait3A_69] : memref<2209x32xf32, #tpu.memory_space<hbm>> -> memref<1136x32xf32, #tpu.memory_space<hbm>>
        %dma_wait3A_71 = arith.constant 0 : i32
        %dma_wait3A_72 = tpu.memref_slice %arg2[%mul3A_36, %dma_wait3A_71] : memref<2209x32xf32, #tpu.memory_space<hbm>> -> memref<1136x32xf32, #tpu.memory_space<hbm>>
        tpu.wait_dma2 semaphore(%run_scoped3A_64 : memref<!tpu.dma_semaphore, #tpu.memory_space<semaphore_mem>>) src(%dma_wait3A_72 : memref<1136x32xf32, #tpu.memory_space<hbm>>) dst(%run_scoped3A : memref<1136x32xf32, #tpu.memory_space<vmem>>)
        tpu.yield
      }) : () -> ()
      %parallel_loop3A_61 = arith.constant 0 : i32
      %parallel_loop3A_62 = arith.constant 1136 : i32
      %parallel_loop3A_63 = arith.constant 16 : i32
      scf.for %parallel_loop3A_64 = %parallel_loop3A_61 to %parallel_loop3A_62 step %parallel_loop3A_63  : i32 {
        %parallel_loop3A_65 = tpu.iota {dimensions = array<i32: 0>} : vector<16xi32>
        %parallel_loop3A_66 = vector.broadcast %parallel_loop3A_64 : i32 to vector<16xi32>
        %parallel_loop3A_67 = arith.addi %parallel_loop3A_66, %parallel_loop3A_65 : vector<16xi32>
        %parallel_loop3A_68 = arith.constant 1135 : i32
        %parallel_loop3A_69 = vector.broadcast %parallel_loop3A_68 : i32 to vector<16xi32>
        %parallel_loop3A_70 = arith.subi %parallel_loop3A_69, %parallel_loop3A_67 : vector<16xi32>
        %parallel_loop3A_71 = tpu.vector_load_idx %run_scoped3A[%parallel_loop3A_70, %add3A_41] : memref<1136x32xf32, #tpu.memory_space<vmem>>[vector<16xi32>, vector<16xi32>], vector<16xf32>,
        %parallel_loop3A_72 = arith.index_cast %parallel_loop3A_64 : i32 to index
        %parallel_loop3A_73 = tpu.vector_load %arg4[%parallel_loop3A_72] {strides = array<i32>} : memref<1136xf32, #tpu.memory_space<vmem>>, vector<16xf32>,
        tpu.vector_store %arg4[%parallel_loop3A_72], %parallel_loop3A_71 {strides = array<i32>} : memref<1136xf32, #tpu.memory_space<vmem>>, vector<16xf32>,
      } {sc.loop_unroll_factor = 2 : i64, sc.parallel_access}
      tpu.yield
    }) : () -> ()
    %parallel_loop3A = arith.constant 0 : i32
    %parallel_loop3A_42 = arith.constant 1152 : i32
    %parallel_loop3A_43 = arith.constant 16 : i32
    scf.for %parallel_loop3A_61 = %parallel_loop3A to %parallel_loop3A_42 step %parallel_loop3A_43  : i32 {
      %parallel_loop3A_62 = tpu.iota {dimensions = array<i32: 0>} : vector<16xi32>
      %parallel_loop3A_63 = vector.broadcast %parallel_loop3A_61 : i32 to vector<16xi32>
      %parallel_loop3A_64 = arith.addi %parallel_loop3A_63, %parallel_loop3A_62 : vector<16xi32>
      %parallel_loop3A_65 = arith.constant 1127 : i32
      %parallel_loop3A_66 = vector.broadcast %parallel_loop3A_65 : i32 to vector<16xi32>
      %parallel_loop3A_67 = arith.minsi %parallel_loop3A_64, %parallel_loop3A_66 : vector<16xi32>
      %parallel_loop3A_68 = arith.constant 24 : i32
      %parallel_loop3A_69 = vector.broadcast %parallel_loop3A_68 : i32 to vector<16xi32>
      %parallel_loop3A_70 = arith.divsi %parallel_loop3A_67, %parallel_loop3A_69 : vector<16xi32>
      %parallel_loop3A_71 = arith.constant 0 : i32
      %parallel_loop3A_72 = vector.broadcast %parallel_loop3A_71 : i32 to vector<16xi32>
      %parallel_loop3A_73 = arith.cmpi sgt, %parallel_loop3A_67, %parallel_loop3A_72 : vector<16xi32>
      %parallel_loop3A_74 = arith.extui %parallel_loop3A_73 : vector<16xi1> to vector<16xi32>
      %parallel_loop3A_75 = arith.constant 0 : i32
      %parallel_loop3A_76 = vector.broadcast %parallel_loop3A_75 : i32 to vector<16xi32>
      %parallel_loop3A_77 = arith.cmpi slt, %parallel_loop3A_67, %parallel_loop3A_76 : vector<16xi32>
      %parallel_loop3A_78 = arith.extui %parallel_loop3A_77 : vector<16xi1> to vector<16xi32>
      %parallel_loop3A_79 = arith.subi %parallel_loop3A_74, %parallel_loop3A_78 : vector<16xi32>
      %parallel_loop3A_80 = arith.constant 0 : i32
      %parallel_loop3A_81 = arith.cmpi sgt, %parallel_loop3A_68, %parallel_loop3A_80 : i32
      %parallel_loop3A_82 = arith.extui %parallel_loop3A_81 : i1 to i32
      %parallel_loop3A_83 = arith.constant 0 : i32
      %parallel_loop3A_84 = arith.cmpi slt, %parallel_loop3A_68, %parallel_loop3A_83 : i32
      %parallel_loop3A_85 = arith.extui %parallel_loop3A_84 : i1 to i32
      %parallel_loop3A_86 = arith.subi %parallel_loop3A_82, %parallel_loop3A_85 : i32
      %parallel_loop3A_87 = vector.broadcast %parallel_loop3A_86 : i32 to vector<16xi32>
      %parallel_loop3A_88 = arith.cmpi ne, %parallel_loop3A_79, %parallel_loop3A_87 : vector<16xi32>
      %parallel_loop3A_89 = vector.broadcast %parallel_loop3A_68 : i32 to vector<16xi32>
      %parallel_loop3A_90 = arith.remsi %parallel_loop3A_67, %parallel_loop3A_89 : vector<16xi32>
      %parallel_loop3A_91 = arith.constant 0 : i32
      %parallel_loop3A_92 = vector.broadcast %parallel_loop3A_91 : i32 to vector<16xi32>
      %parallel_loop3A_93 = arith.cmpi ne, %parallel_loop3A_90, %parallel_loop3A_92 : vector<16xi32>
      %parallel_loop3A_94 = arith.andi %parallel_loop3A_88, %parallel_loop3A_93 : vector<16xi1>
      %parallel_loop3A_95 = arith.constant 1 : i32
      %parallel_loop3A_96 = vector.broadcast %parallel_loop3A_95 : i32 to vector<16xi32>
      %parallel_loop3A_97 = arith.subi %parallel_loop3A_70, %parallel_loop3A_96 : vector<16xi32>
      %parallel_loop3A_98 = arith.select %parallel_loop3A_94, %parallel_loop3A_97, %parallel_loop3A_70 : vector<16xi1>, vector<16xi32>
      %parallel_loop3A_99 = arith.constant 23 : i32
      %parallel_loop3A_100 = vector.broadcast %parallel_loop3A_99 : i32 to vector<16xi32>
      %parallel_loop3A_101 = arith.muli %parallel_loop3A_100, %parallel_loop3A_98 : vector<16xi32>
      %parallel_loop3A_102 = arith.addi %parallel_loop3A_67, %parallel_loop3A_101 : vector<16xi32>
      %parallel_loop3A_103 = arith.constant 23 : i32
      %parallel_loop3A_104 = vector.broadcast %parallel_loop3A_103 : i32 to vector<16xi32>
      %parallel_loop3A_105 = arith.addi %parallel_loop3A_102, %parallel_loop3A_104 : vector<16xi32>
      %parallel_loop3A_106 = arith.index_cast %parallel_loop3A_61 : i32 to index
      %parallel_loop3A_107 = tpu.vector_load %arg5[%parallel_loop3A_106] {strides = array<i32>} : memref<1152xi32, #tpu.memory_space<vmem>>, vector<16xi32>,
      tpu.vector_store %arg5[%parallel_loop3A_106], %parallel_loop3A_105 {strides = array<i32>} : memref<1152xi32, #tpu.memory_space<vmem>>, vector<16xi32>,
    } {sc.loop_unroll_factor = 2 : i64, sc.parallel_access}
    %parallel_loop3A_44 = arith.constant 0 : i32
    %parallel_loop3A_45 = arith.constant 576 : i32
    %parallel_loop3A_46 = arith.constant 16 : i32
    scf.for %parallel_loop3A_61 = %parallel_loop3A_44 to %parallel_loop3A_45 step %parallel_loop3A_46  : i32 {
      %parallel_loop3A_62 = arith.constant 576 : i32
      %parallel_loop3A_63 = arith.muli %select_n3A_32, %parallel_loop3A_62 : i32
      %parallel_loop3A_64 = arith.addi %parallel_loop3A_63, %parallel_loop3A_61 : i32
      %parallel_loop3A_65 = arith.index_cast %parallel_loop3A_64 : i32 to index
      %parallel_loop3A_66 = tpu.vector_load %arg5[%parallel_loop3A_65] {strides = array<i32>} : memref<1152xi32, #tpu.memory_space<vmem>>, vector<16xi32>,
      %parallel_loop3A_67 = vector.broadcast %mul3A_38 : i32 to vector<16xi32>
      %parallel_loop3A_68 = arith.subi %parallel_loop3A_66, %parallel_loop3A_67 : vector<16xi32>
      %parallel_loop3A_69 = arith.constant 0 : i32
      %parallel_loop3A_70 = vector.broadcast %parallel_loop3A_69 : i32 to vector<16xi32>
      %parallel_loop3A_71 = arith.subi %parallel_loop3A_68, %parallel_loop3A_70 : vector<16xi32>
      %parallel_loop3A_72 = tpu.vector_load_idx %arg4[%parallel_loop3A_71] : memref<1136xf32, #tpu.memory_space<vmem>>[vector<16xi32>], vector<16xf32>,
      %parallel_loop3A_73 = arith.constant 0 : i32
      %parallel_loop3A_74 = arith.index_cast %parallel_loop3A_73 : i32 to index
      %parallel_loop3A_75 = arith.index_cast %parallel_loop3A_61 : i32 to index
      %parallel_loop3A_76 = tpu.vector_load %arg6[%parallel_loop3A_74, %parallel_loop3A_75] {strides = array<i32>} : memref<24x576xf32, #tpu.memory_space<vmem>>, vector<16xf32>,
      tpu.vector_store %arg6[%parallel_loop3A_74, %parallel_loop3A_75], %parallel_loop3A_72 {strides = array<i32>} : memref<24x576xf32, #tpu.memory_space<vmem>>, vector<16xf32>,
      %parallel_loop3A_77 = arith.constant 1 : i32
      %parallel_loop3A_78 = vector.broadcast %parallel_loop3A_77 : i32 to vector<16xi32>
      %parallel_loop3A_79 = arith.subi %parallel_loop3A_68, %parallel_loop3A_78 : vector<16xi32>
      %parallel_loop3A_80 = tpu.vector_load_idx %arg4[%parallel_loop3A_79] : memref<1136xf32, #tpu.memory_space<vmem>>[vector<16xi32>], vector<16xf32>,
      %parallel_loop3A_81 = arith.constant 1 : i32
      %parallel_loop3A_82 = arith.index_cast %parallel_loop3A_81 : i32 to index
      %parallel_loop3A_83 = arith.index_cast %parallel_loop3A_61 : i32 to index
      %parallel_loop3A_84 = tpu.vector_load %arg6[%parallel_loop3A_82, %parallel_loop3A_83] {strides = array<i32>} : memref<24x576xf32, #tpu.memory_space<vmem>>, vector<16xf32>,
      tpu.vector_store %arg6[%parallel_loop3A_82, %parallel_loop3A_83], %parallel_loop3A_80 {strides = array<i32>} : memref<24x576xf32, #tpu.memory_space<vmem>>, vector<16xf32>,
      %parallel_loop3A_85 = arith.constant 2 : i32
      %parallel_loop3A_86 = vector.broadcast %parallel_loop3A_85 : i32 to vector<16xi32>
      %parallel_loop3A_87 = arith.subi %parallel_loop3A_68, %parallel_loop3A_86 : vector<16xi32>
      %parallel_loop3A_88 = tpu.vector_load_idx %arg4[%parallel_loop3A_87] : memref<1136xf32, #tpu.memory_space<vmem>>[vector<16xi32>], vector<16xf32>,
      %parallel_loop3A_89 = arith.constant 2 : i32
      %parallel_loop3A_90 = arith.index_cast %parallel_loop3A_89 : i32 to index
      %parallel_loop3A_91 = arith.index_cast %parallel_loop3A_61 : i32 to index
      %parallel_loop3A_92 = tpu.vector_load %arg6[%parallel_loop3A_90, %parallel_loop3A_91] {strides = array<i32>} : memref<24x576xf32, #tpu.memory_space<vmem>>, vector<16xf32>,
      tpu.vector_store %arg6[%parallel_loop3A_90, %parallel_loop3A_91], %parallel_loop3A_88 {strides = array<i32>} : memref<24x576xf32, #tpu.memory_space<vmem>>, vector<16xf32>,
      %parallel_loop3A_93 = arith.constant 3 : i32
      %parallel_loop3A_94 = vector.broadcast %parallel_loop3A_93 : i32 to vector<16xi32>
      %parallel_loop3A_95 = arith.subi %parallel_loop3A_68, %parallel_loop3A_94 : vector<16xi32>
      %parallel_loop3A_96 = tpu.vector_load_idx %arg4[%parallel_loop3A_95] : memref<1136xf32, #tpu.memory_space<vmem>>[vector<16xi32>], vector<16xf32>,
      %parallel_loop3A_97 = arith.constant 3 : i32
      %parallel_loop3A_98 = arith.index_cast %parallel_loop3A_97 : i32 to index
      %parallel_loop3A_99 = arith.index_cast %parallel_loop3A_61 : i32 to index
      %parallel_loop3A_100 = tpu.vector_load %arg6[%parallel_loop3A_98, %parallel_loop3A_99] {strides = array<i32>} : memref<24x576xf32, #tpu.memory_space<vmem>>, vector<16xf32>,
      tpu.vector_store %arg6[%parallel_loop3A_98, %parallel_loop3A_99], %parallel_loop3A_96 {strides = array<i32>} : memref<24x576xf32, #tpu.memory_space<vmem>>, vector<16xf32>,
      %parallel_loop3A_101 = arith.constant 4 : i32
      %parallel_loop3A_102 = vector.broadcast %parallel_loop3A_101 : i32 to vector<16xi32>
      %parallel_loop3A_103 = arith.subi %parallel_loop3A_68, %parallel_loop3A_102 : vector<16xi32>
      %parallel_loop3A_104 = tpu.vector_load_idx %arg4[%parallel_loop3A_103] : memref<1136xf32, #tpu.memory_space<vmem>>[vector<16xi32>], vector<16xf32>,
      %parallel_loop3A_105 = arith.constant 4 : i32
      %parallel_loop3A_106 = arith.index_cast %parallel_loop3A_105 : i32 to index
      %parallel_loop3A_107 = arith.index_cast %parallel_loop3A_61 : i32 to index
      %parallel_loop3A_108 = tpu.vector_load %arg6[%parallel_loop3A_106, %parallel_loop3A_107] {strides = array<i32>} : memref<24x576xf32, #tpu.memory_space<vmem>>, vector<16xf32>,
      tpu.vector_store %arg6[%parallel_loop3A_106, %parallel_loop3A_107], %parallel_loop3A_104 {strides = array<i32>} : memref<24x576xf32, #tpu.memory_space<vmem>>, vector<16xf32>,
      %parallel_loop3A_109 = arith.constant 5 : i32
      %parallel_loop3A_110 = vector.broadcast %parallel_loop3A_109 : i32 to vector<16xi32>
      %parallel_loop3A_111 = arith.subi %parallel_loop3A_68, %parallel_loop3A_110 : vector<16xi32>
      %parallel_loop3A_112 = tpu.vector_load_idx %arg4[%parallel_loop3A_111] : memref<1136xf32, #tpu.memory_space<vmem>>[vector<16xi32>], vector<16xf32>,
      %parallel_loop3A_113 = arith.constant 5 : i32
      %parallel_loop3A_114 = arith.index_cast %parallel_loop3A_113 : i32 to index
      %parallel_loop3A_115 = arith.index_cast %parallel_loop3A_61 : i32 to index
      %parallel_loop3A_116 = tpu.vector_load %arg6[%parallel_loop3A_114, %parallel_loop3A_115] {strides = array<i32>} : memref<24x576xf32, #tpu.memory_space<vmem>>, vector<16xf32>,
      tpu.vector_store %arg6[%parallel_loop3A_114, %parallel_loop3A_115], %parallel_loop3A_112 {strides = array<i32>} : memref<24x576xf32, #tpu.memory_space<vmem>>, vector<16xf32>,
      %parallel_loop3A_117 = arith.constant 6 : i32
      %parallel_loop3A_118 = vector.broadcast %parallel_loop3A_117 : i32 to vector<16xi32>
      %parallel_loop3A_119 = arith.subi %parallel_loop3A_68, %parallel_loop3A_118 : vector<16xi32>
      %parallel_loop3A_120 = tpu.vector_load_idx %arg4[%parallel_loop3A_119] : memref<1136xf32, #tpu.memory_space<vmem>>[vector<16xi32>], vector<16xf32>,
      %parallel_loop3A_121 = arith.constant 6 : i32
      %parallel_loop3A_122 = arith.index_cast %parallel_loop3A_121 : i32 to index
      %parallel_loop3A_123 = arith.index_cast %parallel_loop3A_61 : i32 to index
      %parallel_loop3A_124 = tpu.vector_load %arg6[%parallel_loop3A_122, %parallel_loop3A_123] {strides = array<i32>} : memref<24x576xf32, #tpu.memory_space<vmem>>, vector<16xf32>,
      tpu.vector_store %arg6[%parallel_loop3A_122, %parallel_loop3A_123], %parallel_loop3A_120 {strides = array<i32>} : memref<24x576xf32, #tpu.memory_space<vmem>>, vector<16xf32>,
      %parallel_loop3A_125 = arith.constant 7 : i32
      %parallel_loop3A_126 = vector.broadcast %parallel_loop3A_125 : i32 to vector<16xi32>
      %parallel_loop3A_127 = arith.subi %parallel_loop3A_68, %parallel_loop3A_126 : vector<16xi32>
      %parallel_loop3A_128 = tpu.vector_load_idx %arg4[%parallel_loop3A_127] : memref<1136xf32, #tpu.memory_space<vmem>>[vector<16xi32>], vector<16xf32>,
      %parallel_loop3A_129 = arith.constant 7 : i32
      %parallel_loop3A_130 = arith.index_cast %parallel_loop3A_129 : i32 to index
      %parallel_loop3A_131 = arith.index_cast %parallel_loop3A_61 : i32 to index
      %parallel_loop3A_132 = tpu.vector_load %arg6[%parallel_loop3A_130, %parallel_loop3A_131] {strides = array<i32>} : memref<24x576xf32, #tpu.memory_space<vmem>>, vector<16xf32>,
      tpu.vector_store %arg6[%parallel_loop3A_130, %parallel_loop3A_131], %parallel_loop3A_128 {strides = array<i32>} : memref<24x576xf32, #tpu.memory_space<vmem>>, vector<16xf32>,
      %parallel_loop3A_133 = arith.constant 8 : i32
      %parallel_loop3A_134 = vector.broadcast %parallel_loop3A_133 : i32 to vector<16xi32>
      %parallel_loop3A_135 = arith.subi %parallel_loop3A_68, %parallel_loop3A_134 : vector<16xi32>
      %parallel_loop3A_136 = tpu.vector_load_idx %arg4[%parallel_loop3A_135] : memref<1136xf32, #tpu.memory_space<vmem>>[vector<16xi32>], vector<16xf32>,
      %parallel_loop3A_137 = arith.constant 8 : i32
      %parallel_loop3A_138 = arith.index_cast %parallel_loop3A_137 : i32 to index
      %parallel_loop3A_139 = arith.index_cast %parallel_loop3A_61 : i32 to index
      %parallel_loop3A_140 = tpu.vector_load %arg6[%parallel_loop3A_138, %parallel_loop3A_139] {strides = array<i32>} : memref<24x576xf32, #tpu.memory_space<vmem>>, vector<16xf32>,
      tpu.vector_store %arg6[%parallel_loop3A_138, %parallel_loop3A_139], %parallel_loop3A_136 {strides = array<i32>} : memref<24x576xf32, #tpu.memory_space<vmem>>, vector<16xf32>,
      %parallel_loop3A_141 = arith.constant 9 : i32
      %parallel_loop3A_142 = vector.broadcast %parallel_loop3A_141 : i32 to vector<16xi32>
      %parallel_loop3A_143 = arith.subi %parallel_loop3A_68, %parallel_loop3A_142 : vector<16xi32>
      %parallel_loop3A_144 = tpu.vector_load_idx %arg4[%parallel_loop3A_143] : memref<1136xf32, #tpu.memory_space<vmem>>[vector<16xi32>], vector<16xf32>,
      %parallel_loop3A_145 = arith.constant 9 : i32
      %parallel_loop3A_146 = arith.index_cast %parallel_loop3A_145 : i32 to index
      %parallel_loop3A_147 = arith.index_cast %parallel_loop3A_61 : i32 to index
      %parallel_loop3A_148 = tpu.vector_load %arg6[%parallel_loop3A_146, %parallel_loop3A_147] {strides = array<i32>} : memref<24x576xf32, #tpu.memory_space<vmem>>, vector<16xf32>,
      tpu.vector_store %arg6[%parallel_loop3A_146, %parallel_loop3A_147], %parallel_loop3A_144 {strides = array<i32>} : memref<24x576xf32, #tpu.memory_space<vmem>>, vector<16xf32>,
      %parallel_loop3A_149 = arith.constant 10 : i32
      %parallel_loop3A_150 = vector.broadcast %parallel_loop3A_149 : i32 to vector<16xi32>
      %parallel_loop3A_151 = arith.subi %parallel_loop3A_68, %parallel_loop3A_150 : vector<16xi32>
      %parallel_loop3A_152 = tpu.vector_load_idx %arg4[%parallel_loop3A_151] : memref<1136xf32, #tpu.memory_space<vmem>>[vector<16xi32>], vector<16xf32>,
      %parallel_loop3A_153 = arith.constant 10 : i32
      %parallel_loop3A_154 = arith.index_cast %parallel_loop3A_153 : i32 to index
      %parallel_loop3A_155 = arith.index_cast %parallel_loop3A_61 : i32 to index
      %parallel_loop3A_156 = tpu.vector_load %arg6[%parallel_loop3A_154, %parallel_loop3A_155] {strides = array<i32>} : memref<24x576xf32, #tpu.memory_space<vmem>>, vector<16xf32>,
      tpu.vector_store %arg6[%parallel_loop3A_154, %parallel_loop3A_155], %parallel_loop3A_152 {strides = array<i32>} : memref<24x576xf32, #tpu.memory_space<vmem>>, vector<16xf32>,
      %parallel_loop3A_157 = arith.constant 11 : i32
      %parallel_loop3A_158 = vector.broadcast %parallel_loop3A_157 : i32 to vector<16xi32>
      %parallel_loop3A_159 = arith.subi %parallel_loop3A_68, %parallel_loop3A_158 : vector<16xi32>
      %parallel_loop3A_160 = tpu.vector_load_idx %arg4[%parallel_loop3A_159] : memref<1136xf32, #tpu.memory_space<vmem>>[vector<16xi32>], vector<16xf32>,
      %parallel_loop3A_161 = arith.constant 11 : i32
      %parallel_loop3A_162 = arith.index_cast %parallel_loop3A_161 : i32 to index
      %parallel_loop3A_163 = arith.index_cast %parallel_loop3A_61 : i32 to index
      %parallel_loop3A_164 = tpu.vector_load %arg6[%parallel_loop3A_162, %parallel_loop3A_163] {strides = array<i32>} : memref<24x576xf32, #tpu.memory_space<vmem>>, vector<16xf32>,
      tpu.vector_store %arg6[%parallel_loop3A_162, %parallel_loop3A_163], %parallel_loop3A_160 {strides = array<i32>} : memref<24x576xf32, #tpu.memory_space<vmem>>, vector<16xf32>,
      %parallel_loop3A_165 = arith.constant 12 : i32
      %parallel_loop3A_166 = vector.broadcast %parallel_loop3A_165 : i32 to vector<16xi32>
      %parallel_loop3A_167 = arith.subi %parallel_loop3A_68, %parallel_loop3A_166 : vector<16xi32>
      %parallel_loop3A_168 = tpu.vector_load_idx %arg4[%parallel_loop3A_167] : memref<1136xf32, #tpu.memory_space<vmem>>[vector<16xi32>], vector<16xf32>,
      %parallel_loop3A_169 = arith.constant 12 : i32
      %parallel_loop3A_170 = arith.index_cast %parallel_loop3A_169 : i32 to index
      %parallel_loop3A_171 = arith.index_cast %parallel_loop3A_61 : i32 to index
      %parallel_loop3A_172 = tpu.vector_load %arg6[%parallel_loop3A_170, %parallel_loop3A_171] {strides = array<i32>} : memref<24x576xf32, #tpu.memory_space<vmem>>, vector<16xf32>,
      tpu.vector_store %arg6[%parallel_loop3A_170, %parallel_loop3A_171], %parallel_loop3A_168 {strides = array<i32>} : memref<24x576xf32, #tpu.memory_space<vmem>>, vector<16xf32>,
      %parallel_loop3A_173 = arith.constant 13 : i32
      %parallel_loop3A_174 = vector.broadcast %parallel_loop3A_173 : i32 to vector<16xi32>
      %parallel_loop3A_175 = arith.subi %parallel_loop3A_68, %parallel_loop3A_174 : vector<16xi32>
      %parallel_loop3A_176 = tpu.vector_load_idx %arg4[%parallel_loop3A_175] : memref<1136xf32, #tpu.memory_space<vmem>>[vector<16xi32>], vector<16xf32>,
      %parallel_loop3A_177 = arith.constant 13 : i32
      %parallel_loop3A_178 = arith.index_cast %parallel_loop3A_177 : i32 to index
      %parallel_loop3A_179 = arith.index_cast %parallel_loop3A_61 : i32 to index
      %parallel_loop3A_180 = tpu.vector_load %arg6[%parallel_loop3A_178, %parallel_loop3A_179] {strides = array<i32>} : memref<24x576xf32, #tpu.memory_space<vmem>>, vector<16xf32>,
      tpu.vector_store %arg6[%parallel_loop3A_178, %parallel_loop3A_179], %parallel_loop3A_176 {strides = array<i32>} : memref<24x576xf32, #tpu.memory_space<vmem>>, vector<16xf32>,
      %parallel_loop3A_181 = arith.constant 14 : i32
      %parallel_loop3A_182 = vector.broadcast %parallel_loop3A_181 : i32 to vector<16xi32>
      %parallel_loop3A_183 = arith.subi %parallel_loop3A_68, %parallel_loop3A_182 : vector<16xi32>
      %parallel_loop3A_184 = tpu.vector_load_idx %arg4[%parallel_loop3A_183] : memref<1136xf32, #tpu.memory_space<vmem>>[vector<16xi32>], vector<16xf32>,
      %parallel_loop3A_185 = arith.constant 14 : i32
      %parallel_loop3A_186 = arith.index_cast %parallel_loop3A_185 : i32 to index
      %parallel_loop3A_187 = arith.index_cast %parallel_loop3A_61 : i32 to index
      %parallel_loop3A_188 = tpu.vector_load %arg6[%parallel_loop3A_186, %parallel_loop3A_187] {strides = array<i32>} : memref<24x576xf32, #tpu.memory_space<vmem>>, vector<16xf32>,
      tpu.vector_store %arg6[%parallel_loop3A_186, %parallel_loop3A_187], %parallel_loop3A_184 {strides = array<i32>} : memref<24x576xf32, #tpu.memory_space<vmem>>, vector<16xf32>,
      %parallel_loop3A_189 = arith.constant 15 : i32
      %parallel_loop3A_190 = vector.broadcast %parallel_loop3A_189 : i32 to vector<16xi32>
      %parallel_loop3A_191 = arith.subi %parallel_loop3A_68, %parallel_loop3A_190 : vector<16xi32>
      %parallel_loop3A_192 = tpu.vector_load_idx %arg4[%parallel_loop3A_191] : memref<1136xf32, #tpu.memory_space<vmem>>[vector<16xi32>], vector<16xf32>,
      %parallel_loop3A_193 = arith.constant 15 : i32
      %parallel_loop3A_194 = arith.index_cast %parallel_loop3A_193 : i32 to index
      %parallel_loop3A_195 = arith.index_cast %parallel_loop3A_61 : i32 to index
      %parallel_loop3A_196 = tpu.vector_load %arg6[%parallel_loop3A_194, %parallel_loop3A_195] {strides = array<i32>} : memref<24x576xf32, #tpu.memory_space<vmem>>, vector<16xf32>,
      tpu.vector_store %arg6[%parallel_loop3A_194, %parallel_loop3A_195], %parallel_loop3A_192 {strides = array<i32>} : memref<24x576xf32, #tpu.memory_space<vmem>>, vector<16xf32>,
      %parallel_loop3A_197 = arith.constant 16 : i32
      %parallel_loop3A_198 = vector.broadcast %parallel_loop3A_197 : i32 to vector<16xi32>
      %parallel_loop3A_199 = arith.subi %parallel_loop3A_68, %parallel_loop3A_198 : vector<16xi32>
      %parallel_loop3A_200 = tpu.vector_load_idx %arg4[%parallel_loop3A_199] : memref<1136xf32, #tpu.memory_space<vmem>>[vector<16xi32>], vector<16xf32>,
      %parallel_loop3A_201 = arith.constant 16 : i32
      %parallel_loop3A_202 = arith.index_cast %parallel_loop3A_201 : i32 to index
      %parallel_loop3A_203 = arith.index_cast %parallel_loop3A_61 : i32 to index
      %parallel_loop3A_204 = tpu.vector_load %arg6[%parallel_loop3A_202, %parallel_loop3A_203] {strides = array<i32>} : memref<24x576xf32, #tpu.memory_space<vmem>>, vector<16xf32>,
      tpu.vector_store %arg6[%parallel_loop3A_202, %parallel_loop3A_203], %parallel_loop3A_200 {strides = array<i32>} : memref<24x576xf32, #tpu.memory_space<vmem>>, vector<16xf32>,
      %parallel_loop3A_205 = arith.constant 17 : i32
      %parallel_loop3A_206 = vector.broadcast %parallel_loop3A_205 : i32 to vector<16xi32>
      %parallel_loop3A_207 = arith.subi %parallel_loop3A_68, %parallel_loop3A_206 : vector<16xi32>
      %parallel_loop3A_208 = tpu.vector_load_idx %arg4[%parallel_loop3A_207] : memref<1136xf32, #tpu.memory_space<vmem>>[vector<16xi32>], vector<16xf32>,
      %parallel_loop3A_209 = arith.constant 17 : i32
      %parallel_loop3A_210 = arith.index_cast %parallel_loop3A_209 : i32 to index
      %parallel_loop3A_211 = arith.index_cast %parallel_loop3A_61 : i32 to index
      %parallel_loop3A_212 = tpu.vector_load %arg6[%parallel_loop3A_210, %parallel_loop3A_211] {strides = array<i32>} : memref<24x576xf32, #tpu.memory_space<vmem>>, vector<16xf32>,
      tpu.vector_store %arg6[%parallel_loop3A_210, %parallel_loop3A_211], %parallel_loop3A_208 {strides = array<i32>} : memref<24x576xf32, #tpu.memory_space<vmem>>, vector<16xf32>,
      %parallel_loop3A_213 = arith.constant 18 : i32
      %parallel_loop3A_214 = vector.broadcast %parallel_loop3A_213 : i32 to vector<16xi32>
      %parallel_loop3A_215 = arith.subi %parallel_loop3A_68, %parallel_loop3A_214 : vector<16xi32>
      %parallel_loop3A_216 = tpu.vector_load_idx %arg4[%parallel_loop3A_215] : memref<1136xf32, #tpu.memory_space<vmem>>[vector<16xi32>], vector<16xf32>,
      %parallel_loop3A_217 = arith.constant 18 : i32
      %parallel_loop3A_218 = arith.index_cast %parallel_loop3A_217 : i32 to index
      %parallel_loop3A_219 = arith.index_cast %parallel_loop3A_61 : i32 to index
      %parallel_loop3A_220 = tpu.vector_load %arg6[%parallel_loop3A_218, %parallel_loop3A_219] {strides = array<i32>} : memref<24x576xf32, #tpu.memory_space<vmem>>, vector<16xf32>,
      tpu.vector_store %arg6[%parallel_loop3A_218, %parallel_loop3A_219], %parallel_loop3A_216 {strides = array<i32>} : memref<24x576xf32, #tpu.memory_space<vmem>>, vector<16xf32>,
      %parallel_loop3A_221 = arith.constant 19 : i32
      %parallel_loop3A_222 = vector.broadcast %parallel_loop3A_221 : i32 to vector<16xi32>
      %parallel_loop3A_223 = arith.subi %parallel_loop3A_68, %parallel_loop3A_222 : vector<16xi32>
      %parallel_loop3A_224 = tpu.vector_load_idx %arg4[%parallel_loop3A_223] : memref<1136xf32, #tpu.memory_space<vmem>>[vector<16xi32>], vector<16xf32>,
      %parallel_loop3A_225 = arith.constant 19 : i32
      %parallel_loop3A_226 = arith.index_cast %parallel_loop3A_225 : i32 to index
      %parallel_loop3A_227 = arith.index_cast %parallel_loop3A_61 : i32 to index
      %parallel_loop3A_228 = tpu.vector_load %arg6[%parallel_loop3A_226, %parallel_loop3A_227] {strides = array<i32>} : memref<24x576xf32, #tpu.memory_space<vmem>>, vector<16xf32>,
      tpu.vector_store %arg6[%parallel_loop3A_226, %parallel_loop3A_227], %parallel_loop3A_224 {strides = array<i32>} : memref<24x576xf32, #tpu.memory_space<vmem>>, vector<16xf32>,
      %parallel_loop3A_229 = arith.constant 20 : i32
      %parallel_loop3A_230 = vector.broadcast %parallel_loop3A_229 : i32 to vector<16xi32>
      %parallel_loop3A_231 = arith.subi %parallel_loop3A_68, %parallel_loop3A_230 : vector<16xi32>
      %parallel_loop3A_232 = tpu.vector_load_idx %arg4[%parallel_loop3A_231] : memref<1136xf32, #tpu.memory_space<vmem>>[vector<16xi32>], vector<16xf32>,
      %parallel_loop3A_233 = arith.constant 20 : i32
      %parallel_loop3A_234 = arith.index_cast %parallel_loop3A_233 : i32 to index
      %parallel_loop3A_235 = arith.index_cast %parallel_loop3A_61 : i32 to index
      %parallel_loop3A_236 = tpu.vector_load %arg6[%parallel_loop3A_234, %parallel_loop3A_235] {strides = array<i32>} : memref<24x576xf32, #tpu.memory_space<vmem>>, vector<16xf32>,
      tpu.vector_store %arg6[%parallel_loop3A_234, %parallel_loop3A_235], %parallel_loop3A_232 {strides = array<i32>} : memref<24x576xf32, #tpu.memory_space<vmem>>, vector<16xf32>,
      %parallel_loop3A_237 = arith.constant 21 : i32
      %parallel_loop3A_238 = vector.broadcast %parallel_loop3A_237 : i32 to vector<16xi32>
      %parallel_loop3A_239 = arith.subi %parallel_loop3A_68, %parallel_loop3A_238 : vector<16xi32>
      %parallel_loop3A_240 = tpu.vector_load_idx %arg4[%parallel_loop3A_239] : memref<1136xf32, #tpu.memory_space<vmem>>[vector<16xi32>], vector<16xf32>,
      %parallel_loop3A_241 = arith.constant 21 : i32
      %parallel_loop3A_242 = arith.index_cast %parallel_loop3A_241 : i32 to index
      %parallel_loop3A_243 = arith.index_cast %parallel_loop3A_61 : i32 to index
      %parallel_loop3A_244 = tpu.vector_load %arg6[%parallel_loop3A_242, %parallel_loop3A_243] {strides = array<i32>} : memref<24x576xf32, #tpu.memory_space<vmem>>, vector<16xf32>,
      tpu.vector_store %arg6[%parallel_loop3A_242, %parallel_loop3A_243], %parallel_loop3A_240 {strides = array<i32>} : memref<24x576xf32, #tpu.memory_space<vmem>>, vector<16xf32>,
      %parallel_loop3A_245 = arith.constant 22 : i32
      %parallel_loop3A_246 = vector.broadcast %parallel_loop3A_245 : i32 to vector<16xi32>
      %parallel_loop3A_247 = arith.subi %parallel_loop3A_68, %parallel_loop3A_246 : vector<16xi32>
      %parallel_loop3A_248 = tpu.vector_load_idx %arg4[%parallel_loop3A_247] : memref<1136xf32, #tpu.memory_space<vmem>>[vector<16xi32>], vector<16xf32>,
      %parallel_loop3A_249 = arith.constant 22 : i32
      %parallel_loop3A_250 = arith.index_cast %parallel_loop3A_249 : i32 to index
      %parallel_loop3A_251 = arith.index_cast %parallel_loop3A_61 : i32 to index
      %parallel_loop3A_252 = tpu.vector_load %arg6[%parallel_loop3A_250, %parallel_loop3A_251] {strides = array<i32>} : memref<24x576xf32, #tpu.memory_space<vmem>>, vector<16xf32>,
      tpu.vector_store %arg6[%parallel_loop3A_250, %parallel_loop3A_251], %parallel_loop3A_248 {strides = array<i32>} : memref<24x576xf32, #tpu.memory_space<vmem>>, vector<16xf32>,
      %parallel_loop3A_253 = arith.constant 23 : i32
      %parallel_loop3A_254 = vector.broadcast %parallel_loop3A_253 : i32 to vector<16xi32>
      %parallel_loop3A_255 = arith.subi %parallel_loop3A_68, %parallel_loop3A_254 : vector<16xi32>
      %parallel_loop3A_256 = tpu.vector_load_idx %arg4[%parallel_loop3A_255] : memref<1136xf32, #tpu.memory_space<vmem>>[vector<16xi32>], vector<16xf32>,
      %parallel_loop3A_257 = arith.constant 23 : i32
      %parallel_loop3A_258 = arith.index_cast %parallel_loop3A_257 : i32 to index
      %parallel_loop3A_259 = arith.index_cast %parallel_loop3A_61 : i32 to index
      %parallel_loop3A_260 = tpu.vector_load %arg6[%parallel_loop3A_258, %parallel_loop3A_259] {strides = array<i32>} : memref<24x576xf32, #tpu.memory_space<vmem>>, vector<16xf32>,
      tpu.vector_store %arg6[%parallel_loop3A_258, %parallel_loop3A_259], %parallel_loop3A_256 {strides = array<i32>} : memref<24x576xf32, #tpu.memory_space<vmem>>, vector<16xf32>,
    } {sc.loop_unroll_factor = 2 : i64, sc.parallel_access}
    %sub3A_47 = arith.constant 0 : i32
    %sub3A_48 = arith.subi %add3A_18, %sub3A_47 : i32
    %mul3A_49 = arith.constant 576 : i32
    %mul3A_50 = arith.muli %select_n3A_32, %mul3A_49 : i32
    %dma_start3A = arith.constant 0 : i32
    %dma_start3A_51 = tpu.memref_slice %arg3[%sub3A_48, %dma_start3A, %mul3A_50] : memref<16x24x1152xf32, #tpu.memory_space<hbm>> -> memref<1x24x576xf32, #tpu.memory_space<hbm>>
    %dma_start3A_52 = tpu.memref_squeeze %dma_start3A_51 : memref<1x24x576xf32, #tpu.memory_space<hbm>> -> memref<24x576xf32, #tpu.memory_space<hbm>>
    %dma_start3A_53 = arith.constant 0 : i32
    %dma_start3A_54 = tpu.memref_slice %arg3[%sub3A_48, %dma_start3A_53, %mul3A_50] : memref<16x24x1152xf32, #tpu.memory_space<hbm>> -> memref<1x24x576xf32, #tpu.memory_space<hbm>>
    %dma_start3A_55 = tpu.memref_squeeze %dma_start3A_54 : memref<1x24x576xf32, #tpu.memory_space<hbm>> -> memref<24x576xf32, #tpu.memory_space<hbm>>
    tpu.enqueue_dma source(%arg6 : memref<24x576xf32, #tpu.memory_space<vmem>>) target(%dma_start3A_55 : memref<24x576xf32, #tpu.memory_space<hbm>>) target_semaphore(%arg7 : memref<!tpu.dma_semaphore, #tpu.memory_space<semaphore_mem>>)
    %dma_wait3A = arith.constant 0 : i32
    %dma_wait3A_56 = tpu.memref_slice %arg3[%sub3A_48, %dma_wait3A, %mul3A_50] : memref<16x24x1152xf32, #tpu.memory_space<hbm>> -> memref<1x24x576xf32, #tpu.memory_space<hbm>>
    %dma_wait3A_57 = tpu.memref_squeeze %dma_wait3A_56 : memref<1x24x576xf32, #tpu.memory_space<hbm>> -> memref<24x576xf32, #tpu.memory_space<hbm>>
    %dma_wait3A_58 = arith.constant 0 : i32
    %dma_wait3A_59 = tpu.memref_slice %arg3[%sub3A_48, %dma_wait3A_58, %mul3A_50] : memref<16x24x1152xf32, #tpu.memory_space<hbm>> -> memref<1x24x576xf32, #tpu.memory_space<hbm>>
    %dma_wait3A_60 = tpu.memref_squeeze %dma_wait3A_59 : memref<1x24x576xf32, #tpu.memory_space<hbm>> -> memref<24x576xf32, #tpu.memory_space<hbm>>
    tpu.wait_dma2 semaphore(%arg7 : memref<!tpu.dma_semaphore, #tpu.memory_space<semaphore_mem>>) src(%arg6 : memref<24x576xf32, #tpu.memory_space<vmem>>) dst(%dma_wait3A_60 : memref<24x576xf32, #tpu.memory_space<hbm>>)
    return
  }
}

module attributes {stable_mosaic.version = 14 : i64} {
  func.func @_expand_a_body(%arg0: i32, %arg1: memref<4x24x1152xf32, #tpu.memory_space<vmem>>, %arg2: memref<4x576x576xf32, #tpu.memory_space<vmem>>) attributes {dimension_semantics = [#tpu.dimension_semantics<arbitrary>], iteration_bounds = array<i64: 4>, scalar_prefetch = 0 : i64, scratch_operands = 0 : i64, tpu.core_type = #tpu.core_type<tc>, window_params = [{transform_indices = @transform_0, window_bounds = array<i64: 4, 24, 1152>}, {transform_indices = @transform_1, window_bounds = array<i64: 4, 576, 576>}]} {
    %get3A = arith.constant 0 : index
    %get3A_0 = arith.constant 0 : index
    %get3A_1 = arith.constant 552 : index
    %get3A_2 = vector.load %arg1[%get3A, %get3A_0, %get3A_1] : memref<4x24x1152xf32, #tpu.memory_space<vmem>>, vector<1x24x576xf32>
    %get3A_3 = vector.shape_cast %get3A_2 : vector<1x24x576xf32> to vector<24x576xf32>
    %swap3A = arith.constant 0 : index
    %swap3A_4 = arith.constant 0 : index
    %swap3A_5 = arith.constant 0 : index
    %swap3A_6 = vector.load %arg2[%swap3A, %swap3A_4, %swap3A_5] : memref<4x576x576xf32, #tpu.memory_space<vmem>>, vector<1x24x576xf32>
    %swap3A_7 = vector.shape_cast %swap3A_6 : vector<1x24x576xf32> to vector<24x576xf32>
    %swap3A_8 = vector.shape_cast %get3A_3 : vector<24x576xf32> to vector<1x24x576xf32>
    tpu.vector_store %arg2[%swap3A, %swap3A_4, %swap3A_5], %swap3A_8 {strides = array<i32>} : memref<4x576x576xf32, #tpu.memory_space<vmem>>, vector<1x24x576xf32>,
    %get3A_9 = arith.constant 0 : index
    %get3A_10 = arith.constant 0 : index
    %get3A_11 = arith.constant 528 : index
    %get3A_12 = vector.load %arg1[%get3A_9, %get3A_10, %get3A_11] : memref<4x24x1152xf32, #tpu.memory_space<vmem>>, vector<1x24x576xf32>
    %get3A_13 = vector.shape_cast %get3A_12 : vector<1x24x576xf32> to vector<24x576xf32>
    %swap3A_14 = arith.constant 0 : index
    %swap3A_15 = arith.constant 24 : index
    %swap3A_16 = arith.constant 0 : index
    %swap3A_17 = vector.load %arg2[%swap3A_14, %swap3A_15, %swap3A_16] : memref<4x576x576xf32, #tpu.memory_space<vmem>>, vector<1x24x576xf32>
    %swap3A_18 = vector.shape_cast %swap3A_17 : vector<1x24x576xf32> to vector<24x576xf32>
    %swap3A_19 = vector.shape_cast %get3A_13 : vector<24x576xf32> to vector<1x24x576xf32>
    tpu.vector_store %arg2[%swap3A_14, %swap3A_15, %swap3A_16], %swap3A_19 {strides = array<i32>} : memref<4x576x576xf32, #tpu.memory_space<vmem>>, vector<1x24x576xf32>,
    %get3A_20 = arith.constant 0 : index
    %get3A_21 = arith.constant 0 : index
    %get3A_22 = arith.constant 504 : index
    %get3A_23 = vector.load %arg1[%get3A_20, %get3A_21, %get3A_22] : memref<4x24x1152xf32, #tpu.memory_space<vmem>>, vector<1x24x576xf32>
    %get3A_24 = vector.shape_cast %get3A_23 : vector<1x24x576xf32> to vector<24x576xf32>
    %swap3A_25 = arith.constant 0 : index
    %swap3A_26 = arith.constant 48 : index
    %swap3A_27 = arith.constant 0 : index
    %swap3A_28 = vector.load %arg2[%swap3A_25, %swap3A_26, %swap3A_27] : memref<4x576x576xf32, #tpu.memory_space<vmem>>, vector<1x24x576xf32>
    %swap3A_29 = vector.shape_cast %swap3A_28 : vector<1x24x576xf32> to vector<24x576xf32>
    %swap3A_30 = vector.shape_cast %get3A_24 : vector<24x576xf32> to vector<1x24x576xf32>
    tpu.vector_store %arg2[%swap3A_25, %swap3A_26, %swap3A_27], %swap3A_30 {strides = array<i32>} : memref<4x576x576xf32, #tpu.memory_space<vmem>>, vector<1x24x576xf32>,
    %get3A_31 = arith.constant 0 : index
    %get3A_32 = arith.constant 0 : index
    %get3A_33 = arith.constant 480 : index
    %get3A_34 = vector.load %arg1[%get3A_31, %get3A_32, %get3A_33] : memref<4x24x1152xf32, #tpu.memory_space<vmem>>, vector<1x24x576xf32>
    %get3A_35 = vector.shape_cast %get3A_34 : vector<1x24x576xf32> to vector<24x576xf32>
    %swap3A_36 = arith.constant 0 : index
    %swap3A_37 = arith.constant 72 : index
    %swap3A_38 = arith.constant 0 : index
    %swap3A_39 = vector.load %arg2[%swap3A_36, %swap3A_37, %swap3A_38] : memref<4x576x576xf32, #tpu.memory_space<vmem>>, vector<1x24x576xf32>
    %swap3A_40 = vector.shape_cast %swap3A_39 : vector<1x24x576xf32> to vector<24x576xf32>
    %swap3A_41 = vector.shape_cast %get3A_35 : vector<24x576xf32> to vector<1x24x576xf32>
    tpu.vector_store %arg2[%swap3A_36, %swap3A_37, %swap3A_38], %swap3A_41 {strides = array<i32>} : memref<4x576x576xf32, #tpu.memory_space<vmem>>, vector<1x24x576xf32>,
    %get3A_42 = arith.constant 0 : index
    %get3A_43 = arith.constant 0 : index
    %get3A_44 = arith.constant 456 : index
    %get3A_45 = vector.load %arg1[%get3A_42, %get3A_43, %get3A_44] : memref<4x24x1152xf32, #tpu.memory_space<vmem>>, vector<1x24x576xf32>
    %get3A_46 = vector.shape_cast %get3A_45 : vector<1x24x576xf32> to vector<24x576xf32>
    %swap3A_47 = arith.constant 0 : index
    %swap3A_48 = arith.constant 96 : index
    %swap3A_49 = arith.constant 0 : index
    %swap3A_50 = vector.load %arg2[%swap3A_47, %swap3A_48, %swap3A_49] : memref<4x576x576xf32, #tpu.memory_space<vmem>>, vector<1x24x576xf32>
    %swap3A_51 = vector.shape_cast %swap3A_50 : vector<1x24x576xf32> to vector<24x576xf32>
    %swap3A_52 = vector.shape_cast %get3A_46 : vector<24x576xf32> to vector<1x24x576xf32>
    tpu.vector_store %arg2[%swap3A_47, %swap3A_48, %swap3A_49], %swap3A_52 {strides = array<i32>} : memref<4x576x576xf32, #tpu.memory_space<vmem>>, vector<1x24x576xf32>,
    %get3A_53 = arith.constant 0 : index
    %get3A_54 = arith.constant 0 : index
    %get3A_55 = arith.constant 432 : index
    %get3A_56 = vector.load %arg1[%get3A_53, %get3A_54, %get3A_55] : memref<4x24x1152xf32, #tpu.memory_space<vmem>>, vector<1x24x576xf32>
    %get3A_57 = vector.shape_cast %get3A_56 : vector<1x24x576xf32> to vector<24x576xf32>
    %swap3A_58 = arith.constant 0 : index
    %swap3A_59 = arith.constant 120 : index
    %swap3A_60 = arith.constant 0 : index
    %swap3A_61 = vector.load %arg2[%swap3A_58, %swap3A_59, %swap3A_60] : memref<4x576x576xf32, #tpu.memory_space<vmem>>, vector<1x24x576xf32>
    %swap3A_62 = vector.shape_cast %swap3A_61 : vector<1x24x576xf32> to vector<24x576xf32>
    %swap3A_63 = vector.shape_cast %get3A_57 : vector<24x576xf32> to vector<1x24x576xf32>
    tpu.vector_store %arg2[%swap3A_58, %swap3A_59, %swap3A_60], %swap3A_63 {strides = array<i32>} : memref<4x576x576xf32, #tpu.memory_space<vmem>>, vector<1x24x576xf32>,
    %get3A_64 = arith.constant 0 : index
    %get3A_65 = arith.constant 0 : index
    %get3A_66 = arith.constant 408 : index
    %get3A_67 = vector.load %arg1[%get3A_64, %get3A_65, %get3A_66] : memref<4x24x1152xf32, #tpu.memory_space<vmem>>, vector<1x24x576xf32>
    %get3A_68 = vector.shape_cast %get3A_67 : vector<1x24x576xf32> to vector<24x576xf32>
    %swap3A_69 = arith.constant 0 : index
    %swap3A_70 = arith.constant 144 : index
    %swap3A_71 = arith.constant 0 : index
    %swap3A_72 = vector.load %arg2[%swap3A_69, %swap3A_70, %swap3A_71] : memref<4x576x576xf32, #tpu.memory_space<vmem>>, vector<1x24x576xf32>
    %swap3A_73 = vector.shape_cast %swap3A_72 : vector<1x24x576xf32> to vector<24x576xf32>
    %swap3A_74 = vector.shape_cast %get3A_68 : vector<24x576xf32> to vector<1x24x576xf32>
    tpu.vector_store %arg2[%swap3A_69, %swap3A_70, %swap3A_71], %swap3A_74 {strides = array<i32>} : memref<4x576x576xf32, #tpu.memory_space<vmem>>, vector<1x24x576xf32>,
    %get3A_75 = arith.constant 0 : index
    %get3A_76 = arith.constant 0 : index
    %get3A_77 = arith.constant 384 : index
    %get3A_78 = vector.load %arg1[%get3A_75, %get3A_76, %get3A_77] : memref<4x24x1152xf32, #tpu.memory_space<vmem>>, vector<1x24x576xf32>
    %get3A_79 = vector.shape_cast %get3A_78 : vector<1x24x576xf32> to vector<24x576xf32>
    %swap3A_80 = arith.constant 0 : index
    %swap3A_81 = arith.constant 168 : index
    %swap3A_82 = arith.constant 0 : index
    %swap3A_83 = vector.load %arg2[%swap3A_80, %swap3A_81, %swap3A_82] : memref<4x576x576xf32, #tpu.memory_space<vmem>>, vector<1x24x576xf32>
    %swap3A_84 = vector.shape_cast %swap3A_83 : vector<1x24x576xf32> to vector<24x576xf32>
    %swap3A_85 = vector.shape_cast %get3A_79 : vector<24x576xf32> to vector<1x24x576xf32>
    tpu.vector_store %arg2[%swap3A_80, %swap3A_81, %swap3A_82], %swap3A_85 {strides = array<i32>} : memref<4x576x576xf32, #tpu.memory_space<vmem>>, vector<1x24x576xf32>,
    %get3A_86 = arith.constant 0 : index
    %get3A_87 = arith.constant 0 : index
    %get3A_88 = arith.constant 360 : index
    %get3A_89 = vector.load %arg1[%get3A_86, %get3A_87, %get3A_88] : memref<4x24x1152xf32, #tpu.memory_space<vmem>>, vector<1x24x576xf32>
    %get3A_90 = vector.shape_cast %get3A_89 : vector<1x24x576xf32> to vector<24x576xf32>
    %swap3A_91 = arith.constant 0 : index
    %swap3A_92 = arith.constant 192 : index
    %swap3A_93 = arith.constant 0 : index
    %swap3A_94 = vector.load %arg2[%swap3A_91, %swap3A_92, %swap3A_93] : memref<4x576x576xf32, #tpu.memory_space<vmem>>, vector<1x24x576xf32>
    %swap3A_95 = vector.shape_cast %swap3A_94 : vector<1x24x576xf32> to vector<24x576xf32>
    %swap3A_96 = vector.shape_cast %get3A_90 : vector<24x576xf32> to vector<1x24x576xf32>
    tpu.vector_store %arg2[%swap3A_91, %swap3A_92, %swap3A_93], %swap3A_96 {strides = array<i32>} : memref<4x576x576xf32, #tpu.memory_space<vmem>>, vector<1x24x576xf32>,
    %get3A_97 = arith.constant 0 : index
    %get3A_98 = arith.constant 0 : index
    %get3A_99 = arith.constant 336 : index
    %get3A_100 = vector.load %arg1[%get3A_97, %get3A_98, %get3A_99] : memref<4x24x1152xf32, #tpu.memory_space<vmem>>, vector<1x24x576xf32>
    %get3A_101 = vector.shape_cast %get3A_100 : vector<1x24x576xf32> to vector<24x576xf32>
    %swap3A_102 = arith.constant 0 : index
    %swap3A_103 = arith.constant 216 : index
    %swap3A_104 = arith.constant 0 : index
    %swap3A_105 = vector.load %arg2[%swap3A_102, %swap3A_103, %swap3A_104] : memref<4x576x576xf32, #tpu.memory_space<vmem>>, vector<1x24x576xf32>
    %swap3A_106 = vector.shape_cast %swap3A_105 : vector<1x24x576xf32> to vector<24x576xf32>
    %swap3A_107 = vector.shape_cast %get3A_101 : vector<24x576xf32> to vector<1x24x576xf32>
    tpu.vector_store %arg2[%swap3A_102, %swap3A_103, %swap3A_104], %swap3A_107 {strides = array<i32>} : memref<4x576x576xf32, #tpu.memory_space<vmem>>, vector<1x24x576xf32>,
    %get3A_108 = arith.constant 0 : index
    %get3A_109 = arith.constant 0 : index
    %get3A_110 = arith.constant 312 : index
    %get3A_111 = vector.load %arg1[%get3A_108, %get3A_109, %get3A_110] : memref<4x24x1152xf32, #tpu.memory_space<vmem>>, vector<1x24x576xf32>
    %get3A_112 = vector.shape_cast %get3A_111 : vector<1x24x576xf32> to vector<24x576xf32>
    %swap3A_113 = arith.constant 0 : index
    %swap3A_114 = arith.constant 240 : index
    %swap3A_115 = arith.constant 0 : index
    %swap3A_116 = vector.load %arg2[%swap3A_113, %swap3A_114, %swap3A_115] : memref<4x576x576xf32, #tpu.memory_space<vmem>>, vector<1x24x576xf32>
    %swap3A_117 = vector.shape_cast %swap3A_116 : vector<1x24x576xf32> to vector<24x576xf32>
    %swap3A_118 = vector.shape_cast %get3A_112 : vector<24x576xf32> to vector<1x24x576xf32>
    tpu.vector_store %arg2[%swap3A_113, %swap3A_114, %swap3A_115], %swap3A_118 {strides = array<i32>} : memref<4x576x576xf32, #tpu.memory_space<vmem>>, vector<1x24x576xf32>,
    %get3A_119 = arith.constant 0 : index
    %get3A_120 = arith.constant 0 : index
    %get3A_121 = arith.constant 288 : index
    %get3A_122 = vector.load %arg1[%get3A_119, %get3A_120, %get3A_121] : memref<4x24x1152xf32, #tpu.memory_space<vmem>>, vector<1x24x576xf32>
    %get3A_123 = vector.shape_cast %get3A_122 : vector<1x24x576xf32> to vector<24x576xf32>
    %swap3A_124 = arith.constant 0 : index
    %swap3A_125 = arith.constant 264 : index
    %swap3A_126 = arith.constant 0 : index
    %swap3A_127 = vector.load %arg2[%swap3A_124, %swap3A_125, %swap3A_126] : memref<4x576x576xf32, #tpu.memory_space<vmem>>, vector<1x24x576xf32>
    %swap3A_128 = vector.shape_cast %swap3A_127 : vector<1x24x576xf32> to vector<24x576xf32>
    %swap3A_129 = vector.shape_cast %get3A_123 : vector<24x576xf32> to vector<1x24x576xf32>
    tpu.vector_store %arg2[%swap3A_124, %swap3A_125, %swap3A_126], %swap3A_129 {strides = array<i32>} : memref<4x576x576xf32, #tpu.memory_space<vmem>>, vector<1x24x576xf32>,
    %get3A_130 = arith.constant 0 : index
    %get3A_131 = arith.constant 0 : index
    %get3A_132 = arith.constant 264 : index
    %get3A_133 = vector.load %arg1[%get3A_130, %get3A_131, %get3A_132] : memref<4x24x1152xf32, #tpu.memory_space<vmem>>, vector<1x24x576xf32>
    %get3A_134 = vector.shape_cast %get3A_133 : vector<1x24x576xf32> to vector<24x576xf32>
    %swap3A_135 = arith.constant 0 : index
    %swap3A_136 = arith.constant 288 : index
    %swap3A_137 = arith.constant 0 : index
    %swap3A_138 = vector.load %arg2[%swap3A_135, %swap3A_136, %swap3A_137] : memref<4x576x576xf32, #tpu.memory_space<vmem>>, vector<1x24x576xf32>
    %swap3A_139 = vector.shape_cast %swap3A_138 : vector<1x24x576xf32> to vector<24x576xf32>
    %swap3A_140 = vector.shape_cast %get3A_134 : vector<24x576xf32> to vector<1x24x576xf32>
    tpu.vector_store %arg2[%swap3A_135, %swap3A_136, %swap3A_137], %swap3A_140 {strides = array<i32>} : memref<4x576x576xf32, #tpu.memory_space<vmem>>, vector<1x24x576xf32>,
    %get3A_141 = arith.constant 0 : index
    %get3A_142 = arith.constant 0 : index
    %get3A_143 = arith.constant 240 : index
    %get3A_144 = vector.load %arg1[%get3A_141, %get3A_142, %get3A_143] : memref<4x24x1152xf32, #tpu.memory_space<vmem>>, vector<1x24x576xf32>
    %get3A_145 = vector.shape_cast %get3A_144 : vector<1x24x576xf32> to vector<24x576xf32>
    %swap3A_146 = arith.constant 0 : index
    %swap3A_147 = arith.constant 312 : index
    %swap3A_148 = arith.constant 0 : index
    %swap3A_149 = vector.load %arg2[%swap3A_146, %swap3A_147, %swap3A_148] : memref<4x576x576xf32, #tpu.memory_space<vmem>>, vector<1x24x576xf32>
    %swap3A_150 = vector.shape_cast %swap3A_149 : vector<1x24x576xf32> to vector<24x576xf32>
    %swap3A_151 = vector.shape_cast %get3A_145 : vector<24x576xf32> to vector<1x24x576xf32>
    tpu.vector_store %arg2[%swap3A_146, %swap3A_147, %swap3A_148], %swap3A_151 {strides = array<i32>} : memref<4x576x576xf32, #tpu.memory_space<vmem>>, vector<1x24x576xf32>,
    %get3A_152 = arith.constant 0 : index
    %get3A_153 = arith.constant 0 : index
    %get3A_154 = arith.constant 216 : index
    %get3A_155 = vector.load %arg1[%get3A_152, %get3A_153, %get3A_154] : memref<4x24x1152xf32, #tpu.memory_space<vmem>>, vector<1x24x576xf32>
    %get3A_156 = vector.shape_cast %get3A_155 : vector<1x24x576xf32> to vector<24x576xf32>
    %swap3A_157 = arith.constant 0 : index
    %swap3A_158 = arith.constant 336 : index
    %swap3A_159 = arith.constant 0 : index
    %swap3A_160 = vector.load %arg2[%swap3A_157, %swap3A_158, %swap3A_159] : memref<4x576x576xf32, #tpu.memory_space<vmem>>, vector<1x24x576xf32>
    %swap3A_161 = vector.shape_cast %swap3A_160 : vector<1x24x576xf32> to vector<24x576xf32>
    %swap3A_162 = vector.shape_cast %get3A_156 : vector<24x576xf32> to vector<1x24x576xf32>
    tpu.vector_store %arg2[%swap3A_157, %swap3A_158, %swap3A_159], %swap3A_162 {strides = array<i32>} : memref<4x576x576xf32, #tpu.memory_space<vmem>>, vector<1x24x576xf32>,
    %get3A_163 = arith.constant 0 : index
    %get3A_164 = arith.constant 0 : index
    %get3A_165 = arith.constant 192 : index
    %get3A_166 = vector.load %arg1[%get3A_163, %get3A_164, %get3A_165] : memref<4x24x1152xf32, #tpu.memory_space<vmem>>, vector<1x24x576xf32>
    %get3A_167 = vector.shape_cast %get3A_166 : vector<1x24x576xf32> to vector<24x576xf32>
    %swap3A_168 = arith.constant 0 : index
    %swap3A_169 = arith.constant 360 : index
    %swap3A_170 = arith.constant 0 : index
    %swap3A_171 = vector.load %arg2[%swap3A_168, %swap3A_169, %swap3A_170] : memref<4x576x576xf32, #tpu.memory_space<vmem>>, vector<1x24x576xf32>
    %swap3A_172 = vector.shape_cast %swap3A_171 : vector<1x24x576xf32> to vector<24x576xf32>
    %swap3A_173 = vector.shape_cast %get3A_167 : vector<24x576xf32> to vector<1x24x576xf32>
    tpu.vector_store %arg2[%swap3A_168, %swap3A_169, %swap3A_170], %swap3A_173 {strides = array<i32>} : memref<4x576x576xf32, #tpu.memory_space<vmem>>, vector<1x24x576xf32>,
    %get3A_174 = arith.constant 0 : index
    %get3A_175 = arith.constant 0 : index
    %get3A_176 = arith.constant 168 : index
    %get3A_177 = vector.load %arg1[%get3A_174, %get3A_175, %get3A_176] : memref<4x24x1152xf32, #tpu.memory_space<vmem>>, vector<1x24x576xf32>
    %get3A_178 = vector.shape_cast %get3A_177 : vector<1x24x576xf32> to vector<24x576xf32>
    %swap3A_179 = arith.constant 0 : index
    %swap3A_180 = arith.constant 384 : index
    %swap3A_181 = arith.constant 0 : index
    %swap3A_182 = vector.load %arg2[%swap3A_179, %swap3A_180, %swap3A_181] : memref<4x576x576xf32, #tpu.memory_space<vmem>>, vector<1x24x576xf32>
    %swap3A_183 = vector.shape_cast %swap3A_182 : vector<1x24x576xf32> to vector<24x576xf32>
    %swap3A_184 = vector.shape_cast %get3A_178 : vector<24x576xf32> to vector<1x24x576xf32>
    tpu.vector_store %arg2[%swap3A_179, %swap3A_180, %swap3A_181], %swap3A_184 {strides = array<i32>} : memref<4x576x576xf32, #tpu.memory_space<vmem>>, vector<1x24x576xf32>,
    %get3A_185 = arith.constant 0 : index
    %get3A_186 = arith.constant 0 : index
    %get3A_187 = arith.constant 144 : index
    %get3A_188 = vector.load %arg1[%get3A_185, %get3A_186, %get3A_187] : memref<4x24x1152xf32, #tpu.memory_space<vmem>>, vector<1x24x576xf32>
    %get3A_189 = vector.shape_cast %get3A_188 : vector<1x24x576xf32> to vector<24x576xf32>
    %swap3A_190 = arith.constant 0 : index
    %swap3A_191 = arith.constant 408 : index
    %swap3A_192 = arith.constant 0 : index
    %swap3A_193 = vector.load %arg2[%swap3A_190, %swap3A_191, %swap3A_192] : memref<4x576x576xf32, #tpu.memory_space<vmem>>, vector<1x24x576xf32>
    %swap3A_194 = vector.shape_cast %swap3A_193 : vector<1x24x576xf32> to vector<24x576xf32>
    %swap3A_195 = vector.shape_cast %get3A_189 : vector<24x576xf32> to vector<1x24x576xf32>
    tpu.vector_store %arg2[%swap3A_190, %swap3A_191, %swap3A_192], %swap3A_195 {strides = array<i32>} : memref<4x576x576xf32, #tpu.memory_space<vmem>>, vector<1x24x576xf32>,
    %get3A_196 = arith.constant 0 : index
    %get3A_197 = arith.constant 0 : index
    %get3A_198 = arith.constant 120 : index
    %get3A_199 = vector.load %arg1[%get3A_196, %get3A_197, %get3A_198] : memref<4x24x1152xf32, #tpu.memory_space<vmem>>, vector<1x24x576xf32>
    %get3A_200 = vector.shape_cast %get3A_199 : vector<1x24x576xf32> to vector<24x576xf32>
    %swap3A_201 = arith.constant 0 : index
    %swap3A_202 = arith.constant 432 : index
    %swap3A_203 = arith.constant 0 : index
    %swap3A_204 = vector.load %arg2[%swap3A_201, %swap3A_202, %swap3A_203] : memref<4x576x576xf32, #tpu.memory_space<vmem>>, vector<1x24x576xf32>
    %swap3A_205 = vector.shape_cast %swap3A_204 : vector<1x24x576xf32> to vector<24x576xf32>
    %swap3A_206 = vector.shape_cast %get3A_200 : vector<24x576xf32> to vector<1x24x576xf32>
    tpu.vector_store %arg2[%swap3A_201, %swap3A_202, %swap3A_203], %swap3A_206 {strides = array<i32>} : memref<4x576x576xf32, #tpu.memory_space<vmem>>, vector<1x24x576xf32>,
    %get3A_207 = arith.constant 0 : index
    %get3A_208 = arith.constant 0 : index
    %get3A_209 = arith.constant 96 : index
    %get3A_210 = vector.load %arg1[%get3A_207, %get3A_208, %get3A_209] : memref<4x24x1152xf32, #tpu.memory_space<vmem>>, vector<1x24x576xf32>
    %get3A_211 = vector.shape_cast %get3A_210 : vector<1x24x576xf32> to vector<24x576xf32>
    %swap3A_212 = arith.constant 0 : index
    %swap3A_213 = arith.constant 456 : index
    %swap3A_214 = arith.constant 0 : index
    %swap3A_215 = vector.load %arg2[%swap3A_212, %swap3A_213, %swap3A_214] : memref<4x576x576xf32, #tpu.memory_space<vmem>>, vector<1x24x576xf32>
    %swap3A_216 = vector.shape_cast %swap3A_215 : vector<1x24x576xf32> to vector<24x576xf32>
    %swap3A_217 = vector.shape_cast %get3A_211 : vector<24x576xf32> to vector<1x24x576xf32>
    tpu.vector_store %arg2[%swap3A_212, %swap3A_213, %swap3A_214], %swap3A_217 {strides = array<i32>} : memref<4x576x576xf32, #tpu.memory_space<vmem>>, vector<1x24x576xf32>,
    %get3A_218 = arith.constant 0 : index
    %get3A_219 = arith.constant 0 : index
    %get3A_220 = arith.constant 72 : index
    %get3A_221 = vector.load %arg1[%get3A_218, %get3A_219, %get3A_220] : memref<4x24x1152xf32, #tpu.memory_space<vmem>>, vector<1x24x576xf32>
    %get3A_222 = vector.shape_cast %get3A_221 : vector<1x24x576xf32> to vector<24x576xf32>
    %swap3A_223 = arith.constant 0 : index
    %swap3A_224 = arith.constant 480 : index
    %swap3A_225 = arith.constant 0 : index
    %swap3A_226 = vector.load %arg2[%swap3A_223, %swap3A_224, %swap3A_225] : memref<4x576x576xf32, #tpu.memory_space<vmem>>, vector<1x24x576xf32>
    %swap3A_227 = vector.shape_cast %swap3A_226 : vector<1x24x576xf32> to vector<24x576xf32>
    %swap3A_228 = vector.shape_cast %get3A_222 : vector<24x576xf32> to vector<1x24x576xf32>
    tpu.vector_store %arg2[%swap3A_223, %swap3A_224, %swap3A_225], %swap3A_228 {strides = array<i32>} : memref<4x576x576xf32, #tpu.memory_space<vmem>>, vector<1x24x576xf32>,
    %get3A_229 = arith.constant 0 : index
    %get3A_230 = arith.constant 0 : index
    %get3A_231 = arith.constant 48 : index
    %get3A_232 = vector.load %arg1[%get3A_229, %get3A_230, %get3A_231] : memref<4x24x1152xf32, #tpu.memory_space<vmem>>, vector<1x24x576xf32>
    %get3A_233 = vector.shape_cast %get3A_232 : vector<1x24x576xf32> to vector<24x576xf32>
    %swap3A_234 = arith.constant 0 : index
    %swap3A_235 = arith.constant 504 : index
    %swap3A_236 = arith.constant 0 : index
    %swap3A_237 = vector.load %arg2[%swap3A_234, %swap3A_235, %swap3A_236] : memref<4x576x576xf32, #tpu.memory_space<vmem>>, vector<1x24x576xf32>
    %swap3A_238 = vector.shape_cast %swap3A_237 : vector<1x24x576xf32> to vector<24x576xf32>
    %swap3A_239 = vector.shape_cast %get3A_233 : vector<24x576xf32> to vector<1x24x576xf32>
    tpu.vector_store %arg2[%swap3A_234, %swap3A_235, %swap3A_236], %swap3A_239 {strides = array<i32>} : memref<4x576x576xf32, #tpu.memory_space<vmem>>, vector<1x24x576xf32>,
    %get3A_240 = arith.constant 0 : index
    %get3A_241 = arith.constant 0 : index
    %get3A_242 = arith.constant 24 : index
    %get3A_243 = vector.load %arg1[%get3A_240, %get3A_241, %get3A_242] : memref<4x24x1152xf32, #tpu.memory_space<vmem>>, vector<1x24x576xf32>
    %get3A_244 = vector.shape_cast %get3A_243 : vector<1x24x576xf32> to vector<24x576xf32>
    %swap3A_245 = arith.constant 0 : index
    %swap3A_246 = arith.constant 528 : index
    %swap3A_247 = arith.constant 0 : index
    %swap3A_248 = vector.load %arg2[%swap3A_245, %swap3A_246, %swap3A_247] : memref<4x576x576xf32, #tpu.memory_space<vmem>>, vector<1x24x576xf32>
    %swap3A_249 = vector.shape_cast %swap3A_248 : vector<1x24x576xf32> to vector<24x576xf32>
    %swap3A_250 = vector.shape_cast %get3A_244 : vector<24x576xf32> to vector<1x24x576xf32>
    tpu.vector_store %arg2[%swap3A_245, %swap3A_246, %swap3A_247], %swap3A_250 {strides = array<i32>} : memref<4x576x576xf32, #tpu.memory_space<vmem>>, vector<1x24x576xf32>,
    %get3A_251 = arith.constant 0 : index
    %get3A_252 = arith.constant 0 : index
    %get3A_253 = arith.constant 0 : index
    %get3A_254 = vector.load %arg1[%get3A_251, %get3A_252, %get3A_253] : memref<4x24x1152xf32, #tpu.memory_space<vmem>>, vector<1x24x576xf32>
    %get3A_255 = vector.shape_cast %get3A_254 : vector<1x24x576xf32> to vector<24x576xf32>
    %swap3A_256 = arith.constant 0 : index
    %swap3A_257 = arith.constant 552 : index
    %swap3A_258 = arith.constant 0 : index
    %swap3A_259 = vector.load %arg2[%swap3A_256, %swap3A_257, %swap3A_258] : memref<4x576x576xf32, #tpu.memory_space<vmem>>, vector<1x24x576xf32>
    %swap3A_260 = vector.shape_cast %swap3A_259 : vector<1x24x576xf32> to vector<24x576xf32>
    %swap3A_261 = vector.shape_cast %get3A_255 : vector<24x576xf32> to vector<1x24x576xf32>
    tpu.vector_store %arg2[%swap3A_256, %swap3A_257, %swap3A_258], %swap3A_261 {strides = array<i32>} : memref<4x576x576xf32, #tpu.memory_space<vmem>>, vector<1x24x576xf32>,
    %get3A_262 = arith.constant 1 : index
    %get3A_263 = arith.constant 0 : index
    %get3A_264 = arith.constant 552 : index
    %get3A_265 = vector.load %arg1[%get3A_262, %get3A_263, %get3A_264] : memref<4x24x1152xf32, #tpu.memory_space<vmem>>, vector<1x24x576xf32>
    %get3A_266 = vector.shape_cast %get3A_265 : vector<1x24x576xf32> to vector<24x576xf32>
    %swap3A_267 = arith.constant 1 : index
    %swap3A_268 = arith.constant 0 : index
    %swap3A_269 = arith.constant 0 : index
    %swap3A_270 = vector.load %arg2[%swap3A_267, %swap3A_268, %swap3A_269] : memref<4x576x576xf32, #tpu.memory_space<vmem>>, vector<1x24x576xf32>
    %swap3A_271 = vector.shape_cast %swap3A_270 : vector<1x24x576xf32> to vector<24x576xf32>
    %swap3A_272 = vector.shape_cast %get3A_266 : vector<24x576xf32> to vector<1x24x576xf32>
    tpu.vector_store %arg2[%swap3A_267, %swap3A_268, %swap3A_269], %swap3A_272 {strides = array<i32>} : memref<4x576x576xf32, #tpu.memory_space<vmem>>, vector<1x24x576xf32>,
    %get3A_273 = arith.constant 1 : index
    %get3A_274 = arith.constant 0 : index
    %get3A_275 = arith.constant 528 : index
    %get3A_276 = vector.load %arg1[%get3A_273, %get3A_274, %get3A_275] : memref<4x24x1152xf32, #tpu.memory_space<vmem>>, vector<1x24x576xf32>
    %get3A_277 = vector.shape_cast %get3A_276 : vector<1x24x576xf32> to vector<24x576xf32>
    %swap3A_278 = arith.constant 1 : index
    %swap3A_279 = arith.constant 24 : index
    %swap3A_280 = arith.constant 0 : index
    %swap3A_281 = vector.load %arg2[%swap3A_278, %swap3A_279, %swap3A_280] : memref<4x576x576xf32, #tpu.memory_space<vmem>>, vector<1x24x576xf32>
    %swap3A_282 = vector.shape_cast %swap3A_281 : vector<1x24x576xf32> to vector<24x576xf32>
    %swap3A_283 = vector.shape_cast %get3A_277 : vector<24x576xf32> to vector<1x24x576xf32>
    tpu.vector_store %arg2[%swap3A_278, %swap3A_279, %swap3A_280], %swap3A_283 {strides = array<i32>} : memref<4x576x576xf32, #tpu.memory_space<vmem>>, vector<1x24x576xf32>,
    %get3A_284 = arith.constant 1 : index
    %get3A_285 = arith.constant 0 : index
    %get3A_286 = arith.constant 504 : index
    %get3A_287 = vector.load %arg1[%get3A_284, %get3A_285, %get3A_286] : memref<4x24x1152xf32, #tpu.memory_space<vmem>>, vector<1x24x576xf32>
    %get3A_288 = vector.shape_cast %get3A_287 : vector<1x24x576xf32> to vector<24x576xf32>
    %swap3A_289 = arith.constant 1 : index
    %swap3A_290 = arith.constant 48 : index
    %swap3A_291 = arith.constant 0 : index
    %swap3A_292 = vector.load %arg2[%swap3A_289, %swap3A_290, %swap3A_291] : memref<4x576x576xf32, #tpu.memory_space<vmem>>, vector<1x24x576xf32>
    %swap3A_293 = vector.shape_cast %swap3A_292 : vector<1x24x576xf32> to vector<24x576xf32>
    %swap3A_294 = vector.shape_cast %get3A_288 : vector<24x576xf32> to vector<1x24x576xf32>
    tpu.vector_store %arg2[%swap3A_289, %swap3A_290, %swap3A_291], %swap3A_294 {strides = array<i32>} : memref<4x576x576xf32, #tpu.memory_space<vmem>>, vector<1x24x576xf32>,
    %get3A_295 = arith.constant 1 : index
    %get3A_296 = arith.constant 0 : index
    %get3A_297 = arith.constant 480 : index
    %get3A_298 = vector.load %arg1[%get3A_295, %get3A_296, %get3A_297] : memref<4x24x1152xf32, #tpu.memory_space<vmem>>, vector<1x24x576xf32>
    %get3A_299 = vector.shape_cast %get3A_298 : vector<1x24x576xf32> to vector<24x576xf32>
    %swap3A_300 = arith.constant 1 : index
    %swap3A_301 = arith.constant 72 : index
    %swap3A_302 = arith.constant 0 : index
    %swap3A_303 = vector.load %arg2[%swap3A_300, %swap3A_301, %swap3A_302] : memref<4x576x576xf32, #tpu.memory_space<vmem>>, vector<1x24x576xf32>
    %swap3A_304 = vector.shape_cast %swap3A_303 : vector<1x24x576xf32> to vector<24x576xf32>
    %swap3A_305 = vector.shape_cast %get3A_299 : vector<24x576xf32> to vector<1x24x576xf32>
    tpu.vector_store %arg2[%swap3A_300, %swap3A_301, %swap3A_302], %swap3A_305 {strides = array<i32>} : memref<4x576x576xf32, #tpu.memory_space<vmem>>, vector<1x24x576xf32>,
    %get3A_306 = arith.constant 1 : index
    %get3A_307 = arith.constant 0 : index
    %get3A_308 = arith.constant 456 : index
    %get3A_309 = vector.load %arg1[%get3A_306, %get3A_307, %get3A_308] : memref<4x24x1152xf32, #tpu.memory_space<vmem>>, vector<1x24x576xf32>
    %get3A_310 = vector.shape_cast %get3A_309 : vector<1x24x576xf32> to vector<24x576xf32>
    %swap3A_311 = arith.constant 1 : index
    %swap3A_312 = arith.constant 96 : index
    %swap3A_313 = arith.constant 0 : index
    %swap3A_314 = vector.load %arg2[%swap3A_311, %swap3A_312, %swap3A_313] : memref<4x576x576xf32, #tpu.memory_space<vmem>>, vector<1x24x576xf32>
    %swap3A_315 = vector.shape_cast %swap3A_314 : vector<1x24x576xf32> to vector<24x576xf32>
    %swap3A_316 = vector.shape_cast %get3A_310 : vector<24x576xf32> to vector<1x24x576xf32>
    tpu.vector_store %arg2[%swap3A_311, %swap3A_312, %swap3A_313], %swap3A_316 {strides = array<i32>} : memref<4x576x576xf32, #tpu.memory_space<vmem>>, vector<1x24x576xf32>,
    %get3A_317 = arith.constant 1 : index
    %get3A_318 = arith.constant 0 : index
    %get3A_319 = arith.constant 432 : index
    %get3A_320 = vector.load %arg1[%get3A_317, %get3A_318, %get3A_319] : memref<4x24x1152xf32, #tpu.memory_space<vmem>>, vector<1x24x576xf32>
    %get3A_321 = vector.shape_cast %get3A_320 : vector<1x24x576xf32> to vector<24x576xf32>
    %swap3A_322 = arith.constant 1 : index
    %swap3A_323 = arith.constant 120 : index
    %swap3A_324 = arith.constant 0 : index
    %swap3A_325 = vector.load %arg2[%swap3A_322, %swap3A_323, %swap3A_324] : memref<4x576x576xf32, #tpu.memory_space<vmem>>, vector<1x24x576xf32>
    %swap3A_326 = vector.shape_cast %swap3A_325 : vector<1x24x576xf32> to vector<24x576xf32>
    %swap3A_327 = vector.shape_cast %get3A_321 : vector<24x576xf32> to vector<1x24x576xf32>
    tpu.vector_store %arg2[%swap3A_322, %swap3A_323, %swap3A_324], %swap3A_327 {strides = array<i32>} : memref<4x576x576xf32, #tpu.memory_space<vmem>>, vector<1x24x576xf32>,
    %get3A_328 = arith.constant 1 : index
    %get3A_329 = arith.constant 0 : index
    %get3A_330 = arith.constant 408 : index
    %get3A_331 = vector.load %arg1[%get3A_328, %get3A_329, %get3A_330] : memref<4x24x1152xf32, #tpu.memory_space<vmem>>, vector<1x24x576xf32>
    %get3A_332 = vector.shape_cast %get3A_331 : vector<1x24x576xf32> to vector<24x576xf32>
    %swap3A_333 = arith.constant 1 : index
    %swap3A_334 = arith.constant 144 : index
    %swap3A_335 = arith.constant 0 : index
    %swap3A_336 = vector.load %arg2[%swap3A_333, %swap3A_334, %swap3A_335] : memref<4x576x576xf32, #tpu.memory_space<vmem>>, vector<1x24x576xf32>
    %swap3A_337 = vector.shape_cast %swap3A_336 : vector<1x24x576xf32> to vector<24x576xf32>
    %swap3A_338 = vector.shape_cast %get3A_332 : vector<24x576xf32> to vector<1x24x576xf32>
    tpu.vector_store %arg2[%swap3A_333, %swap3A_334, %swap3A_335], %swap3A_338 {strides = array<i32>} : memref<4x576x576xf32, #tpu.memory_space<vmem>>, vector<1x24x576xf32>,
    %get3A_339 = arith.constant 1 : index
    %get3A_340 = arith.constant 0 : index
    %get3A_341 = arith.constant 384 : index
    %get3A_342 = vector.load %arg1[%get3A_339, %get3A_340, %get3A_341] : memref<4x24x1152xf32, #tpu.memory_space<vmem>>, vector<1x24x576xf32>
    %get3A_343 = vector.shape_cast %get3A_342 : vector<1x24x576xf32> to vector<24x576xf32>
    %swap3A_344 = arith.constant 1 : index
    %swap3A_345 = arith.constant 168 : index
    %swap3A_346 = arith.constant 0 : index
    %swap3A_347 = vector.load %arg2[%swap3A_344, %swap3A_345, %swap3A_346] : memref<4x576x576xf32, #tpu.memory_space<vmem>>, vector<1x24x576xf32>
    %swap3A_348 = vector.shape_cast %swap3A_347 : vector<1x24x576xf32> to vector<24x576xf32>
    %swap3A_349 = vector.shape_cast %get3A_343 : vector<24x576xf32> to vector<1x24x576xf32>
    tpu.vector_store %arg2[%swap3A_344, %swap3A_345, %swap3A_346], %swap3A_349 {strides = array<i32>} : memref<4x576x576xf32, #tpu.memory_space<vmem>>, vector<1x24x576xf32>,
    %get3A_350 = arith.constant 1 : index
    %get3A_351 = arith.constant 0 : index
    %get3A_352 = arith.constant 360 : index
    %get3A_353 = vector.load %arg1[%get3A_350, %get3A_351, %get3A_352] : memref<4x24x1152xf32, #tpu.memory_space<vmem>>, vector<1x24x576xf32>
    %get3A_354 = vector.shape_cast %get3A_353 : vector<1x24x576xf32> to vector<24x576xf32>
    %swap3A_355 = arith.constant 1 : index
    %swap3A_356 = arith.constant 192 : index
    %swap3A_357 = arith.constant 0 : index
    %swap3A_358 = vector.load %arg2[%swap3A_355, %swap3A_356, %swap3A_357] : memref<4x576x576xf32, #tpu.memory_space<vmem>>, vector<1x24x576xf32>
    %swap3A_359 = vector.shape_cast %swap3A_358 : vector<1x24x576xf32> to vector<24x576xf32>
    %swap3A_360 = vector.shape_cast %get3A_354 : vector<24x576xf32> to vector<1x24x576xf32>
    tpu.vector_store %arg2[%swap3A_355, %swap3A_356, %swap3A_357], %swap3A_360 {strides = array<i32>} : memref<4x576x576xf32, #tpu.memory_space<vmem>>, vector<1x24x576xf32>,
    %get3A_361 = arith.constant 1 : index
    %get3A_362 = arith.constant 0 : index
    %get3A_363 = arith.constant 336 : index
    %get3A_364 = vector.load %arg1[%get3A_361, %get3A_362, %get3A_363] : memref<4x24x1152xf32, #tpu.memory_space<vmem>>, vector<1x24x576xf32>
    %get3A_365 = vector.shape_cast %get3A_364 : vector<1x24x576xf32> to vector<24x576xf32>
    %swap3A_366 = arith.constant 1 : index
    %swap3A_367 = arith.constant 216 : index
    %swap3A_368 = arith.constant 0 : index
    %swap3A_369 = vector.load %arg2[%swap3A_366, %swap3A_367, %swap3A_368] : memref<4x576x576xf32, #tpu.memory_space<vmem>>, vector<1x24x576xf32>
    %swap3A_370 = vector.shape_cast %swap3A_369 : vector<1x24x576xf32> to vector<24x576xf32>
    %swap3A_371 = vector.shape_cast %get3A_365 : vector<24x576xf32> to vector<1x24x576xf32>
    tpu.vector_store %arg2[%swap3A_366, %swap3A_367, %swap3A_368], %swap3A_371 {strides = array<i32>} : memref<4x576x576xf32, #tpu.memory_space<vmem>>, vector<1x24x576xf32>,
    %get3A_372 = arith.constant 1 : index
    %get3A_373 = arith.constant 0 : index
    %get3A_374 = arith.constant 312 : index
    %get3A_375 = vector.load %arg1[%get3A_372, %get3A_373, %get3A_374] : memref<4x24x1152xf32, #tpu.memory_space<vmem>>, vector<1x24x576xf32>
    %get3A_376 = vector.shape_cast %get3A_375 : vector<1x24x576xf32> to vector<24x576xf32>
    %swap3A_377 = arith.constant 1 : index
    %swap3A_378 = arith.constant 240 : index
    %swap3A_379 = arith.constant 0 : index
    %swap3A_380 = vector.load %arg2[%swap3A_377, %swap3A_378, %swap3A_379] : memref<4x576x576xf32, #tpu.memory_space<vmem>>, vector<1x24x576xf32>
    %swap3A_381 = vector.shape_cast %swap3A_380 : vector<1x24x576xf32> to vector<24x576xf32>
    %swap3A_382 = vector.shape_cast %get3A_376 : vector<24x576xf32> to vector<1x24x576xf32>
    tpu.vector_store %arg2[%swap3A_377, %swap3A_378, %swap3A_379], %swap3A_382 {strides = array<i32>} : memref<4x576x576xf32, #tpu.memory_space<vmem>>, vector<1x24x576xf32>,
    %get3A_383 = arith.constant 1 : index
    %get3A_384 = arith.constant 0 : index
    %get3A_385 = arith.constant 288 : index
    %get3A_386 = vector.load %arg1[%get3A_383, %get3A_384, %get3A_385] : memref<4x24x1152xf32, #tpu.memory_space<vmem>>, vector<1x24x576xf32>
    %get3A_387 = vector.shape_cast %get3A_386 : vector<1x24x576xf32> to vector<24x576xf32>
    %swap3A_388 = arith.constant 1 : index
    %swap3A_389 = arith.constant 264 : index
    %swap3A_390 = arith.constant 0 : index
    %swap3A_391 = vector.load %arg2[%swap3A_388, %swap3A_389, %swap3A_390] : memref<4x576x576xf32, #tpu.memory_space<vmem>>, vector<1x24x576xf32>
    %swap3A_392 = vector.shape_cast %swap3A_391 : vector<1x24x576xf32> to vector<24x576xf32>
    %swap3A_393 = vector.shape_cast %get3A_387 : vector<24x576xf32> to vector<1x24x576xf32>
    tpu.vector_store %arg2[%swap3A_388, %swap3A_389, %swap3A_390], %swap3A_393 {strides = array<i32>} : memref<4x576x576xf32, #tpu.memory_space<vmem>>, vector<1x24x576xf32>,
    %get3A_394 = arith.constant 1 : index
    %get3A_395 = arith.constant 0 : index
    %get3A_396 = arith.constant 264 : index
    %get3A_397 = vector.load %arg1[%get3A_394, %get3A_395, %get3A_396] : memref<4x24x1152xf32, #tpu.memory_space<vmem>>, vector<1x24x576xf32>
    %get3A_398 = vector.shape_cast %get3A_397 : vector<1x24x576xf32> to vector<24x576xf32>
    %swap3A_399 = arith.constant 1 : index
    %swap3A_400 = arith.constant 288 : index
    %swap3A_401 = arith.constant 0 : index
    %swap3A_402 = vector.load %arg2[%swap3A_399, %swap3A_400, %swap3A_401] : memref<4x576x576xf32, #tpu.memory_space<vmem>>, vector<1x24x576xf32>
    %swap3A_403 = vector.shape_cast %swap3A_402 : vector<1x24x576xf32> to vector<24x576xf32>
    %swap3A_404 = vector.shape_cast %get3A_398 : vector<24x576xf32> to vector<1x24x576xf32>
    tpu.vector_store %arg2[%swap3A_399, %swap3A_400, %swap3A_401], %swap3A_404 {strides = array<i32>} : memref<4x576x576xf32, #tpu.memory_space<vmem>>, vector<1x24x576xf32>,
    %get3A_405 = arith.constant 1 : index
    %get3A_406 = arith.constant 0 : index
    %get3A_407 = arith.constant 240 : index
    %get3A_408 = vector.load %arg1[%get3A_405, %get3A_406, %get3A_407] : memref<4x24x1152xf32, #tpu.memory_space<vmem>>, vector<1x24x576xf32>
    %get3A_409 = vector.shape_cast %get3A_408 : vector<1x24x576xf32> to vector<24x576xf32>
    %swap3A_410 = arith.constant 1 : index
    %swap3A_411 = arith.constant 312 : index
    %swap3A_412 = arith.constant 0 : index
    %swap3A_413 = vector.load %arg2[%swap3A_410, %swap3A_411, %swap3A_412] : memref<4x576x576xf32, #tpu.memory_space<vmem>>, vector<1x24x576xf32>
    %swap3A_414 = vector.shape_cast %swap3A_413 : vector<1x24x576xf32> to vector<24x576xf32>
    %swap3A_415 = vector.shape_cast %get3A_409 : vector<24x576xf32> to vector<1x24x576xf32>
    tpu.vector_store %arg2[%swap3A_410, %swap3A_411, %swap3A_412], %swap3A_415 {strides = array<i32>} : memref<4x576x576xf32, #tpu.memory_space<vmem>>, vector<1x24x576xf32>,
    %get3A_416 = arith.constant 1 : index
    %get3A_417 = arith.constant 0 : index
    %get3A_418 = arith.constant 216 : index
    %get3A_419 = vector.load %arg1[%get3A_416, %get3A_417, %get3A_418] : memref<4x24x1152xf32, #tpu.memory_space<vmem>>, vector<1x24x576xf32>
    %get3A_420 = vector.shape_cast %get3A_419 : vector<1x24x576xf32> to vector<24x576xf32>
    %swap3A_421 = arith.constant 1 : index
    %swap3A_422 = arith.constant 336 : index
    %swap3A_423 = arith.constant 0 : index
    %swap3A_424 = vector.load %arg2[%swap3A_421, %swap3A_422, %swap3A_423] : memref<4x576x576xf32, #tpu.memory_space<vmem>>, vector<1x24x576xf32>
    %swap3A_425 = vector.shape_cast %swap3A_424 : vector<1x24x576xf32> to vector<24x576xf32>
    %swap3A_426 = vector.shape_cast %get3A_420 : vector<24x576xf32> to vector<1x24x576xf32>
    tpu.vector_store %arg2[%swap3A_421, %swap3A_422, %swap3A_423], %swap3A_426 {strides = array<i32>} : memref<4x576x576xf32, #tpu.memory_space<vmem>>, vector<1x24x576xf32>,
    %get3A_427 = arith.constant 1 : index
    %get3A_428 = arith.constant 0 : index
    %get3A_429 = arith.constant 192 : index
    %get3A_430 = vector.load %arg1[%get3A_427, %get3A_428, %get3A_429] : memref<4x24x1152xf32, #tpu.memory_space<vmem>>, vector<1x24x576xf32>
    %get3A_431 = vector.shape_cast %get3A_430 : vector<1x24x576xf32> to vector<24x576xf32>
    %swap3A_432 = arith.constant 1 : index
    %swap3A_433 = arith.constant 360 : index
    %swap3A_434 = arith.constant 0 : index
    %swap3A_435 = vector.load %arg2[%swap3A_432, %swap3A_433, %swap3A_434] : memref<4x576x576xf32, #tpu.memory_space<vmem>>, vector<1x24x576xf32>
    %swap3A_436 = vector.shape_cast %swap3A_435 : vector<1x24x576xf32> to vector<24x576xf32>
    %swap3A_437 = vector.shape_cast %get3A_431 : vector<24x576xf32> to vector<1x24x576xf32>
    tpu.vector_store %arg2[%swap3A_432, %swap3A_433, %swap3A_434], %swap3A_437 {strides = array<i32>} : memref<4x576x576xf32, #tpu.memory_space<vmem>>, vector<1x24x576xf32>,
    %get3A_438 = arith.constant 1 : index
    %get3A_439 = arith.constant 0 : index
    %get3A_440 = arith.constant 168 : index
    %get3A_441 = vector.load %arg1[%get3A_438, %get3A_439, %get3A_440] : memref<4x24x1152xf32, #tpu.memory_space<vmem>>, vector<1x24x576xf32>
    %get3A_442 = vector.shape_cast %get3A_441 : vector<1x24x576xf32> to vector<24x576xf32>
    %swap3A_443 = arith.constant 1 : index
    %swap3A_444 = arith.constant 384 : index
    %swap3A_445 = arith.constant 0 : index
    %swap3A_446 = vector.load %arg2[%swap3A_443, %swap3A_444, %swap3A_445] : memref<4x576x576xf32, #tpu.memory_space<vmem>>, vector<1x24x576xf32>
    %swap3A_447 = vector.shape_cast %swap3A_446 : vector<1x24x576xf32> to vector<24x576xf32>
    %swap3A_448 = vector.shape_cast %get3A_442 : vector<24x576xf32> to vector<1x24x576xf32>
    tpu.vector_store %arg2[%swap3A_443, %swap3A_444, %swap3A_445], %swap3A_448 {strides = array<i32>} : memref<4x576x576xf32, #tpu.memory_space<vmem>>, vector<1x24x576xf32>,
    %get3A_449 = arith.constant 1 : index
    %get3A_450 = arith.constant 0 : index
    %get3A_451 = arith.constant 144 : index
    %get3A_452 = vector.load %arg1[%get3A_449, %get3A_450, %get3A_451] : memref<4x24x1152xf32, #tpu.memory_space<vmem>>, vector<1x24x576xf32>
    %get3A_453 = vector.shape_cast %get3A_452 : vector<1x24x576xf32> to vector<24x576xf32>
    %swap3A_454 = arith.constant 1 : index
    %swap3A_455 = arith.constant 408 : index
    %swap3A_456 = arith.constant 0 : index
    %swap3A_457 = vector.load %arg2[%swap3A_454, %swap3A_455, %swap3A_456] : memref<4x576x576xf32, #tpu.memory_space<vmem>>, vector<1x24x576xf32>
    %swap3A_458 = vector.shape_cast %swap3A_457 : vector<1x24x576xf32> to vector<24x576xf32>
    %swap3A_459 = vector.shape_cast %get3A_453 : vector<24x576xf32> to vector<1x24x576xf32>
    tpu.vector_store %arg2[%swap3A_454, %swap3A_455, %swap3A_456], %swap3A_459 {strides = array<i32>} : memref<4x576x576xf32, #tpu.memory_space<vmem>>, vector<1x24x576xf32>,
    %get3A_460 = arith.constant 1 : index
    %get3A_461 = arith.constant 0 : index
    %get3A_462 = arith.constant 120 : index
    %get3A_463 = vector.load %arg1[%get3A_460, %get3A_461, %get3A_462] : memref<4x24x1152xf32, #tpu.memory_space<vmem>>, vector<1x24x576xf32>
    %get3A_464 = vector.shape_cast %get3A_463 : vector<1x24x576xf32> to vector<24x576xf32>
    %swap3A_465 = arith.constant 1 : index
    %swap3A_466 = arith.constant 432 : index
    %swap3A_467 = arith.constant 0 : index
    %swap3A_468 = vector.load %arg2[%swap3A_465, %swap3A_466, %swap3A_467] : memref<4x576x576xf32, #tpu.memory_space<vmem>>, vector<1x24x576xf32>
    %swap3A_469 = vector.shape_cast %swap3A_468 : vector<1x24x576xf32> to vector<24x576xf32>
    %swap3A_470 = vector.shape_cast %get3A_464 : vector<24x576xf32> to vector<1x24x576xf32>
    tpu.vector_store %arg2[%swap3A_465, %swap3A_466, %swap3A_467], %swap3A_470 {strides = array<i32>} : memref<4x576x576xf32, #tpu.memory_space<vmem>>, vector<1x24x576xf32>,
    %get3A_471 = arith.constant 1 : index
    %get3A_472 = arith.constant 0 : index
    %get3A_473 = arith.constant 96 : index
    %get3A_474 = vector.load %arg1[%get3A_471, %get3A_472, %get3A_473] : memref<4x24x1152xf32, #tpu.memory_space<vmem>>, vector<1x24x576xf32>
    %get3A_475 = vector.shape_cast %get3A_474 : vector<1x24x576xf32> to vector<24x576xf32>
    %swap3A_476 = arith.constant 1 : index
    %swap3A_477 = arith.constant 456 : index
    %swap3A_478 = arith.constant 0 : index
    %swap3A_479 = vector.load %arg2[%swap3A_476, %swap3A_477, %swap3A_478] : memref<4x576x576xf32, #tpu.memory_space<vmem>>, vector<1x24x576xf32>
    %swap3A_480 = vector.shape_cast %swap3A_479 : vector<1x24x576xf32> to vector<24x576xf32>
    %swap3A_481 = vector.shape_cast %get3A_475 : vector<24x576xf32> to vector<1x24x576xf32>
    tpu.vector_store %arg2[%swap3A_476, %swap3A_477, %swap3A_478], %swap3A_481 {strides = array<i32>} : memref<4x576x576xf32, #tpu.memory_space<vmem>>, vector<1x24x576xf32>,
    %get3A_482 = arith.constant 1 : index
    %get3A_483 = arith.constant 0 : index
    %get3A_484 = arith.constant 72 : index
    %get3A_485 = vector.load %arg1[%get3A_482, %get3A_483, %get3A_484] : memref<4x24x1152xf32, #tpu.memory_space<vmem>>, vector<1x24x576xf32>
    %get3A_486 = vector.shape_cast %get3A_485 : vector<1x24x576xf32> to vector<24x576xf32>
    %swap3A_487 = arith.constant 1 : index
    %swap3A_488 = arith.constant 480 : index
    %swap3A_489 = arith.constant 0 : index
    %swap3A_490 = vector.load %arg2[%swap3A_487, %swap3A_488, %swap3A_489] : memref<4x576x576xf32, #tpu.memory_space<vmem>>, vector<1x24x576xf32>
    %swap3A_491 = vector.shape_cast %swap3A_490 : vector<1x24x576xf32> to vector<24x576xf32>
    %swap3A_492 = vector.shape_cast %get3A_486 : vector<24x576xf32> to vector<1x24x576xf32>
    tpu.vector_store %arg2[%swap3A_487, %swap3A_488, %swap3A_489], %swap3A_492 {strides = array<i32>} : memref<4x576x576xf32, #tpu.memory_space<vmem>>, vector<1x24x576xf32>,
    %get3A_493 = arith.constant 1 : index
    %get3A_494 = arith.constant 0 : index
    %get3A_495 = arith.constant 48 : index
    %get3A_496 = vector.load %arg1[%get3A_493, %get3A_494, %get3A_495] : memref<4x24x1152xf32, #tpu.memory_space<vmem>>, vector<1x24x576xf32>
    %get3A_497 = vector.shape_cast %get3A_496 : vector<1x24x576xf32> to vector<24x576xf32>
    %swap3A_498 = arith.constant 1 : index
    %swap3A_499 = arith.constant 504 : index
    %swap3A_500 = arith.constant 0 : index
    %swap3A_501 = vector.load %arg2[%swap3A_498, %swap3A_499, %swap3A_500] : memref<4x576x576xf32, #tpu.memory_space<vmem>>, vector<1x24x576xf32>
    %swap3A_502 = vector.shape_cast %swap3A_501 : vector<1x24x576xf32> to vector<24x576xf32>
    %swap3A_503 = vector.shape_cast %get3A_497 : vector<24x576xf32> to vector<1x24x576xf32>
    tpu.vector_store %arg2[%swap3A_498, %swap3A_499, %swap3A_500], %swap3A_503 {strides = array<i32>} : memref<4x576x576xf32, #tpu.memory_space<vmem>>, vector<1x24x576xf32>,
    %get3A_504 = arith.constant 1 : index
    %get3A_505 = arith.constant 0 : index
    %get3A_506 = arith.constant 24 : index
    %get3A_507 = vector.load %arg1[%get3A_504, %get3A_505, %get3A_506] : memref<4x24x1152xf32, #tpu.memory_space<vmem>>, vector<1x24x576xf32>
    %get3A_508 = vector.shape_cast %get3A_507 : vector<1x24x576xf32> to vector<24x576xf32>
    %swap3A_509 = arith.constant 1 : index
    %swap3A_510 = arith.constant 528 : index
    %swap3A_511 = arith.constant 0 : index
    %swap3A_512 = vector.load %arg2[%swap3A_509, %swap3A_510, %swap3A_511] : memref<4x576x576xf32, #tpu.memory_space<vmem>>, vector<1x24x576xf32>
    %swap3A_513 = vector.shape_cast %swap3A_512 : vector<1x24x576xf32> to vector<24x576xf32>
    %swap3A_514 = vector.shape_cast %get3A_508 : vector<24x576xf32> to vector<1x24x576xf32>
    tpu.vector_store %arg2[%swap3A_509, %swap3A_510, %swap3A_511], %swap3A_514 {strides = array<i32>} : memref<4x576x576xf32, #tpu.memory_space<vmem>>, vector<1x24x576xf32>,
    %get3A_515 = arith.constant 1 : index
    %get3A_516 = arith.constant 0 : index
    %get3A_517 = arith.constant 0 : index
    %get3A_518 = vector.load %arg1[%get3A_515, %get3A_516, %get3A_517] : memref<4x24x1152xf32, #tpu.memory_space<vmem>>, vector<1x24x576xf32>
    %get3A_519 = vector.shape_cast %get3A_518 : vector<1x24x576xf32> to vector<24x576xf32>
    %swap3A_520 = arith.constant 1 : index
    %swap3A_521 = arith.constant 552 : index
    %swap3A_522 = arith.constant 0 : index
    %swap3A_523 = vector.load %arg2[%swap3A_520, %swap3A_521, %swap3A_522] : memref<4x576x576xf32, #tpu.memory_space<vmem>>, vector<1x24x576xf32>
    %swap3A_524 = vector.shape_cast %swap3A_523 : vector<1x24x576xf32> to vector<24x576xf32>
    %swap3A_525 = vector.shape_cast %get3A_519 : vector<24x576xf32> to vector<1x24x576xf32>
    tpu.vector_store %arg2[%swap3A_520, %swap3A_521, %swap3A_522], %swap3A_525 {strides = array<i32>} : memref<4x576x576xf32, #tpu.memory_space<vmem>>, vector<1x24x576xf32>,
    %get3A_526 = arith.constant 2 : index
    %get3A_527 = arith.constant 0 : index
    %get3A_528 = arith.constant 552 : index
    %get3A_529 = vector.load %arg1[%get3A_526, %get3A_527, %get3A_528] : memref<4x24x1152xf32, #tpu.memory_space<vmem>>, vector<1x24x576xf32>
    %get3A_530 = vector.shape_cast %get3A_529 : vector<1x24x576xf32> to vector<24x576xf32>
    %swap3A_531 = arith.constant 2 : index
    %swap3A_532 = arith.constant 0 : index
    %swap3A_533 = arith.constant 0 : index
    %swap3A_534 = vector.load %arg2[%swap3A_531, %swap3A_532, %swap3A_533] : memref<4x576x576xf32, #tpu.memory_space<vmem>>, vector<1x24x576xf32>
    %swap3A_535 = vector.shape_cast %swap3A_534 : vector<1x24x576xf32> to vector<24x576xf32>
    %swap3A_536 = vector.shape_cast %get3A_530 : vector<24x576xf32> to vector<1x24x576xf32>
    tpu.vector_store %arg2[%swap3A_531, %swap3A_532, %swap3A_533], %swap3A_536 {strides = array<i32>} : memref<4x576x576xf32, #tpu.memory_space<vmem>>, vector<1x24x576xf32>,
    %get3A_537 = arith.constant 2 : index
    %get3A_538 = arith.constant 0 : index
    %get3A_539 = arith.constant 528 : index
    %get3A_540 = vector.load %arg1[%get3A_537, %get3A_538, %get3A_539] : memref<4x24x1152xf32, #tpu.memory_space<vmem>>, vector<1x24x576xf32>
    %get3A_541 = vector.shape_cast %get3A_540 : vector<1x24x576xf32> to vector<24x576xf32>
    %swap3A_542 = arith.constant 2 : index
    %swap3A_543 = arith.constant 24 : index
    %swap3A_544 = arith.constant 0 : index
    %swap3A_545 = vector.load %arg2[%swap3A_542, %swap3A_543, %swap3A_544] : memref<4x576x576xf32, #tpu.memory_space<vmem>>, vector<1x24x576xf32>
    %swap3A_546 = vector.shape_cast %swap3A_545 : vector<1x24x576xf32> to vector<24x576xf32>
    %swap3A_547 = vector.shape_cast %get3A_541 : vector<24x576xf32> to vector<1x24x576xf32>
    tpu.vector_store %arg2[%swap3A_542, %swap3A_543, %swap3A_544], %swap3A_547 {strides = array<i32>} : memref<4x576x576xf32, #tpu.memory_space<vmem>>, vector<1x24x576xf32>,
    %get3A_548 = arith.constant 2 : index
    %get3A_549 = arith.constant 0 : index
    %get3A_550 = arith.constant 504 : index
    %get3A_551 = vector.load %arg1[%get3A_548, %get3A_549, %get3A_550] : memref<4x24x1152xf32, #tpu.memory_space<vmem>>, vector<1x24x576xf32>
    %get3A_552 = vector.shape_cast %get3A_551 : vector<1x24x576xf32> to vector<24x576xf32>
    %swap3A_553 = arith.constant 2 : index
    %swap3A_554 = arith.constant 48 : index
    %swap3A_555 = arith.constant 0 : index
    %swap3A_556 = vector.load %arg2[%swap3A_553, %swap3A_554, %swap3A_555] : memref<4x576x576xf32, #tpu.memory_space<vmem>>, vector<1x24x576xf32>
    %swap3A_557 = vector.shape_cast %swap3A_556 : vector<1x24x576xf32> to vector<24x576xf32>
    %swap3A_558 = vector.shape_cast %get3A_552 : vector<24x576xf32> to vector<1x24x576xf32>
    tpu.vector_store %arg2[%swap3A_553, %swap3A_554, %swap3A_555], %swap3A_558 {strides = array<i32>} : memref<4x576x576xf32, #tpu.memory_space<vmem>>, vector<1x24x576xf32>,
    %get3A_559 = arith.constant 2 : index
    %get3A_560 = arith.constant 0 : index
    %get3A_561 = arith.constant 480 : index
    %get3A_562 = vector.load %arg1[%get3A_559, %get3A_560, %get3A_561] : memref<4x24x1152xf32, #tpu.memory_space<vmem>>, vector<1x24x576xf32>
    %get3A_563 = vector.shape_cast %get3A_562 : vector<1x24x576xf32> to vector<24x576xf32>
    %swap3A_564 = arith.constant 2 : index
    %swap3A_565 = arith.constant 72 : index
    %swap3A_566 = arith.constant 0 : index
    %swap3A_567 = vector.load %arg2[%swap3A_564, %swap3A_565, %swap3A_566] : memref<4x576x576xf32, #tpu.memory_space<vmem>>, vector<1x24x576xf32>
    %swap3A_568 = vector.shape_cast %swap3A_567 : vector<1x24x576xf32> to vector<24x576xf32>
    %swap3A_569 = vector.shape_cast %get3A_563 : vector<24x576xf32> to vector<1x24x576xf32>
    tpu.vector_store %arg2[%swap3A_564, %swap3A_565, %swap3A_566], %swap3A_569 {strides = array<i32>} : memref<4x576x576xf32, #tpu.memory_space<vmem>>, vector<1x24x576xf32>,
    %get3A_570 = arith.constant 2 : index
    %get3A_571 = arith.constant 0 : index
    %get3A_572 = arith.constant 456 : index
    %get3A_573 = vector.load %arg1[%get3A_570, %get3A_571, %get3A_572] : memref<4x24x1152xf32, #tpu.memory_space<vmem>>, vector<1x24x576xf32>
    %get3A_574 = vector.shape_cast %get3A_573 : vector<1x24x576xf32> to vector<24x576xf32>
    %swap3A_575 = arith.constant 2 : index
    %swap3A_576 = arith.constant 96 : index
    %swap3A_577 = arith.constant 0 : index
    %swap3A_578 = vector.load %arg2[%swap3A_575, %swap3A_576, %swap3A_577] : memref<4x576x576xf32, #tpu.memory_space<vmem>>, vector<1x24x576xf32>
    %swap3A_579 = vector.shape_cast %swap3A_578 : vector<1x24x576xf32> to vector<24x576xf32>
    %swap3A_580 = vector.shape_cast %get3A_574 : vector<24x576xf32> to vector<1x24x576xf32>
    tpu.vector_store %arg2[%swap3A_575, %swap3A_576, %swap3A_577], %swap3A_580 {strides = array<i32>} : memref<4x576x576xf32, #tpu.memory_space<vmem>>, vector<1x24x576xf32>,
    %get3A_581 = arith.constant 2 : index
    %get3A_582 = arith.constant 0 : index
    %get3A_583 = arith.constant 432 : index
    %get3A_584 = vector.load %arg1[%get3A_581, %get3A_582, %get3A_583] : memref<4x24x1152xf32, #tpu.memory_space<vmem>>, vector<1x24x576xf32>
    %get3A_585 = vector.shape_cast %get3A_584 : vector<1x24x576xf32> to vector<24x576xf32>
    %swap3A_586 = arith.constant 2 : index
    %swap3A_587 = arith.constant 120 : index
    %swap3A_588 = arith.constant 0 : index
    %swap3A_589 = vector.load %arg2[%swap3A_586, %swap3A_587, %swap3A_588] : memref<4x576x576xf32, #tpu.memory_space<vmem>>, vector<1x24x576xf32>
    %swap3A_590 = vector.shape_cast %swap3A_589 : vector<1x24x576xf32> to vector<24x576xf32>
    %swap3A_591 = vector.shape_cast %get3A_585 : vector<24x576xf32> to vector<1x24x576xf32>
    tpu.vector_store %arg2[%swap3A_586, %swap3A_587, %swap3A_588], %swap3A_591 {strides = array<i32>} : memref<4x576x576xf32, #tpu.memory_space<vmem>>, vector<1x24x576xf32>,
    %get3A_592 = arith.constant 2 : index
    %get3A_593 = arith.constant 0 : index
    %get3A_594 = arith.constant 408 : index
    %get3A_595 = vector.load %arg1[%get3A_592, %get3A_593, %get3A_594] : memref<4x24x1152xf32, #tpu.memory_space<vmem>>, vector<1x24x576xf32>
    %get3A_596 = vector.shape_cast %get3A_595 : vector<1x24x576xf32> to vector<24x576xf32>
    %swap3A_597 = arith.constant 2 : index
    %swap3A_598 = arith.constant 144 : index
    %swap3A_599 = arith.constant 0 : index
    %swap3A_600 = vector.load %arg2[%swap3A_597, %swap3A_598, %swap3A_599] : memref<4x576x576xf32, #tpu.memory_space<vmem>>, vector<1x24x576xf32>
    %swap3A_601 = vector.shape_cast %swap3A_600 : vector<1x24x576xf32> to vector<24x576xf32>
    %swap3A_602 = vector.shape_cast %get3A_596 : vector<24x576xf32> to vector<1x24x576xf32>
    tpu.vector_store %arg2[%swap3A_597, %swap3A_598, %swap3A_599], %swap3A_602 {strides = array<i32>} : memref<4x576x576xf32, #tpu.memory_space<vmem>>, vector<1x24x576xf32>,
    %get3A_603 = arith.constant 2 : index
    %get3A_604 = arith.constant 0 : index
    %get3A_605 = arith.constant 384 : index
    %get3A_606 = vector.load %arg1[%get3A_603, %get3A_604, %get3A_605] : memref<4x24x1152xf32, #tpu.memory_space<vmem>>, vector<1x24x576xf32>
    %get3A_607 = vector.shape_cast %get3A_606 : vector<1x24x576xf32> to vector<24x576xf32>
    %swap3A_608 = arith.constant 2 : index
    %swap3A_609 = arith.constant 168 : index
    %swap3A_610 = arith.constant 0 : index
    %swap3A_611 = vector.load %arg2[%swap3A_608, %swap3A_609, %swap3A_610] : memref<4x576x576xf32, #tpu.memory_space<vmem>>, vector<1x24x576xf32>
    %swap3A_612 = vector.shape_cast %swap3A_611 : vector<1x24x576xf32> to vector<24x576xf32>
    %swap3A_613 = vector.shape_cast %get3A_607 : vector<24x576xf32> to vector<1x24x576xf32>
    tpu.vector_store %arg2[%swap3A_608, %swap3A_609, %swap3A_610], %swap3A_613 {strides = array<i32>} : memref<4x576x576xf32, #tpu.memory_space<vmem>>, vector<1x24x576xf32>,
    %get3A_614 = arith.constant 2 : index
    %get3A_615 = arith.constant 0 : index
    %get3A_616 = arith.constant 360 : index
    %get3A_617 = vector.load %arg1[%get3A_614, %get3A_615, %get3A_616] : memref<4x24x1152xf32, #tpu.memory_space<vmem>>, vector<1x24x576xf32>
    %get3A_618 = vector.shape_cast %get3A_617 : vector<1x24x576xf32> to vector<24x576xf32>
    %swap3A_619 = arith.constant 2 : index
    %swap3A_620 = arith.constant 192 : index
    %swap3A_621 = arith.constant 0 : index
    %swap3A_622 = vector.load %arg2[%swap3A_619, %swap3A_620, %swap3A_621] : memref<4x576x576xf32, #tpu.memory_space<vmem>>, vector<1x24x576xf32>
    %swap3A_623 = vector.shape_cast %swap3A_622 : vector<1x24x576xf32> to vector<24x576xf32>
    %swap3A_624 = vector.shape_cast %get3A_618 : vector<24x576xf32> to vector<1x24x576xf32>
    tpu.vector_store %arg2[%swap3A_619, %swap3A_620, %swap3A_621], %swap3A_624 {strides = array<i32>} : memref<4x576x576xf32, #tpu.memory_space<vmem>>, vector<1x24x576xf32>,
    %get3A_625 = arith.constant 2 : index
    %get3A_626 = arith.constant 0 : index
    %get3A_627 = arith.constant 336 : index
    %get3A_628 = vector.load %arg1[%get3A_625, %get3A_626, %get3A_627] : memref<4x24x1152xf32, #tpu.memory_space<vmem>>, vector<1x24x576xf32>
    %get3A_629 = vector.shape_cast %get3A_628 : vector<1x24x576xf32> to vector<24x576xf32>
    %swap3A_630 = arith.constant 2 : index
    %swap3A_631 = arith.constant 216 : index
    %swap3A_632 = arith.constant 0 : index
    %swap3A_633 = vector.load %arg2[%swap3A_630, %swap3A_631, %swap3A_632] : memref<4x576x576xf32, #tpu.memory_space<vmem>>, vector<1x24x576xf32>
    %swap3A_634 = vector.shape_cast %swap3A_633 : vector<1x24x576xf32> to vector<24x576xf32>
    %swap3A_635 = vector.shape_cast %get3A_629 : vector<24x576xf32> to vector<1x24x576xf32>
    tpu.vector_store %arg2[%swap3A_630, %swap3A_631, %swap3A_632], %swap3A_635 {strides = array<i32>} : memref<4x576x576xf32, #tpu.memory_space<vmem>>, vector<1x24x576xf32>,
    %get3A_636 = arith.constant 2 : index
    %get3A_637 = arith.constant 0 : index
    %get3A_638 = arith.constant 312 : index
    %get3A_639 = vector.load %arg1[%get3A_636, %get3A_637, %get3A_638] : memref<4x24x1152xf32, #tpu.memory_space<vmem>>, vector<1x24x576xf32>
    %get3A_640 = vector.shape_cast %get3A_639 : vector<1x24x576xf32> to vector<24x576xf32>
    %swap3A_641 = arith.constant 2 : index
    %swap3A_642 = arith.constant 240 : index
    %swap3A_643 = arith.constant 0 : index
    %swap3A_644 = vector.load %arg2[%swap3A_641, %swap3A_642, %swap3A_643] : memref<4x576x576xf32, #tpu.memory_space<vmem>>, vector<1x24x576xf32>
    %swap3A_645 = vector.shape_cast %swap3A_644 : vector<1x24x576xf32> to vector<24x576xf32>
    %swap3A_646 = vector.shape_cast %get3A_640 : vector<24x576xf32> to vector<1x24x576xf32>
    tpu.vector_store %arg2[%swap3A_641, %swap3A_642, %swap3A_643], %swap3A_646 {strides = array<i32>} : memref<4x576x576xf32, #tpu.memory_space<vmem>>, vector<1x24x576xf32>,
    %get3A_647 = arith.constant 2 : index
    %get3A_648 = arith.constant 0 : index
    %get3A_649 = arith.constant 288 : index
    %get3A_650 = vector.load %arg1[%get3A_647, %get3A_648, %get3A_649] : memref<4x24x1152xf32, #tpu.memory_space<vmem>>, vector<1x24x576xf32>
    %get3A_651 = vector.shape_cast %get3A_650 : vector<1x24x576xf32> to vector<24x576xf32>
    %swap3A_652 = arith.constant 2 : index
    %swap3A_653 = arith.constant 264 : index
    %swap3A_654 = arith.constant 0 : index
    %swap3A_655 = vector.load %arg2[%swap3A_652, %swap3A_653, %swap3A_654] : memref<4x576x576xf32, #tpu.memory_space<vmem>>, vector<1x24x576xf32>
    %swap3A_656 = vector.shape_cast %swap3A_655 : vector<1x24x576xf32> to vector<24x576xf32>
    %swap3A_657 = vector.shape_cast %get3A_651 : vector<24x576xf32> to vector<1x24x576xf32>
    tpu.vector_store %arg2[%swap3A_652, %swap3A_653, %swap3A_654], %swap3A_657 {strides = array<i32>} : memref<4x576x576xf32, #tpu.memory_space<vmem>>, vector<1x24x576xf32>,
    %get3A_658 = arith.constant 2 : index
    %get3A_659 = arith.constant 0 : index
    %get3A_660 = arith.constant 264 : index
    %get3A_661 = vector.load %arg1[%get3A_658, %get3A_659, %get3A_660] : memref<4x24x1152xf32, #tpu.memory_space<vmem>>, vector<1x24x576xf32>
    %get3A_662 = vector.shape_cast %get3A_661 : vector<1x24x576xf32> to vector<24x576xf32>
    %swap3A_663 = arith.constant 2 : index
    %swap3A_664 = arith.constant 288 : index
    %swap3A_665 = arith.constant 0 : index
    %swap3A_666 = vector.load %arg2[%swap3A_663, %swap3A_664, %swap3A_665] : memref<4x576x576xf32, #tpu.memory_space<vmem>>, vector<1x24x576xf32>
    %swap3A_667 = vector.shape_cast %swap3A_666 : vector<1x24x576xf32> to vector<24x576xf32>
    %swap3A_668 = vector.shape_cast %get3A_662 : vector<24x576xf32> to vector<1x24x576xf32>
    tpu.vector_store %arg2[%swap3A_663, %swap3A_664, %swap3A_665], %swap3A_668 {strides = array<i32>} : memref<4x576x576xf32, #tpu.memory_space<vmem>>, vector<1x24x576xf32>,
    %get3A_669 = arith.constant 2 : index
    %get3A_670 = arith.constant 0 : index
    %get3A_671 = arith.constant 240 : index
    %get3A_672 = vector.load %arg1[%get3A_669, %get3A_670, %get3A_671] : memref<4x24x1152xf32, #tpu.memory_space<vmem>>, vector<1x24x576xf32>
    %get3A_673 = vector.shape_cast %get3A_672 : vector<1x24x576xf32> to vector<24x576xf32>
    %swap3A_674 = arith.constant 2 : index
    %swap3A_675 = arith.constant 312 : index
    %swap3A_676 = arith.constant 0 : index
    %swap3A_677 = vector.load %arg2[%swap3A_674, %swap3A_675, %swap3A_676] : memref<4x576x576xf32, #tpu.memory_space<vmem>>, vector<1x24x576xf32>
    %swap3A_678 = vector.shape_cast %swap3A_677 : vector<1x24x576xf32> to vector<24x576xf32>
    %swap3A_679 = vector.shape_cast %get3A_673 : vector<24x576xf32> to vector<1x24x576xf32>
    tpu.vector_store %arg2[%swap3A_674, %swap3A_675, %swap3A_676], %swap3A_679 {strides = array<i32>} : memref<4x576x576xf32, #tpu.memory_space<vmem>>, vector<1x24x576xf32>,
    %get3A_680 = arith.constant 2 : index
    %get3A_681 = arith.constant 0 : index
    %get3A_682 = arith.constant 216 : index
    %get3A_683 = vector.load %arg1[%get3A_680, %get3A_681, %get3A_682] : memref<4x24x1152xf32, #tpu.memory_space<vmem>>, vector<1x24x576xf32>
    %get3A_684 = vector.shape_cast %get3A_683 : vector<1x24x576xf32> to vector<24x576xf32>
    %swap3A_685 = arith.constant 2 : index
    %swap3A_686 = arith.constant 336 : index
    %swap3A_687 = arith.constant 0 : index
    %swap3A_688 = vector.load %arg2[%swap3A_685, %swap3A_686, %swap3A_687] : memref<4x576x576xf32, #tpu.memory_space<vmem>>, vector<1x24x576xf32>
    %swap3A_689 = vector.shape_cast %swap3A_688 : vector<1x24x576xf32> to vector<24x576xf32>
    %swap3A_690 = vector.shape_cast %get3A_684 : vector<24x576xf32> to vector<1x24x576xf32>
    tpu.vector_store %arg2[%swap3A_685, %swap3A_686, %swap3A_687], %swap3A_690 {strides = array<i32>} : memref<4x576x576xf32, #tpu.memory_space<vmem>>, vector<1x24x576xf32>,
    %get3A_691 = arith.constant 2 : index
    %get3A_692 = arith.constant 0 : index
    %get3A_693 = arith.constant 192 : index
    %get3A_694 = vector.load %arg1[%get3A_691, %get3A_692, %get3A_693] : memref<4x24x1152xf32, #tpu.memory_space<vmem>>, vector<1x24x576xf32>
    %get3A_695 = vector.shape_cast %get3A_694 : vector<1x24x576xf32> to vector<24x576xf32>
    %swap3A_696 = arith.constant 2 : index
    %swap3A_697 = arith.constant 360 : index
    %swap3A_698 = arith.constant 0 : index
    %swap3A_699 = vector.load %arg2[%swap3A_696, %swap3A_697, %swap3A_698] : memref<4x576x576xf32, #tpu.memory_space<vmem>>, vector<1x24x576xf32>
    %swap3A_700 = vector.shape_cast %swap3A_699 : vector<1x24x576xf32> to vector<24x576xf32>
    %swap3A_701 = vector.shape_cast %get3A_695 : vector<24x576xf32> to vector<1x24x576xf32>
    tpu.vector_store %arg2[%swap3A_696, %swap3A_697, %swap3A_698], %swap3A_701 {strides = array<i32>} : memref<4x576x576xf32, #tpu.memory_space<vmem>>, vector<1x24x576xf32>,
    %get3A_702 = arith.constant 2 : index
    %get3A_703 = arith.constant 0 : index
    %get3A_704 = arith.constant 168 : index
    %get3A_705 = vector.load %arg1[%get3A_702, %get3A_703, %get3A_704] : memref<4x24x1152xf32, #tpu.memory_space<vmem>>, vector<1x24x576xf32>
    %get3A_706 = vector.shape_cast %get3A_705 : vector<1x24x576xf32> to vector<24x576xf32>
    %swap3A_707 = arith.constant 2 : index
    %swap3A_708 = arith.constant 384 : index
    %swap3A_709 = arith.constant 0 : index
    %swap3A_710 = vector.load %arg2[%swap3A_707, %swap3A_708, %swap3A_709] : memref<4x576x576xf32, #tpu.memory_space<vmem>>, vector<1x24x576xf32>
    %swap3A_711 = vector.shape_cast %swap3A_710 : vector<1x24x576xf32> to vector<24x576xf32>
    %swap3A_712 = vector.shape_cast %get3A_706 : vector<24x576xf32> to vector<1x24x576xf32>
    tpu.vector_store %arg2[%swap3A_707, %swap3A_708, %swap3A_709], %swap3A_712 {strides = array<i32>} : memref<4x576x576xf32, #tpu.memory_space<vmem>>, vector<1x24x576xf32>,
    %get3A_713 = arith.constant 2 : index
    %get3A_714 = arith.constant 0 : index
    %get3A_715 = arith.constant 144 : index
    %get3A_716 = vector.load %arg1[%get3A_713, %get3A_714, %get3A_715] : memref<4x24x1152xf32, #tpu.memory_space<vmem>>, vector<1x24x576xf32>
    %get3A_717 = vector.shape_cast %get3A_716 : vector<1x24x576xf32> to vector<24x576xf32>
    %swap3A_718 = arith.constant 2 : index
    %swap3A_719 = arith.constant 408 : index
    %swap3A_720 = arith.constant 0 : index
    %swap3A_721 = vector.load %arg2[%swap3A_718, %swap3A_719, %swap3A_720] : memref<4x576x576xf32, #tpu.memory_space<vmem>>, vector<1x24x576xf32>
    %swap3A_722 = vector.shape_cast %swap3A_721 : vector<1x24x576xf32> to vector<24x576xf32>
    %swap3A_723 = vector.shape_cast %get3A_717 : vector<24x576xf32> to vector<1x24x576xf32>
    tpu.vector_store %arg2[%swap3A_718, %swap3A_719, %swap3A_720], %swap3A_723 {strides = array<i32>} : memref<4x576x576xf32, #tpu.memory_space<vmem>>, vector<1x24x576xf32>,
    %get3A_724 = arith.constant 2 : index
    %get3A_725 = arith.constant 0 : index
    %get3A_726 = arith.constant 120 : index
    %get3A_727 = vector.load %arg1[%get3A_724, %get3A_725, %get3A_726] : memref<4x24x1152xf32, #tpu.memory_space<vmem>>, vector<1x24x576xf32>
    %get3A_728 = vector.shape_cast %get3A_727 : vector<1x24x576xf32> to vector<24x576xf32>
    %swap3A_729 = arith.constant 2 : index
    %swap3A_730 = arith.constant 432 : index
    %swap3A_731 = arith.constant 0 : index
    %swap3A_732 = vector.load %arg2[%swap3A_729, %swap3A_730, %swap3A_731] : memref<4x576x576xf32, #tpu.memory_space<vmem>>, vector<1x24x576xf32>
    %swap3A_733 = vector.shape_cast %swap3A_732 : vector<1x24x576xf32> to vector<24x576xf32>
    %swap3A_734 = vector.shape_cast %get3A_728 : vector<24x576xf32> to vector<1x24x576xf32>
    tpu.vector_store %arg2[%swap3A_729, %swap3A_730, %swap3A_731], %swap3A_734 {strides = array<i32>} : memref<4x576x576xf32, #tpu.memory_space<vmem>>, vector<1x24x576xf32>,
    %get3A_735 = arith.constant 2 : index
    %get3A_736 = arith.constant 0 : index
    %get3A_737 = arith.constant 96 : index
    %get3A_738 = vector.load %arg1[%get3A_735, %get3A_736, %get3A_737] : memref<4x24x1152xf32, #tpu.memory_space<vmem>>, vector<1x24x576xf32>
    %get3A_739 = vector.shape_cast %get3A_738 : vector<1x24x576xf32> to vector<24x576xf32>
    %swap3A_740 = arith.constant 2 : index
    %swap3A_741 = arith.constant 456 : index
    %swap3A_742 = arith.constant 0 : index
    %swap3A_743 = vector.load %arg2[%swap3A_740, %swap3A_741, %swap3A_742] : memref<4x576x576xf32, #tpu.memory_space<vmem>>, vector<1x24x576xf32>
    %swap3A_744 = vector.shape_cast %swap3A_743 : vector<1x24x576xf32> to vector<24x576xf32>
    %swap3A_745 = vector.shape_cast %get3A_739 : vector<24x576xf32> to vector<1x24x576xf32>
    tpu.vector_store %arg2[%swap3A_740, %swap3A_741, %swap3A_742], %swap3A_745 {strides = array<i32>} : memref<4x576x576xf32, #tpu.memory_space<vmem>>, vector<1x24x576xf32>,
    %get3A_746 = arith.constant 2 : index
    %get3A_747 = arith.constant 0 : index
    %get3A_748 = arith.constant 72 : index
    %get3A_749 = vector.load %arg1[%get3A_746, %get3A_747, %get3A_748] : memref<4x24x1152xf32, #tpu.memory_space<vmem>>, vector<1x24x576xf32>
    %get3A_750 = vector.shape_cast %get3A_749 : vector<1x24x576xf32> to vector<24x576xf32>
    %swap3A_751 = arith.constant 2 : index
    %swap3A_752 = arith.constant 480 : index
    %swap3A_753 = arith.constant 0 : index
    %swap3A_754 = vector.load %arg2[%swap3A_751, %swap3A_752, %swap3A_753] : memref<4x576x576xf32, #tpu.memory_space<vmem>>, vector<1x24x576xf32>
    %swap3A_755 = vector.shape_cast %swap3A_754 : vector<1x24x576xf32> to vector<24x576xf32>
    %swap3A_756 = vector.shape_cast %get3A_750 : vector<24x576xf32> to vector<1x24x576xf32>
    tpu.vector_store %arg2[%swap3A_751, %swap3A_752, %swap3A_753], %swap3A_756 {strides = array<i32>} : memref<4x576x576xf32, #tpu.memory_space<vmem>>, vector<1x24x576xf32>,
    %get3A_757 = arith.constant 2 : index
    %get3A_758 = arith.constant 0 : index
    %get3A_759 = arith.constant 48 : index
    %get3A_760 = vector.load %arg1[%get3A_757, %get3A_758, %get3A_759] : memref<4x24x1152xf32, #tpu.memory_space<vmem>>, vector<1x24x576xf32>
    %get3A_761 = vector.shape_cast %get3A_760 : vector<1x24x576xf32> to vector<24x576xf32>
    %swap3A_762 = arith.constant 2 : index
    %swap3A_763 = arith.constant 504 : index
    %swap3A_764 = arith.constant 0 : index
    %swap3A_765 = vector.load %arg2[%swap3A_762, %swap3A_763, %swap3A_764] : memref<4x576x576xf32, #tpu.memory_space<vmem>>, vector<1x24x576xf32>
    %swap3A_766 = vector.shape_cast %swap3A_765 : vector<1x24x576xf32> to vector<24x576xf32>
    %swap3A_767 = vector.shape_cast %get3A_761 : vector<24x576xf32> to vector<1x24x576xf32>
    tpu.vector_store %arg2[%swap3A_762, %swap3A_763, %swap3A_764], %swap3A_767 {strides = array<i32>} : memref<4x576x576xf32, #tpu.memory_space<vmem>>, vector<1x24x576xf32>,
    %get3A_768 = arith.constant 2 : index
    %get3A_769 = arith.constant 0 : index
    %get3A_770 = arith.constant 24 : index
    %get3A_771 = vector.load %arg1[%get3A_768, %get3A_769, %get3A_770] : memref<4x24x1152xf32, #tpu.memory_space<vmem>>, vector<1x24x576xf32>
    %get3A_772 = vector.shape_cast %get3A_771 : vector<1x24x576xf32> to vector<24x576xf32>
    %swap3A_773 = arith.constant 2 : index
    %swap3A_774 = arith.constant 528 : index
    %swap3A_775 = arith.constant 0 : index
    %swap3A_776 = vector.load %arg2[%swap3A_773, %swap3A_774, %swap3A_775] : memref<4x576x576xf32, #tpu.memory_space<vmem>>, vector<1x24x576xf32>
    %swap3A_777 = vector.shape_cast %swap3A_776 : vector<1x24x576xf32> to vector<24x576xf32>
    %swap3A_778 = vector.shape_cast %get3A_772 : vector<24x576xf32> to vector<1x24x576xf32>
    tpu.vector_store %arg2[%swap3A_773, %swap3A_774, %swap3A_775], %swap3A_778 {strides = array<i32>} : memref<4x576x576xf32, #tpu.memory_space<vmem>>, vector<1x24x576xf32>,
    %get3A_779 = arith.constant 2 : index
    %get3A_780 = arith.constant 0 : index
    %get3A_781 = arith.constant 0 : index
    %get3A_782 = vector.load %arg1[%get3A_779, %get3A_780, %get3A_781] : memref<4x24x1152xf32, #tpu.memory_space<vmem>>, vector<1x24x576xf32>
    %get3A_783 = vector.shape_cast %get3A_782 : vector<1x24x576xf32> to vector<24x576xf32>
    %swap3A_784 = arith.constant 2 : index
    %swap3A_785 = arith.constant 552 : index
    %swap3A_786 = arith.constant 0 : index
    %swap3A_787 = vector.load %arg2[%swap3A_784, %swap3A_785, %swap3A_786] : memref<4x576x576xf32, #tpu.memory_space<vmem>>, vector<1x24x576xf32>
    %swap3A_788 = vector.shape_cast %swap3A_787 : vector<1x24x576xf32> to vector<24x576xf32>
    %swap3A_789 = vector.shape_cast %get3A_783 : vector<24x576xf32> to vector<1x24x576xf32>
    tpu.vector_store %arg2[%swap3A_784, %swap3A_785, %swap3A_786], %swap3A_789 {strides = array<i32>} : memref<4x576x576xf32, #tpu.memory_space<vmem>>, vector<1x24x576xf32>,
    %get3A_790 = arith.constant 3 : index
    %get3A_791 = arith.constant 0 : index
    %get3A_792 = arith.constant 552 : index
    %get3A_793 = vector.load %arg1[%get3A_790, %get3A_791, %get3A_792] : memref<4x24x1152xf32, #tpu.memory_space<vmem>>, vector<1x24x576xf32>
    %get3A_794 = vector.shape_cast %get3A_793 : vector<1x24x576xf32> to vector<24x576xf32>
    %swap3A_795 = arith.constant 3 : index
    %swap3A_796 = arith.constant 0 : index
    %swap3A_797 = arith.constant 0 : index
    %swap3A_798 = vector.load %arg2[%swap3A_795, %swap3A_796, %swap3A_797] : memref<4x576x576xf32, #tpu.memory_space<vmem>>, vector<1x24x576xf32>
    %swap3A_799 = vector.shape_cast %swap3A_798 : vector<1x24x576xf32> to vector<24x576xf32>
    %swap3A_800 = vector.shape_cast %get3A_794 : vector<24x576xf32> to vector<1x24x576xf32>
    tpu.vector_store %arg2[%swap3A_795, %swap3A_796, %swap3A_797], %swap3A_800 {strides = array<i32>} : memref<4x576x576xf32, #tpu.memory_space<vmem>>, vector<1x24x576xf32>,
    %get3A_801 = arith.constant 3 : index
    %get3A_802 = arith.constant 0 : index
    %get3A_803 = arith.constant 528 : index
    %get3A_804 = vector.load %arg1[%get3A_801, %get3A_802, %get3A_803] : memref<4x24x1152xf32, #tpu.memory_space<vmem>>, vector<1x24x576xf32>
    %get3A_805 = vector.shape_cast %get3A_804 : vector<1x24x576xf32> to vector<24x576xf32>
    %swap3A_806 = arith.constant 3 : index
    %swap3A_807 = arith.constant 24 : index
    %swap3A_808 = arith.constant 0 : index
    %swap3A_809 = vector.load %arg2[%swap3A_806, %swap3A_807, %swap3A_808] : memref<4x576x576xf32, #tpu.memory_space<vmem>>, vector<1x24x576xf32>
    %swap3A_810 = vector.shape_cast %swap3A_809 : vector<1x24x576xf32> to vector<24x576xf32>
    %swap3A_811 = vector.shape_cast %get3A_805 : vector<24x576xf32> to vector<1x24x576xf32>
    tpu.vector_store %arg2[%swap3A_806, %swap3A_807, %swap3A_808], %swap3A_811 {strides = array<i32>} : memref<4x576x576xf32, #tpu.memory_space<vmem>>, vector<1x24x576xf32>,
    %get3A_812 = arith.constant 3 : index
    %get3A_813 = arith.constant 0 : index
    %get3A_814 = arith.constant 504 : index
    %get3A_815 = vector.load %arg1[%get3A_812, %get3A_813, %get3A_814] : memref<4x24x1152xf32, #tpu.memory_space<vmem>>, vector<1x24x576xf32>
    %get3A_816 = vector.shape_cast %get3A_815 : vector<1x24x576xf32> to vector<24x576xf32>
    %swap3A_817 = arith.constant 3 : index
    %swap3A_818 = arith.constant 48 : index
    %swap3A_819 = arith.constant 0 : index
    %swap3A_820 = vector.load %arg2[%swap3A_817, %swap3A_818, %swap3A_819] : memref<4x576x576xf32, #tpu.memory_space<vmem>>, vector<1x24x576xf32>
    %swap3A_821 = vector.shape_cast %swap3A_820 : vector<1x24x576xf32> to vector<24x576xf32>
    %swap3A_822 = vector.shape_cast %get3A_816 : vector<24x576xf32> to vector<1x24x576xf32>
    tpu.vector_store %arg2[%swap3A_817, %swap3A_818, %swap3A_819], %swap3A_822 {strides = array<i32>} : memref<4x576x576xf32, #tpu.memory_space<vmem>>, vector<1x24x576xf32>,
    %get3A_823 = arith.constant 3 : index
    %get3A_824 = arith.constant 0 : index
    %get3A_825 = arith.constant 480 : index
    %get3A_826 = vector.load %arg1[%get3A_823, %get3A_824, %get3A_825] : memref<4x24x1152xf32, #tpu.memory_space<vmem>>, vector<1x24x576xf32>
    %get3A_827 = vector.shape_cast %get3A_826 : vector<1x24x576xf32> to vector<24x576xf32>
    %swap3A_828 = arith.constant 3 : index
    %swap3A_829 = arith.constant 72 : index
    %swap3A_830 = arith.constant 0 : index
    %swap3A_831 = vector.load %arg2[%swap3A_828, %swap3A_829, %swap3A_830] : memref<4x576x576xf32, #tpu.memory_space<vmem>>, vector<1x24x576xf32>
    %swap3A_832 = vector.shape_cast %swap3A_831 : vector<1x24x576xf32> to vector<24x576xf32>
    %swap3A_833 = vector.shape_cast %get3A_827 : vector<24x576xf32> to vector<1x24x576xf32>
    tpu.vector_store %arg2[%swap3A_828, %swap3A_829, %swap3A_830], %swap3A_833 {strides = array<i32>} : memref<4x576x576xf32, #tpu.memory_space<vmem>>, vector<1x24x576xf32>,
    %get3A_834 = arith.constant 3 : index
    %get3A_835 = arith.constant 0 : index
    %get3A_836 = arith.constant 456 : index
    %get3A_837 = vector.load %arg1[%get3A_834, %get3A_835, %get3A_836] : memref<4x24x1152xf32, #tpu.memory_space<vmem>>, vector<1x24x576xf32>
    %get3A_838 = vector.shape_cast %get3A_837 : vector<1x24x576xf32> to vector<24x576xf32>
    %swap3A_839 = arith.constant 3 : index
    %swap3A_840 = arith.constant 96 : index
    %swap3A_841 = arith.constant 0 : index
    %swap3A_842 = vector.load %arg2[%swap3A_839, %swap3A_840, %swap3A_841] : memref<4x576x576xf32, #tpu.memory_space<vmem>>, vector<1x24x576xf32>
    %swap3A_843 = vector.shape_cast %swap3A_842 : vector<1x24x576xf32> to vector<24x576xf32>
    %swap3A_844 = vector.shape_cast %get3A_838 : vector<24x576xf32> to vector<1x24x576xf32>
    tpu.vector_store %arg2[%swap3A_839, %swap3A_840, %swap3A_841], %swap3A_844 {strides = array<i32>} : memref<4x576x576xf32, #tpu.memory_space<vmem>>, vector<1x24x576xf32>,
    %get3A_845 = arith.constant 3 : index
    %get3A_846 = arith.constant 0 : index
    %get3A_847 = arith.constant 432 : index
    %get3A_848 = vector.load %arg1[%get3A_845, %get3A_846, %get3A_847] : memref<4x24x1152xf32, #tpu.memory_space<vmem>>, vector<1x24x576xf32>
    %get3A_849 = vector.shape_cast %get3A_848 : vector<1x24x576xf32> to vector<24x576xf32>
    %swap3A_850 = arith.constant 3 : index
    %swap3A_851 = arith.constant 120 : index
    %swap3A_852 = arith.constant 0 : index
    %swap3A_853 = vector.load %arg2[%swap3A_850, %swap3A_851, %swap3A_852] : memref<4x576x576xf32, #tpu.memory_space<vmem>>, vector<1x24x576xf32>
    %swap3A_854 = vector.shape_cast %swap3A_853 : vector<1x24x576xf32> to vector<24x576xf32>
    %swap3A_855 = vector.shape_cast %get3A_849 : vector<24x576xf32> to vector<1x24x576xf32>
    tpu.vector_store %arg2[%swap3A_850, %swap3A_851, %swap3A_852], %swap3A_855 {strides = array<i32>} : memref<4x576x576xf32, #tpu.memory_space<vmem>>, vector<1x24x576xf32>,
    %get3A_856 = arith.constant 3 : index
    %get3A_857 = arith.constant 0 : index
    %get3A_858 = arith.constant 408 : index
    %get3A_859 = vector.load %arg1[%get3A_856, %get3A_857, %get3A_858] : memref<4x24x1152xf32, #tpu.memory_space<vmem>>, vector<1x24x576xf32>
    %get3A_860 = vector.shape_cast %get3A_859 : vector<1x24x576xf32> to vector<24x576xf32>
    %swap3A_861 = arith.constant 3 : index
    %swap3A_862 = arith.constant 144 : index
    %swap3A_863 = arith.constant 0 : index
    %swap3A_864 = vector.load %arg2[%swap3A_861, %swap3A_862, %swap3A_863] : memref<4x576x576xf32, #tpu.memory_space<vmem>>, vector<1x24x576xf32>
    %swap3A_865 = vector.shape_cast %swap3A_864 : vector<1x24x576xf32> to vector<24x576xf32>
    %swap3A_866 = vector.shape_cast %get3A_860 : vector<24x576xf32> to vector<1x24x576xf32>
    tpu.vector_store %arg2[%swap3A_861, %swap3A_862, %swap3A_863], %swap3A_866 {strides = array<i32>} : memref<4x576x576xf32, #tpu.memory_space<vmem>>, vector<1x24x576xf32>,
    %get3A_867 = arith.constant 3 : index
    %get3A_868 = arith.constant 0 : index
    %get3A_869 = arith.constant 384 : index
    %get3A_870 = vector.load %arg1[%get3A_867, %get3A_868, %get3A_869] : memref<4x24x1152xf32, #tpu.memory_space<vmem>>, vector<1x24x576xf32>
    %get3A_871 = vector.shape_cast %get3A_870 : vector<1x24x576xf32> to vector<24x576xf32>
    %swap3A_872 = arith.constant 3 : index
    %swap3A_873 = arith.constant 168 : index
    %swap3A_874 = arith.constant 0 : index
    %swap3A_875 = vector.load %arg2[%swap3A_872, %swap3A_873, %swap3A_874] : memref<4x576x576xf32, #tpu.memory_space<vmem>>, vector<1x24x576xf32>
    %swap3A_876 = vector.shape_cast %swap3A_875 : vector<1x24x576xf32> to vector<24x576xf32>
    %swap3A_877 = vector.shape_cast %get3A_871 : vector<24x576xf32> to vector<1x24x576xf32>
    tpu.vector_store %arg2[%swap3A_872, %swap3A_873, %swap3A_874], %swap3A_877 {strides = array<i32>} : memref<4x576x576xf32, #tpu.memory_space<vmem>>, vector<1x24x576xf32>,
    %get3A_878 = arith.constant 3 : index
    %get3A_879 = arith.constant 0 : index
    %get3A_880 = arith.constant 360 : index
    %get3A_881 = vector.load %arg1[%get3A_878, %get3A_879, %get3A_880] : memref<4x24x1152xf32, #tpu.memory_space<vmem>>, vector<1x24x576xf32>
    %get3A_882 = vector.shape_cast %get3A_881 : vector<1x24x576xf32> to vector<24x576xf32>
    %swap3A_883 = arith.constant 3 : index
    %swap3A_884 = arith.constant 192 : index
    %swap3A_885 = arith.constant 0 : index
    %swap3A_886 = vector.load %arg2[%swap3A_883, %swap3A_884, %swap3A_885] : memref<4x576x576xf32, #tpu.memory_space<vmem>>, vector<1x24x576xf32>
    %swap3A_887 = vector.shape_cast %swap3A_886 : vector<1x24x576xf32> to vector<24x576xf32>
    %swap3A_888 = vector.shape_cast %get3A_882 : vector<24x576xf32> to vector<1x24x576xf32>
    tpu.vector_store %arg2[%swap3A_883, %swap3A_884, %swap3A_885], %swap3A_888 {strides = array<i32>} : memref<4x576x576xf32, #tpu.memory_space<vmem>>, vector<1x24x576xf32>,
    %get3A_889 = arith.constant 3 : index
    %get3A_890 = arith.constant 0 : index
    %get3A_891 = arith.constant 336 : index
    %get3A_892 = vector.load %arg1[%get3A_889, %get3A_890, %get3A_891] : memref<4x24x1152xf32, #tpu.memory_space<vmem>>, vector<1x24x576xf32>
    %get3A_893 = vector.shape_cast %get3A_892 : vector<1x24x576xf32> to vector<24x576xf32>
    %swap3A_894 = arith.constant 3 : index
    %swap3A_895 = arith.constant 216 : index
    %swap3A_896 = arith.constant 0 : index
    %swap3A_897 = vector.load %arg2[%swap3A_894, %swap3A_895, %swap3A_896] : memref<4x576x576xf32, #tpu.memory_space<vmem>>, vector<1x24x576xf32>
    %swap3A_898 = vector.shape_cast %swap3A_897 : vector<1x24x576xf32> to vector<24x576xf32>
    %swap3A_899 = vector.shape_cast %get3A_893 : vector<24x576xf32> to vector<1x24x576xf32>
    tpu.vector_store %arg2[%swap3A_894, %swap3A_895, %swap3A_896], %swap3A_899 {strides = array<i32>} : memref<4x576x576xf32, #tpu.memory_space<vmem>>, vector<1x24x576xf32>,
    %get3A_900 = arith.constant 3 : index
    %get3A_901 = arith.constant 0 : index
    %get3A_902 = arith.constant 312 : index
    %get3A_903 = vector.load %arg1[%get3A_900, %get3A_901, %get3A_902] : memref<4x24x1152xf32, #tpu.memory_space<vmem>>, vector<1x24x576xf32>
    %get3A_904 = vector.shape_cast %get3A_903 : vector<1x24x576xf32> to vector<24x576xf32>
    %swap3A_905 = arith.constant 3 : index
    %swap3A_906 = arith.constant 240 : index
    %swap3A_907 = arith.constant 0 : index
    %swap3A_908 = vector.load %arg2[%swap3A_905, %swap3A_906, %swap3A_907] : memref<4x576x576xf32, #tpu.memory_space<vmem>>, vector<1x24x576xf32>
    %swap3A_909 = vector.shape_cast %swap3A_908 : vector<1x24x576xf32> to vector<24x576xf32>
    %swap3A_910 = vector.shape_cast %get3A_904 : vector<24x576xf32> to vector<1x24x576xf32>
    tpu.vector_store %arg2[%swap3A_905, %swap3A_906, %swap3A_907], %swap3A_910 {strides = array<i32>} : memref<4x576x576xf32, #tpu.memory_space<vmem>>, vector<1x24x576xf32>,
    %get3A_911 = arith.constant 3 : index
    %get3A_912 = arith.constant 0 : index
    %get3A_913 = arith.constant 288 : index
    %get3A_914 = vector.load %arg1[%get3A_911, %get3A_912, %get3A_913] : memref<4x24x1152xf32, #tpu.memory_space<vmem>>, vector<1x24x576xf32>
    %get3A_915 = vector.shape_cast %get3A_914 : vector<1x24x576xf32> to vector<24x576xf32>
    %swap3A_916 = arith.constant 3 : index
    %swap3A_917 = arith.constant 264 : index
    %swap3A_918 = arith.constant 0 : index
    %swap3A_919 = vector.load %arg2[%swap3A_916, %swap3A_917, %swap3A_918] : memref<4x576x576xf32, #tpu.memory_space<vmem>>, vector<1x24x576xf32>
    %swap3A_920 = vector.shape_cast %swap3A_919 : vector<1x24x576xf32> to vector<24x576xf32>
    %swap3A_921 = vector.shape_cast %get3A_915 : vector<24x576xf32> to vector<1x24x576xf32>
    tpu.vector_store %arg2[%swap3A_916, %swap3A_917, %swap3A_918], %swap3A_921 {strides = array<i32>} : memref<4x576x576xf32, #tpu.memory_space<vmem>>, vector<1x24x576xf32>,
    %get3A_922 = arith.constant 3 : index
    %get3A_923 = arith.constant 0 : index
    %get3A_924 = arith.constant 264 : index
    %get3A_925 = vector.load %arg1[%get3A_922, %get3A_923, %get3A_924] : memref<4x24x1152xf32, #tpu.memory_space<vmem>>, vector<1x24x576xf32>
    %get3A_926 = vector.shape_cast %get3A_925 : vector<1x24x576xf32> to vector<24x576xf32>
    %swap3A_927 = arith.constant 3 : index
    %swap3A_928 = arith.constant 288 : index
    %swap3A_929 = arith.constant 0 : index
    %swap3A_930 = vector.load %arg2[%swap3A_927, %swap3A_928, %swap3A_929] : memref<4x576x576xf32, #tpu.memory_space<vmem>>, vector<1x24x576xf32>
    %swap3A_931 = vector.shape_cast %swap3A_930 : vector<1x24x576xf32> to vector<24x576xf32>
    %swap3A_932 = vector.shape_cast %get3A_926 : vector<24x576xf32> to vector<1x24x576xf32>
    tpu.vector_store %arg2[%swap3A_927, %swap3A_928, %swap3A_929], %swap3A_932 {strides = array<i32>} : memref<4x576x576xf32, #tpu.memory_space<vmem>>, vector<1x24x576xf32>,
    %get3A_933 = arith.constant 3 : index
    %get3A_934 = arith.constant 0 : index
    %get3A_935 = arith.constant 240 : index
    %get3A_936 = vector.load %arg1[%get3A_933, %get3A_934, %get3A_935] : memref<4x24x1152xf32, #tpu.memory_space<vmem>>, vector<1x24x576xf32>
    %get3A_937 = vector.shape_cast %get3A_936 : vector<1x24x576xf32> to vector<24x576xf32>
    %swap3A_938 = arith.constant 3 : index
    %swap3A_939 = arith.constant 312 : index
    %swap3A_940 = arith.constant 0 : index
    %swap3A_941 = vector.load %arg2[%swap3A_938, %swap3A_939, %swap3A_940] : memref<4x576x576xf32, #tpu.memory_space<vmem>>, vector<1x24x576xf32>
    %swap3A_942 = vector.shape_cast %swap3A_941 : vector<1x24x576xf32> to vector<24x576xf32>
    %swap3A_943 = vector.shape_cast %get3A_937 : vector<24x576xf32> to vector<1x24x576xf32>
    tpu.vector_store %arg2[%swap3A_938, %swap3A_939, %swap3A_940], %swap3A_943 {strides = array<i32>} : memref<4x576x576xf32, #tpu.memory_space<vmem>>, vector<1x24x576xf32>,
    %get3A_944 = arith.constant 3 : index
    %get3A_945 = arith.constant 0 : index
    %get3A_946 = arith.constant 216 : index
    %get3A_947 = vector.load %arg1[%get3A_944, %get3A_945, %get3A_946] : memref<4x24x1152xf32, #tpu.memory_space<vmem>>, vector<1x24x576xf32>
    %get3A_948 = vector.shape_cast %get3A_947 : vector<1x24x576xf32> to vector<24x576xf32>
    %swap3A_949 = arith.constant 3 : index
    %swap3A_950 = arith.constant 336 : index
    %swap3A_951 = arith.constant 0 : index
    %swap3A_952 = vector.load %arg2[%swap3A_949, %swap3A_950, %swap3A_951] : memref<4x576x576xf32, #tpu.memory_space<vmem>>, vector<1x24x576xf32>
    %swap3A_953 = vector.shape_cast %swap3A_952 : vector<1x24x576xf32> to vector<24x576xf32>
    %swap3A_954 = vector.shape_cast %get3A_948 : vector<24x576xf32> to vector<1x24x576xf32>
    tpu.vector_store %arg2[%swap3A_949, %swap3A_950, %swap3A_951], %swap3A_954 {strides = array<i32>} : memref<4x576x576xf32, #tpu.memory_space<vmem>>, vector<1x24x576xf32>,
    %get3A_955 = arith.constant 3 : index
    %get3A_956 = arith.constant 0 : index
    %get3A_957 = arith.constant 192 : index
    %get3A_958 = vector.load %arg1[%get3A_955, %get3A_956, %get3A_957] : memref<4x24x1152xf32, #tpu.memory_space<vmem>>, vector<1x24x576xf32>
    %get3A_959 = vector.shape_cast %get3A_958 : vector<1x24x576xf32> to vector<24x576xf32>
    %swap3A_960 = arith.constant 3 : index
    %swap3A_961 = arith.constant 360 : index
    %swap3A_962 = arith.constant 0 : index
    %swap3A_963 = vector.load %arg2[%swap3A_960, %swap3A_961, %swap3A_962] : memref<4x576x576xf32, #tpu.memory_space<vmem>>, vector<1x24x576xf32>
    %swap3A_964 = vector.shape_cast %swap3A_963 : vector<1x24x576xf32> to vector<24x576xf32>
    %swap3A_965 = vector.shape_cast %get3A_959 : vector<24x576xf32> to vector<1x24x576xf32>
    tpu.vector_store %arg2[%swap3A_960, %swap3A_961, %swap3A_962], %swap3A_965 {strides = array<i32>} : memref<4x576x576xf32, #tpu.memory_space<vmem>>, vector<1x24x576xf32>,
    %get3A_966 = arith.constant 3 : index
    %get3A_967 = arith.constant 0 : index
    %get3A_968 = arith.constant 168 : index
    %get3A_969 = vector.load %arg1[%get3A_966, %get3A_967, %get3A_968] : memref<4x24x1152xf32, #tpu.memory_space<vmem>>, vector<1x24x576xf32>
    %get3A_970 = vector.shape_cast %get3A_969 : vector<1x24x576xf32> to vector<24x576xf32>
    %swap3A_971 = arith.constant 3 : index
    %swap3A_972 = arith.constant 384 : index
    %swap3A_973 = arith.constant 0 : index
    %swap3A_974 = vector.load %arg2[%swap3A_971, %swap3A_972, %swap3A_973] : memref<4x576x576xf32, #tpu.memory_space<vmem>>, vector<1x24x576xf32>
    %swap3A_975 = vector.shape_cast %swap3A_974 : vector<1x24x576xf32> to vector<24x576xf32>
    %swap3A_976 = vector.shape_cast %get3A_970 : vector<24x576xf32> to vector<1x24x576xf32>
    tpu.vector_store %arg2[%swap3A_971, %swap3A_972, %swap3A_973], %swap3A_976 {strides = array<i32>} : memref<4x576x576xf32, #tpu.memory_space<vmem>>, vector<1x24x576xf32>,
    %get3A_977 = arith.constant 3 : index
    %get3A_978 = arith.constant 0 : index
    %get3A_979 = arith.constant 144 : index
    %get3A_980 = vector.load %arg1[%get3A_977, %get3A_978, %get3A_979] : memref<4x24x1152xf32, #tpu.memory_space<vmem>>, vector<1x24x576xf32>
    %get3A_981 = vector.shape_cast %get3A_980 : vector<1x24x576xf32> to vector<24x576xf32>
    %swap3A_982 = arith.constant 3 : index
    %swap3A_983 = arith.constant 408 : index
    %swap3A_984 = arith.constant 0 : index
    %swap3A_985 = vector.load %arg2[%swap3A_982, %swap3A_983, %swap3A_984] : memref<4x576x576xf32, #tpu.memory_space<vmem>>, vector<1x24x576xf32>
    %swap3A_986 = vector.shape_cast %swap3A_985 : vector<1x24x576xf32> to vector<24x576xf32>
    %swap3A_987 = vector.shape_cast %get3A_981 : vector<24x576xf32> to vector<1x24x576xf32>
    tpu.vector_store %arg2[%swap3A_982, %swap3A_983, %swap3A_984], %swap3A_987 {strides = array<i32>} : memref<4x576x576xf32, #tpu.memory_space<vmem>>, vector<1x24x576xf32>,
    %get3A_988 = arith.constant 3 : index
    %get3A_989 = arith.constant 0 : index
    %get3A_990 = arith.constant 120 : index
    %get3A_991 = vector.load %arg1[%get3A_988, %get3A_989, %get3A_990] : memref<4x24x1152xf32, #tpu.memory_space<vmem>>, vector<1x24x576xf32>
    %get3A_992 = vector.shape_cast %get3A_991 : vector<1x24x576xf32> to vector<24x576xf32>
    %swap3A_993 = arith.constant 3 : index
    %swap3A_994 = arith.constant 432 : index
    %swap3A_995 = arith.constant 0 : index
    %swap3A_996 = vector.load %arg2[%swap3A_993, %swap3A_994, %swap3A_995] : memref<4x576x576xf32, #tpu.memory_space<vmem>>, vector<1x24x576xf32>
    %swap3A_997 = vector.shape_cast %swap3A_996 : vector<1x24x576xf32> to vector<24x576xf32>
    %swap3A_998 = vector.shape_cast %get3A_992 : vector<24x576xf32> to vector<1x24x576xf32>
    tpu.vector_store %arg2[%swap3A_993, %swap3A_994, %swap3A_995], %swap3A_998 {strides = array<i32>} : memref<4x576x576xf32, #tpu.memory_space<vmem>>, vector<1x24x576xf32>,
    %get3A_999 = arith.constant 3 : index
    %get3A_1000 = arith.constant 0 : index
    %get3A_1001 = arith.constant 96 : index
    %get3A_1002 = vector.load %arg1[%get3A_999, %get3A_1000, %get3A_1001] : memref<4x24x1152xf32, #tpu.memory_space<vmem>>, vector<1x24x576xf32>
    %get3A_1003 = vector.shape_cast %get3A_1002 : vector<1x24x576xf32> to vector<24x576xf32>
    %swap3A_1004 = arith.constant 3 : index
    %swap3A_1005 = arith.constant 456 : index
    %swap3A_1006 = arith.constant 0 : index
    %swap3A_1007 = vector.load %arg2[%swap3A_1004, %swap3A_1005, %swap3A_1006] : memref<4x576x576xf32, #tpu.memory_space<vmem>>, vector<1x24x576xf32>
    %swap3A_1008 = vector.shape_cast %swap3A_1007 : vector<1x24x576xf32> to vector<24x576xf32>
    %swap3A_1009 = vector.shape_cast %get3A_1003 : vector<24x576xf32> to vector<1x24x576xf32>
    tpu.vector_store %arg2[%swap3A_1004, %swap3A_1005, %swap3A_1006], %swap3A_1009 {strides = array<i32>} : memref<4x576x576xf32, #tpu.memory_space<vmem>>, vector<1x24x576xf32>,
    %get3A_1010 = arith.constant 3 : index
    %get3A_1011 = arith.constant 0 : index
    %get3A_1012 = arith.constant 72 : index
    %get3A_1013 = vector.load %arg1[%get3A_1010, %get3A_1011, %get3A_1012] : memref<4x24x1152xf32, #tpu.memory_space<vmem>>, vector<1x24x576xf32>
    %get3A_1014 = vector.shape_cast %get3A_1013 : vector<1x24x576xf32> to vector<24x576xf32>
    %swap3A_1015 = arith.constant 3 : index
    %swap3A_1016 = arith.constant 480 : index
    %swap3A_1017 = arith.constant 0 : index
    %swap3A_1018 = vector.load %arg2[%swap3A_1015, %swap3A_1016, %swap3A_1017] : memref<4x576x576xf32, #tpu.memory_space<vmem>>, vector<1x24x576xf32>
    %swap3A_1019 = vector.shape_cast %swap3A_1018 : vector<1x24x576xf32> to vector<24x576xf32>
    %swap3A_1020 = vector.shape_cast %get3A_1014 : vector<24x576xf32> to vector<1x24x576xf32>
    tpu.vector_store %arg2[%swap3A_1015, %swap3A_1016, %swap3A_1017], %swap3A_1020 {strides = array<i32>} : memref<4x576x576xf32, #tpu.memory_space<vmem>>, vector<1x24x576xf32>,
    %get3A_1021 = arith.constant 3 : index
    %get3A_1022 = arith.constant 0 : index
    %get3A_1023 = arith.constant 48 : index
    %get3A_1024 = vector.load %arg1[%get3A_1021, %get3A_1022, %get3A_1023] : memref<4x24x1152xf32, #tpu.memory_space<vmem>>, vector<1x24x576xf32>
    %get3A_1025 = vector.shape_cast %get3A_1024 : vector<1x24x576xf32> to vector<24x576xf32>
    %swap3A_1026 = arith.constant 3 : index
    %swap3A_1027 = arith.constant 504 : index
    %swap3A_1028 = arith.constant 0 : index
    %swap3A_1029 = vector.load %arg2[%swap3A_1026, %swap3A_1027, %swap3A_1028] : memref<4x576x576xf32, #tpu.memory_space<vmem>>, vector<1x24x576xf32>
    %swap3A_1030 = vector.shape_cast %swap3A_1029 : vector<1x24x576xf32> to vector<24x576xf32>
    %swap3A_1031 = vector.shape_cast %get3A_1025 : vector<24x576xf32> to vector<1x24x576xf32>
    tpu.vector_store %arg2[%swap3A_1026, %swap3A_1027, %swap3A_1028], %swap3A_1031 {strides = array<i32>} : memref<4x576x576xf32, #tpu.memory_space<vmem>>, vector<1x24x576xf32>,
    %get3A_1032 = arith.constant 3 : index
    %get3A_1033 = arith.constant 0 : index
    %get3A_1034 = arith.constant 24 : index
    %get3A_1035 = vector.load %arg1[%get3A_1032, %get3A_1033, %get3A_1034] : memref<4x24x1152xf32, #tpu.memory_space<vmem>>, vector<1x24x576xf32>
    %get3A_1036 = vector.shape_cast %get3A_1035 : vector<1x24x576xf32> to vector<24x576xf32>
    %swap3A_1037 = arith.constant 3 : index
    %swap3A_1038 = arith.constant 528 : index
    %swap3A_1039 = arith.constant 0 : index
    %swap3A_1040 = vector.load %arg2[%swap3A_1037, %swap3A_1038, %swap3A_1039] : memref<4x576x576xf32, #tpu.memory_space<vmem>>, vector<1x24x576xf32>
    %swap3A_1041 = vector.shape_cast %swap3A_1040 : vector<1x24x576xf32> to vector<24x576xf32>
    %swap3A_1042 = vector.shape_cast %get3A_1036 : vector<24x576xf32> to vector<1x24x576xf32>
    tpu.vector_store %arg2[%swap3A_1037, %swap3A_1038, %swap3A_1039], %swap3A_1042 {strides = array<i32>} : memref<4x576x576xf32, #tpu.memory_space<vmem>>, vector<1x24x576xf32>,
    %get3A_1043 = arith.constant 3 : index
    %get3A_1044 = arith.constant 0 : index
    %get3A_1045 = arith.constant 0 : index
    %get3A_1046 = vector.load %arg1[%get3A_1043, %get3A_1044, %get3A_1045] : memref<4x24x1152xf32, #tpu.memory_space<vmem>>, vector<1x24x576xf32>
    %get3A_1047 = vector.shape_cast %get3A_1046 : vector<1x24x576xf32> to vector<24x576xf32>
    %swap3A_1048 = arith.constant 3 : index
    %swap3A_1049 = arith.constant 552 : index
    %swap3A_1050 = arith.constant 0 : index
    %swap3A_1051 = vector.load %arg2[%swap3A_1048, %swap3A_1049, %swap3A_1050] : memref<4x576x576xf32, #tpu.memory_space<vmem>>, vector<1x24x576xf32>
    %swap3A_1052 = vector.shape_cast %swap3A_1051 : vector<1x24x576xf32> to vector<24x576xf32>
    %swap3A_1053 = vector.shape_cast %get3A_1047 : vector<24x576xf32> to vector<1x24x576xf32>
    tpu.vector_store %arg2[%swap3A_1048, %swap3A_1049, %swap3A_1050], %swap3A_1053 {strides = array<i32>} : memref<4x576x576xf32, #tpu.memory_space<vmem>>, vector<1x24x576xf32>,
    return
  }
  func.func @transform_0(%arg0: i32) -> (i32, i32, i32) {
    %c0_i32 = arith.constant 0 : i32
    %c0_i32_0 = arith.constant 0 : i32
    %c0_i32_1 = arith.constant 0 : i32
    return %arg0, %c0_i32, %c0_i32_0 : i32, i32, i32
  }
  func.func @transform_1(%arg0: i32) -> (i32, i32, i32) {
    %c0_i32 = arith.constant 0 : i32
    %c0_i32_0 = arith.constant 0 : i32
    %c0_i32_1 = arith.constant 0 : i32
    return %arg0, %c0_i32, %c0_i32_0 : i32, i32, i32
  }
}

module attributes {stable_mosaic.version = 14 : i64} {
  func.func @_expand_b_body(%arg0: i32, %arg1: memref<4x24x1152xf32, #tpu.memory_space<vmem>>, %arg2: memref<32x576x576xf32, #tpu.memory_space<any>>, %arg3: memref<4x576x576xf32, #tpu.memory_space<vmem>>) attributes {dimension_semantics = [#tpu.dimension_semantics<arbitrary>], iteration_bounds = array<i64: 4>, scalar_prefetch = 0 : i64, scratch_operands = 0 : i64, tpu.core_type = #tpu.core_type<tc>, window_params = [{transform_indices = @transform_0, window_bounds = array<i64: 4, 24, 1152>}, {}, {transform_indices = @transform_2, window_bounds = array<i64: 4, 576, 576>}]} {
    %get3A = arith.constant 0 : index
    %get3A_0 = arith.constant 0 : index
    %get3A_1 = arith.constant 552 : index
    %get3A_2 = vector.load %arg1[%get3A, %get3A_0, %get3A_1] : memref<4x24x1152xf32, #tpu.memory_space<vmem>>, vector<1x24x576xf32>
    %get3A_3 = vector.shape_cast %get3A_2 : vector<1x24x576xf32> to vector<24x576xf32>
    %swap3A = arith.constant 0 : index
    %swap3A_4 = arith.constant 0 : index
    %swap3A_5 = arith.constant 0 : index
    %swap3A_6 = vector.load %arg3[%swap3A, %swap3A_4, %swap3A_5] : memref<4x576x576xf32, #tpu.memory_space<vmem>>, vector<1x24x576xf32>
    %swap3A_7 = vector.shape_cast %swap3A_6 : vector<1x24x576xf32> to vector<24x576xf32>
    %swap3A_8 = vector.shape_cast %get3A_3 : vector<24x576xf32> to vector<1x24x576xf32>
    tpu.vector_store %arg3[%swap3A, %swap3A_4, %swap3A_5], %swap3A_8 {strides = array<i32>} : memref<4x576x576xf32, #tpu.memory_space<vmem>>, vector<1x24x576xf32>,
    %get3A_9 = arith.constant 0 : index
    %get3A_10 = arith.constant 0 : index
    %get3A_11 = arith.constant 528 : index
    %get3A_12 = vector.load %arg1[%get3A_9, %get3A_10, %get3A_11] : memref<4x24x1152xf32, #tpu.memory_space<vmem>>, vector<1x24x576xf32>
    %get3A_13 = vector.shape_cast %get3A_12 : vector<1x24x576xf32> to vector<24x576xf32>
    %swap3A_14 = arith.constant 0 : index
    %swap3A_15 = arith.constant 24 : index
    %swap3A_16 = arith.constant 0 : index
    %swap3A_17 = vector.load %arg3[%swap3A_14, %swap3A_15, %swap3A_16] : memref<4x576x576xf32, #tpu.memory_space<vmem>>, vector<1x24x576xf32>
    %swap3A_18 = vector.shape_cast %swap3A_17 : vector<1x24x576xf32> to vector<24x576xf32>
    %swap3A_19 = vector.shape_cast %get3A_13 : vector<24x576xf32> to vector<1x24x576xf32>
    tpu.vector_store %arg3[%swap3A_14, %swap3A_15, %swap3A_16], %swap3A_19 {strides = array<i32>} : memref<4x576x576xf32, #tpu.memory_space<vmem>>, vector<1x24x576xf32>,
    %get3A_20 = arith.constant 0 : index
    %get3A_21 = arith.constant 0 : index
    %get3A_22 = arith.constant 504 : index
    %get3A_23 = vector.load %arg1[%get3A_20, %get3A_21, %get3A_22] : memref<4x24x1152xf32, #tpu.memory_space<vmem>>, vector<1x24x576xf32>
    %get3A_24 = vector.shape_cast %get3A_23 : vector<1x24x576xf32> to vector<24x576xf32>
    %swap3A_25 = arith.constant 0 : index
    %swap3A_26 = arith.constant 48 : index
    %swap3A_27 = arith.constant 0 : index
    %swap3A_28 = vector.load %arg3[%swap3A_25, %swap3A_26, %swap3A_27] : memref<4x576x576xf32, #tpu.memory_space<vmem>>, vector<1x24x576xf32>
    %swap3A_29 = vector.shape_cast %swap3A_28 : vector<1x24x576xf32> to vector<24x576xf32>
    %swap3A_30 = vector.shape_cast %get3A_24 : vector<24x576xf32> to vector<1x24x576xf32>
    tpu.vector_store %arg3[%swap3A_25, %swap3A_26, %swap3A_27], %swap3A_30 {strides = array<i32>} : memref<4x576x576xf32, #tpu.memory_space<vmem>>, vector<1x24x576xf32>,
    %get3A_31 = arith.constant 0 : index
    %get3A_32 = arith.constant 0 : index
    %get3A_33 = arith.constant 480 : index
    %get3A_34 = vector.load %arg1[%get3A_31, %get3A_32, %get3A_33] : memref<4x24x1152xf32, #tpu.memory_space<vmem>>, vector<1x24x576xf32>
    %get3A_35 = vector.shape_cast %get3A_34 : vector<1x24x576xf32> to vector<24x576xf32>
    %swap3A_36 = arith.constant 0 : index
    %swap3A_37 = arith.constant 72 : index
    %swap3A_38 = arith.constant 0 : index
    %swap3A_39 = vector.load %arg3[%swap3A_36, %swap3A_37, %swap3A_38] : memref<4x576x576xf32, #tpu.memory_space<vmem>>, vector<1x24x576xf32>
    %swap3A_40 = vector.shape_cast %swap3A_39 : vector<1x24x576xf32> to vector<24x576xf32>
    %swap3A_41 = vector.shape_cast %get3A_35 : vector<24x576xf32> to vector<1x24x576xf32>
    tpu.vector_store %arg3[%swap3A_36, %swap3A_37, %swap3A_38], %swap3A_41 {strides = array<i32>} : memref<4x576x576xf32, #tpu.memory_space<vmem>>, vector<1x24x576xf32>,
    %get3A_42 = arith.constant 0 : index
    %get3A_43 = arith.constant 0 : index
    %get3A_44 = arith.constant 456 : index
    %get3A_45 = vector.load %arg1[%get3A_42, %get3A_43, %get3A_44] : memref<4x24x1152xf32, #tpu.memory_space<vmem>>, vector<1x24x576xf32>
    %get3A_46 = vector.shape_cast %get3A_45 : vector<1x24x576xf32> to vector<24x576xf32>
    %swap3A_47 = arith.constant 0 : index
    %swap3A_48 = arith.constant 96 : index
    %swap3A_49 = arith.constant 0 : index
    %swap3A_50 = vector.load %arg3[%swap3A_47, %swap3A_48, %swap3A_49] : memref<4x576x576xf32, #tpu.memory_space<vmem>>, vector<1x24x576xf32>
    %swap3A_51 = vector.shape_cast %swap3A_50 : vector<1x24x576xf32> to vector<24x576xf32>
    %swap3A_52 = vector.shape_cast %get3A_46 : vector<24x576xf32> to vector<1x24x576xf32>
    tpu.vector_store %arg3[%swap3A_47, %swap3A_48, %swap3A_49], %swap3A_52 {strides = array<i32>} : memref<4x576x576xf32, #tpu.memory_space<vmem>>, vector<1x24x576xf32>,
    %get3A_53 = arith.constant 0 : index
    %get3A_54 = arith.constant 0 : index
    %get3A_55 = arith.constant 432 : index
    %get3A_56 = vector.load %arg1[%get3A_53, %get3A_54, %get3A_55] : memref<4x24x1152xf32, #tpu.memory_space<vmem>>, vector<1x24x576xf32>
    %get3A_57 = vector.shape_cast %get3A_56 : vector<1x24x576xf32> to vector<24x576xf32>
    %swap3A_58 = arith.constant 0 : index
    %swap3A_59 = arith.constant 120 : index
    %swap3A_60 = arith.constant 0 : index
    %swap3A_61 = vector.load %arg3[%swap3A_58, %swap3A_59, %swap3A_60] : memref<4x576x576xf32, #tpu.memory_space<vmem>>, vector<1x24x576xf32>
    %swap3A_62 = vector.shape_cast %swap3A_61 : vector<1x24x576xf32> to vector<24x576xf32>
    %swap3A_63 = vector.shape_cast %get3A_57 : vector<24x576xf32> to vector<1x24x576xf32>
    tpu.vector_store %arg3[%swap3A_58, %swap3A_59, %swap3A_60], %swap3A_63 {strides = array<i32>} : memref<4x576x576xf32, #tpu.memory_space<vmem>>, vector<1x24x576xf32>,
    %get3A_64 = arith.constant 0 : index
    %get3A_65 = arith.constant 0 : index
    %get3A_66 = arith.constant 408 : index
    %get3A_67 = vector.load %arg1[%get3A_64, %get3A_65, %get3A_66] : memref<4x24x1152xf32, #tpu.memory_space<vmem>>, vector<1x24x576xf32>
    %get3A_68 = vector.shape_cast %get3A_67 : vector<1x24x576xf32> to vector<24x576xf32>
    %swap3A_69 = arith.constant 0 : index
    %swap3A_70 = arith.constant 144 : index
    %swap3A_71 = arith.constant 0 : index
    %swap3A_72 = vector.load %arg3[%swap3A_69, %swap3A_70, %swap3A_71] : memref<4x576x576xf32, #tpu.memory_space<vmem>>, vector<1x24x576xf32>
    %swap3A_73 = vector.shape_cast %swap3A_72 : vector<1x24x576xf32> to vector<24x576xf32>
    %swap3A_74 = vector.shape_cast %get3A_68 : vector<24x576xf32> to vector<1x24x576xf32>
    tpu.vector_store %arg3[%swap3A_69, %swap3A_70, %swap3A_71], %swap3A_74 {strides = array<i32>} : memref<4x576x576xf32, #tpu.memory_space<vmem>>, vector<1x24x576xf32>,
    %get3A_75 = arith.constant 0 : index
    %get3A_76 = arith.constant 0 : index
    %get3A_77 = arith.constant 384 : index
    %get3A_78 = vector.load %arg1[%get3A_75, %get3A_76, %get3A_77] : memref<4x24x1152xf32, #tpu.memory_space<vmem>>, vector<1x24x576xf32>
    %get3A_79 = vector.shape_cast %get3A_78 : vector<1x24x576xf32> to vector<24x576xf32>
    %swap3A_80 = arith.constant 0 : index
    %swap3A_81 = arith.constant 168 : index
    %swap3A_82 = arith.constant 0 : index
    %swap3A_83 = vector.load %arg3[%swap3A_80, %swap3A_81, %swap3A_82] : memref<4x576x576xf32, #tpu.memory_space<vmem>>, vector<1x24x576xf32>
    %swap3A_84 = vector.shape_cast %swap3A_83 : vector<1x24x576xf32> to vector<24x576xf32>
    %swap3A_85 = vector.shape_cast %get3A_79 : vector<24x576xf32> to vector<1x24x576xf32>
    tpu.vector_store %arg3[%swap3A_80, %swap3A_81, %swap3A_82], %swap3A_85 {strides = array<i32>} : memref<4x576x576xf32, #tpu.memory_space<vmem>>, vector<1x24x576xf32>,
    %get3A_86 = arith.constant 0 : index
    %get3A_87 = arith.constant 0 : index
    %get3A_88 = arith.constant 360 : index
    %get3A_89 = vector.load %arg1[%get3A_86, %get3A_87, %get3A_88] : memref<4x24x1152xf32, #tpu.memory_space<vmem>>, vector<1x24x576xf32>
    %get3A_90 = vector.shape_cast %get3A_89 : vector<1x24x576xf32> to vector<24x576xf32>
    %swap3A_91 = arith.constant 0 : index
    %swap3A_92 = arith.constant 192 : index
    %swap3A_93 = arith.constant 0 : index
    %swap3A_94 = vector.load %arg3[%swap3A_91, %swap3A_92, %swap3A_93] : memref<4x576x576xf32, #tpu.memory_space<vmem>>, vector<1x24x576xf32>
    %swap3A_95 = vector.shape_cast %swap3A_94 : vector<1x24x576xf32> to vector<24x576xf32>
    %swap3A_96 = vector.shape_cast %get3A_90 : vector<24x576xf32> to vector<1x24x576xf32>
    tpu.vector_store %arg3[%swap3A_91, %swap3A_92, %swap3A_93], %swap3A_96 {strides = array<i32>} : memref<4x576x576xf32, #tpu.memory_space<vmem>>, vector<1x24x576xf32>,
    %get3A_97 = arith.constant 0 : index
    %get3A_98 = arith.constant 0 : index
    %get3A_99 = arith.constant 336 : index
    %get3A_100 = vector.load %arg1[%get3A_97, %get3A_98, %get3A_99] : memref<4x24x1152xf32, #tpu.memory_space<vmem>>, vector<1x24x576xf32>
    %get3A_101 = vector.shape_cast %get3A_100 : vector<1x24x576xf32> to vector<24x576xf32>
    %swap3A_102 = arith.constant 0 : index
    %swap3A_103 = arith.constant 216 : index
    %swap3A_104 = arith.constant 0 : index
    %swap3A_105 = vector.load %arg3[%swap3A_102, %swap3A_103, %swap3A_104] : memref<4x576x576xf32, #tpu.memory_space<vmem>>, vector<1x24x576xf32>
    %swap3A_106 = vector.shape_cast %swap3A_105 : vector<1x24x576xf32> to vector<24x576xf32>
    %swap3A_107 = vector.shape_cast %get3A_101 : vector<24x576xf32> to vector<1x24x576xf32>
    tpu.vector_store %arg3[%swap3A_102, %swap3A_103, %swap3A_104], %swap3A_107 {strides = array<i32>} : memref<4x576x576xf32, #tpu.memory_space<vmem>>, vector<1x24x576xf32>,
    %get3A_108 = arith.constant 0 : index
    %get3A_109 = arith.constant 0 : index
    %get3A_110 = arith.constant 312 : index
    %get3A_111 = vector.load %arg1[%get3A_108, %get3A_109, %get3A_110] : memref<4x24x1152xf32, #tpu.memory_space<vmem>>, vector<1x24x576xf32>
    %get3A_112 = vector.shape_cast %get3A_111 : vector<1x24x576xf32> to vector<24x576xf32>
    %swap3A_113 = arith.constant 0 : index
    %swap3A_114 = arith.constant 240 : index
    %swap3A_115 = arith.constant 0 : index
    %swap3A_116 = vector.load %arg3[%swap3A_113, %swap3A_114, %swap3A_115] : memref<4x576x576xf32, #tpu.memory_space<vmem>>, vector<1x24x576xf32>
    %swap3A_117 = vector.shape_cast %swap3A_116 : vector<1x24x576xf32> to vector<24x576xf32>
    %swap3A_118 = vector.shape_cast %get3A_112 : vector<24x576xf32> to vector<1x24x576xf32>
    tpu.vector_store %arg3[%swap3A_113, %swap3A_114, %swap3A_115], %swap3A_118 {strides = array<i32>} : memref<4x576x576xf32, #tpu.memory_space<vmem>>, vector<1x24x576xf32>,
    %get3A_119 = arith.constant 0 : index
    %get3A_120 = arith.constant 0 : index
    %get3A_121 = arith.constant 288 : index
    %get3A_122 = vector.load %arg1[%get3A_119, %get3A_120, %get3A_121] : memref<4x24x1152xf32, #tpu.memory_space<vmem>>, vector<1x24x576xf32>
    %get3A_123 = vector.shape_cast %get3A_122 : vector<1x24x576xf32> to vector<24x576xf32>
    %swap3A_124 = arith.constant 0 : index
    %swap3A_125 = arith.constant 264 : index
    %swap3A_126 = arith.constant 0 : index
    %swap3A_127 = vector.load %arg3[%swap3A_124, %swap3A_125, %swap3A_126] : memref<4x576x576xf32, #tpu.memory_space<vmem>>, vector<1x24x576xf32>
    %swap3A_128 = vector.shape_cast %swap3A_127 : vector<1x24x576xf32> to vector<24x576xf32>
    %swap3A_129 = vector.shape_cast %get3A_123 : vector<24x576xf32> to vector<1x24x576xf32>
    tpu.vector_store %arg3[%swap3A_124, %swap3A_125, %swap3A_126], %swap3A_129 {strides = array<i32>} : memref<4x576x576xf32, #tpu.memory_space<vmem>>, vector<1x24x576xf32>,
    %get3A_130 = arith.constant 0 : index
    %get3A_131 = arith.constant 0 : index
    %get3A_132 = arith.constant 264 : index
    %get3A_133 = vector.load %arg1[%get3A_130, %get3A_131, %get3A_132] : memref<4x24x1152xf32, #tpu.memory_space<vmem>>, vector<1x24x576xf32>
    %get3A_134 = vector.shape_cast %get3A_133 : vector<1x24x576xf32> to vector<24x576xf32>
    %swap3A_135 = arith.constant 0 : index
    %swap3A_136 = arith.constant 288 : index
    %swap3A_137 = arith.constant 0 : index
    %swap3A_138 = vector.load %arg3[%swap3A_135, %swap3A_136, %swap3A_137] : memref<4x576x576xf32, #tpu.memory_space<vmem>>, vector<1x24x576xf32>
    %swap3A_139 = vector.shape_cast %swap3A_138 : vector<1x24x576xf32> to vector<24x576xf32>
    %swap3A_140 = vector.shape_cast %get3A_134 : vector<24x576xf32> to vector<1x24x576xf32>
    tpu.vector_store %arg3[%swap3A_135, %swap3A_136, %swap3A_137], %swap3A_140 {strides = array<i32>} : memref<4x576x576xf32, #tpu.memory_space<vmem>>, vector<1x24x576xf32>,
    %get3A_141 = arith.constant 0 : index
    %get3A_142 = arith.constant 0 : index
    %get3A_143 = arith.constant 240 : index
    %get3A_144 = vector.load %arg1[%get3A_141, %get3A_142, %get3A_143] : memref<4x24x1152xf32, #tpu.memory_space<vmem>>, vector<1x24x576xf32>
    %get3A_145 = vector.shape_cast %get3A_144 : vector<1x24x576xf32> to vector<24x576xf32>
    %swap3A_146 = arith.constant 0 : index
    %swap3A_147 = arith.constant 312 : index
    %swap3A_148 = arith.constant 0 : index
    %swap3A_149 = vector.load %arg3[%swap3A_146, %swap3A_147, %swap3A_148] : memref<4x576x576xf32, #tpu.memory_space<vmem>>, vector<1x24x576xf32>
    %swap3A_150 = vector.shape_cast %swap3A_149 : vector<1x24x576xf32> to vector<24x576xf32>
    %swap3A_151 = vector.shape_cast %get3A_145 : vector<24x576xf32> to vector<1x24x576xf32>
    tpu.vector_store %arg3[%swap3A_146, %swap3A_147, %swap3A_148], %swap3A_151 {strides = array<i32>} : memref<4x576x576xf32, #tpu.memory_space<vmem>>, vector<1x24x576xf32>,
    %get3A_152 = arith.constant 0 : index
    %get3A_153 = arith.constant 0 : index
    %get3A_154 = arith.constant 216 : index
    %get3A_155 = vector.load %arg1[%get3A_152, %get3A_153, %get3A_154] : memref<4x24x1152xf32, #tpu.memory_space<vmem>>, vector<1x24x576xf32>
    %get3A_156 = vector.shape_cast %get3A_155 : vector<1x24x576xf32> to vector<24x576xf32>
    %swap3A_157 = arith.constant 0 : index
    %swap3A_158 = arith.constant 336 : index
    %swap3A_159 = arith.constant 0 : index
    %swap3A_160 = vector.load %arg3[%swap3A_157, %swap3A_158, %swap3A_159] : memref<4x576x576xf32, #tpu.memory_space<vmem>>, vector<1x24x576xf32>
    %swap3A_161 = vector.shape_cast %swap3A_160 : vector<1x24x576xf32> to vector<24x576xf32>
    %swap3A_162 = vector.shape_cast %get3A_156 : vector<24x576xf32> to vector<1x24x576xf32>
    tpu.vector_store %arg3[%swap3A_157, %swap3A_158, %swap3A_159], %swap3A_162 {strides = array<i32>} : memref<4x576x576xf32, #tpu.memory_space<vmem>>, vector<1x24x576xf32>,
    %get3A_163 = arith.constant 0 : index
    %get3A_164 = arith.constant 0 : index
    %get3A_165 = arith.constant 192 : index
    %get3A_166 = vector.load %arg1[%get3A_163, %get3A_164, %get3A_165] : memref<4x24x1152xf32, #tpu.memory_space<vmem>>, vector<1x24x576xf32>
    %get3A_167 = vector.shape_cast %get3A_166 : vector<1x24x576xf32> to vector<24x576xf32>
    %swap3A_168 = arith.constant 0 : index
    %swap3A_169 = arith.constant 360 : index
    %swap3A_170 = arith.constant 0 : index
    %swap3A_171 = vector.load %arg3[%swap3A_168, %swap3A_169, %swap3A_170] : memref<4x576x576xf32, #tpu.memory_space<vmem>>, vector<1x24x576xf32>
    %swap3A_172 = vector.shape_cast %swap3A_171 : vector<1x24x576xf32> to vector<24x576xf32>
    %swap3A_173 = vector.shape_cast %get3A_167 : vector<24x576xf32> to vector<1x24x576xf32>
    tpu.vector_store %arg3[%swap3A_168, %swap3A_169, %swap3A_170], %swap3A_173 {strides = array<i32>} : memref<4x576x576xf32, #tpu.memory_space<vmem>>, vector<1x24x576xf32>,
    %get3A_174 = arith.constant 0 : index
    %get3A_175 = arith.constant 0 : index
    %get3A_176 = arith.constant 168 : index
    %get3A_177 = vector.load %arg1[%get3A_174, %get3A_175, %get3A_176] : memref<4x24x1152xf32, #tpu.memory_space<vmem>>, vector<1x24x576xf32>
    %get3A_178 = vector.shape_cast %get3A_177 : vector<1x24x576xf32> to vector<24x576xf32>
    %swap3A_179 = arith.constant 0 : index
    %swap3A_180 = arith.constant 384 : index
    %swap3A_181 = arith.constant 0 : index
    %swap3A_182 = vector.load %arg3[%swap3A_179, %swap3A_180, %swap3A_181] : memref<4x576x576xf32, #tpu.memory_space<vmem>>, vector<1x24x576xf32>
    %swap3A_183 = vector.shape_cast %swap3A_182 : vector<1x24x576xf32> to vector<24x576xf32>
    %swap3A_184 = vector.shape_cast %get3A_178 : vector<24x576xf32> to vector<1x24x576xf32>
    tpu.vector_store %arg3[%swap3A_179, %swap3A_180, %swap3A_181], %swap3A_184 {strides = array<i32>} : memref<4x576x576xf32, #tpu.memory_space<vmem>>, vector<1x24x576xf32>,
    %get3A_185 = arith.constant 0 : index
    %get3A_186 = arith.constant 0 : index
    %get3A_187 = arith.constant 144 : index
    %get3A_188 = vector.load %arg1[%get3A_185, %get3A_186, %get3A_187] : memref<4x24x1152xf32, #tpu.memory_space<vmem>>, vector<1x24x576xf32>
    %get3A_189 = vector.shape_cast %get3A_188 : vector<1x24x576xf32> to vector<24x576xf32>
    %swap3A_190 = arith.constant 0 : index
    %swap3A_191 = arith.constant 408 : index
    %swap3A_192 = arith.constant 0 : index
    %swap3A_193 = vector.load %arg3[%swap3A_190, %swap3A_191, %swap3A_192] : memref<4x576x576xf32, #tpu.memory_space<vmem>>, vector<1x24x576xf32>
    %swap3A_194 = vector.shape_cast %swap3A_193 : vector<1x24x576xf32> to vector<24x576xf32>
    %swap3A_195 = vector.shape_cast %get3A_189 : vector<24x576xf32> to vector<1x24x576xf32>
    tpu.vector_store %arg3[%swap3A_190, %swap3A_191, %swap3A_192], %swap3A_195 {strides = array<i32>} : memref<4x576x576xf32, #tpu.memory_space<vmem>>, vector<1x24x576xf32>,
    %get3A_196 = arith.constant 0 : index
    %get3A_197 = arith.constant 0 : index
    %get3A_198 = arith.constant 120 : index
    %get3A_199 = vector.load %arg1[%get3A_196, %get3A_197, %get3A_198] : memref<4x24x1152xf32, #tpu.memory_space<vmem>>, vector<1x24x576xf32>
    %get3A_200 = vector.shape_cast %get3A_199 : vector<1x24x576xf32> to vector<24x576xf32>
    %swap3A_201 = arith.constant 0 : index
    %swap3A_202 = arith.constant 432 : index
    %swap3A_203 = arith.constant 0 : index
    %swap3A_204 = vector.load %arg3[%swap3A_201, %swap3A_202, %swap3A_203] : memref<4x576x576xf32, #tpu.memory_space<vmem>>, vector<1x24x576xf32>
    %swap3A_205 = vector.shape_cast %swap3A_204 : vector<1x24x576xf32> to vector<24x576xf32>
    %swap3A_206 = vector.shape_cast %get3A_200 : vector<24x576xf32> to vector<1x24x576xf32>
    tpu.vector_store %arg3[%swap3A_201, %swap3A_202, %swap3A_203], %swap3A_206 {strides = array<i32>} : memref<4x576x576xf32, #tpu.memory_space<vmem>>, vector<1x24x576xf32>,
    %get3A_207 = arith.constant 0 : index
    %get3A_208 = arith.constant 0 : index
    %get3A_209 = arith.constant 96 : index
    %get3A_210 = vector.load %arg1[%get3A_207, %get3A_208, %get3A_209] : memref<4x24x1152xf32, #tpu.memory_space<vmem>>, vector<1x24x576xf32>
    %get3A_211 = vector.shape_cast %get3A_210 : vector<1x24x576xf32> to vector<24x576xf32>
    %swap3A_212 = arith.constant 0 : index
    %swap3A_213 = arith.constant 456 : index
    %swap3A_214 = arith.constant 0 : index
    %swap3A_215 = vector.load %arg3[%swap3A_212, %swap3A_213, %swap3A_214] : memref<4x576x576xf32, #tpu.memory_space<vmem>>, vector<1x24x576xf32>
    %swap3A_216 = vector.shape_cast %swap3A_215 : vector<1x24x576xf32> to vector<24x576xf32>
    %swap3A_217 = vector.shape_cast %get3A_211 : vector<24x576xf32> to vector<1x24x576xf32>
    tpu.vector_store %arg3[%swap3A_212, %swap3A_213, %swap3A_214], %swap3A_217 {strides = array<i32>} : memref<4x576x576xf32, #tpu.memory_space<vmem>>, vector<1x24x576xf32>,
    %get3A_218 = arith.constant 0 : index
    %get3A_219 = arith.constant 0 : index
    %get3A_220 = arith.constant 72 : index
    %get3A_221 = vector.load %arg1[%get3A_218, %get3A_219, %get3A_220] : memref<4x24x1152xf32, #tpu.memory_space<vmem>>, vector<1x24x576xf32>
    %get3A_222 = vector.shape_cast %get3A_221 : vector<1x24x576xf32> to vector<24x576xf32>
    %swap3A_223 = arith.constant 0 : index
    %swap3A_224 = arith.constant 480 : index
    %swap3A_225 = arith.constant 0 : index
    %swap3A_226 = vector.load %arg3[%swap3A_223, %swap3A_224, %swap3A_225] : memref<4x576x576xf32, #tpu.memory_space<vmem>>, vector<1x24x576xf32>
    %swap3A_227 = vector.shape_cast %swap3A_226 : vector<1x24x576xf32> to vector<24x576xf32>
    %swap3A_228 = vector.shape_cast %get3A_222 : vector<24x576xf32> to vector<1x24x576xf32>
    tpu.vector_store %arg3[%swap3A_223, %swap3A_224, %swap3A_225], %swap3A_228 {strides = array<i32>} : memref<4x576x576xf32, #tpu.memory_space<vmem>>, vector<1x24x576xf32>,
    %get3A_229 = arith.constant 0 : index
    %get3A_230 = arith.constant 0 : index
    %get3A_231 = arith.constant 48 : index
    %get3A_232 = vector.load %arg1[%get3A_229, %get3A_230, %get3A_231] : memref<4x24x1152xf32, #tpu.memory_space<vmem>>, vector<1x24x576xf32>
    %get3A_233 = vector.shape_cast %get3A_232 : vector<1x24x576xf32> to vector<24x576xf32>
    %swap3A_234 = arith.constant 0 : index
    %swap3A_235 = arith.constant 504 : index
    %swap3A_236 = arith.constant 0 : index
    %swap3A_237 = vector.load %arg3[%swap3A_234, %swap3A_235, %swap3A_236] : memref<4x576x576xf32, #tpu.memory_space<vmem>>, vector<1x24x576xf32>
    %swap3A_238 = vector.shape_cast %swap3A_237 : vector<1x24x576xf32> to vector<24x576xf32>
    %swap3A_239 = vector.shape_cast %get3A_233 : vector<24x576xf32> to vector<1x24x576xf32>
    tpu.vector_store %arg3[%swap3A_234, %swap3A_235, %swap3A_236], %swap3A_239 {strides = array<i32>} : memref<4x576x576xf32, #tpu.memory_space<vmem>>, vector<1x24x576xf32>,
    %get3A_240 = arith.constant 0 : index
    %get3A_241 = arith.constant 0 : index
    %get3A_242 = arith.constant 24 : index
    %get3A_243 = vector.load %arg1[%get3A_240, %get3A_241, %get3A_242] : memref<4x24x1152xf32, #tpu.memory_space<vmem>>, vector<1x24x576xf32>
    %get3A_244 = vector.shape_cast %get3A_243 : vector<1x24x576xf32> to vector<24x576xf32>
    %swap3A_245 = arith.constant 0 : index
    %swap3A_246 = arith.constant 528 : index
    %swap3A_247 = arith.constant 0 : index
    %swap3A_248 = vector.load %arg3[%swap3A_245, %swap3A_246, %swap3A_247] : memref<4x576x576xf32, #tpu.memory_space<vmem>>, vector<1x24x576xf32>
    %swap3A_249 = vector.shape_cast %swap3A_248 : vector<1x24x576xf32> to vector<24x576xf32>
    %swap3A_250 = vector.shape_cast %get3A_244 : vector<24x576xf32> to vector<1x24x576xf32>
    tpu.vector_store %arg3[%swap3A_245, %swap3A_246, %swap3A_247], %swap3A_250 {strides = array<i32>} : memref<4x576x576xf32, #tpu.memory_space<vmem>>, vector<1x24x576xf32>,
    %get3A_251 = arith.constant 0 : index
    %get3A_252 = arith.constant 0 : index
    %get3A_253 = arith.constant 0 : index
    %get3A_254 = vector.load %arg1[%get3A_251, %get3A_252, %get3A_253] : memref<4x24x1152xf32, #tpu.memory_space<vmem>>, vector<1x24x576xf32>
    %get3A_255 = vector.shape_cast %get3A_254 : vector<1x24x576xf32> to vector<24x576xf32>
    %swap3A_256 = arith.constant 0 : index
    %swap3A_257 = arith.constant 552 : index
    %swap3A_258 = arith.constant 0 : index
    %swap3A_259 = vector.load %arg3[%swap3A_256, %swap3A_257, %swap3A_258] : memref<4x576x576xf32, #tpu.memory_space<vmem>>, vector<1x24x576xf32>
    %swap3A_260 = vector.shape_cast %swap3A_259 : vector<1x24x576xf32> to vector<24x576xf32>
    %swap3A_261 = vector.shape_cast %get3A_255 : vector<24x576xf32> to vector<1x24x576xf32>
    tpu.vector_store %arg3[%swap3A_256, %swap3A_257, %swap3A_258], %swap3A_261 {strides = array<i32>} : memref<4x576x576xf32, #tpu.memory_space<vmem>>, vector<1x24x576xf32>,
    %get3A_262 = arith.constant 1 : index
    %get3A_263 = arith.constant 0 : index
    %get3A_264 = arith.constant 552 : index
    %get3A_265 = vector.load %arg1[%get3A_262, %get3A_263, %get3A_264] : memref<4x24x1152xf32, #tpu.memory_space<vmem>>, vector<1x24x576xf32>
    %get3A_266 = vector.shape_cast %get3A_265 : vector<1x24x576xf32> to vector<24x576xf32>
    %swap3A_267 = arith.constant 1 : index
    %swap3A_268 = arith.constant 0 : index
    %swap3A_269 = arith.constant 0 : index
    %swap3A_270 = vector.load %arg3[%swap3A_267, %swap3A_268, %swap3A_269] : memref<4x576x576xf32, #tpu.memory_space<vmem>>, vector<1x24x576xf32>
    %swap3A_271 = vector.shape_cast %swap3A_270 : vector<1x24x576xf32> to vector<24x576xf32>
    %swap3A_272 = vector.shape_cast %get3A_266 : vector<24x576xf32> to vector<1x24x576xf32>
    tpu.vector_store %arg3[%swap3A_267, %swap3A_268, %swap3A_269], %swap3A_272 {strides = array<i32>} : memref<4x576x576xf32, #tpu.memory_space<vmem>>, vector<1x24x576xf32>,
    %get3A_273 = arith.constant 1 : index
    %get3A_274 = arith.constant 0 : index
    %get3A_275 = arith.constant 528 : index
    %get3A_276 = vector.load %arg1[%get3A_273, %get3A_274, %get3A_275] : memref<4x24x1152xf32, #tpu.memory_space<vmem>>, vector<1x24x576xf32>
    %get3A_277 = vector.shape_cast %get3A_276 : vector<1x24x576xf32> to vector<24x576xf32>
    %swap3A_278 = arith.constant 1 : index
    %swap3A_279 = arith.constant 24 : index
    %swap3A_280 = arith.constant 0 : index
    %swap3A_281 = vector.load %arg3[%swap3A_278, %swap3A_279, %swap3A_280] : memref<4x576x576xf32, #tpu.memory_space<vmem>>, vector<1x24x576xf32>
    %swap3A_282 = vector.shape_cast %swap3A_281 : vector<1x24x576xf32> to vector<24x576xf32>
    %swap3A_283 = vector.shape_cast %get3A_277 : vector<24x576xf32> to vector<1x24x576xf32>
    tpu.vector_store %arg3[%swap3A_278, %swap3A_279, %swap3A_280], %swap3A_283 {strides = array<i32>} : memref<4x576x576xf32, #tpu.memory_space<vmem>>, vector<1x24x576xf32>,
    %get3A_284 = arith.constant 1 : index
    %get3A_285 = arith.constant 0 : index
    %get3A_286 = arith.constant 504 : index
    %get3A_287 = vector.load %arg1[%get3A_284, %get3A_285, %get3A_286] : memref<4x24x1152xf32, #tpu.memory_space<vmem>>, vector<1x24x576xf32>
    %get3A_288 = vector.shape_cast %get3A_287 : vector<1x24x576xf32> to vector<24x576xf32>
    %swap3A_289 = arith.constant 1 : index
    %swap3A_290 = arith.constant 48 : index
    %swap3A_291 = arith.constant 0 : index
    %swap3A_292 = vector.load %arg3[%swap3A_289, %swap3A_290, %swap3A_291] : memref<4x576x576xf32, #tpu.memory_space<vmem>>, vector<1x24x576xf32>
    %swap3A_293 = vector.shape_cast %swap3A_292 : vector<1x24x576xf32> to vector<24x576xf32>
    %swap3A_294 = vector.shape_cast %get3A_288 : vector<24x576xf32> to vector<1x24x576xf32>
    tpu.vector_store %arg3[%swap3A_289, %swap3A_290, %swap3A_291], %swap3A_294 {strides = array<i32>} : memref<4x576x576xf32, #tpu.memory_space<vmem>>, vector<1x24x576xf32>,
    %get3A_295 = arith.constant 1 : index
    %get3A_296 = arith.constant 0 : index
    %get3A_297 = arith.constant 480 : index
    %get3A_298 = vector.load %arg1[%get3A_295, %get3A_296, %get3A_297] : memref<4x24x1152xf32, #tpu.memory_space<vmem>>, vector<1x24x576xf32>
    %get3A_299 = vector.shape_cast %get3A_298 : vector<1x24x576xf32> to vector<24x576xf32>
    %swap3A_300 = arith.constant 1 : index
    %swap3A_301 = arith.constant 72 : index
    %swap3A_302 = arith.constant 0 : index
    %swap3A_303 = vector.load %arg3[%swap3A_300, %swap3A_301, %swap3A_302] : memref<4x576x576xf32, #tpu.memory_space<vmem>>, vector<1x24x576xf32>
    %swap3A_304 = vector.shape_cast %swap3A_303 : vector<1x24x576xf32> to vector<24x576xf32>
    %swap3A_305 = vector.shape_cast %get3A_299 : vector<24x576xf32> to vector<1x24x576xf32>
    tpu.vector_store %arg3[%swap3A_300, %swap3A_301, %swap3A_302], %swap3A_305 {strides = array<i32>} : memref<4x576x576xf32, #tpu.memory_space<vmem>>, vector<1x24x576xf32>,
    %get3A_306 = arith.constant 1 : index
    %get3A_307 = arith.constant 0 : index
    %get3A_308 = arith.constant 456 : index
    %get3A_309 = vector.load %arg1[%get3A_306, %get3A_307, %get3A_308] : memref<4x24x1152xf32, #tpu.memory_space<vmem>>, vector<1x24x576xf32>
    %get3A_310 = vector.shape_cast %get3A_309 : vector<1x24x576xf32> to vector<24x576xf32>
    %swap3A_311 = arith.constant 1 : index
    %swap3A_312 = arith.constant 96 : index
    %swap3A_313 = arith.constant 0 : index
    %swap3A_314 = vector.load %arg3[%swap3A_311, %swap3A_312, %swap3A_313] : memref<4x576x576xf32, #tpu.memory_space<vmem>>, vector<1x24x576xf32>
    %swap3A_315 = vector.shape_cast %swap3A_314 : vector<1x24x576xf32> to vector<24x576xf32>
    %swap3A_316 = vector.shape_cast %get3A_310 : vector<24x576xf32> to vector<1x24x576xf32>
    tpu.vector_store %arg3[%swap3A_311, %swap3A_312, %swap3A_313], %swap3A_316 {strides = array<i32>} : memref<4x576x576xf32, #tpu.memory_space<vmem>>, vector<1x24x576xf32>,
    %get3A_317 = arith.constant 1 : index
    %get3A_318 = arith.constant 0 : index
    %get3A_319 = arith.constant 432 : index
    %get3A_320 = vector.load %arg1[%get3A_317, %get3A_318, %get3A_319] : memref<4x24x1152xf32, #tpu.memory_space<vmem>>, vector<1x24x576xf32>
    %get3A_321 = vector.shape_cast %get3A_320 : vector<1x24x576xf32> to vector<24x576xf32>
    %swap3A_322 = arith.constant 1 : index
    %swap3A_323 = arith.constant 120 : index
    %swap3A_324 = arith.constant 0 : index
    %swap3A_325 = vector.load %arg3[%swap3A_322, %swap3A_323, %swap3A_324] : memref<4x576x576xf32, #tpu.memory_space<vmem>>, vector<1x24x576xf32>
    %swap3A_326 = vector.shape_cast %swap3A_325 : vector<1x24x576xf32> to vector<24x576xf32>
    %swap3A_327 = vector.shape_cast %get3A_321 : vector<24x576xf32> to vector<1x24x576xf32>
    tpu.vector_store %arg3[%swap3A_322, %swap3A_323, %swap3A_324], %swap3A_327 {strides = array<i32>} : memref<4x576x576xf32, #tpu.memory_space<vmem>>, vector<1x24x576xf32>,
    %get3A_328 = arith.constant 1 : index
    %get3A_329 = arith.constant 0 : index
    %get3A_330 = arith.constant 408 : index
    %get3A_331 = vector.load %arg1[%get3A_328, %get3A_329, %get3A_330] : memref<4x24x1152xf32, #tpu.memory_space<vmem>>, vector<1x24x576xf32>
    %get3A_332 = vector.shape_cast %get3A_331 : vector<1x24x576xf32> to vector<24x576xf32>
    %swap3A_333 = arith.constant 1 : index
    %swap3A_334 = arith.constant 144 : index
    %swap3A_335 = arith.constant 0 : index
    %swap3A_336 = vector.load %arg3[%swap3A_333, %swap3A_334, %swap3A_335] : memref<4x576x576xf32, #tpu.memory_space<vmem>>, vector<1x24x576xf32>
    %swap3A_337 = vector.shape_cast %swap3A_336 : vector<1x24x576xf32> to vector<24x576xf32>
    %swap3A_338 = vector.shape_cast %get3A_332 : vector<24x576xf32> to vector<1x24x576xf32>
    tpu.vector_store %arg3[%swap3A_333, %swap3A_334, %swap3A_335], %swap3A_338 {strides = array<i32>} : memref<4x576x576xf32, #tpu.memory_space<vmem>>, vector<1x24x576xf32>,
    %get3A_339 = arith.constant 1 : index
    %get3A_340 = arith.constant 0 : index
    %get3A_341 = arith.constant 384 : index
    %get3A_342 = vector.load %arg1[%get3A_339, %get3A_340, %get3A_341] : memref<4x24x1152xf32, #tpu.memory_space<vmem>>, vector<1x24x576xf32>
    %get3A_343 = vector.shape_cast %get3A_342 : vector<1x24x576xf32> to vector<24x576xf32>
    %swap3A_344 = arith.constant 1 : index
    %swap3A_345 = arith.constant 168 : index
    %swap3A_346 = arith.constant 0 : index
    %swap3A_347 = vector.load %arg3[%swap3A_344, %swap3A_345, %swap3A_346] : memref<4x576x576xf32, #tpu.memory_space<vmem>>, vector<1x24x576xf32>
    %swap3A_348 = vector.shape_cast %swap3A_347 : vector<1x24x576xf32> to vector<24x576xf32>
    %swap3A_349 = vector.shape_cast %get3A_343 : vector<24x576xf32> to vector<1x24x576xf32>
    tpu.vector_store %arg3[%swap3A_344, %swap3A_345, %swap3A_346], %swap3A_349 {strides = array<i32>} : memref<4x576x576xf32, #tpu.memory_space<vmem>>, vector<1x24x576xf32>,
    %get3A_350 = arith.constant 1 : index
    %get3A_351 = arith.constant 0 : index
    %get3A_352 = arith.constant 360 : index
    %get3A_353 = vector.load %arg1[%get3A_350, %get3A_351, %get3A_352] : memref<4x24x1152xf32, #tpu.memory_space<vmem>>, vector<1x24x576xf32>
    %get3A_354 = vector.shape_cast %get3A_353 : vector<1x24x576xf32> to vector<24x576xf32>
    %swap3A_355 = arith.constant 1 : index
    %swap3A_356 = arith.constant 192 : index
    %swap3A_357 = arith.constant 0 : index
    %swap3A_358 = vector.load %arg3[%swap3A_355, %swap3A_356, %swap3A_357] : memref<4x576x576xf32, #tpu.memory_space<vmem>>, vector<1x24x576xf32>
    %swap3A_359 = vector.shape_cast %swap3A_358 : vector<1x24x576xf32> to vector<24x576xf32>
    %swap3A_360 = vector.shape_cast %get3A_354 : vector<24x576xf32> to vector<1x24x576xf32>
    tpu.vector_store %arg3[%swap3A_355, %swap3A_356, %swap3A_357], %swap3A_360 {strides = array<i32>} : memref<4x576x576xf32, #tpu.memory_space<vmem>>, vector<1x24x576xf32>,
    %get3A_361 = arith.constant 1 : index
    %get3A_362 = arith.constant 0 : index
    %get3A_363 = arith.constant 336 : index
    %get3A_364 = vector.load %arg1[%get3A_361, %get3A_362, %get3A_363] : memref<4x24x1152xf32, #tpu.memory_space<vmem>>, vector<1x24x576xf32>
    %get3A_365 = vector.shape_cast %get3A_364 : vector<1x24x576xf32> to vector<24x576xf32>
    %swap3A_366 = arith.constant 1 : index
    %swap3A_367 = arith.constant 216 : index
    %swap3A_368 = arith.constant 0 : index
    %swap3A_369 = vector.load %arg3[%swap3A_366, %swap3A_367, %swap3A_368] : memref<4x576x576xf32, #tpu.memory_space<vmem>>, vector<1x24x576xf32>
    %swap3A_370 = vector.shape_cast %swap3A_369 : vector<1x24x576xf32> to vector<24x576xf32>
    %swap3A_371 = vector.shape_cast %get3A_365 : vector<24x576xf32> to vector<1x24x576xf32>
    tpu.vector_store %arg3[%swap3A_366, %swap3A_367, %swap3A_368], %swap3A_371 {strides = array<i32>} : memref<4x576x576xf32, #tpu.memory_space<vmem>>, vector<1x24x576xf32>,
    %get3A_372 = arith.constant 1 : index
    %get3A_373 = arith.constant 0 : index
    %get3A_374 = arith.constant 312 : index
    %get3A_375 = vector.load %arg1[%get3A_372, %get3A_373, %get3A_374] : memref<4x24x1152xf32, #tpu.memory_space<vmem>>, vector<1x24x576xf32>
    %get3A_376 = vector.shape_cast %get3A_375 : vector<1x24x576xf32> to vector<24x576xf32>
    %swap3A_377 = arith.constant 1 : index
    %swap3A_378 = arith.constant 240 : index
    %swap3A_379 = arith.constant 0 : index
    %swap3A_380 = vector.load %arg3[%swap3A_377, %swap3A_378, %swap3A_379] : memref<4x576x576xf32, #tpu.memory_space<vmem>>, vector<1x24x576xf32>
    %swap3A_381 = vector.shape_cast %swap3A_380 : vector<1x24x576xf32> to vector<24x576xf32>
    %swap3A_382 = vector.shape_cast %get3A_376 : vector<24x576xf32> to vector<1x24x576xf32>
    tpu.vector_store %arg3[%swap3A_377, %swap3A_378, %swap3A_379], %swap3A_382 {strides = array<i32>} : memref<4x576x576xf32, #tpu.memory_space<vmem>>, vector<1x24x576xf32>,
    %get3A_383 = arith.constant 1 : index
    %get3A_384 = arith.constant 0 : index
    %get3A_385 = arith.constant 288 : index
    %get3A_386 = vector.load %arg1[%get3A_383, %get3A_384, %get3A_385] : memref<4x24x1152xf32, #tpu.memory_space<vmem>>, vector<1x24x576xf32>
    %get3A_387 = vector.shape_cast %get3A_386 : vector<1x24x576xf32> to vector<24x576xf32>
    %swap3A_388 = arith.constant 1 : index
    %swap3A_389 = arith.constant 264 : index
    %swap3A_390 = arith.constant 0 : index
    %swap3A_391 = vector.load %arg3[%swap3A_388, %swap3A_389, %swap3A_390] : memref<4x576x576xf32, #tpu.memory_space<vmem>>, vector<1x24x576xf32>
    %swap3A_392 = vector.shape_cast %swap3A_391 : vector<1x24x576xf32> to vector<24x576xf32>
    %swap3A_393 = vector.shape_cast %get3A_387 : vector<24x576xf32> to vector<1x24x576xf32>
    tpu.vector_store %arg3[%swap3A_388, %swap3A_389, %swap3A_390], %swap3A_393 {strides = array<i32>} : memref<4x576x576xf32, #tpu.memory_space<vmem>>, vector<1x24x576xf32>,
    %get3A_394 = arith.constant 1 : index
    %get3A_395 = arith.constant 0 : index
    %get3A_396 = arith.constant 264 : index
    %get3A_397 = vector.load %arg1[%get3A_394, %get3A_395, %get3A_396] : memref<4x24x1152xf32, #tpu.memory_space<vmem>>, vector<1x24x576xf32>
    %get3A_398 = vector.shape_cast %get3A_397 : vector<1x24x576xf32> to vector<24x576xf32>
    %swap3A_399 = arith.constant 1 : index
    %swap3A_400 = arith.constant 288 : index
    %swap3A_401 = arith.constant 0 : index
    %swap3A_402 = vector.load %arg3[%swap3A_399, %swap3A_400, %swap3A_401] : memref<4x576x576xf32, #tpu.memory_space<vmem>>, vector<1x24x576xf32>
    %swap3A_403 = vector.shape_cast %swap3A_402 : vector<1x24x576xf32> to vector<24x576xf32>
    %swap3A_404 = vector.shape_cast %get3A_398 : vector<24x576xf32> to vector<1x24x576xf32>
    tpu.vector_store %arg3[%swap3A_399, %swap3A_400, %swap3A_401], %swap3A_404 {strides = array<i32>} : memref<4x576x576xf32, #tpu.memory_space<vmem>>, vector<1x24x576xf32>,
    %get3A_405 = arith.constant 1 : index
    %get3A_406 = arith.constant 0 : index
    %get3A_407 = arith.constant 240 : index
    %get3A_408 = vector.load %arg1[%get3A_405, %get3A_406, %get3A_407] : memref<4x24x1152xf32, #tpu.memory_space<vmem>>, vector<1x24x576xf32>
    %get3A_409 = vector.shape_cast %get3A_408 : vector<1x24x576xf32> to vector<24x576xf32>
    %swap3A_410 = arith.constant 1 : index
    %swap3A_411 = arith.constant 312 : index
    %swap3A_412 = arith.constant 0 : index
    %swap3A_413 = vector.load %arg3[%swap3A_410, %swap3A_411, %swap3A_412] : memref<4x576x576xf32, #tpu.memory_space<vmem>>, vector<1x24x576xf32>
    %swap3A_414 = vector.shape_cast %swap3A_413 : vector<1x24x576xf32> to vector<24x576xf32>
    %swap3A_415 = vector.shape_cast %get3A_409 : vector<24x576xf32> to vector<1x24x576xf32>
    tpu.vector_store %arg3[%swap3A_410, %swap3A_411, %swap3A_412], %swap3A_415 {strides = array<i32>} : memref<4x576x576xf32, #tpu.memory_space<vmem>>, vector<1x24x576xf32>,
    %get3A_416 = arith.constant 1 : index
    %get3A_417 = arith.constant 0 : index
    %get3A_418 = arith.constant 216 : index
    %get3A_419 = vector.load %arg1[%get3A_416, %get3A_417, %get3A_418] : memref<4x24x1152xf32, #tpu.memory_space<vmem>>, vector<1x24x576xf32>
    %get3A_420 = vector.shape_cast %get3A_419 : vector<1x24x576xf32> to vector<24x576xf32>
    %swap3A_421 = arith.constant 1 : index
    %swap3A_422 = arith.constant 336 : index
    %swap3A_423 = arith.constant 0 : index
    %swap3A_424 = vector.load %arg3[%swap3A_421, %swap3A_422, %swap3A_423] : memref<4x576x576xf32, #tpu.memory_space<vmem>>, vector<1x24x576xf32>
    %swap3A_425 = vector.shape_cast %swap3A_424 : vector<1x24x576xf32> to vector<24x576xf32>
    %swap3A_426 = vector.shape_cast %get3A_420 : vector<24x576xf32> to vector<1x24x576xf32>
    tpu.vector_store %arg3[%swap3A_421, %swap3A_422, %swap3A_423], %swap3A_426 {strides = array<i32>} : memref<4x576x576xf32, #tpu.memory_space<vmem>>, vector<1x24x576xf32>,
    %get3A_427 = arith.constant 1 : index
    %get3A_428 = arith.constant 0 : index
    %get3A_429 = arith.constant 192 : index
    %get3A_430 = vector.load %arg1[%get3A_427, %get3A_428, %get3A_429] : memref<4x24x1152xf32, #tpu.memory_space<vmem>>, vector<1x24x576xf32>
    %get3A_431 = vector.shape_cast %get3A_430 : vector<1x24x576xf32> to vector<24x576xf32>
    %swap3A_432 = arith.constant 1 : index
    %swap3A_433 = arith.constant 360 : index
    %swap3A_434 = arith.constant 0 : index
    %swap3A_435 = vector.load %arg3[%swap3A_432, %swap3A_433, %swap3A_434] : memref<4x576x576xf32, #tpu.memory_space<vmem>>, vector<1x24x576xf32>
    %swap3A_436 = vector.shape_cast %swap3A_435 : vector<1x24x576xf32> to vector<24x576xf32>
    %swap3A_437 = vector.shape_cast %get3A_431 : vector<24x576xf32> to vector<1x24x576xf32>
    tpu.vector_store %arg3[%swap3A_432, %swap3A_433, %swap3A_434], %swap3A_437 {strides = array<i32>} : memref<4x576x576xf32, #tpu.memory_space<vmem>>, vector<1x24x576xf32>,
    %get3A_438 = arith.constant 1 : index
    %get3A_439 = arith.constant 0 : index
    %get3A_440 = arith.constant 168 : index
    %get3A_441 = vector.load %arg1[%get3A_438, %get3A_439, %get3A_440] : memref<4x24x1152xf32, #tpu.memory_space<vmem>>, vector<1x24x576xf32>
    %get3A_442 = vector.shape_cast %get3A_441 : vector<1x24x576xf32> to vector<24x576xf32>
    %swap3A_443 = arith.constant 1 : index
    %swap3A_444 = arith.constant 384 : index
    %swap3A_445 = arith.constant 0 : index
    %swap3A_446 = vector.load %arg3[%swap3A_443, %swap3A_444, %swap3A_445] : memref<4x576x576xf32, #tpu.memory_space<vmem>>, vector<1x24x576xf32>
    %swap3A_447 = vector.shape_cast %swap3A_446 : vector<1x24x576xf32> to vector<24x576xf32>
    %swap3A_448 = vector.shape_cast %get3A_442 : vector<24x576xf32> to vector<1x24x576xf32>
    tpu.vector_store %arg3[%swap3A_443, %swap3A_444, %swap3A_445], %swap3A_448 {strides = array<i32>} : memref<4x576x576xf32, #tpu.memory_space<vmem>>, vector<1x24x576xf32>,
    %get3A_449 = arith.constant 1 : index
    %get3A_450 = arith.constant 0 : index
    %get3A_451 = arith.constant 144 : index
    %get3A_452 = vector.load %arg1[%get3A_449, %get3A_450, %get3A_451] : memref<4x24x1152xf32, #tpu.memory_space<vmem>>, vector<1x24x576xf32>
    %get3A_453 = vector.shape_cast %get3A_452 : vector<1x24x576xf32> to vector<24x576xf32>
    %swap3A_454 = arith.constant 1 : index
    %swap3A_455 = arith.constant 408 : index
    %swap3A_456 = arith.constant 0 : index
    %swap3A_457 = vector.load %arg3[%swap3A_454, %swap3A_455, %swap3A_456] : memref<4x576x576xf32, #tpu.memory_space<vmem>>, vector<1x24x576xf32>
    %swap3A_458 = vector.shape_cast %swap3A_457 : vector<1x24x576xf32> to vector<24x576xf32>
    %swap3A_459 = vector.shape_cast %get3A_453 : vector<24x576xf32> to vector<1x24x576xf32>
    tpu.vector_store %arg3[%swap3A_454, %swap3A_455, %swap3A_456], %swap3A_459 {strides = array<i32>} : memref<4x576x576xf32, #tpu.memory_space<vmem>>, vector<1x24x576xf32>,
    %get3A_460 = arith.constant 1 : index
    %get3A_461 = arith.constant 0 : index
    %get3A_462 = arith.constant 120 : index
    %get3A_463 = vector.load %arg1[%get3A_460, %get3A_461, %get3A_462] : memref<4x24x1152xf32, #tpu.memory_space<vmem>>, vector<1x24x576xf32>
    %get3A_464 = vector.shape_cast %get3A_463 : vector<1x24x576xf32> to vector<24x576xf32>
    %swap3A_465 = arith.constant 1 : index
    %swap3A_466 = arith.constant 432 : index
    %swap3A_467 = arith.constant 0 : index
    %swap3A_468 = vector.load %arg3[%swap3A_465, %swap3A_466, %swap3A_467] : memref<4x576x576xf32, #tpu.memory_space<vmem>>, vector<1x24x576xf32>
    %swap3A_469 = vector.shape_cast %swap3A_468 : vector<1x24x576xf32> to vector<24x576xf32>
    %swap3A_470 = vector.shape_cast %get3A_464 : vector<24x576xf32> to vector<1x24x576xf32>
    tpu.vector_store %arg3[%swap3A_465, %swap3A_466, %swap3A_467], %swap3A_470 {strides = array<i32>} : memref<4x576x576xf32, #tpu.memory_space<vmem>>, vector<1x24x576xf32>,
    %get3A_471 = arith.constant 1 : index
    %get3A_472 = arith.constant 0 : index
    %get3A_473 = arith.constant 96 : index
    %get3A_474 = vector.load %arg1[%get3A_471, %get3A_472, %get3A_473] : memref<4x24x1152xf32, #tpu.memory_space<vmem>>, vector<1x24x576xf32>
    %get3A_475 = vector.shape_cast %get3A_474 : vector<1x24x576xf32> to vector<24x576xf32>
    %swap3A_476 = arith.constant 1 : index
    %swap3A_477 = arith.constant 456 : index
    %swap3A_478 = arith.constant 0 : index
    %swap3A_479 = vector.load %arg3[%swap3A_476, %swap3A_477, %swap3A_478] : memref<4x576x576xf32, #tpu.memory_space<vmem>>, vector<1x24x576xf32>
    %swap3A_480 = vector.shape_cast %swap3A_479 : vector<1x24x576xf32> to vector<24x576xf32>
    %swap3A_481 = vector.shape_cast %get3A_475 : vector<24x576xf32> to vector<1x24x576xf32>
    tpu.vector_store %arg3[%swap3A_476, %swap3A_477, %swap3A_478], %swap3A_481 {strides = array<i32>} : memref<4x576x576xf32, #tpu.memory_space<vmem>>, vector<1x24x576xf32>,
    %get3A_482 = arith.constant 1 : index
    %get3A_483 = arith.constant 0 : index
    %get3A_484 = arith.constant 72 : index
    %get3A_485 = vector.load %arg1[%get3A_482, %get3A_483, %get3A_484] : memref<4x24x1152xf32, #tpu.memory_space<vmem>>, vector<1x24x576xf32>
    %get3A_486 = vector.shape_cast %get3A_485 : vector<1x24x576xf32> to vector<24x576xf32>
    %swap3A_487 = arith.constant 1 : index
    %swap3A_488 = arith.constant 480 : index
    %swap3A_489 = arith.constant 0 : index
    %swap3A_490 = vector.load %arg3[%swap3A_487, %swap3A_488, %swap3A_489] : memref<4x576x576xf32, #tpu.memory_space<vmem>>, vector<1x24x576xf32>
    %swap3A_491 = vector.shape_cast %swap3A_490 : vector<1x24x576xf32> to vector<24x576xf32>
    %swap3A_492 = vector.shape_cast %get3A_486 : vector<24x576xf32> to vector<1x24x576xf32>
    tpu.vector_store %arg3[%swap3A_487, %swap3A_488, %swap3A_489], %swap3A_492 {strides = array<i32>} : memref<4x576x576xf32, #tpu.memory_space<vmem>>, vector<1x24x576xf32>,
    %get3A_493 = arith.constant 1 : index
    %get3A_494 = arith.constant 0 : index
    %get3A_495 = arith.constant 48 : index
    %get3A_496 = vector.load %arg1[%get3A_493, %get3A_494, %get3A_495] : memref<4x24x1152xf32, #tpu.memory_space<vmem>>, vector<1x24x576xf32>
    %get3A_497 = vector.shape_cast %get3A_496 : vector<1x24x576xf32> to vector<24x576xf32>
    %swap3A_498 = arith.constant 1 : index
    %swap3A_499 = arith.constant 504 : index
    %swap3A_500 = arith.constant 0 : index
    %swap3A_501 = vector.load %arg3[%swap3A_498, %swap3A_499, %swap3A_500] : memref<4x576x576xf32, #tpu.memory_space<vmem>>, vector<1x24x576xf32>
    %swap3A_502 = vector.shape_cast %swap3A_501 : vector<1x24x576xf32> to vector<24x576xf32>
    %swap3A_503 = vector.shape_cast %get3A_497 : vector<24x576xf32> to vector<1x24x576xf32>
    tpu.vector_store %arg3[%swap3A_498, %swap3A_499, %swap3A_500], %swap3A_503 {strides = array<i32>} : memref<4x576x576xf32, #tpu.memory_space<vmem>>, vector<1x24x576xf32>,
    %get3A_504 = arith.constant 1 : index
    %get3A_505 = arith.constant 0 : index
    %get3A_506 = arith.constant 24 : index
    %get3A_507 = vector.load %arg1[%get3A_504, %get3A_505, %get3A_506] : memref<4x24x1152xf32, #tpu.memory_space<vmem>>, vector<1x24x576xf32>
    %get3A_508 = vector.shape_cast %get3A_507 : vector<1x24x576xf32> to vector<24x576xf32>
    %swap3A_509 = arith.constant 1 : index
    %swap3A_510 = arith.constant 528 : index
    %swap3A_511 = arith.constant 0 : index
    %swap3A_512 = vector.load %arg3[%swap3A_509, %swap3A_510, %swap3A_511] : memref<4x576x576xf32, #tpu.memory_space<vmem>>, vector<1x24x576xf32>
    %swap3A_513 = vector.shape_cast %swap3A_512 : vector<1x24x576xf32> to vector<24x576xf32>
    %swap3A_514 = vector.shape_cast %get3A_508 : vector<24x576xf32> to vector<1x24x576xf32>
    tpu.vector_store %arg3[%swap3A_509, %swap3A_510, %swap3A_511], %swap3A_514 {strides = array<i32>} : memref<4x576x576xf32, #tpu.memory_space<vmem>>, vector<1x24x576xf32>,
    %get3A_515 = arith.constant 1 : index
    %get3A_516 = arith.constant 0 : index
    %get3A_517 = arith.constant 0 : index
    %get3A_518 = vector.load %arg1[%get3A_515, %get3A_516, %get3A_517] : memref<4x24x1152xf32, #tpu.memory_space<vmem>>, vector<1x24x576xf32>
    %get3A_519 = vector.shape_cast %get3A_518 : vector<1x24x576xf32> to vector<24x576xf32>
    %swap3A_520 = arith.constant 1 : index
    %swap3A_521 = arith.constant 552 : index
    %swap3A_522 = arith.constant 0 : index
    %swap3A_523 = vector.load %arg3[%swap3A_520, %swap3A_521, %swap3A_522] : memref<4x576x576xf32, #tpu.memory_space<vmem>>, vector<1x24x576xf32>
    %swap3A_524 = vector.shape_cast %swap3A_523 : vector<1x24x576xf32> to vector<24x576xf32>
    %swap3A_525 = vector.shape_cast %get3A_519 : vector<24x576xf32> to vector<1x24x576xf32>
    tpu.vector_store %arg3[%swap3A_520, %swap3A_521, %swap3A_522], %swap3A_525 {strides = array<i32>} : memref<4x576x576xf32, #tpu.memory_space<vmem>>, vector<1x24x576xf32>,
    %get3A_526 = arith.constant 2 : index
    %get3A_527 = arith.constant 0 : index
    %get3A_528 = arith.constant 552 : index
    %get3A_529 = vector.load %arg1[%get3A_526, %get3A_527, %get3A_528] : memref<4x24x1152xf32, #tpu.memory_space<vmem>>, vector<1x24x576xf32>
    %get3A_530 = vector.shape_cast %get3A_529 : vector<1x24x576xf32> to vector<24x576xf32>
    %swap3A_531 = arith.constant 2 : index
    %swap3A_532 = arith.constant 0 : index
    %swap3A_533 = arith.constant 0 : index
    %swap3A_534 = vector.load %arg3[%swap3A_531, %swap3A_532, %swap3A_533] : memref<4x576x576xf32, #tpu.memory_space<vmem>>, vector<1x24x576xf32>
    %swap3A_535 = vector.shape_cast %swap3A_534 : vector<1x24x576xf32> to vector<24x576xf32>
    %swap3A_536 = vector.shape_cast %get3A_530 : vector<24x576xf32> to vector<1x24x576xf32>
    tpu.vector_store %arg3[%swap3A_531, %swap3A_532, %swap3A_533], %swap3A_536 {strides = array<i32>} : memref<4x576x576xf32, #tpu.memory_space<vmem>>, vector<1x24x576xf32>,
    %get3A_537 = arith.constant 2 : index
    %get3A_538 = arith.constant 0 : index
    %get3A_539 = arith.constant 528 : index
    %get3A_540 = vector.load %arg1[%get3A_537, %get3A_538, %get3A_539] : memref<4x24x1152xf32, #tpu.memory_space<vmem>>, vector<1x24x576xf32>
    %get3A_541 = vector.shape_cast %get3A_540 : vector<1x24x576xf32> to vector<24x576xf32>
    %swap3A_542 = arith.constant 2 : index
    %swap3A_543 = arith.constant 24 : index
    %swap3A_544 = arith.constant 0 : index
    %swap3A_545 = vector.load %arg3[%swap3A_542, %swap3A_543, %swap3A_544] : memref<4x576x576xf32, #tpu.memory_space<vmem>>, vector<1x24x576xf32>
    %swap3A_546 = vector.shape_cast %swap3A_545 : vector<1x24x576xf32> to vector<24x576xf32>
    %swap3A_547 = vector.shape_cast %get3A_541 : vector<24x576xf32> to vector<1x24x576xf32>
    tpu.vector_store %arg3[%swap3A_542, %swap3A_543, %swap3A_544], %swap3A_547 {strides = array<i32>} : memref<4x576x576xf32, #tpu.memory_space<vmem>>, vector<1x24x576xf32>,
    %get3A_548 = arith.constant 2 : index
    %get3A_549 = arith.constant 0 : index
    %get3A_550 = arith.constant 504 : index
    %get3A_551 = vector.load %arg1[%get3A_548, %get3A_549, %get3A_550] : memref<4x24x1152xf32, #tpu.memory_space<vmem>>, vector<1x24x576xf32>
    %get3A_552 = vector.shape_cast %get3A_551 : vector<1x24x576xf32> to vector<24x576xf32>
    %swap3A_553 = arith.constant 2 : index
    %swap3A_554 = arith.constant 48 : index
    %swap3A_555 = arith.constant 0 : index
    %swap3A_556 = vector.load %arg3[%swap3A_553, %swap3A_554, %swap3A_555] : memref<4x576x576xf32, #tpu.memory_space<vmem>>, vector<1x24x576xf32>
    %swap3A_557 = vector.shape_cast %swap3A_556 : vector<1x24x576xf32> to vector<24x576xf32>
    %swap3A_558 = vector.shape_cast %get3A_552 : vector<24x576xf32> to vector<1x24x576xf32>
    tpu.vector_store %arg3[%swap3A_553, %swap3A_554, %swap3A_555], %swap3A_558 {strides = array<i32>} : memref<4x576x576xf32, #tpu.memory_space<vmem>>, vector<1x24x576xf32>,
    %get3A_559 = arith.constant 2 : index
    %get3A_560 = arith.constant 0 : index
    %get3A_561 = arith.constant 480 : index
    %get3A_562 = vector.load %arg1[%get3A_559, %get3A_560, %get3A_561] : memref<4x24x1152xf32, #tpu.memory_space<vmem>>, vector<1x24x576xf32>
    %get3A_563 = vector.shape_cast %get3A_562 : vector<1x24x576xf32> to vector<24x576xf32>
    %swap3A_564 = arith.constant 2 : index
    %swap3A_565 = arith.constant 72 : index
    %swap3A_566 = arith.constant 0 : index
    %swap3A_567 = vector.load %arg3[%swap3A_564, %swap3A_565, %swap3A_566] : memref<4x576x576xf32, #tpu.memory_space<vmem>>, vector<1x24x576xf32>
    %swap3A_568 = vector.shape_cast %swap3A_567 : vector<1x24x576xf32> to vector<24x576xf32>
    %swap3A_569 = vector.shape_cast %get3A_563 : vector<24x576xf32> to vector<1x24x576xf32>
    tpu.vector_store %arg3[%swap3A_564, %swap3A_565, %swap3A_566], %swap3A_569 {strides = array<i32>} : memref<4x576x576xf32, #tpu.memory_space<vmem>>, vector<1x24x576xf32>,
    %get3A_570 = arith.constant 2 : index
    %get3A_571 = arith.constant 0 : index
    %get3A_572 = arith.constant 456 : index
    %get3A_573 = vector.load %arg1[%get3A_570, %get3A_571, %get3A_572] : memref<4x24x1152xf32, #tpu.memory_space<vmem>>, vector<1x24x576xf32>
    %get3A_574 = vector.shape_cast %get3A_573 : vector<1x24x576xf32> to vector<24x576xf32>
    %swap3A_575 = arith.constant 2 : index
    %swap3A_576 = arith.constant 96 : index
    %swap3A_577 = arith.constant 0 : index
    %swap3A_578 = vector.load %arg3[%swap3A_575, %swap3A_576, %swap3A_577] : memref<4x576x576xf32, #tpu.memory_space<vmem>>, vector<1x24x576xf32>
    %swap3A_579 = vector.shape_cast %swap3A_578 : vector<1x24x576xf32> to vector<24x576xf32>
    %swap3A_580 = vector.shape_cast %get3A_574 : vector<24x576xf32> to vector<1x24x576xf32>
    tpu.vector_store %arg3[%swap3A_575, %swap3A_576, %swap3A_577], %swap3A_580 {strides = array<i32>} : memref<4x576x576xf32, #tpu.memory_space<vmem>>, vector<1x24x576xf32>,
    %get3A_581 = arith.constant 2 : index
    %get3A_582 = arith.constant 0 : index
    %get3A_583 = arith.constant 432 : index
    %get3A_584 = vector.load %arg1[%get3A_581, %get3A_582, %get3A_583] : memref<4x24x1152xf32, #tpu.memory_space<vmem>>, vector<1x24x576xf32>
    %get3A_585 = vector.shape_cast %get3A_584 : vector<1x24x576xf32> to vector<24x576xf32>
    %swap3A_586 = arith.constant 2 : index
    %swap3A_587 = arith.constant 120 : index
    %swap3A_588 = arith.constant 0 : index
    %swap3A_589 = vector.load %arg3[%swap3A_586, %swap3A_587, %swap3A_588] : memref<4x576x576xf32, #tpu.memory_space<vmem>>, vector<1x24x576xf32>
    %swap3A_590 = vector.shape_cast %swap3A_589 : vector<1x24x576xf32> to vector<24x576xf32>
    %swap3A_591 = vector.shape_cast %get3A_585 : vector<24x576xf32> to vector<1x24x576xf32>
    tpu.vector_store %arg3[%swap3A_586, %swap3A_587, %swap3A_588], %swap3A_591 {strides = array<i32>} : memref<4x576x576xf32, #tpu.memory_space<vmem>>, vector<1x24x576xf32>,
    %get3A_592 = arith.constant 2 : index
    %get3A_593 = arith.constant 0 : index
    %get3A_594 = arith.constant 408 : index
    %get3A_595 = vector.load %arg1[%get3A_592, %get3A_593, %get3A_594] : memref<4x24x1152xf32, #tpu.memory_space<vmem>>, vector<1x24x576xf32>
    %get3A_596 = vector.shape_cast %get3A_595 : vector<1x24x576xf32> to vector<24x576xf32>
    %swap3A_597 = arith.constant 2 : index
    %swap3A_598 = arith.constant 144 : index
    %swap3A_599 = arith.constant 0 : index
    %swap3A_600 = vector.load %arg3[%swap3A_597, %swap3A_598, %swap3A_599] : memref<4x576x576xf32, #tpu.memory_space<vmem>>, vector<1x24x576xf32>
    %swap3A_601 = vector.shape_cast %swap3A_600 : vector<1x24x576xf32> to vector<24x576xf32>
    %swap3A_602 = vector.shape_cast %get3A_596 : vector<24x576xf32> to vector<1x24x576xf32>
    tpu.vector_store %arg3[%swap3A_597, %swap3A_598, %swap3A_599], %swap3A_602 {strides = array<i32>} : memref<4x576x576xf32, #tpu.memory_space<vmem>>, vector<1x24x576xf32>,
    %get3A_603 = arith.constant 2 : index
    %get3A_604 = arith.constant 0 : index
    %get3A_605 = arith.constant 384 : index
    %get3A_606 = vector.load %arg1[%get3A_603, %get3A_604, %get3A_605] : memref<4x24x1152xf32, #tpu.memory_space<vmem>>, vector<1x24x576xf32>
    %get3A_607 = vector.shape_cast %get3A_606 : vector<1x24x576xf32> to vector<24x576xf32>
    %swap3A_608 = arith.constant 2 : index
    %swap3A_609 = arith.constant 168 : index
    %swap3A_610 = arith.constant 0 : index
    %swap3A_611 = vector.load %arg3[%swap3A_608, %swap3A_609, %swap3A_610] : memref<4x576x576xf32, #tpu.memory_space<vmem>>, vector<1x24x576xf32>
    %swap3A_612 = vector.shape_cast %swap3A_611 : vector<1x24x576xf32> to vector<24x576xf32>
    %swap3A_613 = vector.shape_cast %get3A_607 : vector<24x576xf32> to vector<1x24x576xf32>
    tpu.vector_store %arg3[%swap3A_608, %swap3A_609, %swap3A_610], %swap3A_613 {strides = array<i32>} : memref<4x576x576xf32, #tpu.memory_space<vmem>>, vector<1x24x576xf32>,
    %get3A_614 = arith.constant 2 : index
    %get3A_615 = arith.constant 0 : index
    %get3A_616 = arith.constant 360 : index
    %get3A_617 = vector.load %arg1[%get3A_614, %get3A_615, %get3A_616] : memref<4x24x1152xf32, #tpu.memory_space<vmem>>, vector<1x24x576xf32>
    %get3A_618 = vector.shape_cast %get3A_617 : vector<1x24x576xf32> to vector<24x576xf32>
    %swap3A_619 = arith.constant 2 : index
    %swap3A_620 = arith.constant 192 : index
    %swap3A_621 = arith.constant 0 : index
    %swap3A_622 = vector.load %arg3[%swap3A_619, %swap3A_620, %swap3A_621] : memref<4x576x576xf32, #tpu.memory_space<vmem>>, vector<1x24x576xf32>
    %swap3A_623 = vector.shape_cast %swap3A_622 : vector<1x24x576xf32> to vector<24x576xf32>
    %swap3A_624 = vector.shape_cast %get3A_618 : vector<24x576xf32> to vector<1x24x576xf32>
    tpu.vector_store %arg3[%swap3A_619, %swap3A_620, %swap3A_621], %swap3A_624 {strides = array<i32>} : memref<4x576x576xf32, #tpu.memory_space<vmem>>, vector<1x24x576xf32>,
    %get3A_625 = arith.constant 2 : index
    %get3A_626 = arith.constant 0 : index
    %get3A_627 = arith.constant 336 : index
    %get3A_628 = vector.load %arg1[%get3A_625, %get3A_626, %get3A_627] : memref<4x24x1152xf32, #tpu.memory_space<vmem>>, vector<1x24x576xf32>
    %get3A_629 = vector.shape_cast %get3A_628 : vector<1x24x576xf32> to vector<24x576xf32>
    %swap3A_630 = arith.constant 2 : index
    %swap3A_631 = arith.constant 216 : index
    %swap3A_632 = arith.constant 0 : index
    %swap3A_633 = vector.load %arg3[%swap3A_630, %swap3A_631, %swap3A_632] : memref<4x576x576xf32, #tpu.memory_space<vmem>>, vector<1x24x576xf32>
    %swap3A_634 = vector.shape_cast %swap3A_633 : vector<1x24x576xf32> to vector<24x576xf32>
    %swap3A_635 = vector.shape_cast %get3A_629 : vector<24x576xf32> to vector<1x24x576xf32>
    tpu.vector_store %arg3[%swap3A_630, %swap3A_631, %swap3A_632], %swap3A_635 {strides = array<i32>} : memref<4x576x576xf32, #tpu.memory_space<vmem>>, vector<1x24x576xf32>,
    %get3A_636 = arith.constant 2 : index
    %get3A_637 = arith.constant 0 : index
    %get3A_638 = arith.constant 312 : index
    %get3A_639 = vector.load %arg1[%get3A_636, %get3A_637, %get3A_638] : memref<4x24x1152xf32, #tpu.memory_space<vmem>>, vector<1x24x576xf32>
    %get3A_640 = vector.shape_cast %get3A_639 : vector<1x24x576xf32> to vector<24x576xf32>
    %swap3A_641 = arith.constant 2 : index
    %swap3A_642 = arith.constant 240 : index
    %swap3A_643 = arith.constant 0 : index
    %swap3A_644 = vector.load %arg3[%swap3A_641, %swap3A_642, %swap3A_643] : memref<4x576x576xf32, #tpu.memory_space<vmem>>, vector<1x24x576xf32>
    %swap3A_645 = vector.shape_cast %swap3A_644 : vector<1x24x576xf32> to vector<24x576xf32>
    %swap3A_646 = vector.shape_cast %get3A_640 : vector<24x576xf32> to vector<1x24x576xf32>
    tpu.vector_store %arg3[%swap3A_641, %swap3A_642, %swap3A_643], %swap3A_646 {strides = array<i32>} : memref<4x576x576xf32, #tpu.memory_space<vmem>>, vector<1x24x576xf32>,
    %get3A_647 = arith.constant 2 : index
    %get3A_648 = arith.constant 0 : index
    %get3A_649 = arith.constant 288 : index
    %get3A_650 = vector.load %arg1[%get3A_647, %get3A_648, %get3A_649] : memref<4x24x1152xf32, #tpu.memory_space<vmem>>, vector<1x24x576xf32>
    %get3A_651 = vector.shape_cast %get3A_650 : vector<1x24x576xf32> to vector<24x576xf32>
    %swap3A_652 = arith.constant 2 : index
    %swap3A_653 = arith.constant 264 : index
    %swap3A_654 = arith.constant 0 : index
    %swap3A_655 = vector.load %arg3[%swap3A_652, %swap3A_653, %swap3A_654] : memref<4x576x576xf32, #tpu.memory_space<vmem>>, vector<1x24x576xf32>
    %swap3A_656 = vector.shape_cast %swap3A_655 : vector<1x24x576xf32> to vector<24x576xf32>
    %swap3A_657 = vector.shape_cast %get3A_651 : vector<24x576xf32> to vector<1x24x576xf32>
    tpu.vector_store %arg3[%swap3A_652, %swap3A_653, %swap3A_654], %swap3A_657 {strides = array<i32>} : memref<4x576x576xf32, #tpu.memory_space<vmem>>, vector<1x24x576xf32>,
    %get3A_658 = arith.constant 2 : index
    %get3A_659 = arith.constant 0 : index
    %get3A_660 = arith.constant 264 : index
    %get3A_661 = vector.load %arg1[%get3A_658, %get3A_659, %get3A_660] : memref<4x24x1152xf32, #tpu.memory_space<vmem>>, vector<1x24x576xf32>
    %get3A_662 = vector.shape_cast %get3A_661 : vector<1x24x576xf32> to vector<24x576xf32>
    %swap3A_663 = arith.constant 2 : index
    %swap3A_664 = arith.constant 288 : index
    %swap3A_665 = arith.constant 0 : index
    %swap3A_666 = vector.load %arg3[%swap3A_663, %swap3A_664, %swap3A_665] : memref<4x576x576xf32, #tpu.memory_space<vmem>>, vector<1x24x576xf32>
    %swap3A_667 = vector.shape_cast %swap3A_666 : vector<1x24x576xf32> to vector<24x576xf32>
    %swap3A_668 = vector.shape_cast %get3A_662 : vector<24x576xf32> to vector<1x24x576xf32>
    tpu.vector_store %arg3[%swap3A_663, %swap3A_664, %swap3A_665], %swap3A_668 {strides = array<i32>} : memref<4x576x576xf32, #tpu.memory_space<vmem>>, vector<1x24x576xf32>,
    %get3A_669 = arith.constant 2 : index
    %get3A_670 = arith.constant 0 : index
    %get3A_671 = arith.constant 240 : index
    %get3A_672 = vector.load %arg1[%get3A_669, %get3A_670, %get3A_671] : memref<4x24x1152xf32, #tpu.memory_space<vmem>>, vector<1x24x576xf32>
    %get3A_673 = vector.shape_cast %get3A_672 : vector<1x24x576xf32> to vector<24x576xf32>
    %swap3A_674 = arith.constant 2 : index
    %swap3A_675 = arith.constant 312 : index
    %swap3A_676 = arith.constant 0 : index
    %swap3A_677 = vector.load %arg3[%swap3A_674, %swap3A_675, %swap3A_676] : memref<4x576x576xf32, #tpu.memory_space<vmem>>, vector<1x24x576xf32>
    %swap3A_678 = vector.shape_cast %swap3A_677 : vector<1x24x576xf32> to vector<24x576xf32>
    %swap3A_679 = vector.shape_cast %get3A_673 : vector<24x576xf32> to vector<1x24x576xf32>
    tpu.vector_store %arg3[%swap3A_674, %swap3A_675, %swap3A_676], %swap3A_679 {strides = array<i32>} : memref<4x576x576xf32, #tpu.memory_space<vmem>>, vector<1x24x576xf32>,
    %get3A_680 = arith.constant 2 : index
    %get3A_681 = arith.constant 0 : index
    %get3A_682 = arith.constant 216 : index
    %get3A_683 = vector.load %arg1[%get3A_680, %get3A_681, %get3A_682] : memref<4x24x1152xf32, #tpu.memory_space<vmem>>, vector<1x24x576xf32>
    %get3A_684 = vector.shape_cast %get3A_683 : vector<1x24x576xf32> to vector<24x576xf32>
    %swap3A_685 = arith.constant 2 : index
    %swap3A_686 = arith.constant 336 : index
    %swap3A_687 = arith.constant 0 : index
    %swap3A_688 = vector.load %arg3[%swap3A_685, %swap3A_686, %swap3A_687] : memref<4x576x576xf32, #tpu.memory_space<vmem>>, vector<1x24x576xf32>
    %swap3A_689 = vector.shape_cast %swap3A_688 : vector<1x24x576xf32> to vector<24x576xf32>
    %swap3A_690 = vector.shape_cast %get3A_684 : vector<24x576xf32> to vector<1x24x576xf32>
    tpu.vector_store %arg3[%swap3A_685, %swap3A_686, %swap3A_687], %swap3A_690 {strides = array<i32>} : memref<4x576x576xf32, #tpu.memory_space<vmem>>, vector<1x24x576xf32>,
    %get3A_691 = arith.constant 2 : index
    %get3A_692 = arith.constant 0 : index
    %get3A_693 = arith.constant 192 : index
    %get3A_694 = vector.load %arg1[%get3A_691, %get3A_692, %get3A_693] : memref<4x24x1152xf32, #tpu.memory_space<vmem>>, vector<1x24x576xf32>
    %get3A_695 = vector.shape_cast %get3A_694 : vector<1x24x576xf32> to vector<24x576xf32>
    %swap3A_696 = arith.constant 2 : index
    %swap3A_697 = arith.constant 360 : index
    %swap3A_698 = arith.constant 0 : index
    %swap3A_699 = vector.load %arg3[%swap3A_696, %swap3A_697, %swap3A_698] : memref<4x576x576xf32, #tpu.memory_space<vmem>>, vector<1x24x576xf32>
    %swap3A_700 = vector.shape_cast %swap3A_699 : vector<1x24x576xf32> to vector<24x576xf32>
    %swap3A_701 = vector.shape_cast %get3A_695 : vector<24x576xf32> to vector<1x24x576xf32>
    tpu.vector_store %arg3[%swap3A_696, %swap3A_697, %swap3A_698], %swap3A_701 {strides = array<i32>} : memref<4x576x576xf32, #tpu.memory_space<vmem>>, vector<1x24x576xf32>,
    %get3A_702 = arith.constant 2 : index
    %get3A_703 = arith.constant 0 : index
    %get3A_704 = arith.constant 168 : index
    %get3A_705 = vector.load %arg1[%get3A_702, %get3A_703, %get3A_704] : memref<4x24x1152xf32, #tpu.memory_space<vmem>>, vector<1x24x576xf32>
    %get3A_706 = vector.shape_cast %get3A_705 : vector<1x24x576xf32> to vector<24x576xf32>
    %swap3A_707 = arith.constant 2 : index
    %swap3A_708 = arith.constant 384 : index
    %swap3A_709 = arith.constant 0 : index
    %swap3A_710 = vector.load %arg3[%swap3A_707, %swap3A_708, %swap3A_709] : memref<4x576x576xf32, #tpu.memory_space<vmem>>, vector<1x24x576xf32>
    %swap3A_711 = vector.shape_cast %swap3A_710 : vector<1x24x576xf32> to vector<24x576xf32>
    %swap3A_712 = vector.shape_cast %get3A_706 : vector<24x576xf32> to vector<1x24x576xf32>
    tpu.vector_store %arg3[%swap3A_707, %swap3A_708, %swap3A_709], %swap3A_712 {strides = array<i32>} : memref<4x576x576xf32, #tpu.memory_space<vmem>>, vector<1x24x576xf32>,
    %get3A_713 = arith.constant 2 : index
    %get3A_714 = arith.constant 0 : index
    %get3A_715 = arith.constant 144 : index
    %get3A_716 = vector.load %arg1[%get3A_713, %get3A_714, %get3A_715] : memref<4x24x1152xf32, #tpu.memory_space<vmem>>, vector<1x24x576xf32>
    %get3A_717 = vector.shape_cast %get3A_716 : vector<1x24x576xf32> to vector<24x576xf32>
    %swap3A_718 = arith.constant 2 : index
    %swap3A_719 = arith.constant 408 : index
    %swap3A_720 = arith.constant 0 : index
    %swap3A_721 = vector.load %arg3[%swap3A_718, %swap3A_719, %swap3A_720] : memref<4x576x576xf32, #tpu.memory_space<vmem>>, vector<1x24x576xf32>
    %swap3A_722 = vector.shape_cast %swap3A_721 : vector<1x24x576xf32> to vector<24x576xf32>
    %swap3A_723 = vector.shape_cast %get3A_717 : vector<24x576xf32> to vector<1x24x576xf32>
    tpu.vector_store %arg3[%swap3A_718, %swap3A_719, %swap3A_720], %swap3A_723 {strides = array<i32>} : memref<4x576x576xf32, #tpu.memory_space<vmem>>, vector<1x24x576xf32>,
    %get3A_724 = arith.constant 2 : index
    %get3A_725 = arith.constant 0 : index
    %get3A_726 = arith.constant 120 : index
    %get3A_727 = vector.load %arg1[%get3A_724, %get3A_725, %get3A_726] : memref<4x24x1152xf32, #tpu.memory_space<vmem>>, vector<1x24x576xf32>
    %get3A_728 = vector.shape_cast %get3A_727 : vector<1x24x576xf32> to vector<24x576xf32>
    %swap3A_729 = arith.constant 2 : index
    %swap3A_730 = arith.constant 432 : index
    %swap3A_731 = arith.constant 0 : index
    %swap3A_732 = vector.load %arg3[%swap3A_729, %swap3A_730, %swap3A_731] : memref<4x576x576xf32, #tpu.memory_space<vmem>>, vector<1x24x576xf32>
    %swap3A_733 = vector.shape_cast %swap3A_732 : vector<1x24x576xf32> to vector<24x576xf32>
    %swap3A_734 = vector.shape_cast %get3A_728 : vector<24x576xf32> to vector<1x24x576xf32>
    tpu.vector_store %arg3[%swap3A_729, %swap3A_730, %swap3A_731], %swap3A_734 {strides = array<i32>} : memref<4x576x576xf32, #tpu.memory_space<vmem>>, vector<1x24x576xf32>,
    %get3A_735 = arith.constant 2 : index
    %get3A_736 = arith.constant 0 : index
    %get3A_737 = arith.constant 96 : index
    %get3A_738 = vector.load %arg1[%get3A_735, %get3A_736, %get3A_737] : memref<4x24x1152xf32, #tpu.memory_space<vmem>>, vector<1x24x576xf32>
    %get3A_739 = vector.shape_cast %get3A_738 : vector<1x24x576xf32> to vector<24x576xf32>
    %swap3A_740 = arith.constant 2 : index
    %swap3A_741 = arith.constant 456 : index
    %swap3A_742 = arith.constant 0 : index
    %swap3A_743 = vector.load %arg3[%swap3A_740, %swap3A_741, %swap3A_742] : memref<4x576x576xf32, #tpu.memory_space<vmem>>, vector<1x24x576xf32>
    %swap3A_744 = vector.shape_cast %swap3A_743 : vector<1x24x576xf32> to vector<24x576xf32>
    %swap3A_745 = vector.shape_cast %get3A_739 : vector<24x576xf32> to vector<1x24x576xf32>
    tpu.vector_store %arg3[%swap3A_740, %swap3A_741, %swap3A_742], %swap3A_745 {strides = array<i32>} : memref<4x576x576xf32, #tpu.memory_space<vmem>>, vector<1x24x576xf32>,
    %get3A_746 = arith.constant 2 : index
    %get3A_747 = arith.constant 0 : index
    %get3A_748 = arith.constant 72 : index
    %get3A_749 = vector.load %arg1[%get3A_746, %get3A_747, %get3A_748] : memref<4x24x1152xf32, #tpu.memory_space<vmem>>, vector<1x24x576xf32>
    %get3A_750 = vector.shape_cast %get3A_749 : vector<1x24x576xf32> to vector<24x576xf32>
    %swap3A_751 = arith.constant 2 : index
    %swap3A_752 = arith.constant 480 : index
    %swap3A_753 = arith.constant 0 : index
    %swap3A_754 = vector.load %arg3[%swap3A_751, %swap3A_752, %swap3A_753] : memref<4x576x576xf32, #tpu.memory_space<vmem>>, vector<1x24x576xf32>
    %swap3A_755 = vector.shape_cast %swap3A_754 : vector<1x24x576xf32> to vector<24x576xf32>
    %swap3A_756 = vector.shape_cast %get3A_750 : vector<24x576xf32> to vector<1x24x576xf32>
    tpu.vector_store %arg3[%swap3A_751, %swap3A_752, %swap3A_753], %swap3A_756 {strides = array<i32>} : memref<4x576x576xf32, #tpu.memory_space<vmem>>, vector<1x24x576xf32>,
    %get3A_757 = arith.constant 2 : index
    %get3A_758 = arith.constant 0 : index
    %get3A_759 = arith.constant 48 : index
    %get3A_760 = vector.load %arg1[%get3A_757, %get3A_758, %get3A_759] : memref<4x24x1152xf32, #tpu.memory_space<vmem>>, vector<1x24x576xf32>
    %get3A_761 = vector.shape_cast %get3A_760 : vector<1x24x576xf32> to vector<24x576xf32>
    %swap3A_762 = arith.constant 2 : index
    %swap3A_763 = arith.constant 504 : index
    %swap3A_764 = arith.constant 0 : index
    %swap3A_765 = vector.load %arg3[%swap3A_762, %swap3A_763, %swap3A_764] : memref<4x576x576xf32, #tpu.memory_space<vmem>>, vector<1x24x576xf32>
    %swap3A_766 = vector.shape_cast %swap3A_765 : vector<1x24x576xf32> to vector<24x576xf32>
    %swap3A_767 = vector.shape_cast %get3A_761 : vector<24x576xf32> to vector<1x24x576xf32>
    tpu.vector_store %arg3[%swap3A_762, %swap3A_763, %swap3A_764], %swap3A_767 {strides = array<i32>} : memref<4x576x576xf32, #tpu.memory_space<vmem>>, vector<1x24x576xf32>,
    %get3A_768 = arith.constant 2 : index
    %get3A_769 = arith.constant 0 : index
    %get3A_770 = arith.constant 24 : index
    %get3A_771 = vector.load %arg1[%get3A_768, %get3A_769, %get3A_770] : memref<4x24x1152xf32, #tpu.memory_space<vmem>>, vector<1x24x576xf32>
    %get3A_772 = vector.shape_cast %get3A_771 : vector<1x24x576xf32> to vector<24x576xf32>
    %swap3A_773 = arith.constant 2 : index
    %swap3A_774 = arith.constant 528 : index
    %swap3A_775 = arith.constant 0 : index
    %swap3A_776 = vector.load %arg3[%swap3A_773, %swap3A_774, %swap3A_775] : memref<4x576x576xf32, #tpu.memory_space<vmem>>, vector<1x24x576xf32>
    %swap3A_777 = vector.shape_cast %swap3A_776 : vector<1x24x576xf32> to vector<24x576xf32>
    %swap3A_778 = vector.shape_cast %get3A_772 : vector<24x576xf32> to vector<1x24x576xf32>
    tpu.vector_store %arg3[%swap3A_773, %swap3A_774, %swap3A_775], %swap3A_778 {strides = array<i32>} : memref<4x576x576xf32, #tpu.memory_space<vmem>>, vector<1x24x576xf32>,
    %get3A_779 = arith.constant 2 : index
    %get3A_780 = arith.constant 0 : index
    %get3A_781 = arith.constant 0 : index
    %get3A_782 = vector.load %arg1[%get3A_779, %get3A_780, %get3A_781] : memref<4x24x1152xf32, #tpu.memory_space<vmem>>, vector<1x24x576xf32>
    %get3A_783 = vector.shape_cast %get3A_782 : vector<1x24x576xf32> to vector<24x576xf32>
    %swap3A_784 = arith.constant 2 : index
    %swap3A_785 = arith.constant 552 : index
    %swap3A_786 = arith.constant 0 : index
    %swap3A_787 = vector.load %arg3[%swap3A_784, %swap3A_785, %swap3A_786] : memref<4x576x576xf32, #tpu.memory_space<vmem>>, vector<1x24x576xf32>
    %swap3A_788 = vector.shape_cast %swap3A_787 : vector<1x24x576xf32> to vector<24x576xf32>
    %swap3A_789 = vector.shape_cast %get3A_783 : vector<24x576xf32> to vector<1x24x576xf32>
    tpu.vector_store %arg3[%swap3A_784, %swap3A_785, %swap3A_786], %swap3A_789 {strides = array<i32>} : memref<4x576x576xf32, #tpu.memory_space<vmem>>, vector<1x24x576xf32>,
    %get3A_790 = arith.constant 3 : index
    %get3A_791 = arith.constant 0 : index
    %get3A_792 = arith.constant 552 : index
    %get3A_793 = vector.load %arg1[%get3A_790, %get3A_791, %get3A_792] : memref<4x24x1152xf32, #tpu.memory_space<vmem>>, vector<1x24x576xf32>
    %get3A_794 = vector.shape_cast %get3A_793 : vector<1x24x576xf32> to vector<24x576xf32>
    %swap3A_795 = arith.constant 3 : index
    %swap3A_796 = arith.constant 0 : index
    %swap3A_797 = arith.constant 0 : index
    %swap3A_798 = vector.load %arg3[%swap3A_795, %swap3A_796, %swap3A_797] : memref<4x576x576xf32, #tpu.memory_space<vmem>>, vector<1x24x576xf32>
    %swap3A_799 = vector.shape_cast %swap3A_798 : vector<1x24x576xf32> to vector<24x576xf32>
    %swap3A_800 = vector.shape_cast %get3A_794 : vector<24x576xf32> to vector<1x24x576xf32>
    tpu.vector_store %arg3[%swap3A_795, %swap3A_796, %swap3A_797], %swap3A_800 {strides = array<i32>} : memref<4x576x576xf32, #tpu.memory_space<vmem>>, vector<1x24x576xf32>,
    %get3A_801 = arith.constant 3 : index
    %get3A_802 = arith.constant 0 : index
    %get3A_803 = arith.constant 528 : index
    %get3A_804 = vector.load %arg1[%get3A_801, %get3A_802, %get3A_803] : memref<4x24x1152xf32, #tpu.memory_space<vmem>>, vector<1x24x576xf32>
    %get3A_805 = vector.shape_cast %get3A_804 : vector<1x24x576xf32> to vector<24x576xf32>
    %swap3A_806 = arith.constant 3 : index
    %swap3A_807 = arith.constant 24 : index
    %swap3A_808 = arith.constant 0 : index
    %swap3A_809 = vector.load %arg3[%swap3A_806, %swap3A_807, %swap3A_808] : memref<4x576x576xf32, #tpu.memory_space<vmem>>, vector<1x24x576xf32>
    %swap3A_810 = vector.shape_cast %swap3A_809 : vector<1x24x576xf32> to vector<24x576xf32>
    %swap3A_811 = vector.shape_cast %get3A_805 : vector<24x576xf32> to vector<1x24x576xf32>
    tpu.vector_store %arg3[%swap3A_806, %swap3A_807, %swap3A_808], %swap3A_811 {strides = array<i32>} : memref<4x576x576xf32, #tpu.memory_space<vmem>>, vector<1x24x576xf32>,
    %get3A_812 = arith.constant 3 : index
    %get3A_813 = arith.constant 0 : index
    %get3A_814 = arith.constant 504 : index
    %get3A_815 = vector.load %arg1[%get3A_812, %get3A_813, %get3A_814] : memref<4x24x1152xf32, #tpu.memory_space<vmem>>, vector<1x24x576xf32>
    %get3A_816 = vector.shape_cast %get3A_815 : vector<1x24x576xf32> to vector<24x576xf32>
    %swap3A_817 = arith.constant 3 : index
    %swap3A_818 = arith.constant 48 : index
    %swap3A_819 = arith.constant 0 : index
    %swap3A_820 = vector.load %arg3[%swap3A_817, %swap3A_818, %swap3A_819] : memref<4x576x576xf32, #tpu.memory_space<vmem>>, vector<1x24x576xf32>
    %swap3A_821 = vector.shape_cast %swap3A_820 : vector<1x24x576xf32> to vector<24x576xf32>
    %swap3A_822 = vector.shape_cast %get3A_816 : vector<24x576xf32> to vector<1x24x576xf32>
    tpu.vector_store %arg3[%swap3A_817, %swap3A_818, %swap3A_819], %swap3A_822 {strides = array<i32>} : memref<4x576x576xf32, #tpu.memory_space<vmem>>, vector<1x24x576xf32>,
    %get3A_823 = arith.constant 3 : index
    %get3A_824 = arith.constant 0 : index
    %get3A_825 = arith.constant 480 : index
    %get3A_826 = vector.load %arg1[%get3A_823, %get3A_824, %get3A_825] : memref<4x24x1152xf32, #tpu.memory_space<vmem>>, vector<1x24x576xf32>
    %get3A_827 = vector.shape_cast %get3A_826 : vector<1x24x576xf32> to vector<24x576xf32>
    %swap3A_828 = arith.constant 3 : index
    %swap3A_829 = arith.constant 72 : index
    %swap3A_830 = arith.constant 0 : index
    %swap3A_831 = vector.load %arg3[%swap3A_828, %swap3A_829, %swap3A_830] : memref<4x576x576xf32, #tpu.memory_space<vmem>>, vector<1x24x576xf32>
    %swap3A_832 = vector.shape_cast %swap3A_831 : vector<1x24x576xf32> to vector<24x576xf32>
    %swap3A_833 = vector.shape_cast %get3A_827 : vector<24x576xf32> to vector<1x24x576xf32>
    tpu.vector_store %arg3[%swap3A_828, %swap3A_829, %swap3A_830], %swap3A_833 {strides = array<i32>} : memref<4x576x576xf32, #tpu.memory_space<vmem>>, vector<1x24x576xf32>,
    %get3A_834 = arith.constant 3 : index
    %get3A_835 = arith.constant 0 : index
    %get3A_836 = arith.constant 456 : index
    %get3A_837 = vector.load %arg1[%get3A_834, %get3A_835, %get3A_836] : memref<4x24x1152xf32, #tpu.memory_space<vmem>>, vector<1x24x576xf32>
    %get3A_838 = vector.shape_cast %get3A_837 : vector<1x24x576xf32> to vector<24x576xf32>
    %swap3A_839 = arith.constant 3 : index
    %swap3A_840 = arith.constant 96 : index
    %swap3A_841 = arith.constant 0 : index
    %swap3A_842 = vector.load %arg3[%swap3A_839, %swap3A_840, %swap3A_841] : memref<4x576x576xf32, #tpu.memory_space<vmem>>, vector<1x24x576xf32>
    %swap3A_843 = vector.shape_cast %swap3A_842 : vector<1x24x576xf32> to vector<24x576xf32>
    %swap3A_844 = vector.shape_cast %get3A_838 : vector<24x576xf32> to vector<1x24x576xf32>
    tpu.vector_store %arg3[%swap3A_839, %swap3A_840, %swap3A_841], %swap3A_844 {strides = array<i32>} : memref<4x576x576xf32, #tpu.memory_space<vmem>>, vector<1x24x576xf32>,
    %get3A_845 = arith.constant 3 : index
    %get3A_846 = arith.constant 0 : index
    %get3A_847 = arith.constant 432 : index
    %get3A_848 = vector.load %arg1[%get3A_845, %get3A_846, %get3A_847] : memref<4x24x1152xf32, #tpu.memory_space<vmem>>, vector<1x24x576xf32>
    %get3A_849 = vector.shape_cast %get3A_848 : vector<1x24x576xf32> to vector<24x576xf32>
    %swap3A_850 = arith.constant 3 : index
    %swap3A_851 = arith.constant 120 : index
    %swap3A_852 = arith.constant 0 : index
    %swap3A_853 = vector.load %arg3[%swap3A_850, %swap3A_851, %swap3A_852] : memref<4x576x576xf32, #tpu.memory_space<vmem>>, vector<1x24x576xf32>
    %swap3A_854 = vector.shape_cast %swap3A_853 : vector<1x24x576xf32> to vector<24x576xf32>
    %swap3A_855 = vector.shape_cast %get3A_849 : vector<24x576xf32> to vector<1x24x576xf32>
    tpu.vector_store %arg3[%swap3A_850, %swap3A_851, %swap3A_852], %swap3A_855 {strides = array<i32>} : memref<4x576x576xf32, #tpu.memory_space<vmem>>, vector<1x24x576xf32>,
    %get3A_856 = arith.constant 3 : index
    %get3A_857 = arith.constant 0 : index
    %get3A_858 = arith.constant 408 : index
    %get3A_859 = vector.load %arg1[%get3A_856, %get3A_857, %get3A_858] : memref<4x24x1152xf32, #tpu.memory_space<vmem>>, vector<1x24x576xf32>
    %get3A_860 = vector.shape_cast %get3A_859 : vector<1x24x576xf32> to vector<24x576xf32>
    %swap3A_861 = arith.constant 3 : index
    %swap3A_862 = arith.constant 144 : index
    %swap3A_863 = arith.constant 0 : index
    %swap3A_864 = vector.load %arg3[%swap3A_861, %swap3A_862, %swap3A_863] : memref<4x576x576xf32, #tpu.memory_space<vmem>>, vector<1x24x576xf32>
    %swap3A_865 = vector.shape_cast %swap3A_864 : vector<1x24x576xf32> to vector<24x576xf32>
    %swap3A_866 = vector.shape_cast %get3A_860 : vector<24x576xf32> to vector<1x24x576xf32>
    tpu.vector_store %arg3[%swap3A_861, %swap3A_862, %swap3A_863], %swap3A_866 {strides = array<i32>} : memref<4x576x576xf32, #tpu.memory_space<vmem>>, vector<1x24x576xf32>,
    %get3A_867 = arith.constant 3 : index
    %get3A_868 = arith.constant 0 : index
    %get3A_869 = arith.constant 384 : index
    %get3A_870 = vector.load %arg1[%get3A_867, %get3A_868, %get3A_869] : memref<4x24x1152xf32, #tpu.memory_space<vmem>>, vector<1x24x576xf32>
    %get3A_871 = vector.shape_cast %get3A_870 : vector<1x24x576xf32> to vector<24x576xf32>
    %swap3A_872 = arith.constant 3 : index
    %swap3A_873 = arith.constant 168 : index
    %swap3A_874 = arith.constant 0 : index
    %swap3A_875 = vector.load %arg3[%swap3A_872, %swap3A_873, %swap3A_874] : memref<4x576x576xf32, #tpu.memory_space<vmem>>, vector<1x24x576xf32>
    %swap3A_876 = vector.shape_cast %swap3A_875 : vector<1x24x576xf32> to vector<24x576xf32>
    %swap3A_877 = vector.shape_cast %get3A_871 : vector<24x576xf32> to vector<1x24x576xf32>
    tpu.vector_store %arg3[%swap3A_872, %swap3A_873, %swap3A_874], %swap3A_877 {strides = array<i32>} : memref<4x576x576xf32, #tpu.memory_space<vmem>>, vector<1x24x576xf32>,
    %get3A_878 = arith.constant 3 : index
    %get3A_879 = arith.constant 0 : index
    %get3A_880 = arith.constant 360 : index
    %get3A_881 = vector.load %arg1[%get3A_878, %get3A_879, %get3A_880] : memref<4x24x1152xf32, #tpu.memory_space<vmem>>, vector<1x24x576xf32>
    %get3A_882 = vector.shape_cast %get3A_881 : vector<1x24x576xf32> to vector<24x576xf32>
    %swap3A_883 = arith.constant 3 : index
    %swap3A_884 = arith.constant 192 : index
    %swap3A_885 = arith.constant 0 : index
    %swap3A_886 = vector.load %arg3[%swap3A_883, %swap3A_884, %swap3A_885] : memref<4x576x576xf32, #tpu.memory_space<vmem>>, vector<1x24x576xf32>
    %swap3A_887 = vector.shape_cast %swap3A_886 : vector<1x24x576xf32> to vector<24x576xf32>
    %swap3A_888 = vector.shape_cast %get3A_882 : vector<24x576xf32> to vector<1x24x576xf32>
    tpu.vector_store %arg3[%swap3A_883, %swap3A_884, %swap3A_885], %swap3A_888 {strides = array<i32>} : memref<4x576x576xf32, #tpu.memory_space<vmem>>, vector<1x24x576xf32>,
    %get3A_889 = arith.constant 3 : index
    %get3A_890 = arith.constant 0 : index
    %get3A_891 = arith.constant 336 : index
    %get3A_892 = vector.load %arg1[%get3A_889, %get3A_890, %get3A_891] : memref<4x24x1152xf32, #tpu.memory_space<vmem>>, vector<1x24x576xf32>
    %get3A_893 = vector.shape_cast %get3A_892 : vector<1x24x576xf32> to vector<24x576xf32>
    %swap3A_894 = arith.constant 3 : index
    %swap3A_895 = arith.constant 216 : index
    %swap3A_896 = arith.constant 0 : index
    %swap3A_897 = vector.load %arg3[%swap3A_894, %swap3A_895, %swap3A_896] : memref<4x576x576xf32, #tpu.memory_space<vmem>>, vector<1x24x576xf32>
    %swap3A_898 = vector.shape_cast %swap3A_897 : vector<1x24x576xf32> to vector<24x576xf32>
    %swap3A_899 = vector.shape_cast %get3A_893 : vector<24x576xf32> to vector<1x24x576xf32>
    tpu.vector_store %arg3[%swap3A_894, %swap3A_895, %swap3A_896], %swap3A_899 {strides = array<i32>} : memref<4x576x576xf32, #tpu.memory_space<vmem>>, vector<1x24x576xf32>,
    %get3A_900 = arith.constant 3 : index
    %get3A_901 = arith.constant 0 : index
    %get3A_902 = arith.constant 312 : index
    %get3A_903 = vector.load %arg1[%get3A_900, %get3A_901, %get3A_902] : memref<4x24x1152xf32, #tpu.memory_space<vmem>>, vector<1x24x576xf32>
    %get3A_904 = vector.shape_cast %get3A_903 : vector<1x24x576xf32> to vector<24x576xf32>
    %swap3A_905 = arith.constant 3 : index
    %swap3A_906 = arith.constant 240 : index
    %swap3A_907 = arith.constant 0 : index
    %swap3A_908 = vector.load %arg3[%swap3A_905, %swap3A_906, %swap3A_907] : memref<4x576x576xf32, #tpu.memory_space<vmem>>, vector<1x24x576xf32>
    %swap3A_909 = vector.shape_cast %swap3A_908 : vector<1x24x576xf32> to vector<24x576xf32>
    %swap3A_910 = vector.shape_cast %get3A_904 : vector<24x576xf32> to vector<1x24x576xf32>
    tpu.vector_store %arg3[%swap3A_905, %swap3A_906, %swap3A_907], %swap3A_910 {strides = array<i32>} : memref<4x576x576xf32, #tpu.memory_space<vmem>>, vector<1x24x576xf32>,
    %get3A_911 = arith.constant 3 : index
    %get3A_912 = arith.constant 0 : index
    %get3A_913 = arith.constant 288 : index
    %get3A_914 = vector.load %arg1[%get3A_911, %get3A_912, %get3A_913] : memref<4x24x1152xf32, #tpu.memory_space<vmem>>, vector<1x24x576xf32>
    %get3A_915 = vector.shape_cast %get3A_914 : vector<1x24x576xf32> to vector<24x576xf32>
    %swap3A_916 = arith.constant 3 : index
    %swap3A_917 = arith.constant 264 : index
    %swap3A_918 = arith.constant 0 : index
    %swap3A_919 = vector.load %arg3[%swap3A_916, %swap3A_917, %swap3A_918] : memref<4x576x576xf32, #tpu.memory_space<vmem>>, vector<1x24x576xf32>
    %swap3A_920 = vector.shape_cast %swap3A_919 : vector<1x24x576xf32> to vector<24x576xf32>
    %swap3A_921 = vector.shape_cast %get3A_915 : vector<24x576xf32> to vector<1x24x576xf32>
    tpu.vector_store %arg3[%swap3A_916, %swap3A_917, %swap3A_918], %swap3A_921 {strides = array<i32>} : memref<4x576x576xf32, #tpu.memory_space<vmem>>, vector<1x24x576xf32>,
    %get3A_922 = arith.constant 3 : index
    %get3A_923 = arith.constant 0 : index
    %get3A_924 = arith.constant 264 : index
    %get3A_925 = vector.load %arg1[%get3A_922, %get3A_923, %get3A_924] : memref<4x24x1152xf32, #tpu.memory_space<vmem>>, vector<1x24x576xf32>
    %get3A_926 = vector.shape_cast %get3A_925 : vector<1x24x576xf32> to vector<24x576xf32>
    %swap3A_927 = arith.constant 3 : index
    %swap3A_928 = arith.constant 288 : index
    %swap3A_929 = arith.constant 0 : index
    %swap3A_930 = vector.load %arg3[%swap3A_927, %swap3A_928, %swap3A_929] : memref<4x576x576xf32, #tpu.memory_space<vmem>>, vector<1x24x576xf32>
    %swap3A_931 = vector.shape_cast %swap3A_930 : vector<1x24x576xf32> to vector<24x576xf32>
    %swap3A_932 = vector.shape_cast %get3A_926 : vector<24x576xf32> to vector<1x24x576xf32>
    tpu.vector_store %arg3[%swap3A_927, %swap3A_928, %swap3A_929], %swap3A_932 {strides = array<i32>} : memref<4x576x576xf32, #tpu.memory_space<vmem>>, vector<1x24x576xf32>,
    %get3A_933 = arith.constant 3 : index
    %get3A_934 = arith.constant 0 : index
    %get3A_935 = arith.constant 240 : index
    %get3A_936 = vector.load %arg1[%get3A_933, %get3A_934, %get3A_935] : memref<4x24x1152xf32, #tpu.memory_space<vmem>>, vector<1x24x576xf32>
    %get3A_937 = vector.shape_cast %get3A_936 : vector<1x24x576xf32> to vector<24x576xf32>
    %swap3A_938 = arith.constant 3 : index
    %swap3A_939 = arith.constant 312 : index
    %swap3A_940 = arith.constant 0 : index
    %swap3A_941 = vector.load %arg3[%swap3A_938, %swap3A_939, %swap3A_940] : memref<4x576x576xf32, #tpu.memory_space<vmem>>, vector<1x24x576xf32>
    %swap3A_942 = vector.shape_cast %swap3A_941 : vector<1x24x576xf32> to vector<24x576xf32>
    %swap3A_943 = vector.shape_cast %get3A_937 : vector<24x576xf32> to vector<1x24x576xf32>
    tpu.vector_store %arg3[%swap3A_938, %swap3A_939, %swap3A_940], %swap3A_943 {strides = array<i32>} : memref<4x576x576xf32, #tpu.memory_space<vmem>>, vector<1x24x576xf32>,
    %get3A_944 = arith.constant 3 : index
    %get3A_945 = arith.constant 0 : index
    %get3A_946 = arith.constant 216 : index
    %get3A_947 = vector.load %arg1[%get3A_944, %get3A_945, %get3A_946] : memref<4x24x1152xf32, #tpu.memory_space<vmem>>, vector<1x24x576xf32>
    %get3A_948 = vector.shape_cast %get3A_947 : vector<1x24x576xf32> to vector<24x576xf32>
    %swap3A_949 = arith.constant 3 : index
    %swap3A_950 = arith.constant 336 : index
    %swap3A_951 = arith.constant 0 : index
    %swap3A_952 = vector.load %arg3[%swap3A_949, %swap3A_950, %swap3A_951] : memref<4x576x576xf32, #tpu.memory_space<vmem>>, vector<1x24x576xf32>
    %swap3A_953 = vector.shape_cast %swap3A_952 : vector<1x24x576xf32> to vector<24x576xf32>
    %swap3A_954 = vector.shape_cast %get3A_948 : vector<24x576xf32> to vector<1x24x576xf32>
    tpu.vector_store %arg3[%swap3A_949, %swap3A_950, %swap3A_951], %swap3A_954 {strides = array<i32>} : memref<4x576x576xf32, #tpu.memory_space<vmem>>, vector<1x24x576xf32>,
    %get3A_955 = arith.constant 3 : index
    %get3A_956 = arith.constant 0 : index
    %get3A_957 = arith.constant 192 : index
    %get3A_958 = vector.load %arg1[%get3A_955, %get3A_956, %get3A_957] : memref<4x24x1152xf32, #tpu.memory_space<vmem>>, vector<1x24x576xf32>
    %get3A_959 = vector.shape_cast %get3A_958 : vector<1x24x576xf32> to vector<24x576xf32>
    %swap3A_960 = arith.constant 3 : index
    %swap3A_961 = arith.constant 360 : index
    %swap3A_962 = arith.constant 0 : index
    %swap3A_963 = vector.load %arg3[%swap3A_960, %swap3A_961, %swap3A_962] : memref<4x576x576xf32, #tpu.memory_space<vmem>>, vector<1x24x576xf32>
    %swap3A_964 = vector.shape_cast %swap3A_963 : vector<1x24x576xf32> to vector<24x576xf32>
    %swap3A_965 = vector.shape_cast %get3A_959 : vector<24x576xf32> to vector<1x24x576xf32>
    tpu.vector_store %arg3[%swap3A_960, %swap3A_961, %swap3A_962], %swap3A_965 {strides = array<i32>} : memref<4x576x576xf32, #tpu.memory_space<vmem>>, vector<1x24x576xf32>,
    %get3A_966 = arith.constant 3 : index
    %get3A_967 = arith.constant 0 : index
    %get3A_968 = arith.constant 168 : index
    %get3A_969 = vector.load %arg1[%get3A_966, %get3A_967, %get3A_968] : memref<4x24x1152xf32, #tpu.memory_space<vmem>>, vector<1x24x576xf32>
    %get3A_970 = vector.shape_cast %get3A_969 : vector<1x24x576xf32> to vector<24x576xf32>
    %swap3A_971 = arith.constant 3 : index
    %swap3A_972 = arith.constant 384 : index
    %swap3A_973 = arith.constant 0 : index
    %swap3A_974 = vector.load %arg3[%swap3A_971, %swap3A_972, %swap3A_973] : memref<4x576x576xf32, #tpu.memory_space<vmem>>, vector<1x24x576xf32>
    %swap3A_975 = vector.shape_cast %swap3A_974 : vector<1x24x576xf32> to vector<24x576xf32>
    %swap3A_976 = vector.shape_cast %get3A_970 : vector<24x576xf32> to vector<1x24x576xf32>
    tpu.vector_store %arg3[%swap3A_971, %swap3A_972, %swap3A_973], %swap3A_976 {strides = array<i32>} : memref<4x576x576xf32, #tpu.memory_space<vmem>>, vector<1x24x576xf32>,
    %get3A_977 = arith.constant 3 : index
    %get3A_978 = arith.constant 0 : index
    %get3A_979 = arith.constant 144 : index
    %get3A_980 = vector.load %arg1[%get3A_977, %get3A_978, %get3A_979] : memref<4x24x1152xf32, #tpu.memory_space<vmem>>, vector<1x24x576xf32>
    %get3A_981 = vector.shape_cast %get3A_980 : vector<1x24x576xf32> to vector<24x576xf32>
    %swap3A_982 = arith.constant 3 : index
    %swap3A_983 = arith.constant 408 : index
    %swap3A_984 = arith.constant 0 : index
    %swap3A_985 = vector.load %arg3[%swap3A_982, %swap3A_983, %swap3A_984] : memref<4x576x576xf32, #tpu.memory_space<vmem>>, vector<1x24x576xf32>
    %swap3A_986 = vector.shape_cast %swap3A_985 : vector<1x24x576xf32> to vector<24x576xf32>
    %swap3A_987 = vector.shape_cast %get3A_981 : vector<24x576xf32> to vector<1x24x576xf32>
    tpu.vector_store %arg3[%swap3A_982, %swap3A_983, %swap3A_984], %swap3A_987 {strides = array<i32>} : memref<4x576x576xf32, #tpu.memory_space<vmem>>, vector<1x24x576xf32>,
    %get3A_988 = arith.constant 3 : index
    %get3A_989 = arith.constant 0 : index
    %get3A_990 = arith.constant 120 : index
    %get3A_991 = vector.load %arg1[%get3A_988, %get3A_989, %get3A_990] : memref<4x24x1152xf32, #tpu.memory_space<vmem>>, vector<1x24x576xf32>
    %get3A_992 = vector.shape_cast %get3A_991 : vector<1x24x576xf32> to vector<24x576xf32>
    %swap3A_993 = arith.constant 3 : index
    %swap3A_994 = arith.constant 432 : index
    %swap3A_995 = arith.constant 0 : index
    %swap3A_996 = vector.load %arg3[%swap3A_993, %swap3A_994, %swap3A_995] : memref<4x576x576xf32, #tpu.memory_space<vmem>>, vector<1x24x576xf32>
    %swap3A_997 = vector.shape_cast %swap3A_996 : vector<1x24x576xf32> to vector<24x576xf32>
    %swap3A_998 = vector.shape_cast %get3A_992 : vector<24x576xf32> to vector<1x24x576xf32>
    tpu.vector_store %arg3[%swap3A_993, %swap3A_994, %swap3A_995], %swap3A_998 {strides = array<i32>} : memref<4x576x576xf32, #tpu.memory_space<vmem>>, vector<1x24x576xf32>,
    %get3A_999 = arith.constant 3 : index
    %get3A_1000 = arith.constant 0 : index
    %get3A_1001 = arith.constant 96 : index
    %get3A_1002 = vector.load %arg1[%get3A_999, %get3A_1000, %get3A_1001] : memref<4x24x1152xf32, #tpu.memory_space<vmem>>, vector<1x24x576xf32>
    %get3A_1003 = vector.shape_cast %get3A_1002 : vector<1x24x576xf32> to vector<24x576xf32>
    %swap3A_1004 = arith.constant 3 : index
    %swap3A_1005 = arith.constant 456 : index
    %swap3A_1006 = arith.constant 0 : index
    %swap3A_1007 = vector.load %arg3[%swap3A_1004, %swap3A_1005, %swap3A_1006] : memref<4x576x576xf32, #tpu.memory_space<vmem>>, vector<1x24x576xf32>
    %swap3A_1008 = vector.shape_cast %swap3A_1007 : vector<1x24x576xf32> to vector<24x576xf32>
    %swap3A_1009 = vector.shape_cast %get3A_1003 : vector<24x576xf32> to vector<1x24x576xf32>
    tpu.vector_store %arg3[%swap3A_1004, %swap3A_1005, %swap3A_1006], %swap3A_1009 {strides = array<i32>} : memref<4x576x576xf32, #tpu.memory_space<vmem>>, vector<1x24x576xf32>,
    %get3A_1010 = arith.constant 3 : index
    %get3A_1011 = arith.constant 0 : index
    %get3A_1012 = arith.constant 72 : index
    %get3A_1013 = vector.load %arg1[%get3A_1010, %get3A_1011, %get3A_1012] : memref<4x24x1152xf32, #tpu.memory_space<vmem>>, vector<1x24x576xf32>
    %get3A_1014 = vector.shape_cast %get3A_1013 : vector<1x24x576xf32> to vector<24x576xf32>
    %swap3A_1015 = arith.constant 3 : index
    %swap3A_1016 = arith.constant 480 : index
    %swap3A_1017 = arith.constant 0 : index
    %swap3A_1018 = vector.load %arg3[%swap3A_1015, %swap3A_1016, %swap3A_1017] : memref<4x576x576xf32, #tpu.memory_space<vmem>>, vector<1x24x576xf32>
    %swap3A_1019 = vector.shape_cast %swap3A_1018 : vector<1x24x576xf32> to vector<24x576xf32>
    %swap3A_1020 = vector.shape_cast %get3A_1014 : vector<24x576xf32> to vector<1x24x576xf32>
    tpu.vector_store %arg3[%swap3A_1015, %swap3A_1016, %swap3A_1017], %swap3A_1020 {strides = array<i32>} : memref<4x576x576xf32, #tpu.memory_space<vmem>>, vector<1x24x576xf32>,
    %get3A_1021 = arith.constant 3 : index
    %get3A_1022 = arith.constant 0 : index
    %get3A_1023 = arith.constant 48 : index
    %get3A_1024 = vector.load %arg1[%get3A_1021, %get3A_1022, %get3A_1023] : memref<4x24x1152xf32, #tpu.memory_space<vmem>>, vector<1x24x576xf32>
    %get3A_1025 = vector.shape_cast %get3A_1024 : vector<1x24x576xf32> to vector<24x576xf32>
    %swap3A_1026 = arith.constant 3 : index
    %swap3A_1027 = arith.constant 504 : index
    %swap3A_1028 = arith.constant 0 : index
    %swap3A_1029 = vector.load %arg3[%swap3A_1026, %swap3A_1027, %swap3A_1028] : memref<4x576x576xf32, #tpu.memory_space<vmem>>, vector<1x24x576xf32>
    %swap3A_1030 = vector.shape_cast %swap3A_1029 : vector<1x24x576xf32> to vector<24x576xf32>
    %swap3A_1031 = vector.shape_cast %get3A_1025 : vector<24x576xf32> to vector<1x24x576xf32>
    tpu.vector_store %arg3[%swap3A_1026, %swap3A_1027, %swap3A_1028], %swap3A_1031 {strides = array<i32>} : memref<4x576x576xf32, #tpu.memory_space<vmem>>, vector<1x24x576xf32>,
    %get3A_1032 = arith.constant 3 : index
    %get3A_1033 = arith.constant 0 : index
    %get3A_1034 = arith.constant 24 : index
    %get3A_1035 = vector.load %arg1[%get3A_1032, %get3A_1033, %get3A_1034] : memref<4x24x1152xf32, #tpu.memory_space<vmem>>, vector<1x24x576xf32>
    %get3A_1036 = vector.shape_cast %get3A_1035 : vector<1x24x576xf32> to vector<24x576xf32>
    %swap3A_1037 = arith.constant 3 : index
    %swap3A_1038 = arith.constant 528 : index
    %swap3A_1039 = arith.constant 0 : index
    %swap3A_1040 = vector.load %arg3[%swap3A_1037, %swap3A_1038, %swap3A_1039] : memref<4x576x576xf32, #tpu.memory_space<vmem>>, vector<1x24x576xf32>
    %swap3A_1041 = vector.shape_cast %swap3A_1040 : vector<1x24x576xf32> to vector<24x576xf32>
    %swap3A_1042 = vector.shape_cast %get3A_1036 : vector<24x576xf32> to vector<1x24x576xf32>
    tpu.vector_store %arg3[%swap3A_1037, %swap3A_1038, %swap3A_1039], %swap3A_1042 {strides = array<i32>} : memref<4x576x576xf32, #tpu.memory_space<vmem>>, vector<1x24x576xf32>,
    %get3A_1043 = arith.constant 3 : index
    %get3A_1044 = arith.constant 0 : index
    %get3A_1045 = arith.constant 0 : index
    %get3A_1046 = vector.load %arg1[%get3A_1043, %get3A_1044, %get3A_1045] : memref<4x24x1152xf32, #tpu.memory_space<vmem>>, vector<1x24x576xf32>
    %get3A_1047 = vector.shape_cast %get3A_1046 : vector<1x24x576xf32> to vector<24x576xf32>
    %swap3A_1048 = arith.constant 3 : index
    %swap3A_1049 = arith.constant 552 : index
    %swap3A_1050 = arith.constant 0 : index
    %swap3A_1051 = vector.load %arg3[%swap3A_1048, %swap3A_1049, %swap3A_1050] : memref<4x576x576xf32, #tpu.memory_space<vmem>>, vector<1x24x576xf32>
    %swap3A_1052 = vector.shape_cast %swap3A_1051 : vector<1x24x576xf32> to vector<24x576xf32>
    %swap3A_1053 = vector.shape_cast %get3A_1047 : vector<24x576xf32> to vector<1x24x576xf32>
    tpu.vector_store %arg3[%swap3A_1048, %swap3A_1049, %swap3A_1050], %swap3A_1053 {strides = array<i32>} : memref<4x576x576xf32, #tpu.memory_space<vmem>>, vector<1x24x576xf32>,
    return
  }
  func.func @transform_0(%arg0: i32) -> (i32, i32, i32) {
    %c0_i32 = arith.constant 0 : i32
    %c0_i32_0 = arith.constant 0 : i32
    %c0_i32_1 = arith.constant 0 : i32
    return %arg0, %c0_i32, %c0_i32_0 : i32, i32, i32
  }
  func.func @transform_2(%arg0: i32) -> (i32, i32, i32) {
    %add3A = arith.constant 4 : i32
    %add3A_0 = arith.addi %arg0, %add3A : i32
    %c0_i32 = arith.constant 0 : i32
    %c0_i32_1 = arith.constant 0 : i32
    %c0_i32_2 = arith.constant 0 : i32
    return %add3A_0, %c0_i32, %c0_i32_1 : i32, i32, i32
  }
}

</mosaic_0001>

<sc_bundles>
// kernel: _bias.6.cloned.1.call-start
scs
__scs_entry_jumppad:
0x0: {  	(pc) =	sbr.rel $0x88, $3  }
0x1: {  	(tag) =	ssettag $0x0;
	lr =	simm.s32 $0x1  }
0x2: {  	[smem:$0x3FA0] =	sst lr;
	_ =	strace $0xD0000000  }
0x3: {  	_ = 	snop  }
0x4: {  	_ = 	snop  }
0x5: {  	_ = 	snop  }
0x6: {  	_ = 	snop  }
0x7: {  	_ = 	snop  }
__scs_overlays_trampoline_lowered:
0x8: {  	[smem:$0x3FAF] =	sst s0  }
0x9: {  	[smem:$0x3FB0] =	sst s1  }
0xa: {  	[smem:$0x3FB1] =	sst s2  }
0xb: {  	[smem:$0x3FB2] =	sst s3  }
0xc: {  	[smem:$0x3FB3] =	sst s4  }
0xd: {  	[smem:$0x3FB4] =	sst s5  }
0xe: {  	[smem:$0x3FB5] =	sst s6  }
0xf: {  	[smem:$0x3FB6] =	sst s7  }
0x10: {  	[smem:$0x3FB7] =	sst s8  }
0x11: {  	[smem:$0x3FB8] =	sst s9;
	s0 =	simm.s32 @!p0 $0x0  }
0x12: {  	s1 =	sld [smem:$0x3F9E];
	s0 =	simm.s32 @p0 $0x1  }
0x13: {  	[smem:$0x3FB9] =	sst s0;
	s0 =	simm.s32 @!p1 $0x0  }
0x14: {  	s2 =	sld [smem:$0x3F9D];
	s0 =	simm.s32 @p1 $0x1  }
0x15: {  	[smem:$0x3FBA] =	sst s0;
	s0 =	simm.s32 @!p2 $0x0  }
0x16: {  	s3 =	sld [smem:$0x3FDB];
	s0 =	simm.s32 @p2 $0x1  }
0x17: {  	s4 =	simm.s32 $0x1BF5;
	[smem:$0x3FBC] =	sst s0  }
0x18: {  	s0 =	sld [smem:$0x3F9F];
	_ =	swait.ge [sflag:s4], $0x0  }
0x19: {  	s7 =	sld [smem:$0x3FA0]  }
0x1a: {  	s8 =	sadd.s32 $0xFFFFE003, lr  }
0x1b: {  	s9 =	sadd.s32 $0xFFFFFEF7, lr;
	s5 =	simm.s32 $0xFFFFFFFF;
	p2 =	slt.u32 s8, $0xFFFFF086  }
0x1c: {  	p1 =	slt.u32 s9, $0xF7A;
	s5 =	simm.s32 @!p2 $0x0  }
0x1d: {  	s5 =	simm.s32 @p1 $0x1;
	p0 =	seq.s32 s7, s2  }
0x1e: {  	s7 =	smul.u32 @!p0 $0xF7A, s2;
	p2 =	seq.s32 @!p0 s5, $0x0  }
0x1f: {  	s9 =	smul.u32 $0xF7A, s1;
	s8 =	simm.s32 @!p0 $0x1BF5;
	p2 =	por !p2, p0  }
0x20: {  	[sflag:s8] =	ssyncset.s32 @!p0 $0xFFFFF086;
	s6 =	sadd.s32 @!p0 s3, s7;
	s7 =	simm.s32 @!p0 $0x108  }
0x21: {  	s3 =	sadd.s32 s3, s9;
	s6 =	sadd.s32 @!p0 $0x88, s6;
	s7 =	simm.s32 @p2 $0x1082  }
0x22: {  	[simem:s7], [sflag:s8] =	dma.local @!p0 [hbm:s6], $0xF7A  }
0x23: {  	s9 =	sor.u32 $0xD0000000, s2;
	s6 =	simm.s32 $0x108;
	_ =	swait.ge @!p0 [sflag:s8], $0x0  }
0x24: {  	s3 =	sadd.s32 $0x88, s3;
	s6 =	simm.s32 @!p1 $0x1082;
	[sflag:s4] =	ssyncset.s32 $0xFFFFF086  }
0x25: {  	[simem:s6], [sflag:s4] =	dma.local [hbm:s3], $0xF7A  }
0x26: {  	[smem:$0x3FA0] =	sst s1;
	(tag) =	ssettag s2;
	_ =	strace s9  }
0x27: {  	s1 =	sld [smem:$0x3FB0]  }
0x28: {  	s2 =	sld [smem:$0x3FB1]  }
0x29: {  	s4 =	sld [smem:$0x3FB3]  }
0x2a: {  	p0 =	seq.s32 s5, $0x0;
	s5 =	sld [smem:$0x3FB4]  }
0x2b: {  	s6 =	sld [smem:$0x3FB5]  }
0x2c: {  	s7 =	sld [smem:$0x3FB6]  }
0x2d: {  	s3 =	simm.s32 $0x108;
	s8 =	sld [smem:$0x3FB7]  }
0x2e: {  	s3 =	simm.s32 @!p0 $0x1082;
	s9 =	sld [smem:$0x3FB8]  }
0x2f: {  	lr =	sadd.s32 s0, s3;
	s0 =	sld [smem:$0x3FAF]  }
0x30: {  	s3 =	sld [smem:$0x3FB2]  }
0x31: {  	[smem:$0x3FBB] =	sst s10  }
0x32: {  	s10 =	sld [smem:$0x3FB9];
	_ =	sdelay $0x3  }
0x33: {  	p0 =	seq.s32 s10, $0x1;
	s10 =	sld [smem:$0x3FBB];
	_ =	sdelay $0x3  }
0x34: {  	[smem:$0x3FBB] =	sst s10  }
0x35: {  	s10 =	sld [smem:$0x3FBA];
	_ =	sdelay $0x3  }
0x36: {  	p1 =	seq.s32 s10, $0x1;
	s10 =	sld [smem:$0x3FBB];
	_ =	sdelay $0x3  }
0x37: {  	[smem:$0x3FBB] =	sst s10  }
0x38: {  	s10 =	sld [smem:$0x3FBC]  }
0x39: {  	_ = 	snop;
	(pc) =	sbr.ind lr, $3  }
0x3a: {  	_ = 	snop  }
0x3b: {  	_ = 	snop  }
0x3c: {  	p2 =	seq.s32 s10, $0x1;
	s10 =	sld [smem:$0x3FBB]  }
0x3d: {  	_ =	shalt  }
0x3e: {  	_ =	shalt  }
0x3f: {  	_ =	shalt  }
0x40: {  	_ =	shalt  }
0x41: {  	_ =	shalt  }
0x42: {  	_ =	shalt  }
0x43: {  	_ =	shalt  }
0x44: {  	_ =	shalt  }
0x45: {  	_ =	shalt  }
0x46: {  	_ =	shalt  }
0x47: {  	_ =	shalt  }
0x48: {  	_ =	shalt  }
0x49: {  	_ =	shalt  }
0x4a: {  	_ =	shalt  }
0x4b: {  	_ =	shalt  }
0x4c: {  	_ =	shalt  }
0x4d: {  	_ =	shalt  }
0x4e: {  	_ =	shalt  }
0x4f: {  	_ =	shalt  }
0x50: {  	_ =	shalt  }
0x51: {  	_ =	shalt  }
0x52: {  	_ =	shalt  }
0x53: {  	_ =	shalt  }
0x54: {  	_ =	shalt  }
0x55: {  	_ =	shalt  }
0x56: {  	_ =	shalt  }
0x57: {  	_ =	shalt  }
0x58: {  	_ =	shalt  }
0x59: {  	_ =	shalt  }
0x5a: {  	_ =	shalt  }
0x5b: {  	_ =	shalt  }
0x5c: {  	_ =	shalt  }
0x5d: {  	_ =	shalt  }
0x5e: {  	_ =	shalt  }
0x5f: {  	_ =	shalt  }
0x60: {  	_ =	shalt  }
0x61: {  	_ =	shalt  }
0x62: {  	_ =	shalt  }
0x63: {  	_ =	shalt  }
0x64: {  	_ =	shalt  }
0x65: {  	_ =	shalt  }
0x66: {  	_ =	shalt  }
0x67: {  	_ =	shalt  }
0x68: {  	_ =	shalt  }
0x69: {  	_ =	shalt  }
0x6a: {  	_ =	shalt  }
0x6b: {  	_ =	shalt  }
0x6c: {  	_ =	shalt  }
0x6d: {  	_ =	shalt  }
0x6e: {  	_ =	shalt  }
0x6f: {  	_ =	shalt  }
0x70: {  	_ =	shalt  }
0x71: {  	_ =	shalt  }
0x72: {  	_ =	shalt  }
0x73: {  	_ =	shalt  }
0x74: {  	_ =	shalt  }
0x75: {  	_ =	shalt  }
0x76: {  	_ =	shalt  }
0x77: {  	_ =	shalt  }
0x78: {  	_ =	shalt  }
0x79: {  	_ =	shalt  }
0x7a: {  	_ =	shalt  }
0x7b: {  	_ =	shalt  }
0x7c: {  	_ =	shalt  }
0x7d: {  	_ =	shalt  }
0x7e: {  	_ =	shalt  }
0x7f: {  	_ =	shalt  }
0x80: {  	_ =	shalt  }
0x81: {  	_ =	shalt  }
0x82: {  	_ =	shalt  }
0x83: {  	_ =	shalt  }
0x84: {  	_ =	shalt  }
0x85: {  	_ =	shalt  }
0x86: {  	_ =	shalt  }
0x87: {  	_ =	shalt  }
.Lfunc_end0:
.L_simem_size_0:
called_computation_lowered:
.L_overlay_start_0:
0x88: {  	s2 =	sld [smem:$0x3FD9]  }
0x89: {  	s3 =	sld [smem:$0x3FFE];
	_ =	sdelay $0x1  }
0x8a: {  	s1 =	srdreg.scid  }
0x8b: {  	s0 =	sand.u32 $0x1, s1  }
0x8c: {  	s16 =	sshll.u32 s0, $0xA;
	s2 =	sadd.s32 s3, s2  }
0x8d: {  	s2 =	sadd.s32 s2, s16  }
0x8e: {  	[smem:$0x3FC7] =	sst s2  }
0x8f: {  	_ = 	snop  }
0x90: {  	(tm) =	ssettm $0x1  }
0x91: {  	s17 =	sld [smem:$0x3FFB];
	_ =	sdelay $0x3  }
0x92: {  	_ =	strace s17  }
0x93: {  	s2 =	sld [smem:$0x3FFC];
	_ =	sdelay $0x3  }
0x94: {  	_ =	strace s2  }
0x95: {  	s2 =	sld [smem:$0x3FFD];
	_ =	sdelay $0x3  }
0x96: {  	_ =	strace s2  }
0x97: {  	_ =	strace $0x8FFFFFFF  }
0x98: {  	s18 =	sld [smem:$0x3FDB];
	_ =	sdelay $0x1  }
0x99: {  	s19 =	simm.s32 $_scs_section_size  }
0x9a: {  	s4 =	simm.s32 $_size__tile_overlayer_lowered;
	s5 =	simm.s32 $_tile_overlayer_lowered  }
0x9b: {  	s22 =	simm.s32 $0x1BFF;
	s21 =	sshll.u32 s5, $0x1;
	s2 =	sadd.s32 s19, s18  }
0x9c: {  	s6 =	simm.s32 $0x0;
	s20 =	sshll.u32 s4, $0x1;
	s4 =	sadd.s32 s21, s2  }
0x9d: {  	[timem:s6], [sflag:s22] =	dma.local [hbm:s4], s20  }
0x9e: {  	_ =	swait.ge [sflag:s22], s20  }
0x9f: {  	s3 =	ssub.s32 $0x0, s20;
	[sflag:s22] =	ssyncset.done $0x0  }
0xa0: {  	[sflag:s22] =	ssyncadd.s32 s3;
	_ =	sdelay $0x1  }
0xa1: {  	s23 =	simm.s32 $0x1B8B  }
0xa2: {  	_ =	swait.ge [sflag:s23], $0x1  }
0xa3: {  	[sflag:s23] =	ssyncset.done $0x0  }
0xa4: {  	s25 =	simm.s32 $0x1B8E;
	s24 =	sld [smem:$0x3FFE];
	[sflag:s23] =	ssyncadd.s32 $0xFFFFFFFF  }
0xa5: {  	s26 =	simm.s32 $execute0_lowered;
	[smem:$0x3FD2] =	sst s25  }
0xa6: {  	s4 =	sshll.u32 s26, $0x1;
	_ =	strace $0x80000046;
	[dreg:$0x1] =	wrdreg $0xFFFFFFFF  }
0xa7: {  	s28 =	simm.s32 $_size_execute0_lowered;
	s2 =	sadd.s32 s2, s4;
	[dreg:$0x0] =	wrdreg $0x0  }
0xa8: {  	s4 =	sshll.u32 s28, $0x1;
	[dreg:$0x2] =	wrdreg s2  }
0xa9: {  	[dreg:$0x3] =	wrdreg s4  }
0xaa: {  	[dreg:$0x4] =	wrdreg $0xC0  }
0xab: {  	_ =	task [dreg:s6], $0x5FFFF  }
0xac: {  	[dreg:$0x1] =	wrdreg $0xFFFFFFFF  }
0xad: {  	[dreg:$0x0] =	wrdreg $0x60  }
0xae: {  	[dreg:$0x2] =	wrdreg s24  }
0xaf: {  	[dreg:$0x3] =	wrdreg $0x9  }
0xb0: {  	_ =	task.clear_ibuf [dreg:s6], $0x4FFFF;
	_ =	strace $0x90000046  }
0xb1: {  	s29 =	simm.s32 $0x9;
	_ =	strace $0x80000048  }
0xb2: {  	_ =	swait.ge [sflag:s29], $0x1  }
0xb3: {  	[sflag:s29] =	ssyncadd.s32 $0xFFFFFFFF  }
0xb4: {  	_ =	strace $0x90000048  }
0xb5: {  	_ =	sfence  }
0xb6: {  	s30 =	sld [smem:$0x0];
	_ =	sdelay $0x2  }
0xb7: {  	s31 =	sshll.u32 s1, $0xD;
	s1 =	sshrl.u32 s1, $0x2  }
0xb8: {  	s3 =	sand.u32 $0x4000, s31;
	s1 =	sadd.s32 s1, s30  }
0xb9: {  	s0 =	sor.u32 s3, s0;
	s1 =	sshll.u32 s1, $0x11  }
0xba: {  	s0 =	sor.u32 s1, s0  }
0xbb: {  	s0 =	sadd.s32 $0x8F2B, s0  }
0xbc: {  	[sflag:s0] =	ssyncadd.remote.s32 $0x1  }
0xbd: {  	_ =	sfence.sel $0xFFFF  }
0xbe: {  	[dreg:$0x0] =	wrdreg $0xFFFFFFFF;
	(pc) =	sbr.abs _section_cstart, $3  }
0xbf: {  	[dreg:$0x1] =	wrdreg $0xFFFFFFFF  }
0xc0: {  	_ =	task.clear_ibuf [dreg:s6], $0x2FFFF;
	_ =	strace $0x9FFFFFFF  }
0xc1: {  	(tm) =	ssettm $0x7FFFFFFF  }
tec
execute0_lowered:
.L_overlay_start_1:
0x0: {  	(tag) =	ssettag $0x1  }
0x1: {  	s0 =	srdreg.scid;
	s5 =	rddreg [dreg:$0x0]  }
0x2: {  	s13 =	simm.s32 $0x0;
	s4 =	sand.u32 $0x1, s0;
	s0 =	stileid.u32  }
0x3: {  	s1 =	sor.u32 s4, s0;
	p1 =	seq.s32 s4, $0x1;
	s7 =	smul.u32 $0x240, s4  }
0x4: {  	s2 =	sxor.u32 $0x1, s4;
	s11 =	smul.u32 $0x900, s4;
	p0 =	seq.s32 s1, $0x0  }
0x5: {  	s30 =	ssub.s32 $0x2, s4;
	s12 =	smul.u32 $0x431, s4;
	p0 =	por !p0, !p1  }
0x6: {  	s1 =	simm.s32 $0x1;
	s3 =	smul.u32 $0x10C4, s2;
	p0 =	por !p0, !p0  }
0x7: {  	v18 =	vlaneseq.u32;
	s2 =	simm.s32 $0x0;
	s10 =	sshrl.u32 s30, $0x1;
	s1 =	simm.s32 @!p0 $0x0  }
0x8: {  	v1 =	vmul.u32 $0xFFFFFFE0, v18;
	[smem:$0x7FF] =	sst s2;
	s31 =	sshrl.u32 s11, $0x2;
	s8 =	ssub.s32 s0, s1  }
0x9: {  	s11 =	simm.s32 $0x480;
	s9 =	sadd.s32 s3, s5;
	s6 =	smul.u32 $0x6C00, s8  }
0xa: {  	v2 =	vadd.s32 $0x1E0, v1;
	v1 =	vmov s12;
	s12 =	simm.s32 $0x8F0;
	s3 =	simm.s32 $0x1;
	s4 =	sadd.s32 $0x800, s9  }
0xb: {  	s9 =	simm.s32 $0x2;
	s1 =	rddreg [dreg:$0x1];
	s29 =	sor.u32 s7, s6  }
0xc: {  	v4 =	vmul.u32 $0xFFFFFFFF, v18;
	_ =	strace $0x80000047;
	[tilespmem:$0x1FFE0] =	vst v1;
	v20 =	vmov s8;
	v0 =	vadd.s32 s8, v2;
	s8 =	simm.s32 $0x3EF0;
	s7 =	sshrl.u32 s29, $0x3  }
0xd: {  	[tilespmem:$0x1FFD0] =	vst v0;
	s6 =	ssub.s32 s30, s10;
	s10 =	simm.s32 $0x240;
	s5 =	sadd.s32 s7, s5  }
0xe: {  	v21 =	vimm.s32 $0x0;
	v4 =	vadd.s32 $0x46F, v4;
	[tilespmem:$0x1FFF0] =	vst v20;
	s6 =	smax.u32 s6, $0x1;
	s7 =	sadd.s32 $0x480, s31;
	s5 =	sadd.s32 $0x2C00, s5  }
.LBB2_1:
0xf: {  	s14 =	simm.s32 $0x10;
	v6 =	vmov s2  }
0x10: {  	v2 =	vmov s14;
	v6 =	vsub.s32 v4, v6  }
0x11: {  	v2 =	vsub.s32 v4, v2;
	v6 =	vshll.u32 v6, $0x5  }
0x12: {  	v2 =	vshll.u32 v2, $0x5;
	v6 =	vadd.s32 v20, v6  }
0x13: {  	[tilespmem:s8], [sflag:$0x2] =	stream.linear.gather [hbm4b:s4+s2], $0x8E00, $0x38;
	v2 =	vadd.s32 v20, v2;
	[tilespmem:$0xCCF0] =	vst v63  }
0x14: {  	s29 =	simm.s32 $0x30;
	_ =	swait.ge [sflag:s9], $0x8E00  }
0x15: {  	s15 =	simm.s32 $0x20;
	v7 =	vmov s29;
	[sflag:s9] =	ssyncset.done $0x0  }
0x16: {  	v8 =	vmov s15;
	v7 =	vsub.s32 v4, v7;
	[sflag:s9] =	ssyncadd.s32 $0xFFFF7200  }
0x17: {  	v8 =	vsub.s32 v4, v8;
	v7 =	vshll.u32 v7, $0x5;
	v10 =	vld.idx.msk [tilespmem:v6+s8+$0x0], $0xffff  }
0x18: {  	v7 =	vadd.s32 v20, v7;
	v9 =	vld.idx.msk [tilespmem:v2+s8+$0x0], $0xffff;
	v2 =	vshll.u32 v8, $0x5  }
0x19: {  	v6 =	vadd.s32 v20, v2  }
0x1a: {  	s30 =	simm.s32 $0x40;
	s31 =	simm.s32 $0x50  }
0x1b: {  	v8 =	vmov s30;
	v2 =	vmov s31  }
0x1c: {  	s14 =	simm.s32 $0x10;
	v8 =	vsub.s32 v4, v8;
	v2 =	vsub.s32 v4, v2  }
0x1d: {  	v11 =	vshll.u32 v2, $0x5;
	v2 =	vld.idx.msk [tilespmem:v7+s8+$0x0], $0xffff;
	v7 =	vshll.u32 v8, $0x5;
	[tilespmem:s14+$0xFFFFFFF0] =	vst v10  }
0x1e: {  	s15 =	simm.s32 $0x60;
	v8 =	vadd.s32 v20, v11;
	v7 =	vadd.s32 v20, v7;
	[tilespmem:s14+$0x0] =	vst v9;
	v6 =	vld.idx.msk [tilespmem:v6+s8+$0x0], $0xffff  }
.LBB2_2:
0x1f: {  	s16 =	sadd.s32 $0x10, s15  }
0x20: {  	p0 =	slt.u32 s15, $0x440;
	s17 =	smov.u32 s15;
	s15 =	sadd.s32 $0x20, s15  }
.Ltmp0:
0x21: {  	v9 =	vmov s16;
	(pc) =	sbr.rel @p0 .LBB2_2-.Ltmp0, $4  }
0x22: {  	s14 =	sadd.s32 $0x20, s14;
	v10 =	vmov s17;
	v9 =	vsub.s32 v4, v9  }
0x23: {  	v10 =	vsub.s32 v4, v10;
	v9 =	vshll.u32 v9, $0x5;
	[tilespmem:s14+$0x0] =	vst v2;
	v2 =	vld.idx.msk [tilespmem:v8+s8+$0x0], $0xffff  }
0x24: {  	v10 =	vshll.u32 v10, $0x5;
	v8 =	vadd.s32 v20, v9;
	[tilespmem:s14+$0xFFFFFFF0] =	vst v6;
	v6 =	vld.idx.msk [tilespmem:v7+s8+$0x0], $0xffff  }
0x25: {  	v7 =	vadd.s32 v20, v10  }
0x26: {  	_ =	sdelay $0x3  }
0x27: {  	v8 =	vld.idx.msk [tilespmem:v8+s8+$0x0], $0xffff  }
0x28: {  	v7 =	vld.idx.msk [tilespmem:v7+s8+$0x0], $0xffff  }
0x29: {  	s14 =	sadd.s32 $0x20, s14  }
0x2a: {  	[tilespmem:s14+$0x0] =	vst v2  }
0x2b: {  	s15 =	simm.s32 $0x0;
	[tilespmem:s14+$0xFFFFFFF0] =	vst v6;
	s14 =	sadd.s32 $0x20, s14  }
0x2c: {  	v9 =	vor.u32 s15, v18;
	[tilespmem:s14+$0x0] =	vst v8  }
0x2d: {  	vm0 =	vlt.s32 v9, $0x467;
	[tilespmem:s14+$0xFFFFFFF0] =	vst v7  }
0x2e: {  	v9 =	vnsel vm0, $0x467, v9;
	v0 =	vld [tilespmem:$0x1FFD0]  }
0x2f: {  	v10 =	vmulhi.u32 $0xAAAAAAAB, v9  }
0x30: {  	s16 =	simm.s32 $0x10;
	s29 =	simm.s32 $0x30  }
0x31: {  	v11 =	vor.u32 s16, v18;
	v12 =	vor.u32 s29, v18;
	v10 =	vshrl.u32 v10, $0x4  }
0x32: {  	v13 =	vmov s15;
	vm0 =	vlt.s32 v11, $0x467;
	v2 =	vmul.u32 $0xFFFFFFE8, v10  }
0x33: {  	s30 =	simm.s32 $0x20;
	v11 =	vnsel vm0, $0x467, v11;
	v14 =	vsub.s32 $0x0, v9;
	vm0 =	veq.s32 v13, v18  }
0x34: {  	v6 =	vmulhi.u32 $0xAAAAAAAB, v11;
	v8 =	vor.u32 s30, v18;
	vm1 =	vne.s32 v2, v14  }
0x35: {  	vm3 =	vlt.s32 v12, $0x467;
	vm2 =	vlt.s32 v8, $0x467;
	vm0 =	vmand vm0, vm1  }
0x36: {  	v6 =	vshrl.u32 v6, $0x4;
	v2 =	vnsel vm2, $0x467, v8;
	v7 =	vsel vm0, $0xFFFFFFFF, v21;
	v59 =	vld.idx.msk [tilespmem:v0+s8+$0x0], $0xffff  }
0x37: {  	v60 =	vmul.u32 $0x17, v6;
	v8 =	vmulhi.u32 $0xAAAAAAAB, v2;
	v10 =	vadd.s32 v7, v10  }
0x38: {  	v63 =	vmov s30;
	v6 =	vnsel vm3, $0x467, v12;
	v61 =	vmul.u32 $0x17, v10  }
0x39: {  	v11 =	vadd.s32 v60, v11;
	v15 =	vsub.s32 $0x0, v2;
	v8 =	vshrl.u32 v8, $0x4  }
0x3a: {  	s31 =	simm.s32 $0x50;
	vm0 =	veq.s32 v63, v18;
	v62 =	vmul.u32 $0xFFFFFFE8, v8;
	v12 =	vadd.s32 v61, v9  }
0x3b: {  	s15 =	simm.s32 $0x40;
	s14 =	simm.s32 $0x480;
	v7 =	vor.u32 s31, v18;
	v10 =	vmulhi.u32 $0xAAAAAAAB, v6;
	v12 =	vadd.s32 $0x17, v12;
	[tilespmem:$0x460] =	vst v59  }
0x3c: {  	s16 =	simm.s32 $0x60;
	v9 =	vadd.s32 $0x17, v11;
	v11 =	vor.u32 s15, v18;
	vm1 =	vne.s32 v62, v15;
	[tilespmem:s14+$0xFFFFFFF0] =	vst v12  }
.LBB2_4:
0x3d: {  	p0 =	slt.u32 s16, $0x460;
	vm2 =	vlt.s32 v11, $0x467;
	vm3 =	vlt.s32 v7, $0x467;
	vm0 =	vmand vm0, vm1;
	[tilespmem:s14+$0x0] =	vst v9  }
0x3e: {  	v10 =	vshrl.u32 v10, $0x4;
	v11 =	vnsel vm2, $0x467, v11;
	v9 =	vsel vm0, $0xFFFFFFFF, v21  }
0x3f: {  	s17 =	sadd.s32 $0x10, s16;
	v12 =	vmulhi.u32 $0xAAAAAAAB, v11;
	v8 =	vadd.s32 v9, v8;
	v9 =	vmul.u32 $0x17, v10  }
.Ltmp1:
0x40: {  	v13 =	vnsel vm3, $0x467, v7;
	v7 =	vor.u32 s17, v18;
	v14 =	vmul.u32 $0x17, v8;
	(pc) =	sbr.rel @p0 .LBB2_4-.Ltmp1, $4  }
0x41: {  	v10 =	vmulhi.u32 $0xAAAAAAAB, v13;
	v8 =	vshrl.u32 v12, $0x4;
	v9 =	vadd.s32 v9, v6;
	v6 =	vmovc v13  }
0x42: {  	v12 =	vmul.u32 $0xFFFFFFE8, v8;
	v13 =	vadd.s32 v14, v2;
	v9 =	vadd.s32 $0x17, v9;
	v2 =	vmovc v11  }
0x43: {  	s14 =	sadd.s32 $0x20, s14;
	v14 =	vmov s15;
	s15 =	smov.u32 s16;
	v15 =	vsub.s32 $0x0, v2;
	v13 =	vadd.s32 $0x17, v13  }
0x44: {  	s16 =	sadd.s32 $0x20, s16;
	v11 =	vor.u32 s15, v18;
	vm0 =	veq.s32 v14, v18;
	vm1 =	vne.s32 v12, v15;
	[tilespmem:s14+$0xFFFFFFF0] =	vst v13  }
0x45: {  	vm2 =	vlt.s32 v11, $0x467  }
0x46: {  	v11 =	vnsel vm2, $0x467, v11  }
0x47: {  	v12 =	vmulhi.u32 $0xAAAAAAAB, v11  }
0x48: {  	vm13 =	vlt.s32 v7, $0x467;
	vm0 =	vmand vm0, vm1  }
0x49: {  	v15 =	vmov s15;
	v10 =	vshrl.u32 v10, $0x4;
	v12 =	vshrl.u32 v12, $0x4  }
0x4a: {  	v14 =	vsel vm0, $0xFFFFFFFF, v21;
	vm14 =	veq.s32 v15, v18;
	v13 =	vmul.u32 $0xFFFFFFE8, v12  }
0x4b: {  	v7 =	vnsel vm13, $0x467, v7;
	v16 =	vsub.s32 $0x0, v11;
	v8 =	vadd.s32 v14, v8  }
0x4c: {  	v8 =	vmul.u32 $0x17, v8;
	vm15 =	vne.s32 v13, v16;
	v13 =	vmulhi.u32 $0xAAAAAAAB, v7  }
0x4d: {  	v10 =	vmul.u32 $0x17, v10;
	vm0 =	vmand vm14, vm15  }
0x4e: {  	v2 =	vadd.s32 v8, v2;
	v14 =	vsel vm0, $0xFFFFFFFF, v21;
	v8 =	vshrl.u32 v13, $0x4  }
0x4f: {  	v6 =	vadd.s32 v10, v6;
	v12 =	vadd.s32 v14, v12;
	v8 =	vmul.u32 $0x17, v8  }
0x50: {  	[tilespmem:s14+$0x0] =	vst v9;
	s31 =	sadd.s32 $0x20, s14;
	v6 =	vadd.s32 $0x17, v6;
	v12 =	vmul.u32 $0x17, v12  }
0x51: {  	[tilespmem:s31+$0x0] =	vst v6;
	v2 =	vadd.s32 $0x17, v2;
	v6 =	vadd.s32 v8, v7  }
0x52: {  	s14 =	sadd.s32 $0x20, s31;
	[tilespmem:s31+$0xFFFFFFF0] =	vst v2;
	v2 =	vadd.s32 v12, v11;
	v6 =	vadd.s32 $0x17, v6  }
0x53: {  	v2 =	vadd.s32 $0x17, v2;
	[tilespmem:s14+$0x0] =	vst v6  }
0x54: {  	[tilespmem:s14+$0xFFFFFFF0] =	vst v2  }
0x55: {  	v2 =	vld [tilespmem:s7+$0x0]  }
0x56: {  	v7 =	vld [tilespmem:s7+$0xFFFFFFF0];
	_ =	sdelay $0x3  }
0x57: {  	v6 =	vsub.s32 v2, v1  }
0x58: {  	v2 =	vsub.s32 v7, v1;
	_ =	sdelay $0x3  }
0x59: {  	v7 =	vld.idx.msk [tilespmem:v6+s2+$0x0], $0xffff  }
0x5a: {  	v8 =	vadd.s32 $0xFFFFFFFF, v6;
	v9 =	vld.idx.msk [tilespmem:v2+s2+$0x0], $0xffff  }
0x5b: {  	v10 =	vadd.s32 $0xFFFFFFFF, v2;
	_ =	sdelay $0x1  }
0x5c: {  	s14 =	simm.s32 $0x23F0  }
0x5d: {  	[tilespmem:s14+$0xFFFFE510] =	vst v7  }
0x5e: {  	[tilespmem:s14+$0xFFFFE500] =	vst v9;
	v7 =	vld.idx.msk [tilespmem:v8+s2+$0x0], $0xffff  }
0x5f: {  	v8 =	vadd.s32 $0xFFFFFFFE, v6;
	v9 =	vld.idx.msk [tilespmem:v10+s2+$0x0], $0xffff  }
0x60: {  	v10 =	vadd.s32 $0xFFFFFFFE, v2;
	_ =	sdelay $0x2  }
0x61: {  	[tilespmem:s14+$0xFFFFE750] =	vst v7  }
0x62: {  	[tilespmem:s14+$0xFFFFE740] =	vst v9;
	v7 =	vld.idx.msk [tilespmem:v8+s2+$0x0], $0xffff  }
0x63: {  	v8 =	vadd.s32 $0xFFFFFFFD, v6;
	v9 =	vld.idx.msk [tilespmem:v10+s2+$0x0], $0xffff  }
0x64: {  	v10 =	vadd.s32 $0xFFFFFFFD, v2;
	_ =	sdelay $0x2  }
0x65: {  	[tilespmem:s14+$0xFFFFE990] =	vst v7  }
0x66: {  	[tilespmem:s14+$0xFFFFE980] =	vst v9;
	v7 =	vld.idx.msk [tilespmem:v8+s2+$0x0], $0xffff  }
0x67: {  	v8 =	vadd.s32 $0xFFFFFFFC, v6;
	v9 =	vld.idx.msk [tilespmem:v10+s2+$0x0], $0xffff  }
0x68: {  	v10 =	vadd.s32 $0xFFFFFFFC, v2;
	_ =	sdelay $0x2  }
0x69: {  	[tilespmem:s14+$0xFFFFEBD0] =	vst v7  }
0x6a: {  	[tilespmem:s14+$0xFFFFEBC0] =	vst v9;
	v7 =	vld.idx.msk [tilespmem:v8+s2+$0x0], $0xffff  }
0x6b: {  	v14 =	vadd.s32 $0xFFFFFFFB, v2;
	v17 =	vadd.s32 $0xFFFFFFFA, v2;
	v8 =	vadd.s32 $0xFFFFFFFB, v6;
	v15 =	vld.idx.msk [tilespmem:v10+s2+$0x0], $0xffff  }
0x6c: {  	p2 =	por $0x1, $0x1;
	v29 =	vadd.s32 $0xFFFFFFF9, v2;
	v25 =	vadd.s32 $0xFFFFFFF8, v2;
	v22 =	vadd.s32 $0xFFFFFFF7, v2  }
.Ltmp2:
0x6d: {  	v19 =	vadd.s32 $0xFFFFFFF6, v2;
	v16 =	vadd.s32 $0xFFFFFFF5, v2;
	v13 =	vadd.s32 $0xFFFFFFF4, v2;
	(pc) =	sbr.rel @!p2 .LBB2_6-.Ltmp2, $4  }
0x6e: {  	v12 =	vadd.s32 $0xFFFFFFF3, v2;
	v11 =	vadd.s32 $0xFFFFFFF2, v2;
	v38 =	vadd.s32 $0xFFFFFFF1, v2  }
0x6f: {  	v36 =	vadd.s32 $0xFFFFFFF0, v2;
	v35 =	vadd.s32 $0xFFFFFFEF, v2;
	v34 =	vadd.s32 $0xFFFFFFEE, v2;
	[tilespmem:s14+$0xFFFFEE10] =	vst v7  }
0x70: {  	v32 =	vadd.s32 $0xFFFFFFED, v2;
	v57 =	vadd.s32 $0xFFFFFFFA, v6;
	v9 =	vadd.s32 $0xFFFFFFEB, v2;
	[tilespmem:s14+$0xFFFFEE00] =	vst v15;
	v49 =	vld.idx.msk [tilespmem:v8+s2+$0x0], $0xffff  }
0x71: {  	s15 =	sadd.s32 $0x20, s7;
	p0 =	por $0x0, $0x0;
	p1 =	por $0x0, $0x0;
	v10 =	vadd.s32 $0xFFFFFFEC, v2;
	v7 =	vadd.s32 $0xFFFFFFE9, v2;
	v8 =	vadd.s32 $0xFFFFFFEA, v2;
	v55 =	vld.idx.msk [tilespmem:v14+s2+$0x0], $0xffff  }
0x72: {  	_ = 	snop  }
0x73: {  	v2 =	vld [tilespmem:s15+$0x0]  }
0x74: {  	v15 =	vld [tilespmem:s15+$0xFFFFFFF0]  }
0x75: {  	[tilespmem:s14+$0xFFFFF050] =	vst v49  }
0x76: {  	v18 =	vld.idx.msk [tilespmem:v57+s2+$0x0], $0xffff  }
0x77: {  	v20 =	vadd.s32 $0xFFFFFFF9, v6;
	[tilespmem:s14+$0xFFFFF040] =	vst v55  }
0x78: {  	v14 =	vsub.s32 v2, v1;
	v2 =	vld.idx.msk [tilespmem:v17+s2+$0x0], $0xffff  }
0x79: {  	v33 =	vsub.s32 v15, v1;
	_ =	sdelay $0x1  }
0x7a: {  	[tilespmem:s14+$0xFFFFF290] =	vst v18  }
0x7b: {  	v15 =	vld.idx.msk [tilespmem:v20+s2+$0x0], $0xffff  }
0x7c: {  	v17 =	vld.idx.msk [tilespmem:v14+s2+$0x0], $0xffff;
	[tilespmem:s14+$0xFFFFF280] =	vst v2;
	v2 =	vadd.s32 $0xFFFFFFF8, v6  }
0x7d: {  	v18 =	vadd.s32 $0xFFFFFFFF, v14;
	v21 =	vld.idx.msk [tilespmem:v33+s2+$0x0], $0xffff  }
0x7e: {  	v23 =	vadd.s32 $0xFFFFFFFF, v33;
	v20 =	vld.idx.msk [tilespmem:v29+s2+$0x0], $0xffff;
	_ =	sdelay $0x1  }
0x7f: {  	s16 =	simm.s32 $0x2410;
	[tilespmem:s14+$0xFFFFF4D0] =	vst v15  }
0x80: {  	[tilespmem:s16+$0xFFFFE510] =	vst v17;
	v2 =	vld.idx.msk [tilespmem:v2+s2+$0x0], $0xffff  }
0x81: {  	v17 =	vadd.s32 $0xFFFFFFF7, v6;
	[tilespmem:s16+$0xFFFFE500] =	vst v21;
	v15 =	vld.idx.msk [tilespmem:v18+s2+$0x0], $0xffff  }
0x82: {  	[tilespmem:s14+$0xFFFFF4C0] =	vst v20;
	v18 =	vadd.s32 $0xFFFFFFFE, v14;
	v21 =	vld.idx.msk [tilespmem:v23+s2+$0x0], $0xffff  }
0x83: {  	v23 =	vadd.s32 $0xFFFFFFFE, v33;
	v20 =	vld.idx.msk [tilespmem:v25+s2+$0x0], $0xffff;
	_ =	sdelay $0x1  }
0x84: {  	[tilespmem:s14+$0xFFFFF710] =	vst v2  }
0x85: {  	[tilespmem:s16+$0xFFFFE750] =	vst v15;
	v2 =	vld.idx.msk [tilespmem:v17+s2+$0x0], $0xffff  }
0x86: {  	[tilespmem:s16+$0xFFFFE740] =	vst v21;
	v15 =	vld.idx.msk [tilespmem:v18+s2+$0x0], $0xffff;
	v17 =	vadd.s32 $0xFFFFFFF6, v6  }
0x87: {  	[tilespmem:s14+$0xFFFFF700] =	vst v20;
	v18 =	vadd.s32 $0xFFFFFFFD, v14;
	v21 =	vld.idx.msk [tilespmem:v23+s2+$0x0], $0xffff  }
0x88: {  	v20 =	vld.idx.msk [tilespmem:v22+s2+$0x0], $0xffff;
	v22 =	vadd.s32 $0xFFFFFFFD, v33;
	_ =	sdelay $0x1  }
0x89: {  	[tilespmem:s14+$0xFFFFF950] =	vst v2  }
0x8a: {  	[tilespmem:s16+$0xFFFFE990] =	vst v15;
	v2 =	vld.idx.msk [tilespmem:v17+s2+$0x0], $0xffff  }
0x8b: {  	[tilespmem:s16+$0xFFFFE980] =	vst v21;
	v15 =	vld.idx.msk [tilespmem:v18+s2+$0x0], $0xffff;
	v17 =	vadd.s32 $0xFFFFFFF5, v6  }
0x8c: {  	[tilespmem:s14+$0xFFFFF940] =	vst v20;
	v18 =	vadd.s32 $0xFFFFFFFC, v14;
	v20 =	vld.idx.msk [tilespmem:v22+s2+$0x0], $0xffff  }
0x8d: {  	v21 =	vadd.s32 $0xFFFFFFFC, v33;
	v19 =	vld.idx.msk [tilespmem:v19+s2+$0x0], $0xffff;
	_ =	sdelay $0x1  }
0x8e: {  	[tilespmem:s14+$0xFFFFFB90] =	vst v2  }
0x8f: {  	[tilespmem:s16+$0xFFFFEBD0] =	vst v15;
	v2 =	vld.idx.msk [tilespmem:v17+s2+$0x0], $0xffff  }
0x90: {  	[tilespmem:s16+$0xFFFFEBC0] =	vst v20;
	v15 =	vld.idx.msk [tilespmem:v18+s2+$0x0], $0xffff;
	v18 =	vadd.s32 $0xFFFFFFF4, v6  }
0x91: {  	v20 =	vadd.s32 $0xFFFFFFFB, v14;
	[tilespmem:s14+$0xFFFFFB80] =	vst v19;
	v39 =	vld.idx.msk [tilespmem:v21+s2+$0x0], $0xffff  }
0x92: {  	v53 =	vadd.s32 $0xFFFFFFF3, v6;
	v37 =	vadd.s32 $0xFFFFFFFB, v33;
	v56 =	vadd.s32 $0xFFFFFFF4, v33;
	v23 =	vld.idx.msk [tilespmem:v16+s2+$0x0], $0xffff  }
0x93: {  	p2 =	por $0x1, $0x1;
	v30 =	vadd.s32 $0xFFFFFFF3, v33;
	v28 =	vadd.s32 $0xFFFFFFF2, v33;
	v27 =	vadd.s32 $0xFFFFFFF1, v33  }
.Ltmp3:
0x94: {  	v24 =	vadd.s32 $0xFFFFFFF0, v33;
	v31 =	vadd.s32 $0xFFFFFFEC, v33;
	v26 =	vadd.s32 $0xFFFFFFEB, v33;
	[tilespmem:s14+$0xFFFFFDD0] =	vst v2;
	(pc) =	sbr.rel @!p2 .LBB2_8-.Ltmp3, $4  }
0x95: {  	v57 =	vadd.s32 $0xFFFFFFFA, v14;
	v29 =	vadd.s32 $0xFFFFFFF9, v33;
	v25 =	vadd.s32 $0xFFFFFFF8, v33;
	[tilespmem:s16+$0xFFFFEE10] =	vst v15;
	v45 =	vld.idx.msk [tilespmem:v18+s2+$0x0], $0xffff  }
0x96: {  	v22 =	vadd.s32 $0xFFFFFFF7, v33;
	v17 =	vadd.s32 $0xFFFFFFFA, v33;
	v19 =	vadd.s32 $0xFFFFFFF6, v33;
	[tilespmem:s16+$0xFFFFEE00] =	vst v39;
	v49 =	vld.idx.msk [tilespmem:v20+s2+$0x0], $0xffff  }
0x97: {  	v21 =	vadd.s32 $0xFFFFFFEF, v33;
	v16 =	vadd.s32 $0xFFFFFFF5, v33;
	v15 =	vadd.s32 $0xFFFFFFED, v33;
	[tilespmem:s14+$0xFFFFFDC0] =	vst v23;
	v55 =	vld.idx.msk [tilespmem:v37+s2+$0x0], $0xffff  }
0x98: {  	s18 =	sadd.s32 $0x20, s15;
	p0 =	por $0x1, $0x1;
	v18 =	vadd.s32 $0xFFFFFFEE, v33;
	v23 =	vadd.s32 $0xFFFFFFEA, v33;
	v20 =	vadd.s32 $0xFFFFFFE9, v33;
	v51 =	vld.idx.msk [tilespmem:v13+s2+$0x0], $0xffff  }
0x99: {  	_ =	sdelay $0x1  }
0x9a: {  	v2 =	vld [tilespmem:s18+$0x0]  }
0x9b: {  	v39 =	vld [tilespmem:s18+$0xFFFFFFF0];
	[tilespmem:s14+$0x10] =	vst v45  }
0x9c: {  	[tilespmem:s16+$0xFFFFF050] =	vst v49;
	v13 =	vld.idx.msk [tilespmem:v53+s2+$0x0], $0xffff  }
0x9d: {  	v40 =	vadd.s32 $0xFFFFFFF2, v6;
	v37 =	vld.idx.msk [tilespmem:v57+s2+$0x0], $0xffff  }
0x9e: {  	v41 =	vadd.s32 $0xFFFFFFF9, v14;
	[tilespmem:s14+$0x0] =	vst v51  }
0x9f: {  	[tilespmem:s16+$0xFFFFF040] =	vst v55;
	v12 =	vld.idx.msk [tilespmem:v12+s2+$0x0], $0xffff;
	v33 =	vsub.s32 v2, v1  }
0xa0: {  	v2 =	vld.idx.msk [tilespmem:v17+s2+$0x0], $0xffff  }
0xa1: {  	[tilespmem:s14+$0x250] =	vst v13  }
0xa2: {  	v43 =	vsub.s32 v39, v1;
	[tilespmem:s16+$0xFFFFF290] =	vst v37;
	v13 =	vld.idx.msk [tilespmem:v40+s2+$0x0], $0xffff  }
0xa3: {  	v50 =	vadd.s32 $0xFFFFFFF1, v6;
	v17 =	vld.idx.msk [tilespmem:v41+s2+$0x0], $0xffff  }
0xa4: {  	v51 =	vld.idx.msk [tilespmem:v33+s2+$0x0], $0xffff;
	[tilespmem:s14+$0x240] =	vst v12;
	v12 =	vadd.s32 $0xFFFFFFF8, v14  }
0xa5: {  	[tilespmem:s16+$0xFFFFF280] =	vst v2;
	v2 =	vld.idx.msk [tilespmem:v11+s2+$0x0], $0xffff;
	v11 =	vadd.s32 $0xFFFFFFFF, v33  }
0xa6: {  	v29 =	vld.idx.msk [tilespmem:v29+s2+$0x0], $0xffff  }
0xa7: {  	v52 =	vld.idx.msk [tilespmem:v43+s2+$0x0], $0xffff;
	[tilespmem:s14+$0x490] =	vst v13  }
0xa8: {  	s15 =	simm.s32 $0x2430;
	v13 =	vadd.s32 $0xFFFFFFFF, v43;
	[tilespmem:s16+$0xFFFFF4D0] =	vst v17;
	v17 =	vld.idx.msk [tilespmem:v50+s2+$0x0], $0xffff  }
0xa9: {  	[tilespmem:s15+$0xFFFFE510] =	vst v51;
	v12 =	vld.idx.msk [tilespmem:v12+s2+$0x0], $0xffff  }
0xaa: {  	v53 =	vadd.s32 $0xFFFFFFF0, v6;
	v11 =	vld.idx.msk [tilespmem:v11+s2+$0x0], $0xffff;
	[tilespmem:s14+$0x480] =	vst v2  }
0xab: {  	v2 =	vadd.s32 $0xFFFFFFF7, v14;
	[tilespmem:s16+$0xFFFFF4C0] =	vst v29;
	v29 =	vld.idx.msk [tilespmem:v38+s2+$0x0], $0xffff  }
0xac: {  	[tilespmem:s15+$0xFFFFE500] =	vst v52;
	v25 =	vld.idx.msk [tilespmem:v25+s2+$0x0], $0xffff  }
0xad: {  	v13 =	vld.idx.msk [tilespmem:v13+s2+$0x0], $0xffff;
	[tilespmem:s14+$0x6D0] =	vst v17  }
0xae: {  	v17 =	vadd.s32 $0xFFFFFFFE, v43;
	[tilespmem:s16+$0xFFFFF710] =	vst v12  }
0xaf: {  	v54 =	vadd.s32 $0xFFFFFFFE, v33;
	v12 =	vld.idx.msk [tilespmem:v53+s2+$0x0], $0xffff;
	[tilespmem:s15+$0xFFFFE750] =	vst v11  }
0xb0: {  	v2 =	vld.idx.msk [tilespmem:v2+s2+$0x0], $0xffff;
	v11 =	vadd.s32 $0xFFFFFFEF, v6;
	[tilespmem:s14+$0x6C0] =	vst v29  }
0xb1: {  	v29 =	vadd.s32 $0xFFFFFFF6, v14;
	[tilespmem:s16+$0xFFFFF700] =	vst v25;
	v25 =	vld.idx.msk [tilespmem:v36+s2+$0x0], $0xffff  }
0xb2: {  	[tilespmem:s15+$0xFFFFE740] =	vst v13;
	v13 =	vld.idx.msk [tilespmem:v22+s2+$0x0], $0xffff  }
0xb3: {  	v17 =	vld.idx.msk [tilespmem:v17+s2+$0x0], $0xffff  }
0xb4: {  	v55 =	vld.idx.msk [tilespmem:v54+s2+$0x0], $0xffff;
	[tilespmem:s14+$0x910] =	vst v12;
	v12 =	vadd.s32 $0xFFFFFFFD, v43  }
0xb5: {  	v57 =	vadd.s32 $0xFFFFFFFD, v33;
	[tilespmem:s16+$0xFFFFF950] =	vst v2;
	v2 =	vld.idx.msk [tilespmem:v11+s2+$0x0], $0xffff  }
0xb6: {  	v22 =	vadd.s32 $0xFFFFFFEE, v6;
	v11 =	vld.idx.msk [tilespmem:v29+s2+$0x0], $0xffff;
	[tilespmem:s14+$0x900] =	vst v25  }
0xb7: {  	v25 =	vadd.s32 $0xFFFFFFF5, v14;
	[tilespmem:s16+$0xFFFFF940] =	vst v13;
	v13 =	vld.idx.msk [tilespmem:v35+s2+$0x0], $0xffff  }
0xb8: {  	[tilespmem:s15+$0xFFFFE980] =	vst v17;
	v17 =	vld.idx.msk [tilespmem:v19+s2+$0x0], $0xffff  }
0xb9: {  	[tilespmem:s15+$0xFFFFE990] =	vst v55;
	v12 =	vld.idx.msk [tilespmem:v12+s2+$0x0], $0xffff  }
0xba: {  	v29 =	vld.idx.msk [tilespmem:v57+s2+$0x0], $0xffff;
	[tilespmem:s14+$0xB50] =	vst v2;
	v2 =	vadd.s32 $0xFFFFFFFC, v43  }
0xbb: {  	v58 =	vadd.s32 $0xFFFFFFFC, v33;
	[tilespmem:s16+$0xFFFFFB90] =	vst v11;
	v11 =	vld.idx.msk [tilespmem:v22+s2+$0x0], $0xffff  }
0xbc: {  	v60 =	vadd.s32 $0xFFFFFFED, v6;
	v59 =	vld.idx.msk [tilespmem:v25+s2+$0x0], $0xffff;
	[tilespmem:s14+$0xB40] =	vst v13  }
0xbd: {  	v61 =	vadd.s32 $0xFFFFFFF4, v14;
	[tilespmem:s16+$0xFFFFFB80] =	vst v17;
	v34 =	vld.idx.msk [tilespmem:v34+s2+$0x0], $0xffff  }
0xbe: {  	[tilespmem:s15+$0xFFFFEBC0] =	vst v12;
	v63 =	vld.idx.msk [tilespmem:v16+s2+$0x0], $0xffff  }
0xbf: {  	v62 =	vadd.s32 $0xFFFFFFFB, v33;
	v44 =	vadd.s32 $0xFFFFFFFB, v43;
	[tilespmem:s15+$0xFFFFEBD0] =	vst v29;
	v2 =	vld.idx.msk [tilespmem:v2+s2+$0x0], $0xffff  }
0xc0: {  	v48 =	vadd.s32 $0xFFFFFFEC, v43;
	v39 =	vadd.s32 $0xFFFFFFEA, v43;
	v37 =	vadd.s32 $0xFFFFFFED, v43;
	v35 =	vld.idx.msk [tilespmem:v58+s2+$0x0], $0xffff;
	[tilespmem:s14+$0xD90] =	vst v11  }
0xc1: {  	p2 =	por $0x1, $0x1;
	v40 =	vadd.s32 $0xFFFFFFEB, v43;
	v38 =	vadd.s32 $0xFFFFFFF1, v43;
	v53 =	vadd.s32 $0xFFFFFFF3, v14;
	[tilespmem:s16+$0xFFFFFDD0] =	vst v59;
	v41 =	vld.idx.msk [tilespmem:v60+s2+$0x0], $0xffff  }
.Ltmp4:
0xc2: {  	v36 =	vadd.s32 $0xFFFFFFF0, v43;
	v57 =	vadd.s32 $0xFFFFFFFA, v33;
	v19 =	vadd.s32 $0xFFFFFFF6, v43;
	v45 =	vld.idx.msk [tilespmem:v61+s2+$0x0], $0xffff;
	[tilespmem:s14+$0xD80] =	vst v34;
	(pc) =	sbr.rel @!p2 .LBB2_10-.Ltmp4, $4  }
0xc3: {  	v22 =	vadd.s32 $0xFFFFFFF7, v43;
	v29 =	vadd.s32 $0xFFFFFFF9, v43;
	v25 =	vadd.s32 $0xFFFFFFF8, v43;
	[tilespmem:s16+$0xFFFFFDC0] =	vst v63;
	v42 =	vld.idx.msk [tilespmem:v32+s2+$0x0], $0xffff  }
0xc4: {  	v17 =	vadd.s32 $0xFFFFFFFA, v43;
	v13 =	vadd.s32 $0xFFFFFFF4, v43;
	v16 =	vadd.s32 $0xFFFFFFF5, v43;
	[tilespmem:s15+$0xFFFFEE00] =	vst v2;
	v51 =	vld.idx.msk [tilespmem:v56+s2+$0x0], $0xffff  }
0xc5: {  	v12 =	vadd.s32 $0xFFFFFFF3, v43;
	v11 =	vadd.s32 $0xFFFFFFF2, v43;
	[tilespmem:s15+$0xFFFFEE10] =	vst v35;
	v35 =	vadd.s32 $0xFFFFFFEF, v43;
	v55 =	vld.idx.msk [tilespmem:v44+s2+$0x0], $0xffff  }
0xc6: {  	s17 =	simm.s32 $0x40;
	s18 =	sadd.s32 $0x20, s18;
	p1 =	por $0x1, $0x1;
	v49 =	vld.idx.msk [tilespmem:v62+s2+$0x0], $0xffff;
	v34 =	vadd.s32 $0xFFFFFFEE, v43;
	v32 =	vadd.s32 $0xFFFFFFE9, v43;
	v43 =	vadd.s32 $0xFFFFFFEC, v6  }
.LBB2_11:
0xc7: {  	v2 =	vld [tilespmem:s18+$0x0]  }
0xc8: {  	[tilespmem:s14+$0xFC0] =	vst v42  }
0xc9: {  	v61 =	vld [tilespmem:s18+$0xFFFFFFF0];
	[tilespmem:s16+$0x0] =	vst v51  }
0xca: {  	[tilespmem:s15+$0xFFFFF040] =	vst v55  }
0xcb: {  	[tilespmem:s14+$0xFD0] =	vst v41;
	v62 =	vld.idx.msk [tilespmem:v30+s2+$0x0], $0xffff  }
0xcc: {  	[tilespmem:s16+$0x10] =	vst v45;
	v50 =	vsub.s32 v2, v1;
	v2 =	vld.idx.msk [tilespmem:v17+s2+$0x0], $0xffff  }
0xcd: {  	v41 =	vld.idx.msk [tilespmem:v43+s2+$0x0], $0xffff;
	[tilespmem:s15+$0xFFFFF050] =	vst v49  }
0xce: {  	v59 =	vld.idx.msk [tilespmem:v53+s2+$0x0], $0xffff  }
0xcf: {  	v60 =	vadd.s32 $0xFFFFFFEB, v6;
	v44 =	vld.idx.msk [tilespmem:v57+s2+$0x0], $0xffff  }
0xd0: {  	v46 =	vadd.s32 $0xFFFFFFF2, v14;
	v30 =	vmov v12;
	v12 =	vld.idx.msk [tilespmem:v10+s2+$0x0], $0xffff;
	[tilespmem:s16+$0x240] =	vst v62  }
0xd1: {  	v47 =	vadd.s32 $0xFFFFFFF9, v33;
	[tilespmem:s15+$0xFFFFF280] =	vst v2  }
0xd2: {  	v43 =	vsub.s32 v61, v1;
	[tilespmem:s14+$0x1210] =	vst v41;
	v56 =	vld.idx.msk [tilespmem:v28+s2+$0x0], $0xffff  }
0xd3: {  	[tilespmem:s16+$0x250] =	vst v59;
	v59 =	vld.idx.msk [tilespmem:v29+s2+$0x0], $0xffff  }
0xd4: {  	v42 =	vld.idx.msk [tilespmem:v60+s2+$0x0], $0xffff;
	[tilespmem:s15+$0xFFFFF290] =	vst v44  }
0xd5: {  	v45 =	vld.idx.msk [tilespmem:v46+s2+$0x0], $0xffff  }
0xd6: {  	v10 =	vmov v31;
	v31 =	vmov v48;
	v48 =	vadd.s32 $0xFFFFFFEA, v6;
	[tilespmem:s14+$0x1200] =	vst v12;
	v47 =	vld.idx.msk [tilespmem:v47+s2+$0x0], $0xffff  }
0xd7: {  	s19 =	smov.u32 s15;
	v49 =	vadd.s32 $0xFFFFFFF1, v14;
	v60 =	vld.idx.msk [tilespmem:v43+s2+$0x0], $0xffff;
	[tilespmem:s16+$0x480] =	vst v56  }
0xd8: {  	v54 =	vld.idx.msk [tilespmem:v50+s2+$0x0], $0xffff;
	[tilespmem:s19+$0xFFFFF4C0] =	vst v59  }
0xd9: {  	v55 =	vadd.s32 $0xFFFFFFF8, v33;
	[tilespmem:s14+$0x1450] =	vst v42  }
0xda: {  	v51 =	vadd.s32 $0xFFFFFFFF, v43;
	v3 =	vld.idx.msk [tilespmem:v27+s2+$0x0], $0xffff;
	[tilespmem:s16+$0x490] =	vst v45  }
0xdb: {  	v58 =	vadd.s32 $0xFFFFFFFF, v50;
	s15 =	sadd.s32 $0x20, s15;
	v42 =	vld.idx.msk [tilespmem:v48+s2+$0x0], $0xffff;
	[tilespmem:s19+$0xFFFFF4D0] =	vst v47  }
0xdc: {  	[tilespmem:s15+$0xFFFFE500] =	vst v60;
	v49 =	vld.idx.msk [tilespmem:v49+s2+$0x0], $0xffff  }
0xdd: {  	[tilespmem:s15+$0xFFFFE510] =	vst v54;
	v60 =	vld.idx.msk [tilespmem:v25+s2+$0x0], $0xffff  }
0xde: {  	v54 =	vld.idx.msk [tilespmem:v55+s2+$0x0], $0xffff;
	v55 =	vadd.s32 $0xFFFFFFE9, v6;
	v6 =	vmov v14  }
0xdf: {  	v51 =	vld.idx.msk [tilespmem:v51+s2+$0x0], $0xffff;
	v56 =	vadd.s32 $0xFFFFFFF0, v6  }
0xe0: {  	v14 =	vmov v33;
	v58 =	vld.idx.msk [tilespmem:v58+s2+$0x0], $0xffff;
	[tilespmem:s16+$0x6C0] =	vst v3  }
0xe1: {  	v59 =	vadd.s32 $0xFFFFFFF7, v14;
	[tilespmem:s14+$0x1690] =	vst v42  }
0xe2: {  	v45 =	vadd.s32 $0xFFFFFFF1, v43;
	v33 =	vmov v50;
	[tilespmem:s16+$0x6D0] =	vst v49  }
0xe3: {  	v27 =	vmov v38;
	v38 =	vmov v45;
	v45 =	vadd.s32 $0xFFFFFFFE, v33;
	v42 =	vld.idx.msk [tilespmem:v55+s2+$0x0], $0xffff;
	[tilespmem:s19+$0xFFFFF710] =	vst v54  }
0xe4: {  	v52 =	vadd.s32 $0xFFFFFFFE, v43;
	[tilespmem:s19+$0xFFFFF700] =	vst v60;
	v49 =	vld.idx.msk [tilespmem:v56+s2+$0x0], $0xffff  }
0xe5: {  	[tilespmem:s15+$0xFFFFE750] =	vst v58;
	v56 =	vld.idx.msk [tilespmem:v24+s2+$0x0], $0xffff  }
0xe6: {  	[tilespmem:s15+$0xFFFFE740] =	vst v51;
	v54 =	vld.idx.msk [tilespmem:v59+s2+$0x0], $0xffff  }
0xe7: {  	v3 =	vadd.s32 $0xFFFFFFEF, v6;
	v60 =	vld.idx.msk [tilespmem:v22+s2+$0x0], $0xffff  }
0xe8: {  	v45 =	vld.idx.msk [tilespmem:v45+s2+$0x0], $0xffff;
	[tilespmem:s14+$0x18D0] =	vst v42  }
0xe9: {  	v61 =	vadd.s32 $0xFFFFFFF7, v43;
	v63 =	vadd.s32 $0xFFFFFFF0, v43;
	v55 =	vadd.s32 $0xFFFFFFF6, v14;
	v52 =	vld.idx.msk [tilespmem:v52+s2+$0x0], $0xffff;
	[tilespmem:s16+$0x910] =	vst v49  }
0xea: {  	v24 =	vmovc v36;
	v36 =	vmov v63;
	v63 =	vadd.s32 $0xFFFFFFFD, v33;
	v22 =	vmov v61;
	v61 =	vld.idx.msk [tilespmem:v9+s2+$0x0], $0xffff;
	[tilespmem:s16+$0x900] =	vst v56  }
0xeb: {  	v1 =	vadd.s32 $0xFFFFFFEB, v43;
	[tilespmem:s19+$0xFFFFF950] =	vst v54  }
0xec: {  	v53 =	vadd.s32 $0xFFFFFFFD, v43;
	v9 =	vmovc v26;
	v26 =	vmov v40;
	v40 =	vmov v1;
	[tilespmem:s19+$0xFFFFF940] =	vst v60;
	v1 =	vld.idx.msk [tilespmem:v3+s2+$0x0], $0xffff  }
0xed: {  	[tilespmem:s15+$0xFFFFE990] =	vst v45;
	v58 =	vld.idx.msk [tilespmem:v21+s2+$0x0], $0xffff  }
0xee: {  	v3 =	vld.idx.msk [tilespmem:v55+s2+$0x0], $0xffff  }
0xef: {  	[tilespmem:s15+$0xFFFFE980] =	vst v52;
	v45 =	vld.idx.msk [tilespmem:v63+s2+$0x0], $0xffff  }
0xf0: {  	v63 =	vadd.s32 $0xFFFFFFEE, v6;
	v52 =	vld.idx.msk [tilespmem:v19+s2+$0x0], $0xffff  }
0xf1: {  	v57 =	vadd.s32 $0xFFFFFFF8, v43;
	v53 =	vld.idx.msk [tilespmem:v53+s2+$0x0], $0xffff;
	[tilespmem:s14+$0x1440] =	vst v61  }
0xf2: {  	v5 =	vadd.s32 $0xFFFFFFEF, v43;
	v25 =	vmov v57;
	v57 =	vadd.s32 $0xFFFFFFF5, v14;
	[tilespmem:s16+$0xB50] =	vst v1  }
0xf3: {  	v21 =	vmov v35;
	v35 =	vmov v5;
	v5 =	vadd.s32 $0xFFFFFFFC, v33;
	v1 =	vld.idx.msk [tilespmem:v8+s2+$0x0], $0xffff;
	[tilespmem:s16+$0xB40] =	vst v58  }
0xf4: {  	[tilespmem:s19+$0xFFFFFB90] =	vst v3  }
0xf5: {  	v41 =	vadd.s32 $0xFFFFFFFC, v43;
	v62 =	vadd.s32 $0xFFFFFFF6, v43;
	[tilespmem:s19+$0xFFFFFB80] =	vst v52;
	v3 =	vld.idx.msk [tilespmem:v63+s2+$0x0], $0xffff  }
0xf6: {  	v19 =	vmov v62;
	[tilespmem:s15+$0xFFFFEBD0] =	vst v45;
	v62 =	vld.idx.msk [tilespmem:v18+s2+$0x0], $0xffff  }
0xf7: {  	v59 =	vld.idx.msk [tilespmem:v57+s2+$0x0], $0xffff  }
0xf8: {  	[tilespmem:s15+$0xFFFFEBC0] =	vst v53;
	v5 =	vld.idx.msk [tilespmem:v5+s2+$0x0], $0xffff  }
0xf9: {  	v2 =	vadd.s32 $0xFFFFFFF5, v43;
	v60 =	vadd.s32 $0xFFFFFFED, v6;
	v63 =	vld.idx.msk [tilespmem:v16+s2+$0x0], $0xffff  }
0xfa: {  	v16 =	vmov v2;
	v2 =	vld.idx.msk [tilespmem:v41+s2+$0x0], $0xffff;
	[tilespmem:s14+$0x1680] =	vst v1  }
0xfb: {  	v0 =	vadd.s32 $0xFFFFFFEE, v43;
	v61 =	vadd.s32 $0xFFFFFFF4, v14;
	[tilespmem:s16+$0xD90] =	vst v3  }
0xfc: {  	v18 =	vmov v34;
	v34 =	vmov v0;
	v0 =	vadd.s32 $0xFFFFFFFB, v33;
	v1 =	vld.idx.msk [tilespmem:v7+s2+$0x0], $0xffff;
	[tilespmem:s16+$0xD80] =	vst v62  }
0xfd: {  	[tilespmem:s19+$0xFFFFFDD0] =	vst v59  }
0xfe: {  	s17 =	sadd.s32 $0x20, s17;
	v44 =	vadd.s32 $0xFFFFFFFB, v43;
	[tilespmem:s19+$0xFFFFFDC0] =	vst v63;
	v41 =	vld.idx.msk [tilespmem:v60+s2+$0x0], $0xffff  }
0xff: {  	p2 =	slt.u32 s17, $0x220;
	[tilespmem:s15+$0xFFFFEE10] =	vst v5;
	v42 =	vld.idx.msk [tilespmem:v15+s2+$0x0], $0xffff  }
.Ltmp5:
0x100: {  	v17 =	vadd.s32 $0xFFFFFFFA, v43;
	v29 =	vadd.s32 $0xFFFFFFF9, v43;
	v12 =	vadd.s32 $0xFFFFFFF3, v43;
	v45 =	vld.idx.msk [tilespmem:v61+s2+$0x0], $0xffff;
	(pc) =	sbr.rel @p2 .LBB2_11-.Ltmp5, $4  }
0x101: {  	v28 =	vmovc v11;
	v11 =	vadd.s32 $0xFFFFFFF2, v43;
	v46 =	vadd.s32 $0xFFFFFFF4, v43;
	v47 =	vadd.s32 $0xFFFFFFED, v43;
	[tilespmem:s15+$0xFFFFEE00] =	vst v2;
	v49 =	vld.idx.msk [tilespmem:v0+s2+$0x0], $0xffff  }
0x102: {  	v48 =	vadd.s32 $0xFFFFFFEC, v43;
	v50 =	vadd.s32 $0xFFFFFFEA, v43;
	v43 =	vadd.s32 $0xFFFFFFE9, v43;
	v8 =	vmovc v23;
	v23 =	vmovc v39;
	v51 =	vld.idx.msk [tilespmem:v13+s2+$0x0], $0xffff  }
0x103: {  	v39 =	vmovc v50;
	v53 =	vadd.s32 $0xFFFFFFF3, v14;
	v57 =	vadd.s32 $0xFFFFFFFA, v33;
	v7 =	vmovc v20;
	v20 =	vmov v32;
	v55 =	vld.idx.msk [tilespmem:v44+s2+$0x0], $0xffff  }
0x104: {  	s18 =	sadd.s32 $0x20, s18;
	v32 =	vmovc v43;
	v43 =	vadd.s32 $0xFFFFFFEC, v6;
	v15 =	vmovc v37;
	v37 =	vmov v47;
	v13 =	vmov v46;
	[tilespmem:s14+$0x18C0] =	vst v1;
	v1 =	vld [tilespmem:$0x1FFE0];
	s14 =	smov.u32 s16;
	s16 =	smov.u32 s19  }
0x105: {  	v44 =	vmovc v6;
	v52 =	vmovc v10;
	v50 =	vmov v9;
	v47 =	vmov v8;
	v46 =	vmov v7  }
0x106: {  	v58 =	vmovc v14;
	v6 =	vmovc v33;
	v63 =	vmov v30;
	v54 =	vmov v31;
	v10 =	vmov v48  }
0x107: {  	v2 =	vmovc v28;
	v61 =	vmovc v27;
	v59 =	vmov v24;
	v48 =	vmov v26;
	v9 =	vmov v40  }
0x108: {  	v60 =	vmovc v21;
	v40 =	vmovc v23;
	v8 =	vmov v39;
	v39 =	vmov v18;
	v33 =	vmov v20  }
0x109: {  	s17 =	smov.u32 s14;
	s14 =	smov.u32 s16;
	v7 =	vmovc v32;
	v62 =	vmovc v15;
	v32 =	vmov v37;
	v18 =	vlaneseq.u32;
	v20 =	vld [tilespmem:$0x1FFF0];
	v21 =	vimm.s32 $0x0  }
.LBB2_13:
0x10a: {  	_ =	sdelay $0x2  }
0x10b: {  	[tilespmem:s15+$0xFFFFF050] =	vst v49  }
0x10c: {  	v0 =	vld.idx.msk [tilespmem:v57+s2+$0x0], $0xffff  }
0x10d: {  	[tilespmem:s15+$0xFFFFF040] =	vst v55;
	v1 =	vadd.s32 $0xFFFFFFF9, v6  }
0x10e: {  	v3 =	vld.idx.msk [tilespmem:v17+s2+$0x0], $0xffff;
	_ =	sdelay $0x2  }
0x10f: {  	[tilespmem:s15+$0xFFFFF290] =	vst v0  }
0x110: {  	v0 =	vld.idx.msk [tilespmem:v1+s2+$0x0], $0xffff  }
0x111: {  	[tilespmem:s15+$0xFFFFF280] =	vst v3;
	v1 =	vadd.s32 $0xFFFFFFF8, v6  }
0x112: {  	v3 =	vld.idx.msk [tilespmem:v29+s2+$0x0], $0xffff;
	_ =	sdelay $0x2  }
0x113: {  	[tilespmem:s15+$0xFFFFF4D0] =	vst v0  }
0x114: {  	v0 =	vld.idx.msk [tilespmem:v1+s2+$0x0], $0xffff  }
0x115: {  	[tilespmem:s15+$0xFFFFF4C0] =	vst v3;
	v1 =	vadd.s32 $0xFFFFFFF7, v6  }
0x116: {  	v3 =	vld.idx.msk [tilespmem:v25+s2+$0x0], $0xffff;
	_ =	sdelay $0x2  }
0x117: {  	[tilespmem:s15+$0xFFFFF710] =	vst v0  }
0x118: {  	v0 =	vld.idx.msk [tilespmem:v1+s2+$0x0], $0xffff  }
0x119: {  	[tilespmem:s15+$0xFFFFF700] =	vst v3;
	v1 =	vadd.s32 $0xFFFFFFF6, v6  }
0x11a: {  	v3 =	vld.idx.msk [tilespmem:v22+s2+$0x0], $0xffff;
	_ =	sdelay $0x2  }
0x11b: {  	[tilespmem:s15+$0xFFFFF950] =	vst v0  }
0x11c: {  	v0 =	vld.idx.msk [tilespmem:v1+s2+$0x0], $0xffff  }
0x11d: {  	[tilespmem:s15+$0xFFFFF940] =	vst v3;
	v1 =	vadd.s32 $0xFFFFFFF5, v6  }
0x11e: {  	v3 =	vld.idx.msk [tilespmem:v19+s2+$0x0], $0xffff;
	_ =	sdelay $0x2  }
0x11f: {  	[tilespmem:s15+$0xFFFFFB90] =	vst v0  }
0x120: {  	v0 =	vld.idx.msk [tilespmem:v1+s2+$0x0], $0xffff  }
0x121: {  	[tilespmem:s15+$0xFFFFFB80] =	vst v3;
	v1 =	vadd.s32 $0xFFFFFFF4, v6  }
0x122: {  	v3 =	vld.idx.msk [tilespmem:v16+s2+$0x0], $0xffff;
	_ =	sdelay $0x1  }
0x123: {  	[tilespmem:s14+$0x0] =	vst @p0 v51  }
0x124: {  	v14 =	vld.idx.msk @p0 [tilespmem:v63+s2+$0x0], $0xffff;
	[tilespmem:s15+$0xFFFFFDD0] =	vst v0  }
0x125: {  	[tilespmem:s14+$0x10] =	vst @p0 v45;
	v0 =	vld.idx.msk [tilespmem:v1+s2+$0x0], $0xffff  }
0x126: {  	v5 =	vld.idx.msk @p0 [tilespmem:v53+s2+$0x0], $0xffff;
	[tilespmem:s15+$0xFFFFFDC0] =	vst v3;
	v1 =	vadd.s32 $0xFFFFFFF3, v6  }
0x127: {  	v3 =	vld.idx.msk [tilespmem:v13+s2+$0x0], $0xffff;
	v13 =	vadd.s32 @p0 $0xFFFFFFF2, v58;
	_ =	sdelay $0x1  }
0x128: {  	[tilespmem:s14+$0x240] =	vst @p0 v14  }
0x129: {  	v2 =	vld.idx.msk @p0 [tilespmem:v2+s2+$0x0], $0xffff;
	[tilespmem:s15+$0x10] =	vst v0  }
0x12a: {  	[tilespmem:s14+$0x250] =	vst @p0 v5;
	v0 =	vld.idx.msk [tilespmem:v1+s2+$0x0], $0xffff  }
0x12b: {  	[tilespmem:s15+$0x0] =	vst v3;
	v5 =	vld.idx.msk @p0 [tilespmem:v13+s2+$0x0], $0xffff;
	v1 =	vadd.s32 $0xFFFFFFF2, v6  }
0x12c: {  	v3 =	vld.idx.msk [tilespmem:v12+s2+$0x0], $0xffff;
	v12 =	vadd.s32 @p0 $0xFFFFFFF1, v58;
	_ =	sdelay $0x2  }
0x12d: {  	[tilespmem:s15+$0x250] =	vst v0  }
0x12e: {  	[tilespmem:s14+$0x490] =	vst @p0 v5;
	v0 =	vld.idx.msk [tilespmem:v1+s2+$0x0], $0xffff  }
0x12f: {  	[tilespmem:s14+$0x480] =	vst @p0 v2;
	v5 =	vld.idx.msk @p0 [tilespmem:v12+s2+$0x0], $0xffff;
	v1 =	vadd.s32 $0xFFFFFFF1, v6  }
0x130: {  	[tilespmem:s15+$0x240] =	vst v3;
	v12 =	vld.idx.msk @p0 [tilespmem:v61+s2+$0x0], $0xffff  }
0x131: {  	v3 =	vld.idx.msk [tilespmem:v11+s2+$0x0], $0xffff  }
0x132: {  	v11 =	vmov @p0 v58  }
0x133: {  	v2 =	vadd.s32 @p0 $0xFFFFFFF0, v11;
	[tilespmem:s15+$0x490] =	vst v0  }
0x134: {  	v0 =	vld.idx.msk [tilespmem:v1+s2+$0x0], $0xffff  }
0x135: {  	[tilespmem:s14+$0x6C0] =	vst @p0 v12;
	v1 =	vadd.s32 $0xFFFFFFF0, v6  }
0x136: {  	[tilespmem:s15+$0x480] =	vst v3;
	v12 =	vld.idx.msk @p0 [tilespmem:v59+s2+$0x0], $0xffff  }
0x137: {  	[tilespmem:s14+$0x6D0] =	vst @p0 v5;
	v3 =	vld.idx.msk [tilespmem:v38+s2+$0x0], $0xffff  }
0x138: {  	v2 =	vld.idx.msk @p0 [tilespmem:v2+s2+$0x0], $0xffff  }
0x139: {  	v5 =	vadd.s32 @p0 $0xFFFFFFEF, v11;
	[tilespmem:s15+$0x6D0] =	vst v0  }
0x13a: {  	v0 =	vld.idx.msk [tilespmem:v1+s2+$0x0], $0xffff  }
0x13b: {  	[tilespmem:s14+$0x900] =	vst @p0 v12;
	v1 =	vadd.s32 $0xFFFFFFEF, v6  }
0x13c: {  	[tilespmem:s15+$0x6C0] =	vst v3;
	v12 =	vld.idx.msk @p0 [tilespmem:v60+s2+$0x0], $0xffff  }
0x13d: {  	[tilespmem:s14+$0x910] =	vst @p0 v2;
	v3 =	vld.idx.msk [tilespmem:v36+s2+$0x0], $0xffff  }
0x13e: {  	v2 =	vld.idx.msk @p0 [tilespmem:v5+s2+$0x0], $0xffff  }
0x13f: {  	v5 =	vadd.s32 @p0 $0xFFFFFFEE, v11;
	[tilespmem:s15+$0x910] =	vst v0  }
0x140: {  	v0 =	vld.idx.msk [tilespmem:v1+s2+$0x0], $0xffff  }
0x141: {  	[tilespmem:s14+$0xB40] =	vst @p0 v12;
	v1 =	vadd.s32 $0xFFFFFFEE, v6  }
0x142: {  	[tilespmem:s15+$0x900] =	vst v3;
	v12 =	vld.idx.msk @p0 [tilespmem:v39+s2+$0x0], $0xffff  }
0x143: {  	[tilespmem:s14+$0xB50] =	vst @p0 v2;
	v3 =	vld.idx.msk [tilespmem:v35+s2+$0x0], $0xffff  }
0x144: {  	v2 =	vld.idx.msk @p0 [tilespmem:v5+s2+$0x0], $0xffff  }
0x145: {  	v5 =	vadd.s32 @p0 $0xFFFFFFED, v11;
	[tilespmem:s15+$0xB50] =	vst v0  }
0x146: {  	v0 =	vld.idx.msk [tilespmem:v1+s2+$0x0], $0xffff  }
0x147: {  	[tilespmem:s14+$0xD80] =	vst @p0 v12  }
0x148: {  	[tilespmem:s15+$0xB40] =	vst v3;
	v12 =	vld.idx.msk @p0 [tilespmem:v62+s2+$0x0], $0xffff  }
0x149: {  	[tilespmem:s14+$0xD90] =	vst @p0 v2;
	v3 =	vld.idx.msk [tilespmem:v34+s2+$0x0], $0xffff  }
0x14a: {  	v13 =	vmov @p0 v54;
	v1 =	vadd.s32 $0xFFFFFFED, v6;
	v2 =	vld.idx.msk @p0 [tilespmem:v5+s2+$0x0], $0xffff;
	v5 =	vadd.s32 @p0 $0xFFFFFFEC, v11  }
0x14b: {  	v5 =	vpsel p0, v5, v0;
	[tilespmem:s15+$0xD90] =	vst v0;
	v0 =	vpsel p0, v13, v0;
	_ =	sdelay $0x2  }
0x14c: {  	s14 =	smov.u32 @p0 s14;
	[tilespmem:s15+$0xD80] =	vst v3;
	v12 =	vpsel p0, v12, v0  }
0x14d: {  	v1 =	vld.idx.msk [tilespmem:v1+s2+$0x0], $0xffff;
	v2 =	vpsel p0, v2, v0;
	[tilespmem:s14+$0xFC0] =	vst @p0 v12  }
0x14e: {  	[tilespmem:s14+$0xFD0] =	vst @p0 v2;
	v2 =	vpsel p0, v11, v0;
	v0 =	vld.idx.msk @p0 [tilespmem:v0+s2+$0x0], $0xffff  }
0x14f: {  	[tilespmem:s17+$0xFD0] =	vst @p1 v41;
	v3 =	vadd.s32 $0xFFFFFFEC, v6;
	v61 =	vld.idx.msk [tilespmem:v32+s2+$0x0], $0xffff  }
0x150: {  	[tilespmem:s17+$0xFC0] =	vst @p1 v42;
	v14 =	vld.idx.msk @p1 [tilespmem:v43+s2+$0x0], $0xffff  }
0x151: {  	v15 =	vadd.s32 @p1 $0xFFFFFFEB, v44;
	v16 =	vld.idx.msk @p1 [tilespmem:v52+s2+$0x0], $0xffff  }
0x152: {  	v11 =	vmov @p0 v48  }
0x153: {  	v5 =	vld.idx.msk @p0 [tilespmem:v5+s2+$0x0], $0xffff;
	[tilespmem:s15+$0xFD0] =	vst v1;
	v1 =	vpsel p0, v11, v0  }
0x154: {  	v12 =	vadd.s32 @p0 $0xFFFFFFEB, v2;
	[tilespmem:s15+$0xFC0] =	vst v61;
	v3 =	vld.idx.msk [tilespmem:v3+s2+$0x0], $0xffff  }
0x155: {  	[tilespmem:s17+$0x1210] =	vst @p1 v14;
	v62 =	vadd.s32 $0xFFFFFFEB, v6;
	v10 =	vld.idx.msk [tilespmem:v10+s2+$0x0], $0xffff  }
0x156: {  	[tilespmem:s17+$0x1200] =	vst @p1 v16;
	v13 =	vld.idx.msk @p1 [tilespmem:v15+s2+$0x0], $0xffff  }
0x157: {  	v14 =	vadd.s32 @p1 $0xFFFFFFEA, v44;
	v15 =	vld.idx.msk @p1 [tilespmem:v50+s2+$0x0], $0xffff;
	[tilespmem:s14+$0x1200] =	vst @p0 v0  }
0x158: {  	[tilespmem:s14+$0x1210] =	vst @p0 v5;
	v0 =	vmov @p0 v40;
	v1 =	vld.idx.msk @p0 [tilespmem:v1+s2+$0x0], $0xffff  }
0x159: {  	v5 =	vld.idx.msk @p0 [tilespmem:v12+s2+$0x0], $0xffff;
	v0 =	vpsel p0, v0, v0;
	[tilespmem:s15+$0x1210] =	vst v3  }
0x15a: {  	v12 =	vadd.s32 @p0 $0xFFFFFFEA, v2;
	[tilespmem:s15+$0x1200] =	vst v10;
	v3 =	vld.idx.msk [tilespmem:v62+s2+$0x0], $0xffff  }
0x15b: {  	v63 =	vadd.s32 $0xFFFFFFEA, v6;
	[tilespmem:s17+$0x1450] =	vst @p1 v13;
	v9 =	vld.idx.msk [tilespmem:v9+s2+$0x0], $0xffff  }
0x15c: {  	[tilespmem:s17+$0x1440] =	vst @p1 v15;
	v11 =	vld.idx.msk @p1 [tilespmem:v14+s2+$0x0], $0xffff  }
0x15d: {  	v14 =	vld.idx.msk @p1 [tilespmem:v47+s2+$0x0], $0xffff;
	[tilespmem:s14+$0x1440] =	vst @p0 v1  }
0x15e: {  	[tilespmem:s14+$0x1450] =	vst @p0 v5;
	v0 =	vld.idx.msk @p0 [tilespmem:v0+s2+$0x0], $0xffff  }
0x15f: {  	v5 =	vld.idx.msk @p0 [tilespmem:v12+s2+$0x0], $0xffff;
	[tilespmem:s15+$0x1450] =	vst v3  }
0x160: {  	v13 =	vadd.s32 @p1 $0xFFFFFFE9, v44;
	[tilespmem:s15+$0x1440] =	vst v9;
	v3 =	vld.idx.msk [tilespmem:v63+s2+$0x0], $0xffff  }
0x161: {  	v2 =	vadd.s32 @p0 $0xFFFFFFE9, v2;
	v8 =	vld.idx.msk [tilespmem:v8+s2+$0x0], $0xffff  }
0x162: {  	[tilespmem:s17+$0x1690] =	vst @p1 v11;
	v1 =	vmov @p0 v33  }
0x163: {  	[tilespmem:s17+$0x1680] =	vst @p1 v14;
	v1 =	vpsel p0, v1, v0  }
0x164: {  	v6 =	vadd.s32 $0xFFFFFFE9, v6;
	v10 =	vld.idx.msk @p1 [tilespmem:v46+s2+$0x0], $0xffff;
	[tilespmem:s14+$0x1690] =	vst @p0 v5  }
0x165: {  	v9 =	vld.idx.msk @p1 [tilespmem:v13+s2+$0x0], $0xffff;
	[tilespmem:s15+$0x1690] =	vst v3  }
0x166: {  	v2 =	vld.idx.msk @p0 [tilespmem:v2+s2+$0x0], $0xffff;
	[tilespmem:s15+$0x1680] =	vst v8  }
0x167: {  	v3 =	vld.idx.msk [tilespmem:v7+s2+$0x0], $0xffff;
	[tilespmem:s14+$0x1680] =	vst @p0 v0  }
0x168: {  	v0 =	vld.idx.msk @p0 [tilespmem:v1+s2+$0x0], $0xffff  }
0x169: {  	[tilespmem:s17+$0x18C0] =	vst @p1 v10;
	v1 =	vld.idx.msk [tilespmem:v6+s2+$0x0], $0xffff  }
0x16a: {  	[tilespmem:s17+$0x18D0] =	vst @p1 v9  }
0x16b: {  	[tilespmem:s14+$0x18D0] =	vst @p0 v2  }
0x16c: {  	[tilespmem:s15+$0x18C0] =	vst v3  }
0x16d: {  	s13 =	sadd.s32 $0x1, s13;
	[tilespmem:s14+$0x18C0] =	vst @p0 v0  }
0x16e: {  	[tilespmem:s15+$0x18D0] =	vst v1;
	p0 =	sne.s32 s13, s6  }
0x16f: {  	[hbm4b:s5+s10] =	stream.strided.scatter [tilespmem:s12], [sflag:$0x1], $0x3600, s11, s10, $0x38;
	[tilespmem:$0xCCF0] =	vst v63  }
.Ltmp6:
0x170: {  	_ = 	snop;
	(pc) =	sbr.rel @p0 .LBB2_1-.Ltmp6, $4  }
.Ltmp7:
0x171: {  	_ = 	snop;
	(pc) =	sbr.rel @!p0 .LBB2_14-.Ltmp7, $4  }
0x172: {  	_ =	swait.ge [sflag:s3], $0x3600  }
0x173: {  	[sflag:s3] =	ssyncset.done $0x0  }
0x174: {  	v1 =	vld [tilespmem:$0x1FFE0];
	[sflag:s3] =	ssyncadd.s32 $0xFFFFCA00  }
0x175: {  	_ = 	snop  }
.LBB2_6:
.Ltmp8:
0x176: {  	(pc) =	sbr.rel .LBB2_13-.Ltmp8, $2  }
0x177: {  	_ =	sdelay $0x2  }
0x178: {  	s15 =	simm.s32 $0x23F0  }
.LBB2_8:
0x179: {  	v58 =	vmov v6;
	v63 =	vmov v12  }
.Ltmp9:
0x17a: {  	v54 =	vmovc v10;
	v2 =	vmovc v11;
	v61 =	vmov v38;
	v59 =	vmov v36;
	v48 =	vmov v9;
	(pc) =	sbr.rel .LBB2_13-.Ltmp9, $4  }
0x17b: {  	v60 =	vmovc v35;
	v40 =	vmovc v8;
	v39 =	vmov v34;
	v33 =	vmov v7;
	v62 =	vmov v32  }
0x17c: {  	v6 =	vmovc v14;
	v12 =	vmovc v30;
	v10 =	vmov v31;
	v11 =	vmov v28;
	v38 =	vmov v27  }
0x17d: {  	v36 =	vmovc v24;
	v9 =	vmovc v26;
	v35 =	vmov v21;
	v8 =	vmov v23;
	v34 =	vmov v18  }
0x17e: {  	s15 =	simm.s32 $0x2410;
	v7 =	vmovc v20;
	v32 =	vmovc v15;
	v13 =	vmov v56;
	v18 =	vlaneseq.u32;
	v20 =	vld [tilespmem:$0x1FFF0];
	v21 =	vimm.s32 $0x0  }
.LBB2_10:
.Ltmp10:
0x17f: {  	v44 =	vmovc v6;
	v52 =	vmovc v10;
	v50 =	vmov v9;
	v47 =	vmov v8;
	v46 =	vmov v7;
	(pc) =	sbr.rel .LBB2_13-.Ltmp10, $4  }
0x180: {  	v58 =	vmovc v14;
	v6 =	vmovc v33;
	v63 =	vmov v30;
	v54 =	vmov v31;
	v10 =	vmov v48  }
0x181: {  	v2 =	vmovc v28;
	v61 =	vmovc v27;
	v59 =	vmov v24;
	v48 =	vmov v26;
	v9 =	vmov v40  }
0x182: {  	v60 =	vmovc v21;
	v40 =	vmovc v23;
	v8 =	vmov v39;
	v39 =	vmov v18;
	v33 =	vmov v20  }
0x183: {  	s17 =	simm.s32 $0x23F0;
	s14 =	simm.s32 $0x2410;
	v7 =	vmovc v32;
	v62 =	vmovc v15;
	v32 =	vmov v37;
	v18 =	vlaneseq.u32;
	v20 =	vld [tilespmem:$0x1FFF0];
	v21 =	vimm.s32 $0x0  }
.LBB2_14:
0x184: {  	_ =	sfence.sel $0x180000  }
0x185: {  	[bflag:$0x0] =	sbarrier.arrive $0xFFFF  }
0x186: {  	p0 =	sne.s32 s0, $0x0;
	_ =	strace $0x90000047  }
0x187: {  	s0 =	sadd.s32 @!p0 $0x100000, s1;
	[bflag:$0x2] =	sbarrier.arrive $0xFFFF  }
0x188: {  	[sflag:s0] =	ssyncadd.tile.s32 @!p0 $0x1;
	_ =	shalt  }
.Lfunc_end2:
_tile_overlayer_lowered:
.L_overlay_start_2:
0x189: {  	(tag) =	ssettag $0x2  }
0x18a: {  	s0 =	rddreg [dreg:$0x0];
	s2 =	stileid.u32  }
0x18b: {  	s1 =	rddreg [dreg:$0x1];
	p0 =	sne.s32 s2, $0x0  }
0x18c: {  	s3 =	rddreg [dreg:$0x2];
	[bflag:$0x3] =	sbarrier.arrive $0xFFFF;
	s2 =	simm.s32 @!p0 $0x1C02  }
0x18d: {  	[timem:s3], [sflag:s2] =	dma.local @!p0 [hbm:s0], s1  }
0x18e: {  	s0 =	simm.s32 @!p0 $0x2  }
0x18f: {  	_ =	swait.ge @!p0 [sflag:s0], s1  }
0x190: {  	s1 =	ssub.s32 @!p0 $0x0, s1;
	[sflag:s0] =	ssyncset.done @!p0 $0x0  }
0x191: {  	[sflag:s0] =	ssyncadd.s32 @!p0 s1  }
0x192: {  	[bflag:$0x3] =	sbarrier.arrive $0xFFFF  }
0x193: {  	_ =	shalt  }

// kernel: _bias.9.cloned.1.call-start
scs
__scs_entry_jumppad:
0x0: {  	(pc) =	sbr.rel $0x88, $3  }
0x1: {  	(tag) =	ssettag $0x0;
	lr =	simm.s32 $0x1  }
0x2: {  	[smem:$0x3FA0] =	sst lr;
	_ =	strace $0xD0000000  }
0x3: {  	_ = 	snop  }
0x4: {  	_ = 	snop  }
0x5: {  	_ = 	snop  }
0x6: {  	_ = 	snop  }
0x7: {  	_ = 	snop  }
__scs_overlays_trampoline_lowered:
0x8: {  	[smem:$0x3FAF] =	sst s0  }
0x9: {  	[smem:$0x3FB0] =	sst s1  }
0xa: {  	[smem:$0x3FB1] =	sst s2  }
0xb: {  	[smem:$0x3FB2] =	sst s3  }
0xc: {  	[smem:$0x3FB3] =	sst s4  }
0xd: {  	[smem:$0x3FB4] =	sst s5  }
0xe: {  	[smem:$0x3FB5] =	sst s6  }
0xf: {  	[smem:$0x3FB6] =	sst s7  }
0x10: {  	[smem:$0x3FB7] =	sst s8  }
0x11: {  	[smem:$0x3FB8] =	sst s9;
	s0 =	simm.s32 @!p0 $0x0  }
0x12: {  	s1 =	sld [smem:$0x3F9E];
	s0 =	simm.s32 @p0 $0x1  }
0x13: {  	[smem:$0x3FB9] =	sst s0;
	s0 =	simm.s32 @!p1 $0x0  }
0x14: {  	s2 =	sld [smem:$0x3F9D];
	s0 =	simm.s32 @p1 $0x1  }
0x15: {  	[smem:$0x3FBA] =	sst s0;
	s0 =	simm.s32 @!p2 $0x0  }
0x16: {  	s3 =	sld [smem:$0x3FDB];
	s0 =	simm.s32 @p2 $0x1  }
0x17: {  	s4 =	simm.s32 $0x1BF5;
	[smem:$0x3FBC] =	sst s0  }
0x18: {  	s0 =	sld [smem:$0x3F9F];
	_ =	swait.ge [sflag:s4], $0x0  }
0x19: {  	s7 =	sld [smem:$0x3FA0]  }
0x1a: {  	s8 =	sadd.s32 $0xFFFFE003, lr  }
0x1b: {  	s9 =	sadd.s32 $0xFFFFFEF7, lr;
	s5 =	simm.s32 $0xFFFFFFFF;
	p2 =	slt.u32 s8, $0xFFFFF086  }
0x1c: {  	p1 =	slt.u32 s9, $0xF7A;
	s5 =	simm.s32 @!p2 $0x0  }
0x1d: {  	s5 =	simm.s32 @p1 $0x1;
	p0 =	seq.s32 s7, s2  }
0x1e: {  	s7 =	smul.u32 @!p0 $0xF7A, s2;
	p2 =	seq.s32 @!p0 s5, $0x0  }
0x1f: {  	s9 =	smul.u32 $0xF7A, s1;
	s8 =	simm.s32 @!p0 $0x1BF5;
	p2 =	por !p2, p0  }
0x20: {  	[sflag:s8] =	ssyncset.s32 @!p0 $0xFFFFF086;
	s6 =	sadd.s32 @!p0 s3, s7;
	s7 =	simm.s32 @!p0 $0x108  }
0x21: {  	s3 =	sadd.s32 s3, s9;
	s6 =	sadd.s32 @!p0 $0x88, s6;
	s7 =	simm.s32 @p2 $0x1082  }
0x22: {  	[simem:s7], [sflag:s8] =	dma.local @!p0 [hbm:s6], $0xF7A  }
0x23: {  	s9 =	sor.u32 $0xD0000000, s2;
	s6 =	simm.s32 $0x108;
	_ =	swait.ge @!p0 [sflag:s8], $0x0  }
0x24: {  	s3 =	sadd.s32 $0x88, s3;
	s6 =	simm.s32 @!p1 $0x1082;
	[sflag:s4] =	ssyncset.s32 $0xFFFFF086  }
0x25: {  	[simem:s6], [sflag:s4] =	dma.local [hbm:s3], $0xF7A  }
0x26: {  	[smem:$0x3FA0] =	sst s1;
	(tag) =	ssettag s2;
	_ =	strace s9  }
0x27: {  	s1 =	sld [smem:$0x3FB0]  }
0x28: {  	s2 =	sld [smem:$0x3FB1]  }
0x29: {  	s4 =	sld [smem:$0x3FB3]  }
0x2a: {  	p0 =	seq.s32 s5, $0x0;
	s5 =	sld [smem:$0x3FB4]  }
0x2b: {  	s6 =	sld [smem:$0x3FB5]  }
0x2c: {  	s7 =	sld [smem:$0x3FB6]  }
0x2d: {  	s3 =	simm.s32 $0x108;
	s8 =	sld [smem:$0x3FB7]  }
0x2e: {  	s3 =	simm.s32 @!p0 $0x1082;
	s9 =	sld [smem:$0x3FB8]  }
0x2f: {  	lr =	sadd.s32 s0, s3;
	s0 =	sld [smem:$0x3FAF]  }
0x30: {  	s3 =	sld [smem:$0x3FB2]  }
0x31: {  	[smem:$0x3FBB] =	sst s10  }
0x32: {  	s10 =	sld [smem:$0x3FB9];
	_ =	sdelay $0x3  }
0x33: {  	p0 =	seq.s32 s10, $0x1;
	s10 =	sld [smem:$0x3FBB];
	_ =	sdelay $0x3  }
0x34: {  	[smem:$0x3FBB] =	sst s10  }
0x35: {  	s10 =	sld [smem:$0x3FBA];
	_ =	sdelay $0x3  }
0x36: {  	p1 =	seq.s32 s10, $0x1;
	s10 =	sld [smem:$0x3FBB];
	_ =	sdelay $0x3  }
0x37: {  	[smem:$0x3FBB] =	sst s10  }
0x38: {  	s10 =	sld [smem:$0x3FBC]  }
0x39: {  	_ = 	snop;
	(pc) =	sbr.ind lr, $3  }
0x3a: {  	_ = 	snop  }
0x3b: {  	_ = 	snop  }
0x3c: {  	p2 =	seq.s32 s10, $0x1;
	s10 =	sld [smem:$0x3FBB]  }
0x3d: {  	_ =	shalt  }
0x3e: {  	_ =	shalt  }
0x3f: {  	_ =	shalt  }
0x40: {  	_ =	shalt  }
0x41: {  	_ =	shalt  }
0x42: {  	_ =	shalt  }
0x43: {  	_ =	shalt  }
0x44: {  	_ =	shalt  }
0x45: {  	_ =	shalt  }
0x46: {  	_ =	shalt  }
0x47: {  	_ =	shalt  }
0x48: {  	_ =	shalt  }
0x49: {  	_ =	shalt  }
0x4a: {  	_ =	shalt  }
0x4b: {  	_ =	shalt  }
0x4c: {  	_ =	shalt  }
0x4d: {  	_ =	shalt  }
0x4e: {  	_ =	shalt  }
0x4f: {  	_ =	shalt  }
0x50: {  	_ =	shalt  }
0x51: {  	_ =	shalt  }
0x52: {  	_ =	shalt  }
0x53: {  	_ =	shalt  }
0x54: {  	_ =	shalt  }
0x55: {  	_ =	shalt  }
0x56: {  	_ =	shalt  }
0x57: {  	_ =	shalt  }
0x58: {  	_ =	shalt  }
0x59: {  	_ =	shalt  }
0x5a: {  	_ =	shalt  }
0x5b: {  	_ =	shalt  }
0x5c: {  	_ =	shalt  }
0x5d: {  	_ =	shalt  }
0x5e: {  	_ =	shalt  }
0x5f: {  	_ =	shalt  }
0x60: {  	_ =	shalt  }
0x61: {  	_ =	shalt  }
0x62: {  	_ =	shalt  }
0x63: {  	_ =	shalt  }
0x64: {  	_ =	shalt  }
0x65: {  	_ =	shalt  }
0x66: {  	_ =	shalt  }
0x67: {  	_ =	shalt  }
0x68: {  	_ =	shalt  }
0x69: {  	_ =	shalt  }
0x6a: {  	_ =	shalt  }
0x6b: {  	_ =	shalt  }
0x6c: {  	_ =	shalt  }
0x6d: {  	_ =	shalt  }
0x6e: {  	_ =	shalt  }
0x6f: {  	_ =	shalt  }
0x70: {  	_ =	shalt  }
0x71: {  	_ =	shalt  }
0x72: {  	_ =	shalt  }
0x73: {  	_ =	shalt  }
0x74: {  	_ =	shalt  }
0x75: {  	_ =	shalt  }
0x76: {  	_ =	shalt  }
0x77: {  	_ =	shalt  }
0x78: {  	_ =	shalt  }
0x79: {  	_ =	shalt  }
0x7a: {  	_ =	shalt  }
0x7b: {  	_ =	shalt  }
0x7c: {  	_ =	shalt  }
0x7d: {  	_ =	shalt  }
0x7e: {  	_ =	shalt  }
0x7f: {  	_ =	shalt  }
0x80: {  	_ =	shalt  }
0x81: {  	_ =	shalt  }
0x82: {  	_ =	shalt  }
0x83: {  	_ =	shalt  }
0x84: {  	_ =	shalt  }
0x85: {  	_ =	shalt  }
0x86: {  	_ =	shalt  }
0x87: {  	_ =	shalt  }
.Lfunc_end0:
.L_simem_size_0:
called_computation.1_lowered:
.L_overlay_start_0:
0x88: {  	s2 =	sld [smem:$0x3FD9]  }
0x89: {  	s3 =	sld [smem:$0x3FFE];
	_ =	sdelay $0x1  }
0x8a: {  	s1 =	srdreg.scid  }
0x8b: {  	s0 =	sand.u32 $0x1, s1  }
0x8c: {  	s17 =	sshll.u32 s0, $0xA;
	s2 =	sadd.s32 s3, s2  }
0x8d: {  	s2 =	sadd.s32 s2, s17  }
0x8e: {  	[smem:$0x3FC7] =	sst s2  }
0x8f: {  	_ = 	snop  }
0x90: {  	s18 =	sld [smem:$0x3FD0];
	(tm) =	ssettm $0x1  }
0x91: {  	s19 =	sld [smem:$0x3FFB];
	_ =	sdelay $0x3  }
0x92: {  	_ =	strace s19  }
0x93: {  	s2 =	sld [smem:$0x3FFC];
	_ =	sdelay $0x3  }
0x94: {  	_ =	strace s2  }
0x95: {  	s2 =	sld [smem:$0x3FFD];
	_ =	sdelay $0x3  }
0x96: {  	_ =	strace s2  }
0x97: {  	_ =	strace $0x8FFFFFFF  }
0x98: {  	s20 =	sld [smem:$0x3FDB];
	_ =	sdelay $0x1  }
0x99: {  	s4 =	simm.s32 $_scs_section_size  }
0x9a: {  	s5 =	simm.s32 $_size__tile_overlayer_lowered;
	s6 =	simm.s32 $_tile_overlayer_lowered  }
0x9b: {  	s7 =	simm.s32 $0x1BFF;
	s21 =	sshll.u32 s6, $0x1;
	s4 =	sadd.s32 s4, s20  }
0x9c: {  	s22 =	simm.s32 $0x0;
	s5 =	sshll.u32 s5, $0x1;
	s6 =	sadd.s32 s21, s4  }
0x9d: {  	[timem:s22], [sflag:s7] =	dma.local [hbm:s6], s5  }
0x9e: {  	_ =	swait.ge [sflag:s7], s5  }
0x9f: {  	s5 =	ssub.s32 $0x0, s5;
	[sflag:s7] =	ssyncset.done $0x0  }
0xa0: {  	[sflag:s7] =	ssyncadd.s32 s5;
	_ =	sdelay $0x1  }
0xa1: {  	s23 =	simm.s32 $0x1B8B  }
0xa2: {  	_ =	swait.ge [sflag:s23], $0x1  }
0xa3: {  	[sflag:s23] =	ssyncset.done $0x0  }
0xa4: {  	[sflag:s23] =	ssyncadd.s32 $0xFFFFFFFF  }
0xa5: {  	s5 =	sld [smem:$0x0]  }
0xa6: {  	s6 =	sand.u32 $0xFFFFFFFE, s1  }
0xa7: {  	p0 =	sne.s32 s1, s6  }
0xa8: {  	s6 =	sshll.u32 @p0 s6, $0xE  }
0xa9: {  	s6 =	sadd.s32 @p0 $0x11B8D, s6;
	s7 =	sshll.u32 @p0 s5, $0x11  }
0xaa: {  	s6 =	sor.u32 @p0 s7, s6  }
0xab: {  	[sflag:s6] =	ssyncadd.remote.s32 @p0 $0x1;
	_ =	sdelay $0x1  }
0xac: {  	s6 =	simm.s32 @p0 $0x1B8D  }
0xad: {  	_ =	swait.eq @p0 [sflag:s6], $0x1  }
0xae: {  	[sflag:s6] =	ssyncadd.s32 @p0 $0xFFFFFFFF  }
0xaf: {  	s7 =	sshll.u32 @!p0 s1, $0xE  }
0xb0: {  	s7 =	sor.u32 @!p0 $0x4000, s7;
	s6 =	simm.s32 @!p0 $0x1B8D  }
0xb1: {  	s5 =	sshll.u32 @!p0 s5, $0x11;
	s7 =	sadd.s32 @!p0 $0x11B8D, s7;
	_ =	swait.eq @!p0 [sflag:s6], $0x1  }
0xb2: {  	s5 =	sor.u32 @!p0 s5, s7;
	[sflag:s6] =	ssyncadd.s32 @!p0 $0xFFFFFFFF  }
0xb3: {  	s25 =	simm.s32 $0x1B8E;
	s24 =	sld [smem:$0x3FFE];
	[sflag:s5] =	ssyncadd.remote.s32 @!p0 $0x1  }
0xb4: {  	s26 =	simm.s32 $execute0_lowered;
	[smem:$0x3FD2] =	sst s25  }
0xb5: {  	s6 =	sshll.u32 s26, $0x1;
	_ =	strace $0x80000049;
	[dreg:$0x1] =	wrdreg $0xFFFFFFFF  }
0xb6: {  	s28 =	simm.s32 $_size_execute0_lowered;
	s4 =	sadd.s32 s4, s6;
	[dreg:$0x0] =	wrdreg $0x0  }
0xb7: {  	s6 =	sshll.u32 s28, $0x1;
	[dreg:$0x2] =	wrdreg s4  }
0xb8: {  	[dreg:$0x3] =	wrdreg s6  }
0xb9: {  	[dreg:$0x4] =	wrdreg $0xC0  }
0xba: {  	_ =	task [dreg:s22], $0x5FFFF  }
0xbb: {  	[dreg:$0x1] =	wrdreg $0xFFFFFFFF  }
0xbc: {  	[dreg:$0x0] =	wrdreg $0x60  }
0xbd: {  	[dreg:$0x2] =	wrdreg s24  }
0xbe: {  	[dreg:$0x3] =	wrdreg s18  }
0xbf: {  	[dreg:$0x4] =	wrdreg $0xA  }
0xc0: {  	_ =	task.clear_ibuf [dreg:s22], $0x5FFFF;
	_ =	strace $0x90000049  }
0xc1: {  	s29 =	simm.s32 $0xA;
	_ =	strace $0x8000004B  }
0xc2: {  	_ =	swait.ge [sflag:s29], $0x1  }
0xc3: {  	[sflag:s29] =	ssyncadd.s32 $0xFFFFFFFF  }
0xc4: {  	_ =	strace $0x9000004B  }
0xc5: {  	_ =	sfence  }
0xc6: {  	s30 =	sld [smem:$0x0];
	_ =	sdelay $0x2  }
0xc7: {  	s31 =	sshll.u32 s1, $0xD;
	s1 =	sshrl.u32 s1, $0x2  }
0xc8: {  	s4 =	sand.u32 $0x4000, s31;
	s1 =	sadd.s32 s1, s30  }
0xc9: {  	s0 =	sor.u32 s4, s0;
	s1 =	sshll.u32 s1, $0x11  }
0xca: {  	s0 =	sor.u32 s1, s0  }
0xcb: {  	s0 =	sadd.s32 $0x8F2B, s0  }
0xcc: {  	[sflag:s0] =	ssyncadd.remote.s32 $0x1  }
0xcd: {  	_ =	sfence.sel $0xFFFF  }
0xce: {  	[dreg:$0x0] =	wrdreg $0xFFFFFFFF;
	(pc) =	sbr.abs _section_cstart, $3  }
0xcf: {  	[dreg:$0x1] =	wrdreg $0xFFFFFFFF  }
0xd0: {  	_ =	task.clear_ibuf [dreg:s22], $0x2FFFF;
	_ =	strace $0x9FFFFFFF  }
0xd1: {  	(tm) =	ssettm $0x7FFFFFFF  }
tec
execute0_lowered:
.L_overlay_start_1:
0x0: {  	(tag) =	ssettag $0x1  }
0x1: {  	s3 =	rddreg [dreg:$0x0]  }
0x2: {  	s0 =	srdreg.scid;
	s5 =	rddreg [dreg:$0x1]  }
0x3: {  	s2 =	simm.s32 $0x0;
	s4 =	sand.u32 $0x1, s0;
	s0 =	stileid.u32  }
0x4: {  	s6 =	simm.s32 $0x1;
	[smem:$0x7FF] =	sst s2;
	s1 =	sor.u32 s4, s0  }
0x5: {  	p1 =	seq.s32 s4, $0x1;
	s7 =	sxor.u32 $0x1, s4;
	s10 =	smul.u32 $0x240, s4  }
0x6: {  	s8 =	ssub.s32 $0x2, s4;
	s11 =	smul.u32 $0x900, s4;
	p0 =	seq.s32 s1, $0x0  }
0x7: {  	s13 =	smul.u32 $0x431, s4;
	s1 =	rddreg [dreg:$0x2];
	p0 =	por !p0, !p1  }
0x8: {  	v18 =	vlaneseq.u32;
	s7 =	smul.u32 $0x10C4, s7;
	s29 =	sshrl.u32 s8, $0x1;
	p0 =	por !p0, !p0  }
0x9: {  	v1 =	vmul.u32 $0xFFFFFFE0, v18;
	_ =	strace $0x8000004A;
	s8 =	ssub.s32 s8, s29;
	s6 =	simm.s32 @!p0 $0x0  }
0xa: {  	s31 =	sshrl.u32 s11, $0x2;
	s11 =	simm.s32 $0x480;
	s6 =	ssub.s32 s0, s6  }
0xb: {  	v2 =	vadd.s32 $0x1E0, v1;
	v1 =	vmov s13;
	s13 =	simm.s32 $0x0;
	s7 =	sadd.s32 s7, s3;
	s9 =	smul.u32 $0x6C00, s6  }
0xc: {  	s3 =	simm.s32 $0x1;
	s4 =	sadd.s32 $0x800, s7;
	s12 =	sadd.s32 $0x10, s6  }
0xd: {  	v4 =	vmul.u32 $0xFFFFFFFF, v18;
	[tilespmem:$0x1FFE0] =	vst v1;
	s7 =	sadd.s32 $0x480, s31;
	v20 =	vmov s12;
	v0 =	vadd.s32 s12, v2;
	s12 =	simm.s32 $0x8F0;
	s30 =	sor.u32 s10, s9  }
0xe: {  	[tilespmem:$0x1FFD0] =	vst v0;
	s9 =	simm.s32 $0x2;
	s10 =	simm.s32 $0x240;
	s6 =	sshrl.u32 s30, $0x3  }
0xf: {  	v21 =	vimm.s32 $0x0;
	v4 =	vadd.s32 $0x46F, v4;
	[tilespmem:$0x1FFF0] =	vst v20;
	s5 =	sadd.s32 s5, s6;
	s6 =	smax.u32 s8, $0x1;
	s8 =	simm.s32 $0x3EF0  }
.LBB2_1:
0x10: {  	s14 =	simm.s32 $0x10;
	v6 =	vmov s2  }
0x11: {  	v2 =	vmov s14;
	v6 =	vsub.s32 v4, v6  }
0x12: {  	v2 =	vsub.s32 v4, v2;
	v6 =	vshll.u32 v6, $0x5  }
0x13: {  	v2 =	vshll.u32 v2, $0x5;
	v6 =	vadd.s32 v20, v6  }
0x14: {  	[tilespmem:s8], [sflag:$0x2] =	stream.linear.gather [hbm4b:s4+s2], $0x8E00, $0x38;
	v2 =	vadd.s32 v20, v2;
	[tilespmem:$0xCCF0] =	vst v63  }
0x15: {  	s29 =	simm.s32 $0x30;
	_ =	swait.ge [sflag:s9], $0x8E00  }
0x16: {  	s15 =	simm.s32 $0x20;
	v7 =	vmov s29;
	[sflag:s9] =	ssyncset.done $0x0  }
0x17: {  	v8 =	vmov s15;
	v7 =	vsub.s32 v4, v7;
	[sflag:s9] =	ssyncadd.s32 $0xFFFF7200  }
0x18: {  	v8 =	vsub.s32 v4, v8;
	v7 =	vshll.u32 v7, $0x5;
	v10 =	vld.idx.msk [tilespmem:v6+s8+$0x0], $0xffff  }
0x19: {  	v7 =	vadd.s32 v20, v7;
	v9 =	vld.idx.msk [tilespmem:v2+s8+$0x0], $0xffff;
	v2 =	vshll.u32 v8, $0x5  }
0x1a: {  	v6 =	vadd.s32 v20, v2  }
0x1b: {  	s30 =	simm.s32 $0x40;
	s31 =	simm.s32 $0x50  }
0x1c: {  	v8 =	vmov s30;
	v2 =	vmov s31  }
0x1d: {  	s14 =	simm.s32 $0x10;
	v8 =	vsub.s32 v4, v8;
	v2 =	vsub.s32 v4, v2  }
0x1e: {  	v11 =	vshll.u32 v2, $0x5;
	v2 =	vld.idx.msk [tilespmem:v7+s8+$0x0], $0xffff;
	v7 =	vshll.u32 v8, $0x5;
	[tilespmem:s14+$0xFFFFFFF0] =	vst v10  }
0x1f: {  	s15 =	simm.s32 $0x60;
	v8 =	vadd.s32 v20, v11;
	v7 =	vadd.s32 v20, v7;
	[tilespmem:s14+$0x0] =	vst v9;
	v6 =	vld.idx.msk [tilespmem:v6+s8+$0x0], $0xffff  }
.LBB2_2:
0x20: {  	s16 =	sadd.s32 $0x10, s15  }
0x21: {  	p0 =	slt.u32 s15, $0x440;
	s17 =	smov.u32 s15;
	s15 =	sadd.s32 $0x20, s15  }
.Ltmp0:
0x22: {  	v9 =	vmov s16;
	(pc) =	sbr.rel @p0 .LBB2_2-.Ltmp0, $4  }
0x23: {  	s14 =	sadd.s32 $0x20, s14;
	v10 =	vmov s17;
	v9 =	vsub.s32 v4, v9  }
0x24: {  	v10 =	vsub.s32 v4, v10;
	v9 =	vshll.u32 v9, $0x5;
	[tilespmem:s14+$0x0] =	vst v2;
	v2 =	vld.idx.msk [tilespmem:v8+s8+$0x0], $0xffff  }
0x25: {  	v10 =	vshll.u32 v10, $0x5;
	v8 =	vadd.s32 v20, v9;
	[tilespmem:s14+$0xFFFFFFF0] =	vst v6;
	v6 =	vld.idx.msk [tilespmem:v7+s8+$0x0], $0xffff  }
0x26: {  	v7 =	vadd.s32 v20, v10  }
0x27: {  	_ =	sdelay $0x3  }
0x28: {  	v8 =	vld.idx.msk [tilespmem:v8+s8+$0x0], $0xffff  }
0x29: {  	v7 =	vld.idx.msk [tilespmem:v7+s8+$0x0], $0xffff  }
0x2a: {  	s14 =	sadd.s32 $0x20, s14  }
0x2b: {  	[tilespmem:s14+$0x0] =	vst v2  }
0x2c: {  	s15 =	simm.s32 $0x0;
	[tilespmem:s14+$0xFFFFFFF0] =	vst v6;
	s14 =	sadd.s32 $0x20, s14  }
0x2d: {  	v9 =	vor.u32 s15, v18;
	[tilespmem:s14+$0x0] =	vst v8  }
0x2e: {  	vm0 =	vlt.s32 v9, $0x467;
	[tilespmem:s14+$0xFFFFFFF0] =	vst v7  }
0x2f: {  	v9 =	vnsel vm0, $0x467, v9;
	v0 =	vld [tilespmem:$0x1FFD0]  }
0x30: {  	v10 =	vmulhi.u32 $0xAAAAAAAB, v9  }
0x31: {  	s16 =	simm.s32 $0x10;
	s29 =	simm.s32 $0x30  }
0x32: {  	v11 =	vor.u32 s16, v18;
	v12 =	vor.u32 s29, v18;
	v10 =	vshrl.u32 v10, $0x4  }
0x33: {  	v13 =	vmov s15;
	vm0 =	vlt.s32 v11, $0x467;
	v2 =	vmul.u32 $0xFFFFFFE8, v10  }
0x34: {  	s30 =	simm.s32 $0x20;
	v11 =	vnsel vm0, $0x467, v11;
	v14 =	vsub.s32 $0x0, v9;
	vm0 =	veq.s32 v13, v18  }
0x35: {  	v6 =	vmulhi.u32 $0xAAAAAAAB, v11;
	v8 =	vor.u32 s30, v18;
	vm1 =	vne.s32 v2, v14  }
0x36: {  	vm3 =	vlt.s32 v12, $0x467;
	vm2 =	vlt.s32 v8, $0x467;
	vm0 =	vmand vm0, vm1  }
0x37: {  	v6 =	vshrl.u32 v6, $0x4;
	v2 =	vnsel vm2, $0x467, v8;
	v7 =	vsel vm0, $0xFFFFFFFF, v21;
	v59 =	vld.idx.msk [tilespmem:v0+s8+$0x0], $0xffff  }
0x38: {  	v60 =	vmul.u32 $0x17, v6;
	v8 =	vmulhi.u32 $0xAAAAAAAB, v2;
	v10 =	vadd.s32 v7, v10  }
0x39: {  	v63 =	vmov s30;
	v6 =	vnsel vm3, $0x467, v12;
	v61 =	vmul.u32 $0x17, v10  }
0x3a: {  	v11 =	vadd.s32 v60, v11;
	v15 =	vsub.s32 $0x0, v2;
	v8 =	vshrl.u32 v8, $0x4  }
0x3b: {  	s31 =	simm.s32 $0x50;
	vm0 =	veq.s32 v63, v18;
	v62 =	vmul.u32 $0xFFFFFFE8, v8;
	v12 =	vadd.s32 v61, v9  }
0x3c: {  	s15 =	simm.s32 $0x40;
	s14 =	simm.s32 $0x480;
	v7 =	vor.u32 s31, v18;
	v10 =	vmulhi.u32 $0xAAAAAAAB, v6;
	v12 =	vadd.s32 $0x17, v12;
	[tilespmem:$0x460] =	vst v59  }
0x3d: {  	s16 =	simm.s32 $0x60;
	v9 =	vadd.s32 $0x17, v11;
	v11 =	vor.u32 s15, v18;
	vm1 =	vne.s32 v62, v15;
	[tilespmem:s14+$0xFFFFFFF0] =	vst v12  }
.LBB2_4:
0x3e: {  	p0 =	slt.u32 s16, $0x460;
	vm2 =	vlt.s32 v11, $0x467;
	vm3 =	vlt.s32 v7, $0x467;
	vm0 =	vmand vm0, vm1;
	[tilespmem:s14+$0x0] =	vst v9  }
0x3f: {  	v10 =	vshrl.u32 v10, $0x4;
	v11 =	vnsel vm2, $0x467, v11;
	v9 =	vsel vm0, $0xFFFFFFFF, v21  }
0x40: {  	s17 =	sadd.s32 $0x10, s16;
	v12 =	vmulhi.u32 $0xAAAAAAAB, v11;
	v8 =	vadd.s32 v9, v8;
	v9 =	vmul.u32 $0x17, v10  }
.Ltmp1:
0x41: {  	v13 =	vnsel vm3, $0x467, v7;
	v7 =	vor.u32 s17, v18;
	v14 =	vmul.u32 $0x17, v8;
	(pc) =	sbr.rel @p0 .LBB2_4-.Ltmp1, $4  }
0x42: {  	v10 =	vmulhi.u32 $0xAAAAAAAB, v13;
	v8 =	vshrl.u32 v12, $0x4;
	v9 =	vadd.s32 v9, v6;
	v6 =	vmovc v13  }
0x43: {  	v12 =	vmul.u32 $0xFFFFFFE8, v8;
	v13 =	vadd.s32 v14, v2;
	v9 =	vadd.s32 $0x17, v9;
	v2 =	vmovc v11  }
0x44: {  	s14 =	sadd.s32 $0x20, s14;
	v14 =	vmov s15;
	s15 =	smov.u32 s16;
	v15 =	vsub.s32 $0x0, v2;
	v13 =	vadd.s32 $0x17, v13  }
0x45: {  	s16 =	sadd.s32 $0x20, s16;
	v11 =	vor.u32 s15, v18;
	vm0 =	veq.s32 v14, v18;
	vm1 =	vne.s32 v12, v15;
	[tilespmem:s14+$0xFFFFFFF0] =	vst v13  }
0x46: {  	vm2 =	vlt.s32 v11, $0x467  }
0x47: {  	v11 =	vnsel vm2, $0x467, v11  }
0x48: {  	v12 =	vmulhi.u32 $0xAAAAAAAB, v11  }
0x49: {  	vm13 =	vlt.s32 v7, $0x467;
	vm0 =	vmand vm0, vm1  }
0x4a: {  	v15 =	vmov s15;
	v10 =	vshrl.u32 v10, $0x4;
	v12 =	vshrl.u32 v12, $0x4  }
0x4b: {  	v14 =	vsel vm0, $0xFFFFFFFF, v21;
	vm14 =	veq.s32 v15, v18;
	v13 =	vmul.u32 $0xFFFFFFE8, v12  }
0x4c: {  	v7 =	vnsel vm13, $0x467, v7;
	v16 =	vsub.s32 $0x0, v11;
	v8 =	vadd.s32 v14, v8  }
0x4d: {  	v8 =	vmul.u32 $0x17, v8;
	vm15 =	vne.s32 v13, v16;
	v13 =	vmulhi.u32 $0xAAAAAAAB, v7  }
0x4e: {  	v10 =	vmul.u32 $0x17, v10;
	vm0 =	vmand vm14, vm15  }
0x4f: {  	v2 =	vadd.s32 v8, v2;
	v14 =	vsel vm0, $0xFFFFFFFF, v21;
	v8 =	vshrl.u32 v13, $0x4  }
0x50: {  	v6 =	vadd.s32 v10, v6;
	v12 =	vadd.s32 v14, v12;
	v8 =	vmul.u32 $0x17, v8  }
0x51: {  	[tilespmem:s14+$0x0] =	vst v9;
	s31 =	sadd.s32 $0x20, s14;
	v6 =	vadd.s32 $0x17, v6;
	v12 =	vmul.u32 $0x17, v12  }
0x52: {  	[tilespmem:s31+$0x0] =	vst v6;
	v2 =	vadd.s32 $0x17, v2;
	v6 =	vadd.s32 v8, v7  }
0x53: {  	s14 =	sadd.s32 $0x20, s31;
	[tilespmem:s31+$0xFFFFFFF0] =	vst v2;
	v2 =	vadd.s32 v12, v11;
	v6 =	vadd.s32 $0x17, v6  }
0x54: {  	v2 =	vadd.s32 $0x17, v2;
	[tilespmem:s14+$0x0] =	vst v6  }
0x55: {  	[tilespmem:s14+$0xFFFFFFF0] =	vst v2  }
0x56: {  	v2 =	vld [tilespmem:s7+$0x0]  }
0x57: {  	v7 =	vld [tilespmem:s7+$0xFFFFFFF0];
	_ =	sdelay $0x3  }
0x58: {  	v6 =	vsub.s32 v2, v1  }
0x59: {  	v2 =	vsub.s32 v7, v1;
	_ =	sdelay $0x3  }
0x5a: {  	v7 =	vld.idx.msk [tilespmem:v6+s2+$0x0], $0xffff  }
0x5b: {  	v8 =	vadd.s32 $0xFFFFFFFF, v6;
	v9 =	vld.idx.msk [tilespmem:v2+s2+$0x0], $0xffff  }
0x5c: {  	v10 =	vadd.s32 $0xFFFFFFFF, v2;
	_ =	sdelay $0x1  }
0x5d: {  	s14 =	simm.s32 $0x23F0  }
0x5e: {  	[tilespmem:s14+$0xFFFFE510] =	vst v7  }
0x5f: {  	[tilespmem:s14+$0xFFFFE500] =	vst v9;
	v7 =	vld.idx.msk [tilespmem:v8+s2+$0x0], $0xffff  }
0x60: {  	v8 =	vadd.s32 $0xFFFFFFFE, v6;
	v9 =	vld.idx.msk [tilespmem:v10+s2+$0x0], $0xffff  }
0x61: {  	v10 =	vadd.s32 $0xFFFFFFFE, v2;
	_ =	sdelay $0x2  }
0x62: {  	[tilespmem:s14+$0xFFFFE750] =	vst v7  }
0x63: {  	[tilespmem:s14+$0xFFFFE740] =	vst v9;
	v7 =	vld.idx.msk [tilespmem:v8+s2+$0x0], $0xffff  }
0x64: {  	v8 =	vadd.s32 $0xFFFFFFFD, v6;
	v9 =	vld.idx.msk [tilespmem:v10+s2+$0x0], $0xffff  }
0x65: {  	v10 =	vadd.s32 $0xFFFFFFFD, v2;
	_ =	sdelay $0x2  }
0x66: {  	[tilespmem:s14+$0xFFFFE990] =	vst v7  }
0x67: {  	[tilespmem:s14+$0xFFFFE980] =	vst v9;
	v7 =	vld.idx.msk [tilespmem:v8+s2+$0x0], $0xffff  }
0x68: {  	v8 =	vadd.s32 $0xFFFFFFFC, v6;
	v9 =	vld.idx.msk [tilespmem:v10+s2+$0x0], $0xffff  }
0x69: {  	v10 =	vadd.s32 $0xFFFFFFFC, v2;
	_ =	sdelay $0x2  }
0x6a: {  	[tilespmem:s14+$0xFFFFEBD0] =	vst v7  }
0x6b: {  	[tilespmem:s14+$0xFFFFEBC0] =	vst v9;
	v7 =	vld.idx.msk [tilespmem:v8+s2+$0x0], $0xffff  }
0x6c: {  	v14 =	vadd.s32 $0xFFFFFFFB, v2;
	v17 =	vadd.s32 $0xFFFFFFFA, v2;
	v8 =	vadd.s32 $0xFFFFFFFB, v6;
	v15 =	vld.idx.msk [tilespmem:v10+s2+$0x0], $0xffff  }
0x6d: {  	p2 =	por $0x1, $0x1;
	v29 =	vadd.s32 $0xFFFFFFF9, v2;
	v25 =	vadd.s32 $0xFFFFFFF8, v2;
	v22 =	vadd.s32 $0xFFFFFFF7, v2  }
.Ltmp2:
0x6e: {  	v19 =	vadd.s32 $0xFFFFFFF6, v2;
	v16 =	vadd.s32 $0xFFFFFFF5, v2;
	v13 =	vadd.s32 $0xFFFFFFF4, v2;
	(pc) =	sbr.rel @!p2 .LBB2_6-.Ltmp2, $4  }
0x6f: {  	v12 =	vadd.s32 $0xFFFFFFF3, v2;
	v11 =	vadd.s32 $0xFFFFFFF2, v2;
	v38 =	vadd.s32 $0xFFFFFFF1, v2  }
0x70: {  	v36 =	vadd.s32 $0xFFFFFFF0, v2;
	v35 =	vadd.s32 $0xFFFFFFEF, v2;
	v34 =	vadd.s32 $0xFFFFFFEE, v2;
	[tilespmem:s14+$0xFFFFEE10] =	vst v7  }
0x71: {  	v32 =	vadd.s32 $0xFFFFFFED, v2;
	v57 =	vadd.s32 $0xFFFFFFFA, v6;
	v9 =	vadd.s32 $0xFFFFFFEB, v2;
	[tilespmem:s14+$0xFFFFEE00] =	vst v15;
	v49 =	vld.idx.msk [tilespmem:v8+s2+$0x0], $0xffff  }
0x72: {  	s15 =	sadd.s32 $0x20, s7;
	p0 =	por $0x0, $0x0;
	p1 =	por $0x0, $0x0;
	v10 =	vadd.s32 $0xFFFFFFEC, v2;
	v7 =	vadd.s32 $0xFFFFFFE9, v2;
	v8 =	vadd.s32 $0xFFFFFFEA, v2;
	v55 =	vld.idx.msk [tilespmem:v14+s2+$0x0], $0xffff  }
0x73: {  	_ = 	snop  }
0x74: {  	v2 =	vld [tilespmem:s15+$0x0]  }
0x75: {  	v15 =	vld [tilespmem:s15+$0xFFFFFFF0]  }
0x76: {  	[tilespmem:s14+$0xFFFFF050] =	vst v49  }
0x77: {  	v18 =	vld.idx.msk [tilespmem:v57+s2+$0x0], $0xffff  }
0x78: {  	v20 =	vadd.s32 $0xFFFFFFF9, v6;
	[tilespmem:s14+$0xFFFFF040] =	vst v55  }
0x79: {  	v14 =	vsub.s32 v2, v1;
	v2 =	vld.idx.msk [tilespmem:v17+s2+$0x0], $0xffff  }
0x7a: {  	v33 =	vsub.s32 v15, v1;
	_ =	sdelay $0x1  }
0x7b: {  	[tilespmem:s14+$0xFFFFF290] =	vst v18  }
0x7c: {  	v15 =	vld.idx.msk [tilespmem:v20+s2+$0x0], $0xffff  }
0x7d: {  	v17 =	vld.idx.msk [tilespmem:v14+s2+$0x0], $0xffff;
	[tilespmem:s14+$0xFFFFF280] =	vst v2;
	v2 =	vadd.s32 $0xFFFFFFF8, v6  }
0x7e: {  	v18 =	vadd.s32 $0xFFFFFFFF, v14;
	v21 =	vld.idx.msk [tilespmem:v33+s2+$0x0], $0xffff  }
0x7f: {  	v23 =	vadd.s32 $0xFFFFFFFF, v33;
	v20 =	vld.idx.msk [tilespmem:v29+s2+$0x0], $0xffff;
	_ =	sdelay $0x1  }
0x80: {  	s16 =	simm.s32 $0x2410;
	[tilespmem:s14+$0xFFFFF4D0] =	vst v15  }
0x81: {  	[tilespmem:s16+$0xFFFFE510] =	vst v17;
	v2 =	vld.idx.msk [tilespmem:v2+s2+$0x0], $0xffff  }
0x82: {  	v17 =	vadd.s32 $0xFFFFFFF7, v6;
	[tilespmem:s16+$0xFFFFE500] =	vst v21;
	v15 =	vld.idx.msk [tilespmem:v18+s2+$0x0], $0xffff  }
0x83: {  	[tilespmem:s14+$0xFFFFF4C0] =	vst v20;
	v18 =	vadd.s32 $0xFFFFFFFE, v14;
	v21 =	vld.idx.msk [tilespmem:v23+s2+$0x0], $0xffff  }
0x84: {  	v23 =	vadd.s32 $0xFFFFFFFE, v33;
	v20 =	vld.idx.msk [tilespmem:v25+s2+$0x0], $0xffff;
	_ =	sdelay $0x1  }
0x85: {  	[tilespmem:s14+$0xFFFFF710] =	vst v2  }
0x86: {  	[tilespmem:s16+$0xFFFFE750] =	vst v15;
	v2 =	vld.idx.msk [tilespmem:v17+s2+$0x0], $0xffff  }
0x87: {  	[tilespmem:s16+$0xFFFFE740] =	vst v21;
	v15 =	vld.idx.msk [tilespmem:v18+s2+$0x0], $0xffff;
	v17 =	vadd.s32 $0xFFFFFFF6, v6  }
0x88: {  	[tilespmem:s14+$0xFFFFF700] =	vst v20;
	v18 =	vadd.s32 $0xFFFFFFFD, v14;
	v21 =	vld.idx.msk [tilespmem:v23+s2+$0x0], $0xffff  }
0x89: {  	v20 =	vld.idx.msk [tilespmem:v22+s2+$0x0], $0xffff;
	v22 =	vadd.s32 $0xFFFFFFFD, v33;
	_ =	sdelay $0x1  }
0x8a: {  	[tilespmem:s14+$0xFFFFF950] =	vst v2  }
0x8b: {  	[tilespmem:s16+$0xFFFFE990] =	vst v15;
	v2 =	vld.idx.msk [tilespmem:v17+s2+$0x0], $0xffff  }
0x8c: {  	[tilespmem:s16+$0xFFFFE980] =	vst v21;
	v15 =	vld.idx.msk [tilespmem:v18+s2+$0x0], $0xffff;
	v17 =	vadd.s32 $0xFFFFFFF5, v6  }
0x8d: {  	[tilespmem:s14+$0xFFFFF940] =	vst v20;
	v18 =	vadd.s32 $0xFFFFFFFC, v14;
	v20 =	vld.idx.msk [tilespmem:v22+s2+$0x0], $0xffff  }
0x8e: {  	v21 =	vadd.s32 $0xFFFFFFFC, v33;
	v19 =	vld.idx.msk [tilespmem:v19+s2+$0x0], $0xffff;
	_ =	sdelay $0x1  }
0x8f: {  	[tilespmem:s14+$0xFFFFFB90] =	vst v2  }
0x90: {  	[tilespmem:s16+$0xFFFFEBD0] =	vst v15;
	v2 =	vld.idx.msk [tilespmem:v17+s2+$0x0], $0xffff  }
0x91: {  	[tilespmem:s16+$0xFFFFEBC0] =	vst v20;
	v15 =	vld.idx.msk [tilespmem:v18+s2+$0x0], $0xffff;
	v18 =	vadd.s32 $0xFFFFFFF4, v6  }
0x92: {  	v20 =	vadd.s32 $0xFFFFFFFB, v14;
	[tilespmem:s14+$0xFFFFFB80] =	vst v19;
	v39 =	vld.idx.msk [tilespmem:v21+s2+$0x0], $0xffff  }
0x93: {  	v53 =	vadd.s32 $0xFFFFFFF3, v6;
	v37 =	vadd.s32 $0xFFFFFFFB, v33;
	v56 =	vadd.s32 $0xFFFFFFF4, v33;
	v23 =	vld.idx.msk [tilespmem:v16+s2+$0x0], $0xffff  }
0x94: {  	p2 =	por $0x1, $0x1;
	v30 =	vadd.s32 $0xFFFFFFF3, v33;
	v28 =	vadd.s32 $0xFFFFFFF2, v33;
	v27 =	vadd.s32 $0xFFFFFFF1, v33  }
.Ltmp3:
0x95: {  	v24 =	vadd.s32 $0xFFFFFFF0, v33;
	v31 =	vadd.s32 $0xFFFFFFEC, v33;
	v26 =	vadd.s32 $0xFFFFFFEB, v33;
	[tilespmem:s14+$0xFFFFFDD0] =	vst v2;
	(pc) =	sbr.rel @!p2 .LBB2_8-.Ltmp3, $4  }
0x96: {  	v57 =	vadd.s32 $0xFFFFFFFA, v14;
	v29 =	vadd.s32 $0xFFFFFFF9, v33;
	v25 =	vadd.s32 $0xFFFFFFF8, v33;
	[tilespmem:s16+$0xFFFFEE10] =	vst v15;
	v45 =	vld.idx.msk [tilespmem:v18+s2+$0x0], $0xffff  }
0x97: {  	v22 =	vadd.s32 $0xFFFFFFF7, v33;
	v17 =	vadd.s32 $0xFFFFFFFA, v33;
	v19 =	vadd.s32 $0xFFFFFFF6, v33;
	[tilespmem:s16+$0xFFFFEE00] =	vst v39;
	v49 =	vld.idx.msk [tilespmem:v20+s2+$0x0], $0xffff  }
0x98: {  	v21 =	vadd.s32 $0xFFFFFFEF, v33;
	v16 =	vadd.s32 $0xFFFFFFF5, v33;
	v15 =	vadd.s32 $0xFFFFFFED, v33;
	[tilespmem:s14+$0xFFFFFDC0] =	vst v23;
	v55 =	vld.idx.msk [tilespmem:v37+s2+$0x0], $0xffff  }
0x99: {  	s18 =	sadd.s32 $0x20, s15;
	p0 =	por $0x1, $0x1;
	v18 =	vadd.s32 $0xFFFFFFEE, v33;
	v23 =	vadd.s32 $0xFFFFFFEA, v33;
	v20 =	vadd.s32 $0xFFFFFFE9, v33;
	v51 =	vld.idx.msk [tilespmem:v13+s2+$0x0], $0xffff  }
0x9a: {  	_ =	sdelay $0x1  }
0x9b: {  	v2 =	vld [tilespmem:s18+$0x0]  }
0x9c: {  	v39 =	vld [tilespmem:s18+$0xFFFFFFF0];
	[tilespmem:s14+$0x10] =	vst v45  }
0x9d: {  	[tilespmem:s16+$0xFFFFF050] =	vst v49;
	v13 =	vld.idx.msk [tilespmem:v53+s2+$0x0], $0xffff  }
0x9e: {  	v40 =	vadd.s32 $0xFFFFFFF2, v6;
	v37 =	vld.idx.msk [tilespmem:v57+s2+$0x0], $0xffff  }
0x9f: {  	v41 =	vadd.s32 $0xFFFFFFF9, v14;
	[tilespmem:s14+$0x0] =	vst v51  }
0xa0: {  	[tilespmem:s16+$0xFFFFF040] =	vst v55;
	v12 =	vld.idx.msk [tilespmem:v12+s2+$0x0], $0xffff;
	v33 =	vsub.s32 v2, v1  }
0xa1: {  	v2 =	vld.idx.msk [tilespmem:v17+s2+$0x0], $0xffff  }
0xa2: {  	[tilespmem:s14+$0x250] =	vst v13  }
0xa3: {  	v43 =	vsub.s32 v39, v1;
	[tilespmem:s16+$0xFFFFF290] =	vst v37;
	v13 =	vld.idx.msk [tilespmem:v40+s2+$0x0], $0xffff  }
0xa4: {  	v50 =	vadd.s32 $0xFFFFFFF1, v6;
	v17 =	vld.idx.msk [tilespmem:v41+s2+$0x0], $0xffff  }
0xa5: {  	v51 =	vld.idx.msk [tilespmem:v33+s2+$0x0], $0xffff;
	[tilespmem:s14+$0x240] =	vst v12;
	v12 =	vadd.s32 $0xFFFFFFF8, v14  }
0xa6: {  	[tilespmem:s16+$0xFFFFF280] =	vst v2;
	v2 =	vld.idx.msk [tilespmem:v11+s2+$0x0], $0xffff;
	v11 =	vadd.s32 $0xFFFFFFFF, v33  }
0xa7: {  	v29 =	vld.idx.msk [tilespmem:v29+s2+$0x0], $0xffff  }
0xa8: {  	v52 =	vld.idx.msk [tilespmem:v43+s2+$0x0], $0xffff;
	[tilespmem:s14+$0x490] =	vst v13  }
0xa9: {  	s15 =	simm.s32 $0x2430;
	v13 =	vadd.s32 $0xFFFFFFFF, v43;
	[tilespmem:s16+$0xFFFFF4D0] =	vst v17;
	v17 =	vld.idx.msk [tilespmem:v50+s2+$0x0], $0xffff  }
0xaa: {  	[tilespmem:s15+$0xFFFFE510] =	vst v51;
	v12 =	vld.idx.msk [tilespmem:v12+s2+$0x0], $0xffff  }
0xab: {  	v53 =	vadd.s32 $0xFFFFFFF0, v6;
	v11 =	vld.idx.msk [tilespmem:v11+s2+$0x0], $0xffff;
	[tilespmem:s14+$0x480] =	vst v2  }
0xac: {  	v2 =	vadd.s32 $0xFFFFFFF7, v14;
	[tilespmem:s16+$0xFFFFF4C0] =	vst v29;
	v29 =	vld.idx.msk [tilespmem:v38+s2+$0x0], $0xffff  }
0xad: {  	[tilespmem:s15+$0xFFFFE500] =	vst v52;
	v25 =	vld.idx.msk [tilespmem:v25+s2+$0x0], $0xffff  }
0xae: {  	v13 =	vld.idx.msk [tilespmem:v13+s2+$0x0], $0xffff;
	[tilespmem:s14+$0x6D0] =	vst v17  }
0xaf: {  	v17 =	vadd.s32 $0xFFFFFFFE, v43;
	[tilespmem:s16+$0xFFFFF710] =	vst v12  }
0xb0: {  	v54 =	vadd.s32 $0xFFFFFFFE, v33;
	v12 =	vld.idx.msk [tilespmem:v53+s2+$0x0], $0xffff;
	[tilespmem:s15+$0xFFFFE750] =	vst v11  }
0xb1: {  	v2 =	vld.idx.msk [tilespmem:v2+s2+$0x0], $0xffff;
	v11 =	vadd.s32 $0xFFFFFFEF, v6;
	[tilespmem:s14+$0x6C0] =	vst v29  }
0xb2: {  	v29 =	vadd.s32 $0xFFFFFFF6, v14;
	[tilespmem:s16+$0xFFFFF700] =	vst v25;
	v25 =	vld.idx.msk [tilespmem:v36+s2+$0x0], $0xffff  }
0xb3: {  	[tilespmem:s15+$0xFFFFE740] =	vst v13;
	v13 =	vld.idx.msk [tilespmem:v22+s2+$0x0], $0xffff  }
0xb4: {  	v17 =	vld.idx.msk [tilespmem:v17+s2+$0x0], $0xffff  }
0xb5: {  	v55 =	vld.idx.msk [tilespmem:v54+s2+$0x0], $0xffff;
	[tilespmem:s14+$0x910] =	vst v12;
	v12 =	vadd.s32 $0xFFFFFFFD, v43  }
0xb6: {  	v57 =	vadd.s32 $0xFFFFFFFD, v33;
	[tilespmem:s16+$0xFFFFF950] =	vst v2;
	v2 =	vld.idx.msk [tilespmem:v11+s2+$0x0], $0xffff  }
0xb7: {  	v22 =	vadd.s32 $0xFFFFFFEE, v6;
	v11 =	vld.idx.msk [tilespmem:v29+s2+$0x0], $0xffff;
	[tilespmem:s14+$0x900] =	vst v25  }
0xb8: {  	v25 =	vadd.s32 $0xFFFFFFF5, v14;
	[tilespmem:s16+$0xFFFFF940] =	vst v13;
	v13 =	vld.idx.msk [tilespmem:v35+s2+$0x0], $0xffff  }
0xb9: {  	[tilespmem:s15+$0xFFFFE980] =	vst v17;
	v17 =	vld.idx.msk [tilespmem:v19+s2+$0x0], $0xffff  }
0xba: {  	[tilespmem:s15+$0xFFFFE990] =	vst v55;
	v12 =	vld.idx.msk [tilespmem:v12+s2+$0x0], $0xffff  }
0xbb: {  	v29 =	vld.idx.msk [tilespmem:v57+s2+$0x0], $0xffff;
	[tilespmem:s14+$0xB50] =	vst v2;
	v2 =	vadd.s32 $0xFFFFFFFC, v43  }
0xbc: {  	v58 =	vadd.s32 $0xFFFFFFFC, v33;
	[tilespmem:s16+$0xFFFFFB90] =	vst v11;
	v11 =	vld.idx.msk [tilespmem:v22+s2+$0x0], $0xffff  }
0xbd: {  	v60 =	vadd.s32 $0xFFFFFFED, v6;
	v59 =	vld.idx.msk [tilespmem:v25+s2+$0x0], $0xffff;
	[tilespmem:s14+$0xB40] =	vst v13  }
0xbe: {  	v61 =	vadd.s32 $0xFFFFFFF4, v14;
	[tilespmem:s16+$0xFFFFFB80] =	vst v17;
	v34 =	vld.idx.msk [tilespmem:v34+s2+$0x0], $0xffff  }
0xbf: {  	[tilespmem:s15+$0xFFFFEBC0] =	vst v12;
	v63 =	vld.idx.msk [tilespmem:v16+s2+$0x0], $0xffff  }
0xc0: {  	v62 =	vadd.s32 $0xFFFFFFFB, v33;
	v44 =	vadd.s32 $0xFFFFFFFB, v43;
	[tilespmem:s15+$0xFFFFEBD0] =	vst v29;
	v2 =	vld.idx.msk [tilespmem:v2+s2+$0x0], $0xffff  }
0xc1: {  	v48 =	vadd.s32 $0xFFFFFFEC, v43;
	v39 =	vadd.s32 $0xFFFFFFEA, v43;
	v37 =	vadd.s32 $0xFFFFFFED, v43;
	v35 =	vld.idx.msk [tilespmem:v58+s2+$0x0], $0xffff;
	[tilespmem:s14+$0xD90] =	vst v11  }
0xc2: {  	p2 =	por $0x1, $0x1;
	v40 =	vadd.s32 $0xFFFFFFEB, v43;
	v38 =	vadd.s32 $0xFFFFFFF1, v43;
	v53 =	vadd.s32 $0xFFFFFFF3, v14;
	[tilespmem:s16+$0xFFFFFDD0] =	vst v59;
	v41 =	vld.idx.msk [tilespmem:v60+s2+$0x0], $0xffff  }
.Ltmp4:
0xc3: {  	v36 =	vadd.s32 $0xFFFFFFF0, v43;
	v57 =	vadd.s32 $0xFFFFFFFA, v33;
	v19 =	vadd.s32 $0xFFFFFFF6, v43;
	v45 =	vld.idx.msk [tilespmem:v61+s2+$0x0], $0xffff;
	[tilespmem:s14+$0xD80] =	vst v34;
	(pc) =	sbr.rel @!p2 .LBB2_10-.Ltmp4, $4  }
0xc4: {  	v22 =	vadd.s32 $0xFFFFFFF7, v43;
	v29 =	vadd.s32 $0xFFFFFFF9, v43;
	v25 =	vadd.s32 $0xFFFFFFF8, v43;
	[tilespmem:s16+$0xFFFFFDC0] =	vst v63;
	v42 =	vld.idx.msk [tilespmem:v32+s2+$0x0], $0xffff  }
0xc5: {  	v17 =	vadd.s32 $0xFFFFFFFA, v43;
	v13 =	vadd.s32 $0xFFFFFFF4, v43;
	v16 =	vadd.s32 $0xFFFFFFF5, v43;
	[tilespmem:s15+$0xFFFFEE00] =	vst v2;
	v51 =	vld.idx.msk [tilespmem:v56+s2+$0x0], $0xffff  }
0xc6: {  	v12 =	vadd.s32 $0xFFFFFFF3, v43;
	v11 =	vadd.s32 $0xFFFFFFF2, v43;
	[tilespmem:s15+$0xFFFFEE10] =	vst v35;
	v35 =	vadd.s32 $0xFFFFFFEF, v43;
	v55 =	vld.idx.msk [tilespmem:v44+s2+$0x0], $0xffff  }
0xc7: {  	s17 =	simm.s32 $0x40;
	s18 =	sadd.s32 $0x20, s18;
	p1 =	por $0x1, $0x1;
	v49 =	vld.idx.msk [tilespmem:v62+s2+$0x0], $0xffff;
	v34 =	vadd.s32 $0xFFFFFFEE, v43;
	v32 =	vadd.s32 $0xFFFFFFE9, v43;
	v43 =	vadd.s32 $0xFFFFFFEC, v6  }
.LBB2_11:
0xc8: {  	v2 =	vld [tilespmem:s18+$0x0]  }
0xc9: {  	[tilespmem:s14+$0xFC0] =	vst v42  }
0xca: {  	v61 =	vld [tilespmem:s18+$0xFFFFFFF0];
	[tilespmem:s16+$0x0] =	vst v51  }
0xcb: {  	[tilespmem:s15+$0xFFFFF040] =	vst v55  }
0xcc: {  	[tilespmem:s14+$0xFD0] =	vst v41;
	v62 =	vld.idx.msk [tilespmem:v30+s2+$0x0], $0xffff  }
0xcd: {  	[tilespmem:s16+$0x10] =	vst v45;
	v50 =	vsub.s32 v2, v1;
	v2 =	vld.idx.msk [tilespmem:v17+s2+$0x0], $0xffff  }
0xce: {  	v41 =	vld.idx.msk [tilespmem:v43+s2+$0x0], $0xffff;
	[tilespmem:s15+$0xFFFFF050] =	vst v49  }
0xcf: {  	v59 =	vld.idx.msk [tilespmem:v53+s2+$0x0], $0xffff  }
0xd0: {  	v60 =	vadd.s32 $0xFFFFFFEB, v6;
	v44 =	vld.idx.msk [tilespmem:v57+s2+$0x0], $0xffff  }
0xd1: {  	v46 =	vadd.s32 $0xFFFFFFF2, v14;
	v30 =	vmov v12;
	v12 =	vld.idx.msk [tilespmem:v10+s2+$0x0], $0xffff;
	[tilespmem:s16+$0x240] =	vst v62  }
0xd2: {  	v47 =	vadd.s32 $0xFFFFFFF9, v33;
	[tilespmem:s15+$0xFFFFF280] =	vst v2  }
0xd3: {  	v43 =	vsub.s32 v61, v1;
	[tilespmem:s14+$0x1210] =	vst v41;
	v56 =	vld.idx.msk [tilespmem:v28+s2+$0x0], $0xffff  }
0xd4: {  	[tilespmem:s16+$0x250] =	vst v59;
	v59 =	vld.idx.msk [tilespmem:v29+s2+$0x0], $0xffff  }
0xd5: {  	v42 =	vld.idx.msk [tilespmem:v60+s2+$0x0], $0xffff;
	[tilespmem:s15+$0xFFFFF290] =	vst v44  }
0xd6: {  	v45 =	vld.idx.msk [tilespmem:v46+s2+$0x0], $0xffff  }
0xd7: {  	v10 =	vmov v31;
	v31 =	vmov v48;
	v48 =	vadd.s32 $0xFFFFFFEA, v6;
	[tilespmem:s14+$0x1200] =	vst v12;
	v47 =	vld.idx.msk [tilespmem:v47+s2+$0x0], $0xffff  }
0xd8: {  	s19 =	smov.u32 s15;
	v49 =	vadd.s32 $0xFFFFFFF1, v14;
	v60 =	vld.idx.msk [tilespmem:v43+s2+$0x0], $0xffff;
	[tilespmem:s16+$0x480] =	vst v56  }
0xd9: {  	v54 =	vld.idx.msk [tilespmem:v50+s2+$0x0], $0xffff;
	[tilespmem:s19+$0xFFFFF4C0] =	vst v59  }
0xda: {  	v55 =	vadd.s32 $0xFFFFFFF8, v33;
	[tilespmem:s14+$0x1450] =	vst v42  }
0xdb: {  	v51 =	vadd.s32 $0xFFFFFFFF, v43;
	v3 =	vld.idx.msk [tilespmem:v27+s2+$0x0], $0xffff;
	[tilespmem:s16+$0x490] =	vst v45  }
0xdc: {  	v58 =	vadd.s32 $0xFFFFFFFF, v50;
	s15 =	sadd.s32 $0x20, s15;
	v42 =	vld.idx.msk [tilespmem:v48+s2+$0x0], $0xffff;
	[tilespmem:s19+$0xFFFFF4D0] =	vst v47  }
0xdd: {  	[tilespmem:s15+$0xFFFFE500] =	vst v60;
	v49 =	vld.idx.msk [tilespmem:v49+s2+$0x0], $0xffff  }
0xde: {  	[tilespmem:s15+$0xFFFFE510] =	vst v54;
	v60 =	vld.idx.msk [tilespmem:v25+s2+$0x0], $0xffff  }
0xdf: {  	v54 =	vld.idx.msk [tilespmem:v55+s2+$0x0], $0xffff;
	v55 =	vadd.s32 $0xFFFFFFE9, v6;
	v6 =	vmov v14  }
0xe0: {  	v51 =	vld.idx.msk [tilespmem:v51+s2+$0x0], $0xffff;
	v56 =	vadd.s32 $0xFFFFFFF0, v6  }
0xe1: {  	v14 =	vmov v33;
	v58 =	vld.idx.msk [tilespmem:v58+s2+$0x0], $0xffff;
	[tilespmem:s16+$0x6C0] =	vst v3  }
0xe2: {  	v59 =	vadd.s32 $0xFFFFFFF7, v14;
	[tilespmem:s14+$0x1690] =	vst v42  }
0xe3: {  	v45 =	vadd.s32 $0xFFFFFFF1, v43;
	v33 =	vmov v50;
	[tilespmem:s16+$0x6D0] =	vst v49  }
0xe4: {  	v27 =	vmov v38;
	v38 =	vmov v45;
	v45 =	vadd.s32 $0xFFFFFFFE, v33;
	v42 =	vld.idx.msk [tilespmem:v55+s2+$0x0], $0xffff;
	[tilespmem:s19+$0xFFFFF710] =	vst v54  }
0xe5: {  	v52 =	vadd.s32 $0xFFFFFFFE, v43;
	[tilespmem:s19+$0xFFFFF700] =	vst v60;
	v49 =	vld.idx.msk [tilespmem:v56+s2+$0x0], $0xffff  }
0xe6: {  	[tilespmem:s15+$0xFFFFE750] =	vst v58;
	v56 =	vld.idx.msk [tilespmem:v24+s2+$0x0], $0xffff  }
0xe7: {  	[tilespmem:s15+$0xFFFFE740] =	vst v51;
	v54 =	vld.idx.msk [tilespmem:v59+s2+$0x0], $0xffff  }
0xe8: {  	v3 =	vadd.s32 $0xFFFFFFEF, v6;
	v60 =	vld.idx.msk [tilespmem:v22+s2+$0x0], $0xffff  }
0xe9: {  	v45 =	vld.idx.msk [tilespmem:v45+s2+$0x0], $0xffff;
	[tilespmem:s14+$0x18D0] =	vst v42  }
0xea: {  	v61 =	vadd.s32 $0xFFFFFFF7, v43;
	v63 =	vadd.s32 $0xFFFFFFF0, v43;
	v55 =	vadd.s32 $0xFFFFFFF6, v14;
	v52 =	vld.idx.msk [tilespmem:v52+s2+$0x0], $0xffff;
	[tilespmem:s16+$0x910] =	vst v49  }
0xeb: {  	v24 =	vmovc v36;
	v36 =	vmov v63;
	v63 =	vadd.s32 $0xFFFFFFFD, v33;
	v22 =	vmov v61;
	v61 =	vld.idx.msk [tilespmem:v9+s2+$0x0], $0xffff;
	[tilespmem:s16+$0x900] =	vst v56  }
0xec: {  	v1 =	vadd.s32 $0xFFFFFFEB, v43;
	[tilespmem:s19+$0xFFFFF950] =	vst v54  }
0xed: {  	v53 =	vadd.s32 $0xFFFFFFFD, v43;
	v9 =	vmovc v26;
	v26 =	vmov v40;
	v40 =	vmov v1;
	[tilespmem:s19+$0xFFFFF940] =	vst v60;
	v1 =	vld.idx.msk [tilespmem:v3+s2+$0x0], $0xffff  }
0xee: {  	[tilespmem:s15+$0xFFFFE990] =	vst v45;
	v58 =	vld.idx.msk [tilespmem:v21+s2+$0x0], $0xffff  }
0xef: {  	v3 =	vld.idx.msk [tilespmem:v55+s2+$0x0], $0xffff  }
0xf0: {  	[tilespmem:s15+$0xFFFFE980] =	vst v52;
	v45 =	vld.idx.msk [tilespmem:v63+s2+$0x0], $0xffff  }
0xf1: {  	v63 =	vadd.s32 $0xFFFFFFEE, v6;
	v52 =	vld.idx.msk [tilespmem:v19+s2+$0x0], $0xffff  }
0xf2: {  	v57 =	vadd.s32 $0xFFFFFFF8, v43;
	v53 =	vld.idx.msk [tilespmem:v53+s2+$0x0], $0xffff;
	[tilespmem:s14+$0x1440] =	vst v61  }
0xf3: {  	v5 =	vadd.s32 $0xFFFFFFEF, v43;
	v25 =	vmov v57;
	v57 =	vadd.s32 $0xFFFFFFF5, v14;
	[tilespmem:s16+$0xB50] =	vst v1  }
0xf4: {  	v21 =	vmov v35;
	v35 =	vmov v5;
	v5 =	vadd.s32 $0xFFFFFFFC, v33;
	v1 =	vld.idx.msk [tilespmem:v8+s2+$0x0], $0xffff;
	[tilespmem:s16+$0xB40] =	vst v58  }
0xf5: {  	[tilespmem:s19+$0xFFFFFB90] =	vst v3  }
0xf6: {  	v41 =	vadd.s32 $0xFFFFFFFC, v43;
	v62 =	vadd.s32 $0xFFFFFFF6, v43;
	[tilespmem:s19+$0xFFFFFB80] =	vst v52;
	v3 =	vld.idx.msk [tilespmem:v63+s2+$0x0], $0xffff  }
0xf7: {  	v19 =	vmov v62;
	[tilespmem:s15+$0xFFFFEBD0] =	vst v45;
	v62 =	vld.idx.msk [tilespmem:v18+s2+$0x0], $0xffff  }
0xf8: {  	v59 =	vld.idx.msk [tilespmem:v57+s2+$0x0], $0xffff  }
0xf9: {  	[tilespmem:s15+$0xFFFFEBC0] =	vst v53;
	v5 =	vld.idx.msk [tilespmem:v5+s2+$0x0], $0xffff  }
0xfa: {  	v2 =	vadd.s32 $0xFFFFFFF5, v43;
	v60 =	vadd.s32 $0xFFFFFFED, v6;
	v63 =	vld.idx.msk [tilespmem:v16+s2+$0x0], $0xffff  }
0xfb: {  	v16 =	vmov v2;
	v2 =	vld.idx.msk [tilespmem:v41+s2+$0x0], $0xffff;
	[tilespmem:s14+$0x1680] =	vst v1  }
0xfc: {  	v0 =	vadd.s32 $0xFFFFFFEE, v43;
	v61 =	vadd.s32 $0xFFFFFFF4, v14;
	[tilespmem:s16+$0xD90] =	vst v3  }
0xfd: {  	v18 =	vmov v34;
	v34 =	vmov v0;
	v0 =	vadd.s32 $0xFFFFFFFB, v33;
	v1 =	vld.idx.msk [tilespmem:v7+s2+$0x0], $0xffff;
	[tilespmem:s16+$0xD80] =	vst v62  }
0xfe: {  	[tilespmem:s19+$0xFFFFFDD0] =	vst v59  }
0xff: {  	s17 =	sadd.s32 $0x20, s17;
	v44 =	vadd.s32 $0xFFFFFFFB, v43;
	[tilespmem:s19+$0xFFFFFDC0] =	vst v63;
	v41 =	vld.idx.msk [tilespmem:v60+s2+$0x0], $0xffff  }
0x100: {  	p2 =	slt.u32 s17, $0x220;
	[tilespmem:s15+$0xFFFFEE10] =	vst v5;
	v42 =	vld.idx.msk [tilespmem:v15+s2+$0x0], $0xffff  }
.Ltmp5:
0x101: {  	v17 =	vadd.s32 $0xFFFFFFFA, v43;
	v29 =	vadd.s32 $0xFFFFFFF9, v43;
	v12 =	vadd.s32 $0xFFFFFFF3, v43;
	v45 =	vld.idx.msk [tilespmem:v61+s2+$0x0], $0xffff;
	(pc) =	sbr.rel @p2 .LBB2_11-.Ltmp5, $4  }
0x102: {  	v28 =	vmovc v11;
	v11 =	vadd.s32 $0xFFFFFFF2, v43;
	v46 =	vadd.s32 $0xFFFFFFF4, v43;
	v47 =	vadd.s32 $0xFFFFFFED, v43;
	[tilespmem:s15+$0xFFFFEE00] =	vst v2;
	v49 =	vld.idx.msk [tilespmem:v0+s2+$0x0], $0xffff  }
0x103: {  	v48 =	vadd.s32 $0xFFFFFFEC, v43;
	v50 =	vadd.s32 $0xFFFFFFEA, v43;
	v43 =	vadd.s32 $0xFFFFFFE9, v43;
	v8 =	vmovc v23;
	v23 =	vmovc v39;
	v51 =	vld.idx.msk [tilespmem:v13+s2+$0x0], $0xffff  }
0x104: {  	v39 =	vmovc v50;
	v53 =	vadd.s32 $0xFFFFFFF3, v14;
	v57 =	vadd.s32 $0xFFFFFFFA, v33;
	v7 =	vmovc v20;
	v20 =	vmov v32;
	v55 =	vld.idx.msk [tilespmem:v44+s2+$0x0], $0xffff  }
0x105: {  	s18 =	sadd.s32 $0x20, s18;
	v32 =	vmovc v43;
	v43 =	vadd.s32 $0xFFFFFFEC, v6;
	v15 =	vmovc v37;
	v37 =	vmov v47;
	v13 =	vmov v46;
	[tilespmem:s14+$0x18C0] =	vst v1;
	v1 =	vld [tilespmem:$0x1FFE0];
	s14 =	smov.u32 s16;
	s16 =	smov.u32 s19  }
0x106: {  	v44 =	vmovc v6;
	v52 =	vmovc v10;
	v50 =	vmov v9;
	v47 =	vmov v8;
	v46 =	vmov v7  }
0x107: {  	v58 =	vmovc v14;
	v6 =	vmovc v33;
	v63 =	vmov v30;
	v54 =	vmov v31;
	v10 =	vmov v48  }
0x108: {  	v2 =	vmovc v28;
	v61 =	vmovc v27;
	v59 =	vmov v24;
	v48 =	vmov v26;
	v9 =	vmov v40  }
0x109: {  	v60 =	vmovc v21;
	v40 =	vmovc v23;
	v8 =	vmov v39;
	v39 =	vmov v18;
	v33 =	vmov v20  }
0x10a: {  	s17 =	smov.u32 s14;
	s14 =	smov.u32 s16;
	v7 =	vmovc v32;
	v62 =	vmovc v15;
	v32 =	vmov v37;
	v18 =	vlaneseq.u32;
	v20 =	vld [tilespmem:$0x1FFF0];
	v21 =	vimm.s32 $0x0  }
.LBB2_13:
0x10b: {  	_ =	sdelay $0x2  }
0x10c: {  	[tilespmem:s15+$0xFFFFF050] =	vst v49  }
0x10d: {  	v0 =	vld.idx.msk [tilespmem:v57+s2+$0x0], $0xffff  }
0x10e: {  	[tilespmem:s15+$0xFFFFF040] =	vst v55;
	v1 =	vadd.s32 $0xFFFFFFF9, v6  }
0x10f: {  	v3 =	vld.idx.msk [tilespmem:v17+s2+$0x0], $0xffff;
	_ =	sdelay $0x2  }
0x110: {  	[tilespmem:s15+$0xFFFFF290] =	vst v0  }
0x111: {  	v0 =	vld.idx.msk [tilespmem:v1+s2+$0x0], $0xffff  }
0x112: {  	[tilespmem:s15+$0xFFFFF280] =	vst v3;
	v1 =	vadd.s32 $0xFFFFFFF8, v6  }
0x113: {  	v3 =	vld.idx.msk [tilespmem:v29+s2+$0x0], $0xffff;
	_ =	sdelay $0x2  }
0x114: {  	[tilespmem:s15+$0xFFFFF4D0] =	vst v0  }
0x115: {  	v0 =	vld.idx.msk [tilespmem:v1+s2+$0x0], $0xffff  }
0x116: {  	[tilespmem:s15+$0xFFFFF4C0] =	vst v3;
	v1 =	vadd.s32 $0xFFFFFFF7, v6  }
0x117: {  	v3 =	vld.idx.msk [tilespmem:v25+s2+$0x0], $0xffff;
	_ =	sdelay $0x2  }
0x118: {  	[tilespmem:s15+$0xFFFFF710] =	vst v0  }
0x119: {  	v0 =	vld.idx.msk [tilespmem:v1+s2+$0x0], $0xffff  }
0x11a: {  	[tilespmem:s15+$0xFFFFF700] =	vst v3;
	v1 =	vadd.s32 $0xFFFFFFF6, v6  }
0x11b: {  	v3 =	vld.idx.msk [tilespmem:v22+s2+$0x0], $0xffff;
	_ =	sdelay $0x2  }
0x11c: {  	[tilespmem:s15+$0xFFFFF950] =	vst v0  }
0x11d: {  	v0 =	vld.idx.msk [tilespmem:v1+s2+$0x0], $0xffff  }
0x11e: {  	[tilespmem:s15+$0xFFFFF940] =	vst v3;
	v1 =	vadd.s32 $0xFFFFFFF5, v6  }
0x11f: {  	v3 =	vld.idx.msk [tilespmem:v19+s2+$0x0], $0xffff;
	_ =	sdelay $0x2  }
0x120: {  	[tilespmem:s15+$0xFFFFFB90] =	vst v0  }
0x121: {  	v0 =	vld.idx.msk [tilespmem:v1+s2+$0x0], $0xffff  }
0x122: {  	[tilespmem:s15+$0xFFFFFB80] =	vst v3;
	v1 =	vadd.s32 $0xFFFFFFF4, v6  }
0x123: {  	v3 =	vld.idx.msk [tilespmem:v16+s2+$0x0], $0xffff;
	_ =	sdelay $0x1  }
0x124: {  	[tilespmem:s14+$0x0] =	vst @p0 v51  }
0x125: {  	v14 =	vld.idx.msk @p0 [tilespmem:v63+s2+$0x0], $0xffff;
	[tilespmem:s15+$0xFFFFFDD0] =	vst v0  }
0x126: {  	[tilespmem:s14+$0x10] =	vst @p0 v45;
	v0 =	vld.idx.msk [tilespmem:v1+s2+$0x0], $0xffff  }
0x127: {  	v5 =	vld.idx.msk @p0 [tilespmem:v53+s2+$0x0], $0xffff;
	[tilespmem:s15+$0xFFFFFDC0] =	vst v3;
	v1 =	vadd.s32 $0xFFFFFFF3, v6  }
0x128: {  	v3 =	vld.idx.msk [tilespmem:v13+s2+$0x0], $0xffff;
	v13 =	vadd.s32 @p0 $0xFFFFFFF2, v58;
	_ =	sdelay $0x1  }
0x129: {  	[tilespmem:s14+$0x240] =	vst @p0 v14  }
0x12a: {  	v2 =	vld.idx.msk @p0 [tilespmem:v2+s2+$0x0], $0xffff;
	[tilespmem:s15+$0x10] =	vst v0  }
0x12b: {  	[tilespmem:s14+$0x250] =	vst @p0 v5;
	v0 =	vld.idx.msk [tilespmem:v1+s2+$0x0], $0xffff  }
0x12c: {  	[tilespmem:s15+$0x0] =	vst v3;
	v5 =	vld.idx.msk @p0 [tilespmem:v13+s2+$0x0], $0xffff;
	v1 =	vadd.s32 $0xFFFFFFF2, v6  }
0x12d: {  	v3 =	vld.idx.msk [tilespmem:v12+s2+$0x0], $0xffff;
	v12 =	vadd.s32 @p0 $0xFFFFFFF1, v58;
	_ =	sdelay $0x2  }
0x12e: {  	[tilespmem:s15+$0x250] =	vst v0  }
0x12f: {  	[tilespmem:s14+$0x490] =	vst @p0 v5;
	v0 =	vld.idx.msk [tilespmem:v1+s2+$0x0], $0xffff  }
0x130: {  	[tilespmem:s14+$0x480] =	vst @p0 v2;
	v5 =	vld.idx.msk @p0 [tilespmem:v12+s2+$0x0], $0xffff;
	v1 =	vadd.s32 $0xFFFFFFF1, v6  }
0x131: {  	[tilespmem:s15+$0x240] =	vst v3;
	v12 =	vld.idx.msk @p0 [tilespmem:v61+s2+$0x0], $0xffff  }
0x132: {  	v3 =	vld.idx.msk [tilespmem:v11+s2+$0x0], $0xffff  }
0x133: {  	v11 =	vmov @p0 v58  }
0x134: {  	v2 =	vadd.s32 @p0 $0xFFFFFFF0, v11;
	[tilespmem:s15+$0x490] =	vst v0  }
0x135: {  	v0 =	vld.idx.msk [tilespmem:v1+s2+$0x0], $0xffff  }
0x136: {  	[tilespmem:s14+$0x6C0] =	vst @p0 v12;
	v1 =	vadd.s32 $0xFFFFFFF0, v6  }
0x137: {  	[tilespmem:s15+$0x480] =	vst v3;
	v12 =	vld.idx.msk @p0 [tilespmem:v59+s2+$0x0], $0xffff  }
0x138: {  	[tilespmem:s14+$0x6D0] =	vst @p0 v5;
	v3 =	vld.idx.msk [tilespmem:v38+s2+$0x0], $0xffff  }
0x139: {  	v2 =	vld.idx.msk @p0 [tilespmem:v2+s2+$0x0], $0xffff  }
0x13a: {  	v5 =	vadd.s32 @p0 $0xFFFFFFEF, v11;
	[tilespmem:s15+$0x6D0] =	vst v0  }
0x13b: {  	v0 =	vld.idx.msk [tilespmem:v1+s2+$0x0], $0xffff  }
0x13c: {  	[tilespmem:s14+$0x900] =	vst @p0 v12;
	v1 =	vadd.s32 $0xFFFFFFEF, v6  }
0x13d: {  	[tilespmem:s15+$0x6C0] =	vst v3;
	v12 =	vld.idx.msk @p0 [tilespmem:v60+s2+$0x0], $0xffff  }
0x13e: {  	[tilespmem:s14+$0x910] =	vst @p0 v2;
	v3 =	vld.idx.msk [tilespmem:v36+s2+$0x0], $0xffff  }
0x13f: {  	v2 =	vld.idx.msk @p0 [tilespmem:v5+s2+$0x0], $0xffff  }
0x140: {  	v5 =	vadd.s32 @p0 $0xFFFFFFEE, v11;
	[tilespmem:s15+$0x910] =	vst v0  }
0x141: {  	v0 =	vld.idx.msk [tilespmem:v1+s2+$0x0], $0xffff  }
0x142: {  	[tilespmem:s14+$0xB40] =	vst @p0 v12;
	v1 =	vadd.s32 $0xFFFFFFEE, v6  }
0x143: {  	[tilespmem:s15+$0x900] =	vst v3;
	v12 =	vld.idx.msk @p0 [tilespmem:v39+s2+$0x0], $0xffff  }
0x144: {  	[tilespmem:s14+$0xB50] =	vst @p0 v2;
	v3 =	vld.idx.msk [tilespmem:v35+s2+$0x0], $0xffff  }
0x145: {  	v2 =	vld.idx.msk @p0 [tilespmem:v5+s2+$0x0], $0xffff  }
0x146: {  	v5 =	vadd.s32 @p0 $0xFFFFFFED, v11;
	[tilespmem:s15+$0xB50] =	vst v0  }
0x147: {  	v0 =	vld.idx.msk [tilespmem:v1+s2+$0x0], $0xffff  }
0x148: {  	[tilespmem:s14+$0xD80] =	vst @p0 v12  }
0x149: {  	[tilespmem:s15+$0xB40] =	vst v3;
	v12 =	vld.idx.msk @p0 [tilespmem:v62+s2+$0x0], $0xffff  }
0x14a: {  	[tilespmem:s14+$0xD90] =	vst @p0 v2;
	v3 =	vld.idx.msk [tilespmem:v34+s2+$0x0], $0xffff  }
0x14b: {  	v13 =	vmov @p0 v54;
	v1 =	vadd.s32 $0xFFFFFFED, v6;
	v2 =	vld.idx.msk @p0 [tilespmem:v5+s2+$0x0], $0xffff;
	v5 =	vadd.s32 @p0 $0xFFFFFFEC, v11  }
0x14c: {  	v5 =	vpsel p0, v5, v0;
	[tilespmem:s15+$0xD90] =	vst v0;
	v0 =	vpsel p0, v13, v0;
	_ =	sdelay $0x2  }
0x14d: {  	s14 =	smov.u32 @p0 s14;
	[tilespmem:s15+$0xD80] =	vst v3;
	v12 =	vpsel p0, v12, v0  }
0x14e: {  	v1 =	vld.idx.msk [tilespmem:v1+s2+$0x0], $0xffff;
	v2 =	vpsel p0, v2, v0;
	[tilespmem:s14+$0xFC0] =	vst @p0 v12  }
0x14f: {  	[tilespmem:s14+$0xFD0] =	vst @p0 v2;
	v2 =	vpsel p0, v11, v0;
	v0 =	vld.idx.msk @p0 [tilespmem:v0+s2+$0x0], $0xffff  }
0x150: {  	[tilespmem:s17+$0xFD0] =	vst @p1 v41;
	v3 =	vadd.s32 $0xFFFFFFEC, v6;
	v61 =	vld.idx.msk [tilespmem:v32+s2+$0x0], $0xffff  }
0x151: {  	[tilespmem:s17+$0xFC0] =	vst @p1 v42;
	v14 =	vld.idx.msk @p1 [tilespmem:v43+s2+$0x0], $0xffff  }
0x152: {  	v15 =	vadd.s32 @p1 $0xFFFFFFEB, v44;
	v16 =	vld.idx.msk @p1 [tilespmem:v52+s2+$0x0], $0xffff  }
0x153: {  	v11 =	vmov @p0 v48  }
0x154: {  	v5 =	vld.idx.msk @p0 [tilespmem:v5+s2+$0x0], $0xffff;
	[tilespmem:s15+$0xFD0] =	vst v1;
	v1 =	vpsel p0, v11, v0  }
0x155: {  	v12 =	vadd.s32 @p0 $0xFFFFFFEB, v2;
	[tilespmem:s15+$0xFC0] =	vst v61;
	v3 =	vld.idx.msk [tilespmem:v3+s2+$0x0], $0xffff  }
0x156: {  	[tilespmem:s17+$0x1210] =	vst @p1 v14;
	v62 =	vadd.s32 $0xFFFFFFEB, v6;
	v10 =	vld.idx.msk [tilespmem:v10+s2+$0x0], $0xffff  }
0x157: {  	[tilespmem:s17+$0x1200] =	vst @p1 v16;
	v13 =	vld.idx.msk @p1 [tilespmem:v15+s2+$0x0], $0xffff  }
0x158: {  	v14 =	vadd.s32 @p1 $0xFFFFFFEA, v44;
	v15 =	vld.idx.msk @p1 [tilespmem:v50+s2+$0x0], $0xffff;
	[tilespmem:s14+$0x1200] =	vst @p0 v0  }
0x159: {  	[tilespmem:s14+$0x1210] =	vst @p0 v5;
	v0 =	vmov @p0 v40;
	v1 =	vld.idx.msk @p0 [tilespmem:v1+s2+$0x0], $0xffff  }
0x15a: {  	v5 =	vld.idx.msk @p0 [tilespmem:v12+s2+$0x0], $0xffff;
	v0 =	vpsel p0, v0, v0;
	[tilespmem:s15+$0x1210] =	vst v3  }
0x15b: {  	v12 =	vadd.s32 @p0 $0xFFFFFFEA, v2;
	[tilespmem:s15+$0x1200] =	vst v10;
	v3 =	vld.idx.msk [tilespmem:v62+s2+$0x0], $0xffff  }
0x15c: {  	v63 =	vadd.s32 $0xFFFFFFEA, v6;
	[tilespmem:s17+$0x1450] =	vst @p1 v13;
	v9 =	vld.idx.msk [tilespmem:v9+s2+$0x0], $0xffff  }
0x15d: {  	[tilespmem:s17+$0x1440] =	vst @p1 v15;
	v11 =	vld.idx.msk @p1 [tilespmem:v14+s2+$0x0], $0xffff  }
0x15e: {  	v14 =	vld.idx.msk @p1 [tilespmem:v47+s2+$0x0], $0xffff;
	[tilespmem:s14+$0x1440] =	vst @p0 v1  }
0x15f: {  	[tilespmem:s14+$0x1450] =	vst @p0 v5;
	v0 =	vld.idx.msk @p0 [tilespmem:v0+s2+$0x0], $0xffff  }
0x160: {  	v5 =	vld.idx.msk @p0 [tilespmem:v12+s2+$0x0], $0xffff;
	[tilespmem:s15+$0x1450] =	vst v3  }
0x161: {  	v13 =	vadd.s32 @p1 $0xFFFFFFE9, v44;
	[tilespmem:s15+$0x1440] =	vst v9;
	v3 =	vld.idx.msk [tilespmem:v63+s2+$0x0], $0xffff  }
0x162: {  	v2 =	vadd.s32 @p0 $0xFFFFFFE9, v2;
	v8 =	vld.idx.msk [tilespmem:v8+s2+$0x0], $0xffff  }
0x163: {  	[tilespmem:s17+$0x1690] =	vst @p1 v11;
	v1 =	vmov @p0 v33  }
0x164: {  	[tilespmem:s17+$0x1680] =	vst @p1 v14;
	v1 =	vpsel p0, v1, v0  }
0x165: {  	v6 =	vadd.s32 $0xFFFFFFE9, v6;
	v10 =	vld.idx.msk @p1 [tilespmem:v46+s2+$0x0], $0xffff;
	[tilespmem:s14+$0x1690] =	vst @p0 v5  }
0x166: {  	v9 =	vld.idx.msk @p1 [tilespmem:v13+s2+$0x0], $0xffff;
	[tilespmem:s15+$0x1690] =	vst v3  }
0x167: {  	v2 =	vld.idx.msk @p0 [tilespmem:v2+s2+$0x0], $0xffff;
	[tilespmem:s15+$0x1680] =	vst v8  }
0x168: {  	v3 =	vld.idx.msk [tilespmem:v7+s2+$0x0], $0xffff;
	[tilespmem:s14+$0x1680] =	vst @p0 v0  }
0x169: {  	v0 =	vld.idx.msk @p0 [tilespmem:v1+s2+$0x0], $0xffff  }
0x16a: {  	[tilespmem:s17+$0x18C0] =	vst @p1 v10;
	v1 =	vld.idx.msk [tilespmem:v6+s2+$0x0], $0xffff  }
0x16b: {  	[tilespmem:s17+$0x18D0] =	vst @p1 v9  }
0x16c: {  	[tilespmem:s14+$0x18D0] =	vst @p0 v2  }
0x16d: {  	[tilespmem:s15+$0x18C0] =	vst v3  }
0x16e: {  	s13 =	sadd.s32 $0x1, s13;
	[tilespmem:s14+$0x18C0] =	vst @p0 v0  }
0x16f: {  	[tilespmem:s15+$0x18D0] =	vst v1;
	p0 =	sne.s32 s13, s6  }
0x170: {  	[hbm4b:s5+s10] =	stream.strided.scatter [tilespmem:s12], [sflag:$0x1], $0x3600, s11, s10, $0x38;
	[tilespmem:$0xCCF0] =	vst v63  }
.Ltmp6:
0x171: {  	_ = 	snop;
	(pc) =	sbr.rel @p0 .LBB2_1-.Ltmp6, $4  }
.Ltmp7:
0x172: {  	_ = 	snop;
	(pc) =	sbr.rel @!p0 .LBB2_14-.Ltmp7, $4  }
0x173: {  	_ =	swait.ge [sflag:s3], $0x3600  }
0x174: {  	[sflag:s3] =	ssyncset.done $0x0  }
0x175: {  	v1 =	vld [tilespmem:$0x1FFE0];
	[sflag:s3] =	ssyncadd.s32 $0xFFFFCA00  }
0x176: {  	_ = 	snop  }
.LBB2_6:
.Ltmp8:
0x177: {  	(pc) =	sbr.rel .LBB2_13-.Ltmp8, $2  }
0x178: {  	_ =	sdelay $0x2  }
0x179: {  	s15 =	simm.s32 $0x23F0  }
.LBB2_8:
0x17a: {  	v58 =	vmov v6;
	v63 =	vmov v12  }
.Ltmp9:
0x17b: {  	v54 =	vmovc v10;
	v2 =	vmovc v11;
	v61 =	vmov v38;
	v59 =	vmov v36;
	v48 =	vmov v9;
	(pc) =	sbr.rel .LBB2_13-.Ltmp9, $4  }
0x17c: {  	v60 =	vmovc v35;
	v40 =	vmovc v8;
	v39 =	vmov v34;
	v33 =	vmov v7;
	v62 =	vmov v32  }
0x17d: {  	v6 =	vmovc v14;
	v12 =	vmovc v30;
	v10 =	vmov v31;
	v11 =	vmov v28;
	v38 =	vmov v27  }
0x17e: {  	v36 =	vmovc v24;
	v9 =	vmovc v26;
	v35 =	vmov v21;
	v8 =	vmov v23;
	v34 =	vmov v18  }
0x17f: {  	s15 =	simm.s32 $0x2410;
	v7 =	vmovc v20;
	v32 =	vmovc v15;
	v13 =	vmov v56;
	v18 =	vlaneseq.u32;
	v20 =	vld [tilespmem:$0x1FFF0];
	v21 =	vimm.s32 $0x0  }
.LBB2_10:
.Ltmp10:
0x180: {  	v44 =	vmovc v6;
	v52 =	vmovc v10;
	v50 =	vmov v9;
	v47 =	vmov v8;
	v46 =	vmov v7;
	(pc) =	sbr.rel .LBB2_13-.Ltmp10, $4  }
0x181: {  	v58 =	vmovc v14;
	v6 =	vmovc v33;
	v63 =	vmov v30;
	v54 =	vmov v31;
	v10 =	vmov v48  }
0x182: {  	v2 =	vmovc v28;
	v61 =	vmovc v27;
	v59 =	vmov v24;
	v48 =	vmov v26;
	v9 =	vmov v40  }
0x183: {  	v60 =	vmovc v21;
	v40 =	vmovc v23;
	v8 =	vmov v39;
	v39 =	vmov v18;
	v33 =	vmov v20  }
0x184: {  	s17 =	simm.s32 $0x23F0;
	s14 =	simm.s32 $0x2410;
	v7 =	vmovc v32;
	v62 =	vmovc v15;
	v32 =	vmov v37;
	v18 =	vlaneseq.u32;
	v20 =	vld [tilespmem:$0x1FFF0];
	v21 =	vimm.s32 $0x0  }
.LBB2_14:
0x185: {  	_ =	sfence.sel $0x180000  }
0x186: {  	[bflag:$0x0] =	sbarrier.arrive $0xFFFF  }
0x187: {  	p0 =	sne.s32 s0, $0x0;
	_ =	strace $0x9000004A  }
0x188: {  	s0 =	sadd.s32 @!p0 $0x100000, s1;
	[bflag:$0x2] =	sbarrier.arrive $0xFFFF  }
0x189: {  	[sflag:s0] =	ssyncadd.tile.s32 @!p0 $0x1;
	_ =	shalt  }
.Lfunc_end2:
_tile_overlayer_lowered:
.L_overlay_start_2:
0x18a: {  	(tag) =	ssettag $0x2  }
0x18b: {  	s0 =	rddreg [dreg:$0x0];
	s2 =	stileid.u32  }
0x18c: {  	s1 =	rddreg [dreg:$0x1];
	p0 =	sne.s32 s2, $0x0  }
0x18d: {  	s3 =	rddreg [dreg:$0x2];
	[bflag:$0x3] =	sbarrier.arrive $0xFFFF;
	s2 =	simm.s32 @!p0 $0x1C02  }
0x18e: {  	[timem:s3], [sflag:s2] =	dma.local @!p0 [hbm:s0], s1  }
0x18f: {  	s0 =	simm.s32 @!p0 $0x2  }
0x190: {  	_ =	swait.ge @!p0 [sflag:s0], s1  }
0x191: {  	s1 =	ssub.s32 @!p0 $0x0, s1;
	[sflag:s0] =	ssyncset.done @!p0 $0x0  }
0x192: {  	[sflag:s0] =	ssyncadd.s32 @!p0 s1  }
0x193: {  	[bflag:$0x3] =	sbarrier.arrive $0xFFFF  }
0x194: {  	_ =	shalt  }

</sc_bundles>
